<compile_context>
chip_gen: v7x
topology: tpu7x:2x2x1
jax: 0.10.2.dev20260603
libtpu: 0.0.44.dev20260713+nightly
codegen_flags: <defaults>
</compile_context>

<pallas_src>
import functools

import jax
import jax.numpy as jnp
from jax import lax
from jax.experimental import pallas as pl
from jax.experimental.pallas import tpu as pltpu
from jax.experimental.pallas import tpu_sc as plsc

N_NODES = 10000
N_EDGES = 320000
HIDDEN = 128
HEADS = 4
HEAD_DIM = 32
INV_SQRT_HD = 1.0 / (HEAD_DIM ** 0.5)

NC = 2
NS = 16
NW = NC * NS
EPW = N_EDGES // NW
CHUNK = 80
NCHUNK = EPW // CHUNK
GRP = CHUNK // 16
ROWBLK = 1000


def _prep_body(x_ref, wq, wk, wv, wg1, bg1, wg2, bg2, qg_ref, k_ref, v_ref):
    xb = x_ref[...]
    q = jnp.dot(xb, wq[...], preferred_element_type=jnp.float32)
    k_ref[...] = jnp.dot(xb, wk[...], preferred_element_type=jnp.float32)
    v_ref[...] = jnp.dot(xb, wv[...], preferred_element_type=jnp.float32)
    h1 = jnp.maximum(jnp.dot(xb, wg1[...], preferred_element_type=jnp.float32)
                     + bg1[...], 0.0)
    s = jnp.sum(h1 * wg2[...], axis=1, keepdims=True) + bg2[...]
    g = jax.nn.sigmoid(s)
    qg_ref[...] = q * (g * INV_SQRT_HD)


def _prep(x, wqT, wkT, wvT, wg1T, bg1, wg2, bg2):
    nblk = N_NODES // ROWBLK
    full = lambda i: (0, 0)
    blk = lambda i: (i, 0)
    return pl.pallas_call(
        _prep_body,
        grid=(nblk,),
        in_specs=[
            pl.BlockSpec((ROWBLK, HIDDEN), blk),
            pl.BlockSpec((HIDDEN, HIDDEN), full),
            pl.BlockSpec((HIDDEN, HIDDEN), full),
            pl.BlockSpec((HIDDEN, HIDDEN), full),
            pl.BlockSpec((HIDDEN, HIDDEN // 4), full),
            pl.BlockSpec((1, HIDDEN // 4), full),
            pl.BlockSpec((1, HIDDEN // 4), full),
            pl.BlockSpec((1, 1), full),
        ],
        out_specs=[
            pl.BlockSpec((ROWBLK, HIDDEN), blk),
            pl.BlockSpec((ROWBLK, HIDDEN), blk),
            pl.BlockSpec((ROWBLK, HIDDEN), blk),
        ],
        out_shape=[jax.ShapeDtypeStruct((N_NODES, HIDDEN), jnp.float32)] * 3,
    )(x, wqT, wkT, wvT, wg1T, bg1, wg2, bg2)


def _pass1_body(qg_hbm, k_hbm, row_hbm, col_hbm, colh_hbm, z_hbm,
                scores_hbm, mpart_hbm,
                rowb, colb, qb, kb, sbh, idx0, idx1, idx2, idx3,
                mtmp, m_sh, sem1, sem2):
    idxbs = (idx0, idx1, idx2, idx3)
    cid = lax.axis_index("c")
    sid = lax.axis_index("s")
    wid = cid * NS + sid

    @pl.when(sid == 0)
    def _():
        pltpu.sync_copy(z_hbm, mtmp)
        pltpu.sync_copy(mtmp, m_sh)
    plsc.subcore_barrier()

    iota = lax.iota(jnp.int32, 16)
    ebase = wid * EPW

    def chunk_body(ci, carry):
        base = ebase + ci * CHUNK
        pltpu.sync_copy(row_hbm.at[pl.ds(base, CHUNK)], rowb)
        pltpu.sync_copy(col_hbm.at[pl.ds(base, CHUNK)], colb)
        for h in range(HEADS):
            pltpu.sync_copy(colh_hbm.at[pl.ds(h * N_EDGES + base, CHUNK)],
                            idxbs[h])
        d1 = pltpu.async_copy(qg_hbm.at[rowb], qb, sem1)
        d2 = pltpu.async_copy(k_hbm.at[colb], kb, sem2)
        d1.wait()
        d2.wait()

        def grp_body(g, c2):
            ev = g * 16 + iota
            for h in range(HEADS):
                acc = jnp.zeros((16,), jnp.float32)
                for dd in range(HEAD_DIM):
                    dv = jnp.full((16,), h * HEAD_DIM + dd, jnp.int32)
                    acc = acc + (plsc.load_gather(qb, [ev, dv])
                                 * plsc.load_gather(kb, [ev, dv]))
                sbh[pl.ds(h * CHUNK + g * 16, 16)] = acc
            return c2
        lax.fori_loop(0, GRP, grp_body, 0)

        pltpu.sync_copy(sbh, scores_hbm.at[pl.ds(base * HEADS, CHUNK * HEADS)])
        for h in range(HEADS):
            pltpu.sync_copy(sbh.at[pl.ds(h * CHUNK, CHUNK)],
                            m_sh.at[idxbs[h]],
                            add=True)
        return carry
    lax.fori_loop(0, NCHUNK, chunk_body, 0)

    plsc.subcore_barrier()

    @pl.when(sid == 0)
    def _():
        pltpu.sync_copy(m_sh, mtmp)
        pltpu.sync_copy(mtmp, mpart_hbm.at[pl.ds(cid * N_NODES * HEADS,
                                                 N_NODES * HEADS)])


def _pass1(qg, k, row, col, colh, zeros_flat):
    mesh = plsc.VectorSubcoreMesh(core_axis_name="c", subcore_axis_name="s")
    kern = functools.partial(
        pl.kernel,
        out_type=[jax.ShapeDtypeStruct((N_EDGES * HEADS,), jnp.float32),
                  jax.ShapeDtypeStruct((NC * N_NODES * HEADS,), jnp.float32)],
        mesh=mesh,
        scratch_types=[
            pltpu.VMEM((CHUNK,), jnp.int32),
            pltpu.VMEM((CHUNK,), jnp.int32),
            pltpu.VMEM((CHUNK, HIDDEN), jnp.float32),
            pltpu.VMEM((CHUNK, HIDDEN), jnp.float32),
            pltpu.VMEM((CHUNK * HEADS,), jnp.float32),
            pltpu.VMEM((CHUNK,), jnp.int32),
            pltpu.VMEM((CHUNK,), jnp.int32),
            pltpu.VMEM((CHUNK,), jnp.int32),
            pltpu.VMEM((CHUNK,), jnp.int32),
            pltpu.VMEM((N_NODES * HEADS,), jnp.float32),
            pltpu.VMEM_SHARED((N_NODES * HEADS,), jnp.float32),
            pltpu.SemaphoreType.DMA,
            pltpu.SemaphoreType.DMA,
        ],
        compiler_params=pltpu.CompilerParams(needs_layout_passes=False),
    )(_pass1_body)
    return kern(qg, k, row, col, colh, zeros_flat)


def _pass2_body(scores_hbm, col_hbm, colh_hbm, mpart_hbm, z_hbm,
                spart_hbm,
                colb, sbh, ebh, idx0, idx1, idx2, idx3, mv0, mv1, s_sh):
    idxbs = (idx0, idx1, idx2, idx3)
    cid = lax.axis_index("c")
    sid = lax.axis_index("s")
    wid = cid * NS + sid
    NH = N_NODES * HEADS

    @pl.when(sid == 0)
    def _():
        pltpu.sync_copy(z_hbm, mv0)
        pltpu.sync_copy(mv0, s_sh)
    pltpu.sync_copy(mpart_hbm.at[pl.ds(0, NH)], mv0)
    pltpu.sync_copy(mpart_hbm.at[pl.ds(NH, NH)], mv1)
    plsc.subcore_barrier()

    iota = lax.iota(jnp.int32, 16)
    ebase = wid * EPW

    def chunk_body(ci, carry):
        base = ebase + ci * CHUNK
        pltpu.sync_copy(col_hbm.at[pl.ds(base, CHUNK)], colb)
        for h in range(HEADS):
            pltpu.sync_copy(colh_hbm.at[pl.ds(h * N_EDGES + base, CHUNK)],
                            idxbs[h])
        pltpu.sync_copy(scores_hbm.at[pl.ds(base * HEADS, CHUNK * HEADS)], sbh)

        def grp_body(g, c2):
            colv4 = colb[pl.ds(g * 16, 16)] * HEADS
            for h in range(HEADS):
                sv = sbh[pl.ds(h * CHUNK + g * 16, 16)]
                m0 = plsc.load_gather(mv0, [colv4 + h])
                m1 = plsc.load_gather(mv1, [colv4 + h])
                e = jnp.exp(sv - m0 - m1)
                ebh[pl.ds(h * CHUNK + g * 16, 16)] = e
            return c2
        lax.fori_loop(0, GRP, grp_body, 0)

        for h in range(HEADS):
            pltpu.sync_copy(ebh.at[pl.ds(h * CHUNK, CHUNK)],
                            s_sh.at[idxbs[h]],
                            add=True)
        return carry
    lax.fori_loop(0, NCHUNK, chunk_body, 0)

    plsc.subcore_barrier()

    @pl.when(sid == 0)
    def _():
        pltpu.sync_copy(s_sh, mv0)
        pltpu.sync_copy(mv0, spart_hbm.at[pl.ds(cid * NH, NH)])


def _pass2(scores, col, colh, mpart, zeros_flat):
    mesh = plsc.VectorSubcoreMesh(core_axis_name="c", subcore_axis_name="s")
    kern = functools.partial(
        pl.kernel,
        out_type=jax.ShapeDtypeStruct((NC * N_NODES * HEADS,), jnp.float32),
        mesh=mesh,
        scratch_types=[
            pltpu.VMEM((CHUNK,), jnp.int32),
            pltpu.VMEM((CHUNK * HEADS,), jnp.float32),
            pltpu.VMEM((CHUNK * HEADS,), jnp.float32),
            pltpu.VMEM((CHUNK,), jnp.int32),
            pltpu.VMEM((CHUNK,), jnp.int32),
            pltpu.VMEM((CHUNK,), jnp.int32),
            pltpu.VMEM((CHUNK,), jnp.int32),
            pltpu.VMEM((N_NODES * HEADS,), jnp.float32),
            pltpu.VMEM((N_NODES * HEADS,), jnp.float32),
            pltpu.VMEM_SHARED((N_NODES * HEADS,), jnp.float32),
        ],
        compiler_params=pltpu.CompilerParams(needs_layout_passes=False),
    )(_pass2_body)
    return kern(scores, col, colh, mpart, zeros_flat)


def _tail_body(v_ref, s0_ref, s1_ref, x_ref, wo, bo, out_ref):
    s = s0_ref[...] + s1_ref[...]
    f = s / (s + 1e-8)
    r = lax.broadcasted_iota(jnp.int32, (HEADS, HIDDEN), 0)
    c = lax.broadcasted_iota(jnp.int32, (HEADS, HIDDEN), 1)
    bmat = (c // HEAD_DIM == r).astype(jnp.float32)
    fb = jnp.dot(f, bmat, preferred_element_type=jnp.float32)
    out_ref[...] = (jnp.dot(v_ref[...] * fb, wo[...],
                            preferred_element_type=jnp.float32)
                    + bo[...] + x_ref[...])


def _tail(v, s0, s1, x, woT, bo):
    nblk = N_NODES // ROWBLK
    full = lambda i: (0, 0)
    blk = lambda i: (i, 0)
    return pl.pallas_call(
        _tail_body,
        grid=(nblk,),
        in_specs=[
            pl.BlockSpec((ROWBLK, HIDDEN), blk),
            pl.BlockSpec((ROWBLK, HEADS), blk),
            pl.BlockSpec((ROWBLK, HEADS), blk),
            pl.BlockSpec((ROWBLK, HIDDEN), blk),
            pl.BlockSpec((HIDDEN, HIDDEN), full),
            pl.BlockSpec((1, HIDDEN), full),
        ],
        out_specs=pl.BlockSpec((ROWBLK, HIDDEN), blk),
        out_shape=jax.ShapeDtypeStruct((N_NODES, HIDDEN), jnp.float32),
    )(v, s0, s1, x, woT, bo)


def kernel(x, edge_index, W_q, W_k, W_v, W_o, b_o, W_g1, b_g1, W_g2, b_g2):
    qg, k, v = _prep(x, W_q.T, W_k.T, W_v.T, W_g1.T,
                     b_g1.reshape(1, -1), W_g2, b_g2.reshape(1, 1))
    row = edge_index[0]
    col = edge_index[1]
    colh = (col[None, :] * HEADS
            + jnp.arange(HEADS, dtype=jnp.int32)[:, None]).reshape(-1)
    zeros_flat = jnp.zeros((N_NODES * HEADS,), jnp.float32)
    scores, mpart = _pass1(qg, k, row, col, colh, zeros_flat)
    spart = _pass2(scores, col, colh, mpart, zeros_flat)
    spart = spart.reshape(NC, N_NODES, HEADS)
    return _tail(v, spart[0], spart[1], x, W_o.T, b_o.reshape(1, -1))

# --- scband reference (transcript-rebuilt; emitter-appended) ---
"""Pipeline reference for scband-sparse-attention-layer-54013508714716 (READ-ONLY COPY).

The authoritative reference and input builder live on the scoring server;
editing this copy changes nothing except your own understanding.
"""

import jax, jax.numpy as jnp
import numpy as np

HIDDEN_DIM = 128
HEADS = 4
HEAD_DIM = HIDDEN_DIM // HEADS
N_NODES = 10000
N_EDGES = 320000


def setup_inputs(seed: int = 0) -> dict:
    key = jax.random.key(seed)
    ks = jax.random.split(key, 12)
    scale = 0.05
    x = jax.random.normal(ks[0], (N_NODES, HIDDEN_DIM), dtype=jnp.float32)
    edge_index = jax.random.randint(ks[1], (2, N_EDGES), 0, N_NODES, dtype=jnp.int32)
    W_q = jax.random.normal(ks[2], (HIDDEN_DIM, HIDDEN_DIM), dtype=jnp.float32) * scale
    W_k = jax.random.normal(ks[3], (HIDDEN_DIM, HIDDEN_DIM), dtype=jnp.float32) * scale
    W_v = jax.random.normal(ks[4], (HIDDEN_DIM, HIDDEN_DIM), dtype=jnp.float32) * scale
    W_o = jax.random.normal(ks[5], (HIDDEN_DIM, HIDDEN_DIM), dtype=jnp.float32) * scale
    b_o = jnp.zeros((HIDDEN_DIM,), dtype=jnp.float32)
    W_g1 = jax.random.normal(ks[6], (HIDDEN_DIM // 4, HIDDEN_DIM), dtype=jnp.float32) * scale
    b_g1 = jnp.zeros((HIDDEN_DIM // 4,), dtype=jnp.float32)
    W_g2 = jax.random.normal(ks[7], (1, HIDDEN_DIM // 4), dtype=jnp.float32) * scale
    b_g2 = jnp.zeros((1,), dtype=jnp.float32)
    return {"x": x, "edge_index": edge_index, "W_q": W_q, "W_k": W_k, "W_v": W_v,
            "W_o": W_o, "b_o": b_o, "W_g1": W_g1, "b_g1": b_g1, "W_g2": W_g2, "b_g2": b_g2}


def _sparse_softmax(scores, index, num_nodes):
    # Faithful to the original: it uses scatter_add (NOT scatter_max) to build
    # the "max_scores" stabilizer, then exponentiates and normalizes per dst node.
    max_scores = jax.ops.segment_sum(scores, index, num_segments=num_nodes)
    scores = scores - max_scores[index]
    exp_scores = jnp.exp(scores)
    sum_exp = jax.ops.segment_sum(exp_scores, index, num_segments=num_nodes)
    weights = exp_scores / (sum_exp[index] + 1e-08)
    return weights


def reference(x, edge_index, W_q, W_k, W_v, W_o, b_o, W_g1, b_g1, W_g2, b_g2):
    num_nodes = x.shape[0]
    Q = (x @ W_q.T).reshape(num_nodes, HEADS, HEAD_DIM)
    K = (x @ W_k.T).reshape(num_nodes, HEADS, HEAD_DIM)
    V = (x @ W_v.T).reshape(num_nodes, HEADS, HEAD_DIM)
    row = edge_index[0]
    col = edge_index[1]
    q_i = Q[row]                       # [E, H, hd]
    k_j = K[col]                       # [E, H, hd]
    attn_scores = (q_i * k_j).sum(axis=-1) / (HEAD_DIM ** 0.5)   # [E, H]
    # sparsity gate: Linear -> ReLU -> Linear -> Sigmoid on source node feats
    h = jax.nn.relu(x[row] @ W_g1.T + b_g1)
    sparsity_scores = jax.nn.sigmoid(h @ W_g2.T + b_g2).squeeze(-1)  # [E]
    attn_scores = attn_scores * sparsity_scores[:, None]
    attn_weights = _sparse_softmax(attn_scores, col, num_nodes)      # [E, H]
    # dropout is identity in inference/reference mode
    v_j = V[col]                                                     # [E, H, hd]
    aggregated = attn_weights[:, :, None] * v_j                      # [E, H, hd]
    output = jax.ops.segment_sum(aggregated, col, num_segments=num_nodes)
    output = output.reshape(num_nodes, HIDDEN_DIM)
    output = output @ W_o.T + b_o
    output = output + x
    return output

if __name__ == "__main__":
    import jax
    _d = setup_inputs()
    print(jax.jit(kernel)(*tuple(_d.values())))

</pallas_src>

<mosaic_0001>
#map = affine_map<(d0, d1) -> (0, 0)>
#map1 = affine_map<(d0, d1) -> (0)>
module attributes {stable_mosaic.version = 14 : i64} {
  func.func @_pass1_body(%arg0: i32, %arg1: i32, %arg2: memref<10000x128xf32, #tpu.memory_space<hbm>>, %arg3: memref<10000x128xf32, #tpu.memory_space<hbm>>, %arg4: memref<320000xi32, #tpu.memory_space<hbm>>, %arg5: memref<320000xi32, #tpu.memory_space<hbm>>, %arg6: memref<1280000xi32, #tpu.memory_space<hbm>>, %arg7: memref<40000xf32, #tpu.memory_space<hbm>>, %arg8: memref<1280000xf32, #tpu.memory_space<hbm>>, %arg9: memref<80000xf32, #tpu.memory_space<hbm>>, %arg10: memref<80xi32, #tpu.memory_space<vmem>>, %arg11: memref<80xi32, #tpu.memory_space<vmem>>, %arg12: memref<80x128xf32, #tpu.memory_space<vmem>>, %arg13: memref<80x128xf32, #tpu.memory_space<vmem>>, %arg14: memref<320xf32, #tpu.memory_space<vmem>>, %arg15: memref<80xi32, #tpu.memory_space<vmem>>, %arg16: memref<80xi32, #tpu.memory_space<vmem>>, %arg17: memref<80xi32, #tpu.memory_space<vmem>>, %arg18: memref<80xi32, #tpu.memory_space<vmem>>, %arg19: memref<40000xf32, #tpu.memory_space<vmem>>, %arg20: memref<40000xf32, #tpu.memory_space<vmem_shared>>, %arg21: memref<!tpu.dma_semaphore, #tpu.memory_space<semaphore_mem>>, %arg22: memref<!tpu.dma_semaphore, #tpu.memory_space<semaphore_mem>>) attributes {dimension_semantics = [#tpu.dimension_semantics<core_parallel>, #tpu.dimension_semantics<subcore_parallel>], iteration_bounds = array<i64: 2, 16>, scalar_prefetch = 0 : i64, scratch_operands = 13 : i64, tpu.core_type = #tpu.core_type<sc_vector_subcore>, window_params = [{transform_indices = #map}, {transform_indices = #map}, {transform_indices = #map1}, {transform_indices = #map1}, {transform_indices = #map1}, {transform_indices = #map1}, {transform_indices = #map1}, {transform_indices = #map1}]} {
    %mul3A = arith.constant 16 : i32
    %mul3A_0 = arith.muli %arg0, %mul3A : i32
    %add3A = arith.addi %mul3A_0, %arg1 : i32
    %eq3A = arith.constant 0 : i32
    %eq3A_1 = arith.cmpi eq, %arg1, %eq3A : i32
    %convert_element_type3A = arith.extui %eq3A_1 : i1 to i32
    %cond3A = arith.constant 0 : i32
    %cond3A_2 = arith.cmpi ne, %convert_element_type3A, %cond3A : i32
    scf.if %cond3A_2 {
      "tpu.region"() ({
        %run_scoped3A = tpu.sem_alloc : memref<!tpu.dma_semaphore, #tpu.memory_space<semaphore_mem>>
        tpu.enqueue_dma source(%arg7 : memref<40000xf32, #tpu.memory_space<hbm>>) target(%arg19 : memref<40000xf32, #tpu.memory_space<vmem>>) target_semaphore(%run_scoped3A : memref<!tpu.dma_semaphore, #tpu.memory_space<semaphore_mem>>)
        tpu.wait_dma2 semaphore(%run_scoped3A : memref<!tpu.dma_semaphore, #tpu.memory_space<semaphore_mem>>) src(%arg7 : memref<40000xf32, #tpu.memory_space<hbm>>) dst(%arg19 : memref<40000xf32, #tpu.memory_space<vmem>>)
        tpu.yield
      }) : () -> ()
      "tpu.region"() ({
        %run_scoped3A = tpu.sem_alloc : memref<!tpu.dma_semaphore, #tpu.memory_space<semaphore_mem>>
        tpu.enqueue_dma source(%arg19 : memref<40000xf32, #tpu.memory_space<vmem>>) target(%arg20 : memref<40000xf32, #tpu.memory_space<vmem_shared>>) target_semaphore(%run_scoped3A : memref<!tpu.dma_semaphore, #tpu.memory_space<semaphore_mem>>)
        tpu.wait_dma2 semaphore(%run_scoped3A : memref<!tpu.dma_semaphore, #tpu.memory_space<semaphore_mem>>) src(%arg19 : memref<40000xf32, #tpu.memory_space<vmem>>) dst(%arg20 : memref<40000xf32, #tpu.memory_space<vmem_shared>>)
        tpu.yield
      }) : () -> ()
    } else {
    }
    %barrier3A = arith.constant 0 : index
    tpu.barrier barrier_id(%barrier3A)
    %iota3A = tpu.iota {dimensions = array<i32: 0>} : vector<16xi32>
    %mul3A_3 = arith.constant 10000 : i32
    %mul3A_4 = arith.muli %add3A, %mul3A_3 : i32
    %scan3A = arith.constant 0 : i32
    %scan3A_5 = arith.constant 0 : i32
    %scan3A_6 = arith.constant 125 : i32
    %scan3A_7 = arith.addi %scan3A_5, %scan3A_6 : i32
    %scan3A_8 = arith.constant 1 : i32
    scf.for %scan3A_16 = %scan3A_5 to %scan3A_7 step %scan3A_8  : i32 {
      %mul3A_17 = arith.constant 80 : i32
      %mul3A_18 = arith.muli %scan3A_16, %mul3A_17 : i32
      %add3A_19 = arith.addi %mul3A_4, %mul3A_18 : i32
      "tpu.region"() ({
        %run_scoped3A = tpu.sem_alloc : memref<!tpu.dma_semaphore, #tpu.memory_space<semaphore_mem>>
        %dma_start3A_46 = tpu.memref_slice %arg4[%add3A_19] : memref<320000xi32, #tpu.memory_space<hbm>> -> memref<80xi32, #tpu.memory_space<hbm>>
        %dma_start3A_47 = tpu.memref_slice %arg4[%add3A_19] : memref<320000xi32, #tpu.memory_space<hbm>> -> memref<80xi32, #tpu.memory_space<hbm>>
        tpu.enqueue_dma source(%dma_start3A_47 : memref<80xi32, #tpu.memory_space<hbm>>) target(%arg10 : memref<80xi32, #tpu.memory_space<vmem>>) target_semaphore(%run_scoped3A : memref<!tpu.dma_semaphore, #tpu.memory_space<semaphore_mem>>)
        %dma_wait3A_48 = tpu.memref_slice %arg4[%add3A_19] : memref<320000xi32, #tpu.memory_space<hbm>> -> memref<80xi32, #tpu.memory_space<hbm>>
        %dma_wait3A_49 = tpu.memref_slice %arg4[%add3A_19] : memref<320000xi32, #tpu.memory_space<hbm>> -> memref<80xi32, #tpu.memory_space<hbm>>
        tpu.wait_dma2 semaphore(%run_scoped3A : memref<!tpu.dma_semaphore, #tpu.memory_space<semaphore_mem>>) src(%dma_wait3A_49 : memref<80xi32, #tpu.memory_space<hbm>>) dst(%arg10 : memref<80xi32, #tpu.memory_space<vmem>>)
        tpu.yield
      }) : () -> ()
      "tpu.region"() ({
        %run_scoped3A = tpu.sem_alloc : memref<!tpu.dma_semaphore, #tpu.memory_space<semaphore_mem>>
        %dma_start3A_46 = tpu.memref_slice %arg5[%add3A_19] : memref<320000xi32, #tpu.memory_space<hbm>> -> memref<80xi32, #tpu.memory_space<hbm>>
        %dma_start3A_47 = tpu.memref_slice %arg5[%add3A_19] : memref<320000xi32, #tpu.memory_space<hbm>> -> memref<80xi32, #tpu.memory_space<hbm>>
        tpu.enqueue_dma source(%dma_start3A_47 : memref<80xi32, #tpu.memory_space<hbm>>) target(%arg11 : memref<80xi32, #tpu.memory_space<vmem>>) target_semaphore(%run_scoped3A : memref<!tpu.dma_semaphore, #tpu.memory_space<semaphore_mem>>)
        %dma_wait3A_48 = tpu.memref_slice %arg5[%add3A_19] : memref<320000xi32, #tpu.memory_space<hbm>> -> memref<80xi32, #tpu.memory_space<hbm>>
        %dma_wait3A_49 = tpu.memref_slice %arg5[%add3A_19] : memref<320000xi32, #tpu.memory_space<hbm>> -> memref<80xi32, #tpu.memory_space<hbm>>
        tpu.wait_dma2 semaphore(%run_scoped3A : memref<!tpu.dma_semaphore, #tpu.memory_space<semaphore_mem>>) src(%dma_wait3A_49 : memref<80xi32, #tpu.memory_space<hbm>>) dst(%arg11 : memref<80xi32, #tpu.memory_space<vmem>>)
        tpu.yield
      }) : () -> ()
      %add3A_20 = arith.constant 0 : i32
      %add3A_21 = arith.addi %add3A_20, %add3A_19 : i32
      "tpu.region"() ({
        %run_scoped3A = tpu.sem_alloc : memref<!tpu.dma_semaphore, #tpu.memory_space<semaphore_mem>>
        %dma_start3A_46 = tpu.memref_slice %arg6[%add3A_21] : memref<1280000xi32, #tpu.memory_space<hbm>> -> memref<80xi32, #tpu.memory_space<hbm>>
        %dma_start3A_47 = tpu.memref_slice %arg6[%add3A_21] : memref<1280000xi32, #tpu.memory_space<hbm>> -> memref<80xi32, #tpu.memory_space<hbm>>
        tpu.enqueue_dma source(%dma_start3A_47 : memref<80xi32, #tpu.memory_space<hbm>>) target(%arg15 : memref<80xi32, #tpu.memory_space<vmem>>) target_semaphore(%run_scoped3A : memref<!tpu.dma_semaphore, #tpu.memory_space<semaphore_mem>>)
        %dma_wait3A_48 = tpu.memref_slice %arg6[%add3A_21] : memref<1280000xi32, #tpu.memory_space<hbm>> -> memref<80xi32, #tpu.memory_space<hbm>>
        %dma_wait3A_49 = tpu.memref_slice %arg6[%add3A_21] : memref<1280000xi32, #tpu.memory_space<hbm>> -> memref<80xi32, #tpu.memory_space<hbm>>
        tpu.wait_dma2 semaphore(%run_scoped3A : memref<!tpu.dma_semaphore, #tpu.memory_space<semaphore_mem>>) src(%dma_wait3A_49 : memref<80xi32, #tpu.memory_space<hbm>>) dst(%arg15 : memref<80xi32, #tpu.memory_space<vmem>>)
        tpu.yield
      }) : () -> ()
      %add3A_22 = arith.constant 320000 : i32
      %add3A_23 = arith.addi %add3A_22, %add3A_19 : i32
      "tpu.region"() ({
        %run_scoped3A = tpu.sem_alloc : memref<!tpu.dma_semaphore, #tpu.memory_space<semaphore_mem>>
        %dma_start3A_46 = tpu.memref_slice %arg6[%add3A_23] : memref<1280000xi32, #tpu.memory_space<hbm>> -> memref<80xi32, #tpu.memory_space<hbm>>
        %dma_start3A_47 = tpu.memref_slice %arg6[%add3A_23] : memref<1280000xi32, #tpu.memory_space<hbm>> -> memref<80xi32, #tpu.memory_space<hbm>>
        tpu.enqueue_dma source(%dma_start3A_47 : memref<80xi32, #tpu.memory_space<hbm>>) target(%arg16 : memref<80xi32, #tpu.memory_space<vmem>>) target_semaphore(%run_scoped3A : memref<!tpu.dma_semaphore, #tpu.memory_space<semaphore_mem>>)
        %dma_wait3A_48 = tpu.memref_slice %arg6[%add3A_23] : memref<1280000xi32, #tpu.memory_space<hbm>> -> memref<80xi32, #tpu.memory_space<hbm>>
        %dma_wait3A_49 = tpu.memref_slice %arg6[%add3A_23] : memref<1280000xi32, #tpu.memory_space<hbm>> -> memref<80xi32, #tpu.memory_space<hbm>>
        tpu.wait_dma2 semaphore(%run_scoped3A : memref<!tpu.dma_semaphore, #tpu.memory_space<semaphore_mem>>) src(%dma_wait3A_49 : memref<80xi32, #tpu.memory_space<hbm>>) dst(%arg16 : memref<80xi32, #tpu.memory_space<vmem>>)
        tpu.yield
      }) : () -> ()
      %add3A_24 = arith.constant 640000 : i32
      %add3A_25 = arith.addi %add3A_24, %add3A_19 : i32
      "tpu.region"() ({
        %run_scoped3A = tpu.sem_alloc : memref<!tpu.dma_semaphore, #tpu.memory_space<semaphore_mem>>
        %dma_start3A_46 = tpu.memref_slice %arg6[%add3A_25] : memref<1280000xi32, #tpu.memory_space<hbm>> -> memref<80xi32, #tpu.memory_space<hbm>>
        %dma_start3A_47 = tpu.memref_slice %arg6[%add3A_25] : memref<1280000xi32, #tpu.memory_space<hbm>> -> memref<80xi32, #tpu.memory_space<hbm>>
        tpu.enqueue_dma source(%dma_start3A_47 : memref<80xi32, #tpu.memory_space<hbm>>) target(%arg17 : memref<80xi32, #tpu.memory_space<vmem>>) target_semaphore(%run_scoped3A : memref<!tpu.dma_semaphore, #tpu.memory_space<semaphore_mem>>)
        %dma_wait3A_48 = tpu.memref_slice %arg6[%add3A_25] : memref<1280000xi32, #tpu.memory_space<hbm>> -> memref<80xi32, #tpu.memory_space<hbm>>
        %dma_wait3A_49 = tpu.memref_slice %arg6[%add3A_25] : memref<1280000xi32, #tpu.memory_space<hbm>> -> memref<80xi32, #tpu.memory_space<hbm>>
        tpu.wait_dma2 semaphore(%run_scoped3A : memref<!tpu.dma_semaphore, #tpu.memory_space<semaphore_mem>>) src(%dma_wait3A_49 : memref<80xi32, #tpu.memory_space<hbm>>) dst(%arg17 : memref<80xi32, #tpu.memory_space<vmem>>)
        tpu.yield
      }) : () -> ()
      %add3A_26 = arith.constant 960000 : i32
      %add3A_27 = arith.addi %add3A_26, %add3A_19 : i32
      "tpu.region"() ({
        %run_scoped3A = tpu.sem_alloc : memref<!tpu.dma_semaphore, #tpu.memory_space<semaphore_mem>>
        %dma_start3A_46 = tpu.memref_slice %arg6[%add3A_27] : memref<1280000xi32, #tpu.memory_space<hbm>> -> memref<80xi32, #tpu.memory_space<hbm>>
        %dma_start3A_47 = tpu.memref_slice %arg6[%add3A_27] : memref<1280000xi32, #tpu.memory_space<hbm>> -> memref<80xi32, #tpu.memory_space<hbm>>
        tpu.enqueue_dma source(%dma_start3A_47 : memref<80xi32, #tpu.memory_space<hbm>>) target(%arg18 : memref<80xi32, #tpu.memory_space<vmem>>) target_semaphore(%run_scoped3A : memref<!tpu.dma_semaphore, #tpu.memory_space<semaphore_mem>>)
        %dma_wait3A_48 = tpu.memref_slice %arg6[%add3A_27] : memref<1280000xi32, #tpu.memory_space<hbm>> -> memref<80xi32, #tpu.memory_space<hbm>>
        %dma_wait3A_49 = tpu.memref_slice %arg6[%add3A_27] : memref<1280000xi32, #tpu.memory_space<hbm>> -> memref<80xi32, #tpu.memory_space<hbm>>
        tpu.wait_dma2 semaphore(%run_scoped3A : memref<!tpu.dma_semaphore, #tpu.memory_space<semaphore_mem>>) src(%dma_wait3A_49 : memref<80xi32, #tpu.memory_space<hbm>>) dst(%arg18 : memref<80xi32, #tpu.memory_space<vmem>>)
        tpu.yield
      }) : () -> ()
      %dma_start3A = arith.constant 0 : i32
      %dma_start3A_28 = arith.constant 0 : i32
      %dma_start3A_29 = tpu.memref_slice %arg2[%dma_start3A, %dma_start3A_28] : memref<10000x128xf32, #tpu.memory_space<hbm>> -> memref<10000x128xf32, #tpu.memory_space<hbm>>
      tpu.enqueue_indirect_dma source(%dma_start3A_29 : memref<10000x128xf32, #tpu.memory_space<hbm>>) target(%arg12 : memref<80x128xf32, #tpu.memory_space<vmem>>) offsets(%arg10 : memref<80xi32, #tpu.memory_space<vmem>>) semaphore(%arg21 : memref<!tpu.dma_semaphore, #tpu.memory_space<semaphore_mem>>)
      %dma_start3A_30 = arith.constant 0 : i32
      %dma_start3A_31 = arith.constant 0 : i32
      %dma_start3A_32 = tpu.memref_slice %arg3[%dma_start3A_30, %dma_start3A_31] : memref<10000x128xf32, #tpu.memory_space<hbm>> -> memref<10000x128xf32, #tpu.memory_space<hbm>>
      tpu.enqueue_indirect_dma source(%dma_start3A_32 : memref<10000x128xf32, #tpu.memory_space<hbm>>) target(%arg13 : memref<80x128xf32, #tpu.memory_space<vmem>>) offsets(%arg11 : memref<80xi32, #tpu.memory_space<vmem>>) semaphore(%arg22 : memref<!tpu.dma_semaphore, #tpu.memory_space<semaphore_mem>>)
      %dma_wait3A = arith.constant 0 : i32
      %dma_wait3A_33 = arith.constant 0 : i32
      %dma_wait3A_34 = tpu.memref_slice %arg2[%dma_wait3A, %dma_wait3A_33] : memref<10000x128xf32, #tpu.memory_space<hbm>> -> memref<10000x128xf32, #tpu.memory_space<hbm>>
      tpu.wait_indirect_dma semaphore(%arg21 : memref<!tpu.dma_semaphore, #tpu.memory_space<semaphore_mem>>) src(%dma_wait3A_34 : memref<10000x128xf32, #tpu.memory_space<hbm>>) dst(%arg12 : memref<80x128xf32, #tpu.memory_space<vmem>>)
      %dma_wait3A_35 = arith.constant 0 : i32
      %dma_wait3A_36 = arith.constant 0 : i32
      %dma_wait3A_37 = tpu.memref_slice %arg3[%dma_wait3A_35, %dma_wait3A_36] : memref<10000x128xf32, #tpu.memory_space<hbm>> -> memref<10000x128xf32, #tpu.memory_space<hbm>>
      tpu.wait_indirect_dma semaphore(%arg22 : memref<!tpu.dma_semaphore, #tpu.memory_space<semaphore_mem>>) src(%dma_wait3A_37 : memref<10000x128xf32, #tpu.memory_space<hbm>>) dst(%arg13 : memref<80x128xf32, #tpu.memory_space<vmem>>)
      %scan3A_38 = arith.constant 0 : i32
      %scan3A_39 = arith.constant 0 : i32
      %scan3A_40 = arith.constant 5 : i32
      %scan3A_41 = arith.addi %scan3A_39, %scan3A_40 : i32
      %scan3A_42 = arith.constant 1 : i32
      scf.for %scan3A_46 = %scan3A_39 to %scan3A_41 step %scan3A_42  : i32 {
        %mul3A_47 = arith.constant 16 : i32
        %mul3A_48 = arith.muli %scan3A_46, %mul3A_47 : i32
        %add3A_49 = vector.broadcast %mul3A_48 : i32 to vector<16xi32>
        %add3A_50 = arith.addi %add3A_49, %iota3A : vector<16xi32>
        %broadcast_in_dim3A = arith.constant 0.000000e+00 : f32
        %broadcast_in_dim3A_51 = vector.broadcast %broadcast_in_dim3A : f32 to vector<16xf32>
        %broadcast_in_dim3A_52 = arith.constant 0 : i32
        %broadcast_in_dim3A_53 = vector.broadcast %broadcast_in_dim3A_52 : i32 to vector<16xi32>
        %gather3A = tpu.vector_load_idx %arg12[%add3A_50, %broadcast_in_dim3A_53] : memref<80x128xf32, #tpu.memory_space<vmem>>[vector<16xi32>, vector<16xi32>], vector<16xf32>,
        %gather3A_54 = tpu.vector_load_idx %arg13[%add3A_50, %broadcast_in_dim3A_53] : memref<80x128xf32, #tpu.memory_space<vmem>>[vector<16xi32>, vector<16xi32>], vector<16xf32>,
        %mul3A_55 = arith.mulf %gather3A, %gather3A_54 : vector<16xf32>
        %add3A_56 = arith.addf %broadcast_in_dim3A_51, %mul3A_55 : vector<16xf32>
        %broadcast_in_dim3A_57 = arith.constant 1 : i32
        %broadcast_in_dim3A_58 = vector.broadcast %broadcast_in_dim3A_57 : i32 to vector<16xi32>
        %gather3A_59 = tpu.vector_load_idx %arg12[%add3A_50, %broadcast_in_dim3A_58] : memref<80x128xf32, #tpu.memory_space<vmem>>[vector<16xi32>, vector<16xi32>], vector<16xf32>,
        %gather3A_60 = tpu.vector_load_idx %arg13[%add3A_50, %broadcast_in_dim3A_58] : memref<80x128xf32, #tpu.memory_space<vmem>>[vector<16xi32>, vector<16xi32>], vector<16xf32>,
        %mul3A_61 = arith.mulf %gather3A_59, %gather3A_60 : vector<16xf32>
        %add3A_62 = arith.addf %add3A_56, %mul3A_61 : vector<16xf32>
        %broadcast_in_dim3A_63 = arith.constant 2 : i32
        %broadcast_in_dim3A_64 = vector.broadcast %broadcast_in_dim3A_63 : i32 to vector<16xi32>
        %gather3A_65 = tpu.vector_load_idx %arg12[%add3A_50, %broadcast_in_dim3A_64] : memref<80x128xf32, #tpu.memory_space<vmem>>[vector<16xi32>, vector<16xi32>], vector<16xf32>,
        %gather3A_66 = tpu.vector_load_idx %arg13[%add3A_50, %broadcast_in_dim3A_64] : memref<80x128xf32, #tpu.memory_space<vmem>>[vector<16xi32>, vector<16xi32>], vector<16xf32>,
        %mul3A_67 = arith.mulf %gather3A_65, %gather3A_66 : vector<16xf32>
        %add3A_68 = arith.addf %add3A_62, %mul3A_67 : vector<16xf32>
        %broadcast_in_dim3A_69 = arith.constant 3 : i32
        %broadcast_in_dim3A_70 = vector.broadcast %broadcast_in_dim3A_69 : i32 to vector<16xi32>
        %gather3A_71 = tpu.vector_load_idx %arg12[%add3A_50, %broadcast_in_dim3A_70] : memref<80x128xf32, #tpu.memory_space<vmem>>[vector<16xi32>, vector<16xi32>], vector<16xf32>,
        %gather3A_72 = tpu.vector_load_idx %arg13[%add3A_50, %broadcast_in_dim3A_70] : memref<80x128xf32, #tpu.memory_space<vmem>>[vector<16xi32>, vector<16xi32>], vector<16xf32>,
        %mul3A_73 = arith.mulf %gather3A_71, %gather3A_72 : vector<16xf32>
        %add3A_74 = arith.addf %add3A_68, %mul3A_73 : vector<16xf32>
        %broadcast_in_dim3A_75 = arith.constant 4 : i32
        %broadcast_in_dim3A_76 = vector.broadcast %broadcast_in_dim3A_75 : i32 to vector<16xi32>
        %gather3A_77 = tpu.vector_load_idx %arg12[%add3A_50, %broadcast_in_dim3A_76] : memref<80x128xf32, #tpu.memory_space<vmem>>[vector<16xi32>, vector<16xi32>], vector<16xf32>,
        %gather3A_78 = tpu.vector_load_idx %arg13[%add3A_50, %broadcast_in_dim3A_76] : memref<80x128xf32, #tpu.memory_space<vmem>>[vector<16xi32>, vector<16xi32>], vector<16xf32>,
        %mul3A_79 = arith.mulf %gather3A_77, %gather3A_78 : vector<16xf32>
        %add3A_80 = arith.addf %add3A_74, %mul3A_79 : vector<16xf32>
        %broadcast_in_dim3A_81 = arith.constant 5 : i32
        %broadcast_in_dim3A_82 = vector.broadcast %broadcast_in_dim3A_81 : i32 to vector<16xi32>
        %gather3A_83 = tpu.vector_load_idx %arg12[%add3A_50, %broadcast_in_dim3A_82] : memref<80x128xf32, #tpu.memory_space<vmem>>[vector<16xi32>, vector<16xi32>], vector<16xf32>,
        %gather3A_84 = tpu.vector_load_idx %arg13[%add3A_50, %broadcast_in_dim3A_82] : memref<80x128xf32, #tpu.memory_space<vmem>>[vector<16xi32>, vector<16xi32>], vector<16xf32>,
        %mul3A_85 = arith.mulf %gather3A_83, %gather3A_84 : vector<16xf32>
        %add3A_86 = arith.addf %add3A_80, %mul3A_85 : vector<16xf32>
        %broadcast_in_dim3A_87 = arith.constant 6 : i32
        %broadcast_in_dim3A_88 = vector.broadcast %broadcast_in_dim3A_87 : i32 to vector<16xi32>
        %gather3A_89 = tpu.vector_load_idx %arg12[%add3A_50, %broadcast_in_dim3A_88] : memref<80x128xf32, #tpu.memory_space<vmem>>[vector<16xi32>, vector<16xi32>], vector<16xf32>,
        %gather3A_90 = tpu.vector_load_idx %arg13[%add3A_50, %broadcast_in_dim3A_88] : memref<80x128xf32, #tpu.memory_space<vmem>>[vector<16xi32>, vector<16xi32>], vector<16xf32>,
        %mul3A_91 = arith.mulf %gather3A_89, %gather3A_90 : vector<16xf32>
        %add3A_92 = arith.addf %add3A_86, %mul3A_91 : vector<16xf32>
        %broadcast_in_dim3A_93 = arith.constant 7 : i32
        %broadcast_in_dim3A_94 = vector.broadcast %broadcast_in_dim3A_93 : i32 to vector<16xi32>
        %gather3A_95 = tpu.vector_load_idx %arg12[%add3A_50, %broadcast_in_dim3A_94] : memref<80x128xf32, #tpu.memory_space<vmem>>[vector<16xi32>, vector<16xi32>], vector<16xf32>,
        %gather3A_96 = tpu.vector_load_idx %arg13[%add3A_50, %broadcast_in_dim3A_94] : memref<80x128xf32, #tpu.memory_space<vmem>>[vector<16xi32>, vector<16xi32>], vector<16xf32>,
        %mul3A_97 = arith.mulf %gather3A_95, %gather3A_96 : vector<16xf32>
        %add3A_98 = arith.addf %add3A_92, %mul3A_97 : vector<16xf32>
        %broadcast_in_dim3A_99 = arith.constant 8 : i32
        %broadcast_in_dim3A_100 = vector.broadcast %broadcast_in_dim3A_99 : i32 to vector<16xi32>
        %gather3A_101 = tpu.vector_load_idx %arg12[%add3A_50, %broadcast_in_dim3A_100] : memref<80x128xf32, #tpu.memory_space<vmem>>[vector<16xi32>, vector<16xi32>], vector<16xf32>,
        %gather3A_102 = tpu.vector_load_idx %arg13[%add3A_50, %broadcast_in_dim3A_100] : memref<80x128xf32, #tpu.memory_space<vmem>>[vector<16xi32>, vector<16xi32>], vector<16xf32>,
        %mul3A_103 = arith.mulf %gather3A_101, %gather3A_102 : vector<16xf32>
        %add3A_104 = arith.addf %add3A_98, %mul3A_103 : vector<16xf32>
        %broadcast_in_dim3A_105 = arith.constant 9 : i32
        %broadcast_in_dim3A_106 = vector.broadcast %broadcast_in_dim3A_105 : i32 to vector<16xi32>
        %gather3A_107 = tpu.vector_load_idx %arg12[%add3A_50, %broadcast_in_dim3A_106] : memref<80x128xf32, #tpu.memory_space<vmem>>[vector<16xi32>, vector<16xi32>], vector<16xf32>,
        %gather3A_108 = tpu.vector_load_idx %arg13[%add3A_50, %broadcast_in_dim3A_106] : memref<80x128xf32, #tpu.memory_space<vmem>>[vector<16xi32>, vector<16xi32>], vector<16xf32>,
        %mul3A_109 = arith.mulf %gather3A_107, %gather3A_108 : vector<16xf32>
        %add3A_110 = arith.addf %add3A_104, %mul3A_109 : vector<16xf32>
        %broadcast_in_dim3A_111 = arith.constant 10 : i32
        %broadcast_in_dim3A_112 = vector.broadcast %broadcast_in_dim3A_111 : i32 to vector<16xi32>
        %gather3A_113 = tpu.vector_load_idx %arg12[%add3A_50, %broadcast_in_dim3A_112] : memref<80x128xf32, #tpu.memory_space<vmem>>[vector<16xi32>, vector<16xi32>], vector<16xf32>,
        %gather3A_114 = tpu.vector_load_idx %arg13[%add3A_50, %broadcast_in_dim3A_112] : memref<80x128xf32, #tpu.memory_space<vmem>>[vector<16xi32>, vector<16xi32>], vector<16xf32>,
        %mul3A_115 = arith.mulf %gather3A_113, %gather3A_114 : vector<16xf32>
        %add3A_116 = arith.addf %add3A_110, %mul3A_115 : vector<16xf32>
        %broadcast_in_dim3A_117 = arith.constant 11 : i32
        %broadcast_in_dim3A_118 = vector.broadcast %broadcast_in_dim3A_117 : i32 to vector<16xi32>
        %gather3A_119 = tpu.vector_load_idx %arg12[%add3A_50, %broadcast_in_dim3A_118] : memref<80x128xf32, #tpu.memory_space<vmem>>[vector<16xi32>, vector<16xi32>], vector<16xf32>,
        %gather3A_120 = tpu.vector_load_idx %arg13[%add3A_50, %broadcast_in_dim3A_118] : memref<80x128xf32, #tpu.memory_space<vmem>>[vector<16xi32>, vector<16xi32>], vector<16xf32>,
        %mul3A_121 = arith.mulf %gather3A_119, %gather3A_120 : vector<16xf32>
        %add3A_122 = arith.addf %add3A_116, %mul3A_121 : vector<16xf32>
        %broadcast_in_dim3A_123 = arith.constant 12 : i32
        %broadcast_in_dim3A_124 = vector.broadcast %broadcast_in_dim3A_123 : i32 to vector<16xi32>
        %gather3A_125 = tpu.vector_load_idx %arg12[%add3A_50, %broadcast_in_dim3A_124] : memref<80x128xf32, #tpu.memory_space<vmem>>[vector<16xi32>, vector<16xi32>], vector<16xf32>,
        %gather3A_126 = tpu.vector_load_idx %arg13[%add3A_50, %broadcast_in_dim3A_124] : memref<80x128xf32, #tpu.memory_space<vmem>>[vector<16xi32>, vector<16xi32>], vector<16xf32>,
        %mul3A_127 = arith.mulf %gather3A_125, %gather3A_126 : vector<16xf32>
        %add3A_128 = arith.addf %add3A_122, %mul3A_127 : vector<16xf32>
        %broadcast_in_dim3A_129 = arith.constant 13 : i32
        %broadcast_in_dim3A_130 = vector.broadcast %broadcast_in_dim3A_129 : i32 to vector<16xi32>
        %gather3A_131 = tpu.vector_load_idx %arg12[%add3A_50, %broadcast_in_dim3A_130] : memref<80x128xf32, #tpu.memory_space<vmem>>[vector<16xi32>, vector<16xi32>], vector<16xf32>,
        %gather3A_132 = tpu.vector_load_idx %arg13[%add3A_50, %broadcast_in_dim3A_130] : memref<80x128xf32, #tpu.memory_space<vmem>>[vector<16xi32>, vector<16xi32>], vector<16xf32>,
        %mul3A_133 = arith.mulf %gather3A_131, %gather3A_132 : vector<16xf32>
        %add3A_134 = arith.addf %add3A_128, %mul3A_133 : vector<16xf32>
        %broadcast_in_dim3A_135 = arith.constant 14 : i32
        %broadcast_in_dim3A_136 = vector.broadcast %broadcast_in_dim3A_135 : i32 to vector<16xi32>
        %gather3A_137 = tpu.vector_load_idx %arg12[%add3A_50, %broadcast_in_dim3A_136] : memref<80x128xf32, #tpu.memory_space<vmem>>[vector<16xi32>, vector<16xi32>], vector<16xf32>,
        %gather3A_138 = tpu.vector_load_idx %arg13[%add3A_50, %broadcast_in_dim3A_136] : memref<80x128xf32, #tpu.memory_space<vmem>>[vector<16xi32>, vector<16xi32>], vector<16xf32>,
        %mul3A_139 = arith.mulf %gather3A_137, %gather3A_138 : vector<16xf32>
        %add3A_140 = arith.addf %add3A_134, %mul3A_139 : vector<16xf32>
        %broadcast_in_dim3A_141 = arith.constant 15 : i32
        %broadcast_in_dim3A_142 = vector.broadcast %broadcast_in_dim3A_141 : i32 to vector<16xi32>
        %gather3A_143 = tpu.vector_load_idx %arg12[%add3A_50, %broadcast_in_dim3A_142] : memref<80x128xf32, #tpu.memory_space<vmem>>[vector<16xi32>, vector<16xi32>], vector<16xf32>,
        %gather3A_144 = tpu.vector_load_idx %arg13[%add3A_50, %broadcast_in_dim3A_142] : memref<80x128xf32, #tpu.memory_space<vmem>>[vector<16xi32>, vector<16xi32>], vector<16xf32>,
        %mul3A_145 = arith.mulf %gather3A_143, %gather3A_144 : vector<16xf32>
        %add3A_146 = arith.addf %add3A_140, %mul3A_145 : vector<16xf32>
        %broadcast_in_dim3A_147 = arith.constant 16 : i32
        %broadcast_in_dim3A_148 = vector.broadcast %broadcast_in_dim3A_147 : i32 to vector<16xi32>
        %gather3A_149 = tpu.vector_load_idx %arg12[%add3A_50, %broadcast_in_dim3A_148] : memref<80x128xf32, #tpu.memory_space<vmem>>[vector<16xi32>, vector<16xi32>], vector<16xf32>,
        %gather3A_150 = tpu.vector_load_idx %arg13[%add3A_50, %broadcast_in_dim3A_148] : memref<80x128xf32, #tpu.memory_space<vmem>>[vector<16xi32>, vector<16xi32>], vector<16xf32>,
        %mul3A_151 = arith.mulf %gather3A_149, %gather3A_150 : vector<16xf32>
        %add3A_152 = arith.addf %add3A_146, %mul3A_151 : vector<16xf32>
        %broadcast_in_dim3A_153 = arith.constant 17 : i32
        %broadcast_in_dim3A_154 = vector.broadcast %broadcast_in_dim3A_153 : i32 to vector<16xi32>
        %gather3A_155 = tpu.vector_load_idx %arg12[%add3A_50, %broadcast_in_dim3A_154] : memref<80x128xf32, #tpu.memory_space<vmem>>[vector<16xi32>, vector<16xi32>], vector<16xf32>,
        %gather3A_156 = tpu.vector_load_idx %arg13[%add3A_50, %broadcast_in_dim3A_154] : memref<80x128xf32, #tpu.memory_space<vmem>>[vector<16xi32>, vector<16xi32>], vector<16xf32>,
        %mul3A_157 = arith.mulf %gather3A_155, %gather3A_156 : vector<16xf32>
        %add3A_158 = arith.addf %add3A_152, %mul3A_157 : vector<16xf32>
        %broadcast_in_dim3A_159 = arith.constant 18 : i32
        %broadcast_in_dim3A_160 = vector.broadcast %broadcast_in_dim3A_159 : i32 to vector<16xi32>
        %gather3A_161 = tpu.vector_load_idx %arg12[%add3A_50, %broadcast_in_dim3A_160] : memref<80x128xf32, #tpu.memory_space<vmem>>[vector<16xi32>, vector<16xi32>], vector<16xf32>,
        %gather3A_162 = tpu.vector_load_idx %arg13[%add3A_50, %broadcast_in_dim3A_160] : memref<80x128xf32, #tpu.memory_space<vmem>>[vector<16xi32>, vector<16xi32>], vector<16xf32>,
        %mul3A_163 = arith.mulf %gather3A_161, %gather3A_162 : vector<16xf32>
        %add3A_164 = arith.addf %add3A_158, %mul3A_163 : vector<16xf32>
        %broadcast_in_dim3A_165 = arith.constant 19 : i32
        %broadcast_in_dim3A_166 = vector.broadcast %broadcast_in_dim3A_165 : i32 to vector<16xi32>
        %gather3A_167 = tpu.vector_load_idx %arg12[%add3A_50, %broadcast_in_dim3A_166] : memref<80x128xf32, #tpu.memory_space<vmem>>[vector<16xi32>, vector<16xi32>], vector<16xf32>,
        %gather3A_168 = tpu.vector_load_idx %arg13[%add3A_50, %broadcast_in_dim3A_166] : memref<80x128xf32, #tpu.memory_space<vmem>>[vector<16xi32>, vector<16xi32>], vector<16xf32>,
        %mul3A_169 = arith.mulf %gather3A_167, %gather3A_168 : vector<16xf32>
        %add3A_170 = arith.addf %add3A_164, %mul3A_169 : vector<16xf32>
        %broadcast_in_dim3A_171 = arith.constant 20 : i32
        %broadcast_in_dim3A_172 = vector.broadcast %broadcast_in_dim3A_171 : i32 to vector<16xi32>
        %gather3A_173 = tpu.vector_load_idx %arg12[%add3A_50, %broadcast_in_dim3A_172] : memref<80x128xf32, #tpu.memory_space<vmem>>[vector<16xi32>, vector<16xi32>], vector<16xf32>,
        %gather3A_174 = tpu.vector_load_idx %arg13[%add3A_50, %broadcast_in_dim3A_172] : memref<80x128xf32, #tpu.memory_space<vmem>>[vector<16xi32>, vector<16xi32>], vector<16xf32>,
        %mul3A_175 = arith.mulf %gather3A_173, %gather3A_174 : vector<16xf32>
        %add3A_176 = arith.addf %add3A_170, %mul3A_175 : vector<16xf32>
        %broadcast_in_dim3A_177 = arith.constant 21 : i32
        %broadcast_in_dim3A_178 = vector.broadcast %broadcast_in_dim3A_177 : i32 to vector<16xi32>
        %gather3A_179 = tpu.vector_load_idx %arg12[%add3A_50, %broadcast_in_dim3A_178] : memref<80x128xf32, #tpu.memory_space<vmem>>[vector<16xi32>, vector<16xi32>], vector<16xf32>,
        %gather3A_180 = tpu.vector_load_idx %arg13[%add3A_50, %broadcast_in_dim3A_178] : memref<80x128xf32, #tpu.memory_space<vmem>>[vector<16xi32>, vector<16xi32>], vector<16xf32>,
        %mul3A_181 = arith.mulf %gather3A_179, %gather3A_180 : vector<16xf32>
        %add3A_182 = arith.addf %add3A_176, %mul3A_181 : vector<16xf32>
        %broadcast_in_dim3A_183 = arith.constant 22 : i32
        %broadcast_in_dim3A_184 = vector.broadcast %broadcast_in_dim3A_183 : i32 to vector<16xi32>
        %gather3A_185 = tpu.vector_load_idx %arg12[%add3A_50, %broadcast_in_dim3A_184] : memref<80x128xf32, #tpu.memory_space<vmem>>[vector<16xi32>, vector<16xi32>], vector<16xf32>,
        %gather3A_186 = tpu.vector_load_idx %arg13[%add3A_50, %broadcast_in_dim3A_184] : memref<80x128xf32, #tpu.memory_space<vmem>>[vector<16xi32>, vector<16xi32>], vector<16xf32>,
        %mul3A_187 = arith.mulf %gather3A_185, %gather3A_186 : vector<16xf32>
        %add3A_188 = arith.addf %add3A_182, %mul3A_187 : vector<16xf32>
        %broadcast_in_dim3A_189 = arith.constant 23 : i32
        %broadcast_in_dim3A_190 = vector.broadcast %broadcast_in_dim3A_189 : i32 to vector<16xi32>
        %gather3A_191 = tpu.vector_load_idx %arg12[%add3A_50, %broadcast_in_dim3A_190] : memref<80x128xf32, #tpu.memory_space<vmem>>[vector<16xi32>, vector<16xi32>], vector<16xf32>,
        %gather3A_192 = tpu.vector_load_idx %arg13[%add3A_50, %broadcast_in_dim3A_190] : memref<80x128xf32, #tpu.memory_space<vmem>>[vector<16xi32>, vector<16xi32>], vector<16xf32>,
        %mul3A_193 = arith.mulf %gather3A_191, %gather3A_192 : vector<16xf32>
        %add3A_194 = arith.addf %add3A_188, %mul3A_193 : vector<16xf32>
        %broadcast_in_dim3A_195 = arith.constant 24 : i32
        %broadcast_in_dim3A_196 = vector.broadcast %broadcast_in_dim3A_195 : i32 to vector<16xi32>
        %gather3A_197 = tpu.vector_load_idx %arg12[%add3A_50, %broadcast_in_dim3A_196] : memref<80x128xf32, #tpu.memory_space<vmem>>[vector<16xi32>, vector<16xi32>], vector<16xf32>,
        %gather3A_198 = tpu.vector_load_idx %arg13[%add3A_50, %broadcast_in_dim3A_196] : memref<80x128xf32, #tpu.memory_space<vmem>>[vector<16xi32>, vector<16xi32>], vector<16xf32>,
        %mul3A_199 = arith.mulf %gather3A_197, %gather3A_198 : vector<16xf32>
        %add3A_200 = arith.addf %add3A_194, %mul3A_199 : vector<16xf32>
        %broadcast_in_dim3A_201 = arith.constant 25 : i32
        %broadcast_in_dim3A_202 = vector.broadcast %broadcast_in_dim3A_201 : i32 to vector<16xi32>
        %gather3A_203 = tpu.vector_load_idx %arg12[%add3A_50, %broadcast_in_dim3A_202] : memref<80x128xf32, #tpu.memory_space<vmem>>[vector<16xi32>, vector<16xi32>], vector<16xf32>,
        %gather3A_204 = tpu.vector_load_idx %arg13[%add3A_50, %broadcast_in_dim3A_202] : memref<80x128xf32, #tpu.memory_space<vmem>>[vector<16xi32>, vector<16xi32>], vector<16xf32>,
        %mul3A_205 = arith.mulf %gather3A_203, %gather3A_204 : vector<16xf32>
        %add3A_206 = arith.addf %add3A_200, %mul3A_205 : vector<16xf32>
        %broadcast_in_dim3A_207 = arith.constant 26 : i32
        %broadcast_in_dim3A_208 = vector.broadcast %broadcast_in_dim3A_207 : i32 to vector<16xi32>
        %gather3A_209 = tpu.vector_load_idx %arg12[%add3A_50, %broadcast_in_dim3A_208] : memref<80x128xf32, #tpu.memory_space<vmem>>[vector<16xi32>, vector<16xi32>], vector<16xf32>,
        %gather3A_210 = tpu.vector_load_idx %arg13[%add3A_50, %broadcast_in_dim3A_208] : memref<80x128xf32, #tpu.memory_space<vmem>>[vector<16xi32>, vector<16xi32>], vector<16xf32>,
        %mul3A_211 = arith.mulf %gather3A_209, %gather3A_210 : vector<16xf32>
        %add3A_212 = arith.addf %add3A_206, %mul3A_211 : vector<16xf32>
        %broadcast_in_dim3A_213 = arith.constant 27 : i32
        %broadcast_in_dim3A_214 = vector.broadcast %broadcast_in_dim3A_213 : i32 to vector<16xi32>
        %gather3A_215 = tpu.vector_load_idx %arg12[%add3A_50, %broadcast_in_dim3A_214] : memref<80x128xf32, #tpu.memory_space<vmem>>[vector<16xi32>, vector<16xi32>], vector<16xf32>,
        %gather3A_216 = tpu.vector_load_idx %arg13[%add3A_50, %broadcast_in_dim3A_214] : memref<80x128xf32, #tpu.memory_space<vmem>>[vector<16xi32>, vector<16xi32>], vector<16xf32>,
        %mul3A_217 = arith.mulf %gather3A_215, %gather3A_216 : vector<16xf32>
        %add3A_218 = arith.addf %add3A_212, %mul3A_217 : vector<16xf32>
        %broadcast_in_dim3A_219 = arith.constant 28 : i32
        %broadcast_in_dim3A_220 = vector.broadcast %broadcast_in_dim3A_219 : i32 to vector<16xi32>
        %gather3A_221 = tpu.vector_load_idx %arg12[%add3A_50, %broadcast_in_dim3A_220] : memref<80x128xf32, #tpu.memory_space<vmem>>[vector<16xi32>, vector<16xi32>], vector<16xf32>,
        %gather3A_222 = tpu.vector_load_idx %arg13[%add3A_50, %broadcast_in_dim3A_220] : memref<80x128xf32, #tpu.memory_space<vmem>>[vector<16xi32>, vector<16xi32>], vector<16xf32>,
        %mul3A_223 = arith.mulf %gather3A_221, %gather3A_222 : vector<16xf32>
        %add3A_224 = arith.addf %add3A_218, %mul3A_223 : vector<16xf32>
        %broadcast_in_dim3A_225 = arith.constant 29 : i32
        %broadcast_in_dim3A_226 = vector.broadcast %broadcast_in_dim3A_225 : i32 to vector<16xi32>
        %gather3A_227 = tpu.vector_load_idx %arg12[%add3A_50, %broadcast_in_dim3A_226] : memref<80x128xf32, #tpu.memory_space<vmem>>[vector<16xi32>, vector<16xi32>], vector<16xf32>,
        %gather3A_228 = tpu.vector_load_idx %arg13[%add3A_50, %broadcast_in_dim3A_226] : memref<80x128xf32, #tpu.memory_space<vmem>>[vector<16xi32>, vector<16xi32>], vector<16xf32>,
        %mul3A_229 = arith.mulf %gather3A_227, %gather3A_228 : vector<16xf32>
        %add3A_230 = arith.addf %add3A_224, %mul3A_229 : vector<16xf32>
        %broadcast_in_dim3A_231 = arith.constant 30 : i32
        %broadcast_in_dim3A_232 = vector.broadcast %broadcast_in_dim3A_231 : i32 to vector<16xi32>
        %gather3A_233 = tpu.vector_load_idx %arg12[%add3A_50, %broadcast_in_dim3A_232] : memref<80x128xf32, #tpu.memory_space<vmem>>[vector<16xi32>, vector<16xi32>], vector<16xf32>,
        %gather3A_234 = tpu.vector_load_idx %arg13[%add3A_50, %broadcast_in_dim3A_232] : memref<80x128xf32, #tpu.memory_space<vmem>>[vector<16xi32>, vector<16xi32>], vector<16xf32>,
        %mul3A_235 = arith.mulf %gather3A_233, %gather3A_234 : vector<16xf32>
        %add3A_236 = arith.addf %add3A_230, %mul3A_235 : vector<16xf32>
        %broadcast_in_dim3A_237 = arith.constant 31 : i32
        %broadcast_in_dim3A_238 = vector.broadcast %broadcast_in_dim3A_237 : i32 to vector<16xi32>
        %gather3A_239 = tpu.vector_load_idx %arg12[%add3A_50, %broadcast_in_dim3A_238] : memref<80x128xf32, #tpu.memory_space<vmem>>[vector<16xi32>, vector<16xi32>], vector<16xf32>,
        %gather3A_240 = tpu.vector_load_idx %arg13[%add3A_50, %broadcast_in_dim3A_238] : memref<80x128xf32, #tpu.memory_space<vmem>>[vector<16xi32>, vector<16xi32>], vector<16xf32>,
        %mul3A_241 = arith.mulf %gather3A_239, %gather3A_240 : vector<16xf32>
        %add3A_242 = arith.addf %add3A_236, %mul3A_241 : vector<16xf32>
        %mul3A_243 = arith.constant 16 : i32
        %mul3A_244 = arith.muli %scan3A_46, %mul3A_243 : i32
        %add3A_245 = arith.constant 0 : i32
        %add3A_246 = arith.addi %add3A_245, %mul3A_244 : i32
        %swap3A = arith.index_cast %add3A_246 : i32 to index
        %swap3A_247 = tpu.vector_load %arg14[%swap3A] {strides = array<i32>} : memref<320xf32, #tpu.memory_space<vmem>>, vector<16xf32>,
        tpu.vector_store %arg14[%swap3A], %add3A_242 {strides = array<i32>} : memref<320xf32, #tpu.memory_space<vmem>>, vector<16xf32>,
        %broadcast_in_dim3A_248 = arith.constant 0.000000e+00 : f32
        %broadcast_in_dim3A_249 = vector.broadcast %broadcast_in_dim3A_248 : f32 to vector<16xf32>
        %broadcast_in_dim3A_250 = arith.constant 32 : i32
        %broadcast_in_dim3A_251 = vector.broadcast %broadcast_in_dim3A_250 : i32 to vector<16xi32>
        %gather3A_252 = tpu.vector_load_idx %arg12[%add3A_50, %broadcast_in_dim3A_251] : memref<80x128xf32, #tpu.memory_space<vmem>>[vector<16xi32>, vector<16xi32>], vector<16xf32>,
        %gather3A_253 = tpu.vector_load_idx %arg13[%add3A_50, %broadcast_in_dim3A_251] : memref<80x128xf32, #tpu.memory_space<vmem>>[vector<16xi32>, vector<16xi32>], vector<16xf32>,
        %mul3A_254 = arith.mulf %gather3A_252, %gather3A_253 : vector<16xf32>
        %add3A_255 = arith.addf %broadcast_in_dim3A_249, %mul3A_254 : vector<16xf32>
        %broadcast_in_dim3A_256 = arith.constant 33 : i32
        %broadcast_in_dim3A_257 = vector.broadcast %broadcast_in_dim3A_256 : i32 to vector<16xi32>
        %gather3A_258 = tpu.vector_load_idx %arg12[%add3A_50, %broadcast_in_dim3A_257] : memref<80x128xf32, #tpu.memory_space<vmem>>[vector<16xi32>, vector<16xi32>], vector<16xf32>,
        %gather3A_259 = tpu.vector_load_idx %arg13[%add3A_50, %broadcast_in_dim3A_257] : memref<80x128xf32, #tpu.memory_space<vmem>>[vector<16xi32>, vector<16xi32>], vector<16xf32>,
        %mul3A_260 = arith.mulf %gather3A_258, %gather3A_259 : vector<16xf32>
        %add3A_261 = arith.addf %add3A_255, %mul3A_260 : vector<16xf32>
        %broadcast_in_dim3A_262 = arith.constant 34 : i32
        %broadcast_in_dim3A_263 = vector.broadcast %broadcast_in_dim3A_262 : i32 to vector<16xi32>
        %gather3A_264 = tpu.vector_load_idx %arg12[%add3A_50, %broadcast_in_dim3A_263] : memref<80x128xf32, #tpu.memory_space<vmem>>[vector<16xi32>, vector<16xi32>], vector<16xf32>,
        %gather3A_265 = tpu.vector_load_idx %arg13[%add3A_50, %broadcast_in_dim3A_263] : memref<80x128xf32, #tpu.memory_space<vmem>>[vector<16xi32>, vector<16xi32>], vector<16xf32>,
        %mul3A_266 = arith.mulf %gather3A_264, %gather3A_265 : vector<16xf32>
        %add3A_267 = arith.addf %add3A_261, %mul3A_266 : vector<16xf32>
        %broadcast_in_dim3A_268 = arith.constant 35 : i32
        %broadcast_in_dim3A_269 = vector.broadcast %broadcast_in_dim3A_268 : i32 to vector<16xi32>
        %gather3A_270 = tpu.vector_load_idx %arg12[%add3A_50, %broadcast_in_dim3A_269] : memref<80x128xf32, #tpu.memory_space<vmem>>[vector<16xi32>, vector<16xi32>], vector<16xf32>,
        %gather3A_271 = tpu.vector_load_idx %arg13[%add3A_50, %broadcast_in_dim3A_269] : memref<80x128xf32, #tpu.memory_space<vmem>>[vector<16xi32>, vector<16xi32>], vector<16xf32>,
        %mul3A_272 = arith.mulf %gather3A_270, %gather3A_271 : vector<16xf32>
        %add3A_273 = arith.addf %add3A_267, %mul3A_272 : vector<16xf32>
        %broadcast_in_dim3A_274 = arith.constant 36 : i32
        %broadcast_in_dim3A_275 = vector.broadcast %broadcast_in_dim3A_274 : i32 to vector<16xi32>
        %gather3A_276 = tpu.vector_load_idx %arg12[%add3A_50, %broadcast_in_dim3A_275] : memref<80x128xf32, #tpu.memory_space<vmem>>[vector<16xi32>, vector<16xi32>], vector<16xf32>,
        %gather3A_277 = tpu.vector_load_idx %arg13[%add3A_50, %broadcast_in_dim3A_275] : memref<80x128xf32, #tpu.memory_space<vmem>>[vector<16xi32>, vector<16xi32>], vector<16xf32>,
        %mul3A_278 = arith.mulf %gather3A_276, %gather3A_277 : vector<16xf32>
        %add3A_279 = arith.addf %add3A_273, %mul3A_278 : vector<16xf32>
        %broadcast_in_dim3A_280 = arith.constant 37 : i32
        %broadcast_in_dim3A_281 = vector.broadcast %broadcast_in_dim3A_280 : i32 to vector<16xi32>
        %gather3A_282 = tpu.vector_load_idx %arg12[%add3A_50, %broadcast_in_dim3A_281] : memref<80x128xf32, #tpu.memory_space<vmem>>[vector<16xi32>, vector<16xi32>], vector<16xf32>,
        %gather3A_283 = tpu.vector_load_idx %arg13[%add3A_50, %broadcast_in_dim3A_281] : memref<80x128xf32, #tpu.memory_space<vmem>>[vector<16xi32>, vector<16xi32>], vector<16xf32>,
        %mul3A_284 = arith.mulf %gather3A_282, %gather3A_283 : vector<16xf32>
        %add3A_285 = arith.addf %add3A_279, %mul3A_284 : vector<16xf32>
        %broadcast_in_dim3A_286 = arith.constant 38 : i32
        %broadcast_in_dim3A_287 = vector.broadcast %broadcast_in_dim3A_286 : i32 to vector<16xi32>
        %gather3A_288 = tpu.vector_load_idx %arg12[%add3A_50, %broadcast_in_dim3A_287] : memref<80x128xf32, #tpu.memory_space<vmem>>[vector<16xi32>, vector<16xi32>], vector<16xf32>,
        %gather3A_289 = tpu.vector_load_idx %arg13[%add3A_50, %broadcast_in_dim3A_287] : memref<80x128xf32, #tpu.memory_space<vmem>>[vector<16xi32>, vector<16xi32>], vector<16xf32>,
        %mul3A_290 = arith.mulf %gather3A_288, %gather3A_289 : vector<16xf32>
        %add3A_291 = arith.addf %add3A_285, %mul3A_290 : vector<16xf32>
        %broadcast_in_dim3A_292 = arith.constant 39 : i32
        %broadcast_in_dim3A_293 = vector.broadcast %broadcast_in_dim3A_292 : i32 to vector<16xi32>
        %gather3A_294 = tpu.vector_load_idx %arg12[%add3A_50, %broadcast_in_dim3A_293] : memref<80x128xf32, #tpu.memory_space<vmem>>[vector<16xi32>, vector<16xi32>], vector<16xf32>,
        %gather3A_295 = tpu.vector_load_idx %arg13[%add3A_50, %broadcast_in_dim3A_293] : memref<80x128xf32, #tpu.memory_space<vmem>>[vector<16xi32>, vector<16xi32>], vector<16xf32>,
        %mul3A_296 = arith.mulf %gather3A_294, %gather3A_295 : vector<16xf32>
        %add3A_297 = arith.addf %add3A_291, %mul3A_296 : vector<16xf32>
        %broadcast_in_dim3A_298 = arith.constant 40 : i32
        %broadcast_in_dim3A_299 = vector.broadcast %broadcast_in_dim3A_298 : i32 to vector<16xi32>
        %gather3A_300 = tpu.vector_load_idx %arg12[%add3A_50, %broadcast_in_dim3A_299] : memref<80x128xf32, #tpu.memory_space<vmem>>[vector<16xi32>, vector<16xi32>], vector<16xf32>,
        %gather3A_301 = tpu.vector_load_idx %arg13[%add3A_50, %broadcast_in_dim3A_299] : memref<80x128xf32, #tpu.memory_space<vmem>>[vector<16xi32>, vector<16xi32>], vector<16xf32>,
        %mul3A_302 = arith.mulf %gather3A_300, %gather3A_301 : vector<16xf32>
        %add3A_303 = arith.addf %add3A_297, %mul3A_302 : vector<16xf32>
        %broadcast_in_dim3A_304 = arith.constant 41 : i32
        %broadcast_in_dim3A_305 = vector.broadcast %broadcast_in_dim3A_304 : i32 to vector<16xi32>
        %gather3A_306 = tpu.vector_load_idx %arg12[%add3A_50, %broadcast_in_dim3A_305] : memref<80x128xf32, #tpu.memory_space<vmem>>[vector<16xi32>, vector<16xi32>], vector<16xf32>,
        %gather3A_307 = tpu.vector_load_idx %arg13[%add3A_50, %broadcast_in_dim3A_305] : memref<80x128xf32, #tpu.memory_space<vmem>>[vector<16xi32>, vector<16xi32>], vector<16xf32>,
        %mul3A_308 = arith.mulf %gather3A_306, %gather3A_307 : vector<16xf32>
        %add3A_309 = arith.addf %add3A_303, %mul3A_308 : vector<16xf32>
        %broadcast_in_dim3A_310 = arith.constant 42 : i32
        %broadcast_in_dim3A_311 = vector.broadcast %broadcast_in_dim3A_310 : i32 to vector<16xi32>
        %gather3A_312 = tpu.vector_load_idx %arg12[%add3A_50, %broadcast_in_dim3A_311] : memref<80x128xf32, #tpu.memory_space<vmem>>[vector<16xi32>, vector<16xi32>], vector<16xf32>,
        %gather3A_313 = tpu.vector_load_idx %arg13[%add3A_50, %broadcast_in_dim3A_311] : memref<80x128xf32, #tpu.memory_space<vmem>>[vector<16xi32>, vector<16xi32>], vector<16xf32>,
        %mul3A_314 = arith.mulf %gather3A_312, %gather3A_313 : vector<16xf32>
        %add3A_315 = arith.addf %add3A_309, %mul3A_314 : vector<16xf32>
        %broadcast_in_dim3A_316 = arith.constant 43 : i32
        %broadcast_in_dim3A_317 = vector.broadcast %broadcast_in_dim3A_316 : i32 to vector<16xi32>
        %gather3A_318 = tpu.vector_load_idx %arg12[%add3A_50, %broadcast_in_dim3A_317] : memref<80x128xf32, #tpu.memory_space<vmem>>[vector<16xi32>, vector<16xi32>], vector<16xf32>,
        %gather3A_319 = tpu.vector_load_idx %arg13[%add3A_50, %broadcast_in_dim3A_317] : memref<80x128xf32, #tpu.memory_space<vmem>>[vector<16xi32>, vector<16xi32>], vector<16xf32>,
        %mul3A_320 = arith.mulf %gather3A_318, %gather3A_319 : vector<16xf32>
        %add3A_321 = arith.addf %add3A_315, %mul3A_320 : vector<16xf32>
        %broadcast_in_dim3A_322 = arith.constant 44 : i32
        %broadcast_in_dim3A_323 = vector.broadcast %broadcast_in_dim3A_322 : i32 to vector<16xi32>
        %gather3A_324 = tpu.vector_load_idx %arg12[%add3A_50, %broadcast_in_dim3A_323] : memref<80x128xf32, #tpu.memory_space<vmem>>[vector<16xi32>, vector<16xi32>], vector<16xf32>,
        %gather3A_325 = tpu.vector_load_idx %arg13[%add3A_50, %broadcast_in_dim3A_323] : memref<80x128xf32, #tpu.memory_space<vmem>>[vector<16xi32>, vector<16xi32>], vector<16xf32>,
        %mul3A_326 = arith.mulf %gather3A_324, %gather3A_325 : vector<16xf32>
        %add3A_327 = arith.addf %add3A_321, %mul3A_326 : vector<16xf32>
        %broadcast_in_dim3A_328 = arith.constant 45 : i32
        %broadcast_in_dim3A_329 = vector.broadcast %broadcast_in_dim3A_328 : i32 to vector<16xi32>
        %gather3A_330 = tpu.vector_load_idx %arg12[%add3A_50, %broadcast_in_dim3A_329] : memref<80x128xf32, #tpu.memory_space<vmem>>[vector<16xi32>, vector<16xi32>], vector<16xf32>,
        %gather3A_331 = tpu.vector_load_idx %arg13[%add3A_50, %broadcast_in_dim3A_329] : memref<80x128xf32, #tpu.memory_space<vmem>>[vector<16xi32>, vector<16xi32>], vector<16xf32>,
        %mul3A_332 = arith.mulf %gather3A_330, %gather3A_331 : vector<16xf32>
        %add3A_333 = arith.addf %add3A_327, %mul3A_332 : vector<16xf32>
        %broadcast_in_dim3A_334 = arith.constant 46 : i32
        %broadcast_in_dim3A_335 = vector.broadcast %broadcast_in_dim3A_334 : i32 to vector<16xi32>
        %gather3A_336 = tpu.vector_load_idx %arg12[%add3A_50, %broadcast_in_dim3A_335] : memref<80x128xf32, #tpu.memory_space<vmem>>[vector<16xi32>, vector<16xi32>], vector<16xf32>,
        %gather3A_337 = tpu.vector_load_idx %arg13[%add3A_50, %broadcast_in_dim3A_335] : memref<80x128xf32, #tpu.memory_space<vmem>>[vector<16xi32>, vector<16xi32>], vector<16xf32>,
        %mul3A_338 = arith.mulf %gather3A_336, %gather3A_337 : vector<16xf32>
        %add3A_339 = arith.addf %add3A_333, %mul3A_338 : vector<16xf32>
        %broadcast_in_dim3A_340 = arith.constant 47 : i32
        %broadcast_in_dim3A_341 = vector.broadcast %broadcast_in_dim3A_340 : i32 to vector<16xi32>
        %gather3A_342 = tpu.vector_load_idx %arg12[%add3A_50, %broadcast_in_dim3A_341] : memref<80x128xf32, #tpu.memory_space<vmem>>[vector<16xi32>, vector<16xi32>], vector<16xf32>,
        %gather3A_343 = tpu.vector_load_idx %arg13[%add3A_50, %broadcast_in_dim3A_341] : memref<80x128xf32, #tpu.memory_space<vmem>>[vector<16xi32>, vector<16xi32>], vector<16xf32>,
        %mul3A_344 = arith.mulf %gather3A_342, %gather3A_343 : vector<16xf32>
        %add3A_345 = arith.addf %add3A_339, %mul3A_344 : vector<16xf32>
        %broadcast_in_dim3A_346 = arith.constant 48 : i32
        %broadcast_in_dim3A_347 = vector.broadcast %broadcast_in_dim3A_346 : i32 to vector<16xi32>
        %gather3A_348 = tpu.vector_load_idx %arg12[%add3A_50, %broadcast_in_dim3A_347] : memref<80x128xf32, #tpu.memory_space<vmem>>[vector<16xi32>, vector<16xi32>], vector<16xf32>,
        %gather3A_349 = tpu.vector_load_idx %arg13[%add3A_50, %broadcast_in_dim3A_347] : memref<80x128xf32, #tpu.memory_space<vmem>>[vector<16xi32>, vector<16xi32>], vector<16xf32>,
        %mul3A_350 = arith.mulf %gather3A_348, %gather3A_349 : vector<16xf32>
        %add3A_351 = arith.addf %add3A_345, %mul3A_350 : vector<16xf32>
        %broadcast_in_dim3A_352 = arith.constant 49 : i32
        %broadcast_in_dim3A_353 = vector.broadcast %broadcast_in_dim3A_352 : i32 to vector<16xi32>
        %gather3A_354 = tpu.vector_load_idx %arg12[%add3A_50, %broadcast_in_dim3A_353] : memref<80x128xf32, #tpu.memory_space<vmem>>[vector<16xi32>, vector<16xi32>], vector<16xf32>,
        %gather3A_355 = tpu.vector_load_idx %arg13[%add3A_50, %broadcast_in_dim3A_353] : memref<80x128xf32, #tpu.memory_space<vmem>>[vector<16xi32>, vector<16xi32>], vector<16xf32>,
        %mul3A_356 = arith.mulf %gather3A_354, %gather3A_355 : vector<16xf32>
        %add3A_357 = arith.addf %add3A_351, %mul3A_356 : vector<16xf32>
        %broadcast_in_dim3A_358 = arith.constant 50 : i32
        %broadcast_in_dim3A_359 = vector.broadcast %broadcast_in_dim3A_358 : i32 to vector<16xi32>
        %gather3A_360 = tpu.vector_load_idx %arg12[%add3A_50, %broadcast_in_dim3A_359] : memref<80x128xf32, #tpu.memory_space<vmem>>[vector<16xi32>, vector<16xi32>], vector<16xf32>,
        %gather3A_361 = tpu.vector_load_idx %arg13[%add3A_50, %broadcast_in_dim3A_359] : memref<80x128xf32, #tpu.memory_space<vmem>>[vector<16xi32>, vector<16xi32>], vector<16xf32>,
        %mul3A_362 = arith.mulf %gather3A_360, %gather3A_361 : vector<16xf32>
        %add3A_363 = arith.addf %add3A_357, %mul3A_362 : vector<16xf32>
        %broadcast_in_dim3A_364 = arith.constant 51 : i32
        %broadcast_in_dim3A_365 = vector.broadcast %broadcast_in_dim3A_364 : i32 to vector<16xi32>
        %gather3A_366 = tpu.vector_load_idx %arg12[%add3A_50, %broadcast_in_dim3A_365] : memref<80x128xf32, #tpu.memory_space<vmem>>[vector<16xi32>, vector<16xi32>], vector<16xf32>,
        %gather3A_367 = tpu.vector_load_idx %arg13[%add3A_50, %broadcast_in_dim3A_365] : memref<80x128xf32, #tpu.memory_space<vmem>>[vector<16xi32>, vector<16xi32>], vector<16xf32>,
        %mul3A_368 = arith.mulf %gather3A_366, %gather3A_367 : vector<16xf32>
        %add3A_369 = arith.addf %add3A_363, %mul3A_368 : vector<16xf32>
        %broadcast_in_dim3A_370 = arith.constant 52 : i32
        %broadcast_in_dim3A_371 = vector.broadcast %broadcast_in_dim3A_370 : i32 to vector<16xi32>
        %gather3A_372 = tpu.vector_load_idx %arg12[%add3A_50, %broadcast_in_dim3A_371] : memref<80x128xf32, #tpu.memory_space<vmem>>[vector<16xi32>, vector<16xi32>], vector<16xf32>,
        %gather3A_373 = tpu.vector_load_idx %arg13[%add3A_50, %broadcast_in_dim3A_371] : memref<80x128xf32, #tpu.memory_space<vmem>>[vector<16xi32>, vector<16xi32>], vector<16xf32>,
        %mul3A_374 = arith.mulf %gather3A_372, %gather3A_373 : vector<16xf32>
        %add3A_375 = arith.addf %add3A_369, %mul3A_374 : vector<16xf32>
        %broadcast_in_dim3A_376 = arith.constant 53 : i32
        %broadcast_in_dim3A_377 = vector.broadcast %broadcast_in_dim3A_376 : i32 to vector<16xi32>
        %gather3A_378 = tpu.vector_load_idx %arg12[%add3A_50, %broadcast_in_dim3A_377] : memref<80x128xf32, #tpu.memory_space<vmem>>[vector<16xi32>, vector<16xi32>], vector<16xf32>,
        %gather3A_379 = tpu.vector_load_idx %arg13[%add3A_50, %broadcast_in_dim3A_377] : memref<80x128xf32, #tpu.memory_space<vmem>>[vector<16xi32>, vector<16xi32>], vector<16xf32>,
        %mul3A_380 = arith.mulf %gather3A_378, %gather3A_379 : vector<16xf32>
        %add3A_381 = arith.addf %add3A_375, %mul3A_380 : vector<16xf32>
        %broadcast_in_dim3A_382 = arith.constant 54 : i32
        %broadcast_in_dim3A_383 = vector.broadcast %broadcast_in_dim3A_382 : i32 to vector<16xi32>
        %gather3A_384 = tpu.vector_load_idx %arg12[%add3A_50, %broadcast_in_dim3A_383] : memref<80x128xf32, #tpu.memory_space<vmem>>[vector<16xi32>, vector<16xi32>], vector<16xf32>,
        %gather3A_385 = tpu.vector_load_idx %arg13[%add3A_50, %broadcast_in_dim3A_383] : memref<80x128xf32, #tpu.memory_space<vmem>>[vector<16xi32>, vector<16xi32>], vector<16xf32>,
        %mul3A_386 = arith.mulf %gather3A_384, %gather3A_385 : vector<16xf32>
        %add3A_387 = arith.addf %add3A_381, %mul3A_386 : vector<16xf32>
        %broadcast_in_dim3A_388 = arith.constant 55 : i32
        %broadcast_in_dim3A_389 = vector.broadcast %broadcast_in_dim3A_388 : i32 to vector<16xi32>
        %gather3A_390 = tpu.vector_load_idx %arg12[%add3A_50, %broadcast_in_dim3A_389] : memref<80x128xf32, #tpu.memory_space<vmem>>[vector<16xi32>, vector<16xi32>], vector<16xf32>,
        %gather3A_391 = tpu.vector_load_idx %arg13[%add3A_50, %broadcast_in_dim3A_389] : memref<80x128xf32, #tpu.memory_space<vmem>>[vector<16xi32>, vector<16xi32>], vector<16xf32>,
        %mul3A_392 = arith.mulf %gather3A_390, %gather3A_391 : vector<16xf32>
        %add3A_393 = arith.addf %add3A_387, %mul3A_392 : vector<16xf32>
        %broadcast_in_dim3A_394 = arith.constant 56 : i32
        %broadcast_in_dim3A_395 = vector.broadcast %broadcast_in_dim3A_394 : i32 to vector<16xi32>
        %gather3A_396 = tpu.vector_load_idx %arg12[%add3A_50, %broadcast_in_dim3A_395] : memref<80x128xf32, #tpu.memory_space<vmem>>[vector<16xi32>, vector<16xi32>], vector<16xf32>,
        %gather3A_397 = tpu.vector_load_idx %arg13[%add3A_50, %broadcast_in_dim3A_395] : memref<80x128xf32, #tpu.memory_space<vmem>>[vector<16xi32>, vector<16xi32>], vector<16xf32>,
        %mul3A_398 = arith.mulf %gather3A_396, %gather3A_397 : vector<16xf32>
        %add3A_399 = arith.addf %add3A_393, %mul3A_398 : vector<16xf32>
        %broadcast_in_dim3A_400 = arith.constant 57 : i32
        %broadcast_in_dim3A_401 = vector.broadcast %broadcast_in_dim3A_400 : i32 to vector<16xi32>
        %gather3A_402 = tpu.vector_load_idx %arg12[%add3A_50, %broadcast_in_dim3A_401] : memref<80x128xf32, #tpu.memory_space<vmem>>[vector<16xi32>, vector<16xi32>], vector<16xf32>,
        %gather3A_403 = tpu.vector_load_idx %arg13[%add3A_50, %broadcast_in_dim3A_401] : memref<80x128xf32, #tpu.memory_space<vmem>>[vector<16xi32>, vector<16xi32>], vector<16xf32>,
        %mul3A_404 = arith.mulf %gather3A_402, %gather3A_403 : vector<16xf32>
        %add3A_405 = arith.addf %add3A_399, %mul3A_404 : vector<16xf32>
        %broadcast_in_dim3A_406 = arith.constant 58 : i32
        %broadcast_in_dim3A_407 = vector.broadcast %broadcast_in_dim3A_406 : i32 to vector<16xi32>
        %gather3A_408 = tpu.vector_load_idx %arg12[%add3A_50, %broadcast_in_dim3A_407] : memref<80x128xf32, #tpu.memory_space<vmem>>[vector<16xi32>, vector<16xi32>], vector<16xf32>,
        %gather3A_409 = tpu.vector_load_idx %arg13[%add3A_50, %broadcast_in_dim3A_407] : memref<80x128xf32, #tpu.memory_space<vmem>>[vector<16xi32>, vector<16xi32>], vector<16xf32>,
        %mul3A_410 = arith.mulf %gather3A_408, %gather3A_409 : vector<16xf32>
        %add3A_411 = arith.addf %add3A_405, %mul3A_410 : vector<16xf32>
        %broadcast_in_dim3A_412 = arith.constant 59 : i32
        %broadcast_in_dim3A_413 = vector.broadcast %broadcast_in_dim3A_412 : i32 to vector<16xi32>
        %gather3A_414 = tpu.vector_load_idx %arg12[%add3A_50, %broadcast_in_dim3A_413] : memref<80x128xf32, #tpu.memory_space<vmem>>[vector<16xi32>, vector<16xi32>], vector<16xf32>,
        %gather3A_415 = tpu.vector_load_idx %arg13[%add3A_50, %broadcast_in_dim3A_413] : memref<80x128xf32, #tpu.memory_space<vmem>>[vector<16xi32>, vector<16xi32>], vector<16xf32>,
        %mul3A_416 = arith.mulf %gather3A_414, %gather3A_415 : vector<16xf32>
        %add3A_417 = arith.addf %add3A_411, %mul3A_416 : vector<16xf32>
        %broadcast_in_dim3A_418 = arith.constant 60 : i32
        %broadcast_in_dim3A_419 = vector.broadcast %broadcast_in_dim3A_418 : i32 to vector<16xi32>
        %gather3A_420 = tpu.vector_load_idx %arg12[%add3A_50, %broadcast_in_dim3A_419] : memref<80x128xf32, #tpu.memory_space<vmem>>[vector<16xi32>, vector<16xi32>], vector<16xf32>,
        %gather3A_421 = tpu.vector_load_idx %arg13[%add3A_50, %broadcast_in_dim3A_419] : memref<80x128xf32, #tpu.memory_space<vmem>>[vector<16xi32>, vector<16xi32>], vector<16xf32>,
        %mul3A_422 = arith.mulf %gather3A_420, %gather3A_421 : vector<16xf32>
        %add3A_423 = arith.addf %add3A_417, %mul3A_422 : vector<16xf32>
        %broadcast_in_dim3A_424 = arith.constant 61 : i32
        %broadcast_in_dim3A_425 = vector.broadcast %broadcast_in_dim3A_424 : i32 to vector<16xi32>
        %gather3A_426 = tpu.vector_load_idx %arg12[%add3A_50, %broadcast_in_dim3A_425] : memref<80x128xf32, #tpu.memory_space<vmem>>[vector<16xi32>, vector<16xi32>], vector<16xf32>,
        %gather3A_427 = tpu.vector_load_idx %arg13[%add3A_50, %broadcast_in_dim3A_425] : memref<80x128xf32, #tpu.memory_space<vmem>>[vector<16xi32>, vector<16xi32>], vector<16xf32>,
        %mul3A_428 = arith.mulf %gather3A_426, %gather3A_427 : vector<16xf32>
        %add3A_429 = arith.addf %add3A_423, %mul3A_428 : vector<16xf32>
        %broadcast_in_dim3A_430 = arith.constant 62 : i32
        %broadcast_in_dim3A_431 = vector.broadcast %broadcast_in_dim3A_430 : i32 to vector<16xi32>
        %gather3A_432 = tpu.vector_load_idx %arg12[%add3A_50, %broadcast_in_dim3A_431] : memref<80x128xf32, #tpu.memory_space<vmem>>[vector<16xi32>, vector<16xi32>], vector<16xf32>,
        %gather3A_433 = tpu.vector_load_idx %arg13[%add3A_50, %broadcast_in_dim3A_431] : memref<80x128xf32, #tpu.memory_space<vmem>>[vector<16xi32>, vector<16xi32>], vector<16xf32>,
        %mul3A_434 = arith.mulf %gather3A_432, %gather3A_433 : vector<16xf32>
        %add3A_435 = arith.addf %add3A_429, %mul3A_434 : vector<16xf32>
        %broadcast_in_dim3A_436 = arith.constant 63 : i32
        %broadcast_in_dim3A_437 = vector.broadcast %broadcast_in_dim3A_436 : i32 to vector<16xi32>
        %gather3A_438 = tpu.vector_load_idx %arg12[%add3A_50, %broadcast_in_dim3A_437] : memref<80x128xf32, #tpu.memory_space<vmem>>[vector<16xi32>, vector<16xi32>], vector<16xf32>,
        %gather3A_439 = tpu.vector_load_idx %arg13[%add3A_50, %broadcast_in_dim3A_437] : memref<80x128xf32, #tpu.memory_space<vmem>>[vector<16xi32>, vector<16xi32>], vector<16xf32>,
        %mul3A_440 = arith.mulf %gather3A_438, %gather3A_439 : vector<16xf32>
        %add3A_441 = arith.addf %add3A_435, %mul3A_440 : vector<16xf32>
        %mul3A_442 = arith.constant 16 : i32
        %mul3A_443 = arith.muli %scan3A_46, %mul3A_442 : i32
        %add3A_444 = arith.constant 80 : i32
        %add3A_445 = arith.addi %add3A_444, %mul3A_443 : i32
        %swap3A_446 = arith.index_cast %add3A_445 : i32 to index
        %swap3A_447 = tpu.vector_load %arg14[%swap3A_446] {strides = array<i32>} : memref<320xf32, #tpu.memory_space<vmem>>, vector<16xf32>,
        tpu.vector_store %arg14[%swap3A_446], %add3A_441 {strides = array<i32>} : memref<320xf32, #tpu.memory_space<vmem>>, vector<16xf32>,
        %broadcast_in_dim3A_448 = arith.constant 0.000000e+00 : f32
        %broadcast_in_dim3A_449 = vector.broadcast %broadcast_in_dim3A_448 : f32 to vector<16xf32>
        %broadcast_in_dim3A_450 = arith.constant 64 : i32
        %broadcast_in_dim3A_451 = vector.broadcast %broadcast_in_dim3A_450 : i32 to vector<16xi32>
        %gather3A_452 = tpu.vector_load_idx %arg12[%add3A_50, %broadcast_in_dim3A_451] : memref<80x128xf32, #tpu.memory_space<vmem>>[vector<16xi32>, vector<16xi32>], vector<16xf32>,
        %gather3A_453 = tpu.vector_load_idx %arg13[%add3A_50, %broadcast_in_dim3A_451] : memref<80x128xf32, #tpu.memory_space<vmem>>[vector<16xi32>, vector<16xi32>], vector<16xf32>,
        %mul3A_454 = arith.mulf %gather3A_452, %gather3A_453 : vector<16xf32>
        %add3A_455 = arith.addf %broadcast_in_dim3A_449, %mul3A_454 : vector<16xf32>
        %broadcast_in_dim3A_456 = arith.constant 65 : i32
        %broadcast_in_dim3A_457 = vector.broadcast %broadcast_in_dim3A_456 : i32 to vector<16xi32>
        %gather3A_458 = tpu.vector_load_idx %arg12[%add3A_50, %broadcast_in_dim3A_457] : memref<80x128xf32, #tpu.memory_space<vmem>>[vector<16xi32>, vector<16xi32>], vector<16xf32>,
        %gather3A_459 = tpu.vector_load_idx %arg13[%add3A_50, %broadcast_in_dim3A_457] : memref<80x128xf32, #tpu.memory_space<vmem>>[vector<16xi32>, vector<16xi32>], vector<16xf32>,
        %mul3A_460 = arith.mulf %gather3A_458, %gather3A_459 : vector<16xf32>
        %add3A_461 = arith.addf %add3A_455, %mul3A_460 : vector<16xf32>
        %broadcast_in_dim3A_462 = arith.constant 66 : i32
        %broadcast_in_dim3A_463 = vector.broadcast %broadcast_in_dim3A_462 : i32 to vector<16xi32>
        %gather3A_464 = tpu.vector_load_idx %arg12[%add3A_50, %broadcast_in_dim3A_463] : memref<80x128xf32, #tpu.memory_space<vmem>>[vector<16xi32>, vector<16xi32>], vector<16xf32>,
        %gather3A_465 = tpu.vector_load_idx %arg13[%add3A_50, %broadcast_in_dim3A_463] : memref<80x128xf32, #tpu.memory_space<vmem>>[vector<16xi32>, vector<16xi32>], vector<16xf32>,
        %mul3A_466 = arith.mulf %gather3A_464, %gather3A_465 : vector<16xf32>
        %add3A_467 = arith.addf %add3A_461, %mul3A_466 : vector<16xf32>
        %broadcast_in_dim3A_468 = arith.constant 67 : i32
        %broadcast_in_dim3A_469 = vector.broadcast %broadcast_in_dim3A_468 : i32 to vector<16xi32>
        %gather3A_470 = tpu.vector_load_idx %arg12[%add3A_50, %broadcast_in_dim3A_469] : memref<80x128xf32, #tpu.memory_space<vmem>>[vector<16xi32>, vector<16xi32>], vector<16xf32>,
        %gather3A_471 = tpu.vector_load_idx %arg13[%add3A_50, %broadcast_in_dim3A_469] : memref<80x128xf32, #tpu.memory_space<vmem>>[vector<16xi32>, vector<16xi32>], vector<16xf32>,
        %mul3A_472 = arith.mulf %gather3A_470, %gather3A_471 : vector<16xf32>
        %add3A_473 = arith.addf %add3A_467, %mul3A_472 : vector<16xf32>
        %broadcast_in_dim3A_474 = arith.constant 68 : i32
        %broadcast_in_dim3A_475 = vector.broadcast %broadcast_in_dim3A_474 : i32 to vector<16xi32>
        %gather3A_476 = tpu.vector_load_idx %arg12[%add3A_50, %broadcast_in_dim3A_475] : memref<80x128xf32, #tpu.memory_space<vmem>>[vector<16xi32>, vector<16xi32>], vector<16xf32>,
        %gather3A_477 = tpu.vector_load_idx %arg13[%add3A_50, %broadcast_in_dim3A_475] : memref<80x128xf32, #tpu.memory_space<vmem>>[vector<16xi32>, vector<16xi32>], vector<16xf32>,
        %mul3A_478 = arith.mulf %gather3A_476, %gather3A_477 : vector<16xf32>
        %add3A_479 = arith.addf %add3A_473, %mul3A_478 : vector<16xf32>
        %broadcast_in_dim3A_480 = arith.constant 69 : i32
        %broadcast_in_dim3A_481 = vector.broadcast %broadcast_in_dim3A_480 : i32 to vector<16xi32>
        %gather3A_482 = tpu.vector_load_idx %arg12[%add3A_50, %broadcast_in_dim3A_481] : memref<80x128xf32, #tpu.memory_space<vmem>>[vector<16xi32>, vector<16xi32>], vector<16xf32>,
        %gather3A_483 = tpu.vector_load_idx %arg13[%add3A_50, %broadcast_in_dim3A_481] : memref<80x128xf32, #tpu.memory_space<vmem>>[vector<16xi32>, vector<16xi32>], vector<16xf32>,
        %mul3A_484 = arith.mulf %gather3A_482, %gather3A_483 : vector<16xf32>
        %add3A_485 = arith.addf %add3A_479, %mul3A_484 : vector<16xf32>
        %broadcast_in_dim3A_486 = arith.constant 70 : i32
        %broadcast_in_dim3A_487 = vector.broadcast %broadcast_in_dim3A_486 : i32 to vector<16xi32>
        %gather3A_488 = tpu.vector_load_idx %arg12[%add3A_50, %broadcast_in_dim3A_487] : memref<80x128xf32, #tpu.memory_space<vmem>>[vector<16xi32>, vector<16xi32>], vector<16xf32>,
        %gather3A_489 = tpu.vector_load_idx %arg13[%add3A_50, %broadcast_in_dim3A_487] : memref<80x128xf32, #tpu.memory_space<vmem>>[vector<16xi32>, vector<16xi32>], vector<16xf32>,
        %mul3A_490 = arith.mulf %gather3A_488, %gather3A_489 : vector<16xf32>
        %add3A_491 = arith.addf %add3A_485, %mul3A_490 : vector<16xf32>
        %broadcast_in_dim3A_492 = arith.constant 71 : i32
        %broadcast_in_dim3A_493 = vector.broadcast %broadcast_in_dim3A_492 : i32 to vector<16xi32>
        %gather3A_494 = tpu.vector_load_idx %arg12[%add3A_50, %broadcast_in_dim3A_493] : memref<80x128xf32, #tpu.memory_space<vmem>>[vector<16xi32>, vector<16xi32>], vector<16xf32>,
        %gather3A_495 = tpu.vector_load_idx %arg13[%add3A_50, %broadcast_in_dim3A_493] : memref<80x128xf32, #tpu.memory_space<vmem>>[vector<16xi32>, vector<16xi32>], vector<16xf32>,
        %mul3A_496 = arith.mulf %gather3A_494, %gather3A_495 : vector<16xf32>
        %add3A_497 = arith.addf %add3A_491, %mul3A_496 : vector<16xf32>
        %broadcast_in_dim3A_498 = arith.constant 72 : i32
        %broadcast_in_dim3A_499 = vector.broadcast %broadcast_in_dim3A_498 : i32 to vector<16xi32>
        %gather3A_500 = tpu.vector_load_idx %arg12[%add3A_50, %broadcast_in_dim3A_499] : memref<80x128xf32, #tpu.memory_space<vmem>>[vector<16xi32>, vector<16xi32>], vector<16xf32>,
        %gather3A_501 = tpu.vector_load_idx %arg13[%add3A_50, %broadcast_in_dim3A_499] : memref<80x128xf32, #tpu.memory_space<vmem>>[vector<16xi32>, vector<16xi32>], vector<16xf32>,
        %mul3A_502 = arith.mulf %gather3A_500, %gather3A_501 : vector<16xf32>
        %add3A_503 = arith.addf %add3A_497, %mul3A_502 : vector<16xf32>
        %broadcast_in_dim3A_504 = arith.constant 73 : i32
        %broadcast_in_dim3A_505 = vector.broadcast %broadcast_in_dim3A_504 : i32 to vector<16xi32>
        %gather3A_506 = tpu.vector_load_idx %arg12[%add3A_50, %broadcast_in_dim3A_505] : memref<80x128xf32, #tpu.memory_space<vmem>>[vector<16xi32>, vector<16xi32>], vector<16xf32>,
        %gather3A_507 = tpu.vector_load_idx %arg13[%add3A_50, %broadcast_in_dim3A_505] : memref<80x128xf32, #tpu.memory_space<vmem>>[vector<16xi32>, vector<16xi32>], vector<16xf32>,
        %mul3A_508 = arith.mulf %gather3A_506, %gather3A_507 : vector<16xf32>
        %add3A_509 = arith.addf %add3A_503, %mul3A_508 : vector<16xf32>
        %broadcast_in_dim3A_510 = arith.constant 74 : i32
        %broadcast_in_dim3A_511 = vector.broadcast %broadcast_in_dim3A_510 : i32 to vector<16xi32>
        %gather3A_512 = tpu.vector_load_idx %arg12[%add3A_50, %broadcast_in_dim3A_511] : memref<80x128xf32, #tpu.memory_space<vmem>>[vector<16xi32>, vector<16xi32>], vector<16xf32>,
        %gather3A_513 = tpu.vector_load_idx %arg13[%add3A_50, %broadcast_in_dim3A_511] : memref<80x128xf32, #tpu.memory_space<vmem>>[vector<16xi32>, vector<16xi32>], vector<16xf32>,
        %mul3A_514 = arith.mulf %gather3A_512, %gather3A_513 : vector<16xf32>
        %add3A_515 = arith.addf %add3A_509, %mul3A_514 : vector<16xf32>
        %broadcast_in_dim3A_516 = arith.constant 75 : i32
        %broadcast_in_dim3A_517 = vector.broadcast %broadcast_in_dim3A_516 : i32 to vector<16xi32>
        %gather3A_518 = tpu.vector_load_idx %arg12[%add3A_50, %broadcast_in_dim3A_517] : memref<80x128xf32, #tpu.memory_space<vmem>>[vector<16xi32>, vector<16xi32>], vector<16xf32>,
        %gather3A_519 = tpu.vector_load_idx %arg13[%add3A_50, %broadcast_in_dim3A_517] : memref<80x128xf32, #tpu.memory_space<vmem>>[vector<16xi32>, vector<16xi32>], vector<16xf32>,
        %mul3A_520 = arith.mulf %gather3A_518, %gather3A_519 : vector<16xf32>
        %add3A_521 = arith.addf %add3A_515, %mul3A_520 : vector<16xf32>
        %broadcast_in_dim3A_522 = arith.constant 76 : i32
        %broadcast_in_dim3A_523 = vector.broadcast %broadcast_in_dim3A_522 : i32 to vector<16xi32>
        %gather3A_524 = tpu.vector_load_idx %arg12[%add3A_50, %broadcast_in_dim3A_523] : memref<80x128xf32, #tpu.memory_space<vmem>>[vector<16xi32>, vector<16xi32>], vector<16xf32>,
        %gather3A_525 = tpu.vector_load_idx %arg13[%add3A_50, %broadcast_in_dim3A_523] : memref<80x128xf32, #tpu.memory_space<vmem>>[vector<16xi32>, vector<16xi32>], vector<16xf32>,
        %mul3A_526 = arith.mulf %gather3A_524, %gather3A_525 : vector<16xf32>
        %add3A_527 = arith.addf %add3A_521, %mul3A_526 : vector<16xf32>
        %broadcast_in_dim3A_528 = arith.constant 77 : i32
        %broadcast_in_dim3A_529 = vector.broadcast %broadcast_in_dim3A_528 : i32 to vector<16xi32>
        %gather3A_530 = tpu.vector_load_idx %arg12[%add3A_50, %broadcast_in_dim3A_529] : memref<80x128xf32, #tpu.memory_space<vmem>>[vector<16xi32>, vector<16xi32>], vector<16xf32>,
        %gather3A_531 = tpu.vector_load_idx %arg13[%add3A_50, %broadcast_in_dim3A_529] : memref<80x128xf32, #tpu.memory_space<vmem>>[vector<16xi32>, vector<16xi32>], vector<16xf32>,
        %mul3A_532 = arith.mulf %gather3A_530, %gather3A_531 : vector<16xf32>
        %add3A_533 = arith.addf %add3A_527, %mul3A_532 : vector<16xf32>
        %broadcast_in_dim3A_534 = arith.constant 78 : i32
        %broadcast_in_dim3A_535 = vector.broadcast %broadcast_in_dim3A_534 : i32 to vector<16xi32>
        %gather3A_536 = tpu.vector_load_idx %arg12[%add3A_50, %broadcast_in_dim3A_535] : memref<80x128xf32, #tpu.memory_space<vmem>>[vector<16xi32>, vector<16xi32>], vector<16xf32>,
        %gather3A_537 = tpu.vector_load_idx %arg13[%add3A_50, %broadcast_in_dim3A_535] : memref<80x128xf32, #tpu.memory_space<vmem>>[vector<16xi32>, vector<16xi32>], vector<16xf32>,
        %mul3A_538 = arith.mulf %gather3A_536, %gather3A_537 : vector<16xf32>
        %add3A_539 = arith.addf %add3A_533, %mul3A_538 : vector<16xf32>
        %broadcast_in_dim3A_540 = arith.constant 79 : i32
        %broadcast_in_dim3A_541 = vector.broadcast %broadcast_in_dim3A_540 : i32 to vector<16xi32>
        %gather3A_542 = tpu.vector_load_idx %arg12[%add3A_50, %broadcast_in_dim3A_541] : memref<80x128xf32, #tpu.memory_space<vmem>>[vector<16xi32>, vector<16xi32>], vector<16xf32>,
        %gather3A_543 = tpu.vector_load_idx %arg13[%add3A_50, %broadcast_in_dim3A_541] : memref<80x128xf32, #tpu.memory_space<vmem>>[vector<16xi32>, vector<16xi32>], vector<16xf32>,
        %mul3A_544 = arith.mulf %gather3A_542, %gather3A_543 : vector<16xf32>
        %add3A_545 = arith.addf %add3A_539, %mul3A_544 : vector<16xf32>
        %broadcast_in_dim3A_546 = arith.constant 80 : i32
        %broadcast_in_dim3A_547 = vector.broadcast %broadcast_in_dim3A_546 : i32 to vector<16xi32>
        %gather3A_548 = tpu.vector_load_idx %arg12[%add3A_50, %broadcast_in_dim3A_547] : memref<80x128xf32, #tpu.memory_space<vmem>>[vector<16xi32>, vector<16xi32>], vector<16xf32>,
        %gather3A_549 = tpu.vector_load_idx %arg13[%add3A_50, %broadcast_in_dim3A_547] : memref<80x128xf32, #tpu.memory_space<vmem>>[vector<16xi32>, vector<16xi32>], vector<16xf32>,
        %mul3A_550 = arith.mulf %gather3A_548, %gather3A_549 : vector<16xf32>
        %add3A_551 = arith.addf %add3A_545, %mul3A_550 : vector<16xf32>
        %broadcast_in_dim3A_552 = arith.constant 81 : i32
        %broadcast_in_dim3A_553 = vector.broadcast %broadcast_in_dim3A_552 : i32 to vector<16xi32>
        %gather3A_554 = tpu.vector_load_idx %arg12[%add3A_50, %broadcast_in_dim3A_553] : memref<80x128xf32, #tpu.memory_space<vmem>>[vector<16xi32>, vector<16xi32>], vector<16xf32>,
        %gather3A_555 = tpu.vector_load_idx %arg13[%add3A_50, %broadcast_in_dim3A_553] : memref<80x128xf32, #tpu.memory_space<vmem>>[vector<16xi32>, vector<16xi32>], vector<16xf32>,
        %mul3A_556 = arith.mulf %gather3A_554, %gather3A_555 : vector<16xf32>
        %add3A_557 = arith.addf %add3A_551, %mul3A_556 : vector<16xf32>
        %broadcast_in_dim3A_558 = arith.constant 82 : i32
        %broadcast_in_dim3A_559 = vector.broadcast %broadcast_in_dim3A_558 : i32 to vector<16xi32>
        %gather3A_560 = tpu.vector_load_idx %arg12[%add3A_50, %broadcast_in_dim3A_559] : memref<80x128xf32, #tpu.memory_space<vmem>>[vector<16xi32>, vector<16xi32>], vector<16xf32>,
        %gather3A_561 = tpu.vector_load_idx %arg13[%add3A_50, %broadcast_in_dim3A_559] : memref<80x128xf32, #tpu.memory_space<vmem>>[vector<16xi32>, vector<16xi32>], vector<16xf32>,
        %mul3A_562 = arith.mulf %gather3A_560, %gather3A_561 : vector<16xf32>
        %add3A_563 = arith.addf %add3A_557, %mul3A_562 : vector<16xf32>
        %broadcast_in_dim3A_564 = arith.constant 83 : i32
        %broadcast_in_dim3A_565 = vector.broadcast %broadcast_in_dim3A_564 : i32 to vector<16xi32>
        %gather3A_566 = tpu.vector_load_idx %arg12[%add3A_50, %broadcast_in_dim3A_565] : memref<80x128xf32, #tpu.memory_space<vmem>>[vector<16xi32>, vector<16xi32>], vector<16xf32>,
        %gather3A_567 = tpu.vector_load_idx %arg13[%add3A_50, %broadcast_in_dim3A_565] : memref<80x128xf32, #tpu.memory_space<vmem>>[vector<16xi32>, vector<16xi32>], vector<16xf32>,
        %mul3A_568 = arith.mulf %gather3A_566, %gather3A_567 : vector<16xf32>
        %add3A_569 = arith.addf %add3A_563, %mul3A_568 : vector<16xf32>
        %broadcast_in_dim3A_570 = arith.constant 84 : i32
        %broadcast_in_dim3A_571 = vector.broadcast %broadcast_in_dim3A_570 : i32 to vector<16xi32>
        %gather3A_572 = tpu.vector_load_idx %arg12[%add3A_50, %broadcast_in_dim3A_571] : memref<80x128xf32, #tpu.memory_space<vmem>>[vector<16xi32>, vector<16xi32>], vector<16xf32>,
        %gather3A_573 = tpu.vector_load_idx %arg13[%add3A_50, %broadcast_in_dim3A_571] : memref<80x128xf32, #tpu.memory_space<vmem>>[vector<16xi32>, vector<16xi32>], vector<16xf32>,
        %mul3A_574 = arith.mulf %gather3A_572, %gather3A_573 : vector<16xf32>
        %add3A_575 = arith.addf %add3A_569, %mul3A_574 : vector<16xf32>
        %broadcast_in_dim3A_576 = arith.constant 85 : i32
        %broadcast_in_dim3A_577 = vector.broadcast %broadcast_in_dim3A_576 : i32 to vector<16xi32>
        %gather3A_578 = tpu.vector_load_idx %arg12[%add3A_50, %broadcast_in_dim3A_577] : memref<80x128xf32, #tpu.memory_space<vmem>>[vector<16xi32>, vector<16xi32>], vector<16xf32>,
        %gather3A_579 = tpu.vector_load_idx %arg13[%add3A_50, %broadcast_in_dim3A_577] : memref<80x128xf32, #tpu.memory_space<vmem>>[vector<16xi32>, vector<16xi32>], vector<16xf32>,
        %mul3A_580 = arith.mulf %gather3A_578, %gather3A_579 : vector<16xf32>
        %add3A_581 = arith.addf %add3A_575, %mul3A_580 : vector<16xf32>
        %broadcast_in_dim3A_582 = arith.constant 86 : i32
        %broadcast_in_dim3A_583 = vector.broadcast %broadcast_in_dim3A_582 : i32 to vector<16xi32>
        %gather3A_584 = tpu.vector_load_idx %arg12[%add3A_50, %broadcast_in_dim3A_583] : memref<80x128xf32, #tpu.memory_space<vmem>>[vector<16xi32>, vector<16xi32>], vector<16xf32>,
        %gather3A_585 = tpu.vector_load_idx %arg13[%add3A_50, %broadcast_in_dim3A_583] : memref<80x128xf32, #tpu.memory_space<vmem>>[vector<16xi32>, vector<16xi32>], vector<16xf32>,
        %mul3A_586 = arith.mulf %gather3A_584, %gather3A_585 : vector<16xf32>
        %add3A_587 = arith.addf %add3A_581, %mul3A_586 : vector<16xf32>
        %broadcast_in_dim3A_588 = arith.constant 87 : i32
        %broadcast_in_dim3A_589 = vector.broadcast %broadcast_in_dim3A_588 : i32 to vector<16xi32>
        %gather3A_590 = tpu.vector_load_idx %arg12[%add3A_50, %broadcast_in_dim3A_589] : memref<80x128xf32, #tpu.memory_space<vmem>>[vector<16xi32>, vector<16xi32>], vector<16xf32>,
        %gather3A_591 = tpu.vector_load_idx %arg13[%add3A_50, %broadcast_in_dim3A_589] : memref<80x128xf32, #tpu.memory_space<vmem>>[vector<16xi32>, vector<16xi32>], vector<16xf32>,
        %mul3A_592 = arith.mulf %gather3A_590, %gather3A_591 : vector<16xf32>
        %add3A_593 = arith.addf %add3A_587, %mul3A_592 : vector<16xf32>
        %broadcast_in_dim3A_594 = arith.constant 88 : i32
        %broadcast_in_dim3A_595 = vector.broadcast %broadcast_in_dim3A_594 : i32 to vector<16xi32>
        %gather3A_596 = tpu.vector_load_idx %arg12[%add3A_50, %broadcast_in_dim3A_595] : memref<80x128xf32, #tpu.memory_space<vmem>>[vector<16xi32>, vector<16xi32>], vector<16xf32>,
        %gather3A_597 = tpu.vector_load_idx %arg13[%add3A_50, %broadcast_in_dim3A_595] : memref<80x128xf32, #tpu.memory_space<vmem>>[vector<16xi32>, vector<16xi32>], vector<16xf32>,
        %mul3A_598 = arith.mulf %gather3A_596, %gather3A_597 : vector<16xf32>
        %add3A_599 = arith.addf %add3A_593, %mul3A_598 : vector<16xf32>
        %broadcast_in_dim3A_600 = arith.constant 89 : i32
        %broadcast_in_dim3A_601 = vector.broadcast %broadcast_in_dim3A_600 : i32 to vector<16xi32>
        %gather3A_602 = tpu.vector_load_idx %arg12[%add3A_50, %broadcast_in_dim3A_601] : memref<80x128xf32, #tpu.memory_space<vmem>>[vector<16xi32>, vector<16xi32>], vector<16xf32>,
        %gather3A_603 = tpu.vector_load_idx %arg13[%add3A_50, %broadcast_in_dim3A_601] : memref<80x128xf32, #tpu.memory_space<vmem>>[vector<16xi32>, vector<16xi32>], vector<16xf32>,
        %mul3A_604 = arith.mulf %gather3A_602, %gather3A_603 : vector<16xf32>
        %add3A_605 = arith.addf %add3A_599, %mul3A_604 : vector<16xf32>
        %broadcast_in_dim3A_606 = arith.constant 90 : i32
        %broadcast_in_dim3A_607 = vector.broadcast %broadcast_in_dim3A_606 : i32 to vector<16xi32>
        %gather3A_608 = tpu.vector_load_idx %arg12[%add3A_50, %broadcast_in_dim3A_607] : memref<80x128xf32, #tpu.memory_space<vmem>>[vector<16xi32>, vector<16xi32>], vector<16xf32>,
        %gather3A_609 = tpu.vector_load_idx %arg13[%add3A_50, %broadcast_in_dim3A_607] : memref<80x128xf32, #tpu.memory_space<vmem>>[vector<16xi32>, vector<16xi32>], vector<16xf32>,
        %mul3A_610 = arith.mulf %gather3A_608, %gather3A_609 : vector<16xf32>
        %add3A_611 = arith.addf %add3A_605, %mul3A_610 : vector<16xf32>
        %broadcast_in_dim3A_612 = arith.constant 91 : i32
        %broadcast_in_dim3A_613 = vector.broadcast %broadcast_in_dim3A_612 : i32 to vector<16xi32>
        %gather3A_614 = tpu.vector_load_idx %arg12[%add3A_50, %broadcast_in_dim3A_613] : memref<80x128xf32, #tpu.memory_space<vmem>>[vector<16xi32>, vector<16xi32>], vector<16xf32>,
        %gather3A_615 = tpu.vector_load_idx %arg13[%add3A_50, %broadcast_in_dim3A_613] : memref<80x128xf32, #tpu.memory_space<vmem>>[vector<16xi32>, vector<16xi32>], vector<16xf32>,
        %mul3A_616 = arith.mulf %gather3A_614, %gather3A_615 : vector<16xf32>
        %add3A_617 = arith.addf %add3A_611, %mul3A_616 : vector<16xf32>
        %broadcast_in_dim3A_618 = arith.constant 92 : i32
        %broadcast_in_dim3A_619 = vector.broadcast %broadcast_in_dim3A_618 : i32 to vector<16xi32>
        %gather3A_620 = tpu.vector_load_idx %arg12[%add3A_50, %broadcast_in_dim3A_619] : memref<80x128xf32, #tpu.memory_space<vmem>>[vector<16xi32>, vector<16xi32>], vector<16xf32>,
        %gather3A_621 = tpu.vector_load_idx %arg13[%add3A_50, %broadcast_in_dim3A_619] : memref<80x128xf32, #tpu.memory_space<vmem>>[vector<16xi32>, vector<16xi32>], vector<16xf32>,
        %mul3A_622 = arith.mulf %gather3A_620, %gather3A_621 : vector<16xf32>
        %add3A_623 = arith.addf %add3A_617, %mul3A_622 : vector<16xf32>
        %broadcast_in_dim3A_624 = arith.constant 93 : i32
        %broadcast_in_dim3A_625 = vector.broadcast %broadcast_in_dim3A_624 : i32 to vector<16xi32>
        %gather3A_626 = tpu.vector_load_idx %arg12[%add3A_50, %broadcast_in_dim3A_625] : memref<80x128xf32, #tpu.memory_space<vmem>>[vector<16xi32>, vector<16xi32>], vector<16xf32>,
        %gather3A_627 = tpu.vector_load_idx %arg13[%add3A_50, %broadcast_in_dim3A_625] : memref<80x128xf32, #tpu.memory_space<vmem>>[vector<16xi32>, vector<16xi32>], vector<16xf32>,
        %mul3A_628 = arith.mulf %gather3A_626, %gather3A_627 : vector<16xf32>
        %add3A_629 = arith.addf %add3A_623, %mul3A_628 : vector<16xf32>
        %broadcast_in_dim3A_630 = arith.constant 94 : i32
        %broadcast_in_dim3A_631 = vector.broadcast %broadcast_in_dim3A_630 : i32 to vector<16xi32>
        %gather3A_632 = tpu.vector_load_idx %arg12[%add3A_50, %broadcast_in_dim3A_631] : memref<80x128xf32, #tpu.memory_space<vmem>>[vector<16xi32>, vector<16xi32>], vector<16xf32>,
        %gather3A_633 = tpu.vector_load_idx %arg13[%add3A_50, %broadcast_in_dim3A_631] : memref<80x128xf32, #tpu.memory_space<vmem>>[vector<16xi32>, vector<16xi32>], vector<16xf32>,
        %mul3A_634 = arith.mulf %gather3A_632, %gather3A_633 : vector<16xf32>
        %add3A_635 = arith.addf %add3A_629, %mul3A_634 : vector<16xf32>
        %broadcast_in_dim3A_636 = arith.constant 95 : i32
        %broadcast_in_dim3A_637 = vector.broadcast %broadcast_in_dim3A_636 : i32 to vector<16xi32>
        %gather3A_638 = tpu.vector_load_idx %arg12[%add3A_50, %broadcast_in_dim3A_637] : memref<80x128xf32, #tpu.memory_space<vmem>>[vector<16xi32>, vector<16xi32>], vector<16xf32>,
        %gather3A_639 = tpu.vector_load_idx %arg13[%add3A_50, %broadcast_in_dim3A_637] : memref<80x128xf32, #tpu.memory_space<vmem>>[vector<16xi32>, vector<16xi32>], vector<16xf32>,
        %mul3A_640 = arith.mulf %gather3A_638, %gather3A_639 : vector<16xf32>
        %add3A_641 = arith.addf %add3A_635, %mul3A_640 : vector<16xf32>
        %mul3A_642 = arith.constant 16 : i32
        %mul3A_643 = arith.muli %scan3A_46, %mul3A_642 : i32
        %add3A_644 = arith.constant 160 : i32
        %add3A_645 = arith.addi %add3A_644, %mul3A_643 : i32
        %swap3A_646 = arith.index_cast %add3A_645 : i32 to index
        %swap3A_647 = tpu.vector_load %arg14[%swap3A_646] {strides = array<i32>} : memref<320xf32, #tpu.memory_space<vmem>>, vector<16xf32>,
        tpu.vector_store %arg14[%swap3A_646], %add3A_641 {strides = array<i32>} : memref<320xf32, #tpu.memory_space<vmem>>, vector<16xf32>,
        %broadcast_in_dim3A_648 = arith.constant 0.000000e+00 : f32
        %broadcast_in_dim3A_649 = vector.broadcast %broadcast_in_dim3A_648 : f32 to vector<16xf32>
        %broadcast_in_dim3A_650 = arith.constant 96 : i32
        %broadcast_in_dim3A_651 = vector.broadcast %broadcast_in_dim3A_650 : i32 to vector<16xi32>
        %gather3A_652 = tpu.vector_load_idx %arg12[%add3A_50, %broadcast_in_dim3A_651] : memref<80x128xf32, #tpu.memory_space<vmem>>[vector<16xi32>, vector<16xi32>], vector<16xf32>,
        %gather3A_653 = tpu.vector_load_idx %arg13[%add3A_50, %broadcast_in_dim3A_651] : memref<80x128xf32, #tpu.memory_space<vmem>>[vector<16xi32>, vector<16xi32>], vector<16xf32>,
        %mul3A_654 = arith.mulf %gather3A_652, %gather3A_653 : vector<16xf32>
        %add3A_655 = arith.addf %broadcast_in_dim3A_649, %mul3A_654 : vector<16xf32>
        %broadcast_in_dim3A_656 = arith.constant 97 : i32
        %broadcast_in_dim3A_657 = vector.broadcast %broadcast_in_dim3A_656 : i32 to vector<16xi32>
        %gather3A_658 = tpu.vector_load_idx %arg12[%add3A_50, %broadcast_in_dim3A_657] : memref<80x128xf32, #tpu.memory_space<vmem>>[vector<16xi32>, vector<16xi32>], vector<16xf32>,
        %gather3A_659 = tpu.vector_load_idx %arg13[%add3A_50, %broadcast_in_dim3A_657] : memref<80x128xf32, #tpu.memory_space<vmem>>[vector<16xi32>, vector<16xi32>], vector<16xf32>,
        %mul3A_660 = arith.mulf %gather3A_658, %gather3A_659 : vector<16xf32>
        %add3A_661 = arith.addf %add3A_655, %mul3A_660 : vector<16xf32>
        %broadcast_in_dim3A_662 = arith.constant 98 : i32
        %broadcast_in_dim3A_663 = vector.broadcast %broadcast_in_dim3A_662 : i32 to vector<16xi32>
        %gather3A_664 = tpu.vector_load_idx %arg12[%add3A_50, %broadcast_in_dim3A_663] : memref<80x128xf32, #tpu.memory_space<vmem>>[vector<16xi32>, vector<16xi32>], vector<16xf32>,
        %gather3A_665 = tpu.vector_load_idx %arg13[%add3A_50, %broadcast_in_dim3A_663] : memref<80x128xf32, #tpu.memory_space<vmem>>[vector<16xi32>, vector<16xi32>], vector<16xf32>,
        %mul3A_666 = arith.mulf %gather3A_664, %gather3A_665 : vector<16xf32>
        %add3A_667 = arith.addf %add3A_661, %mul3A_666 : vector<16xf32>
        %broadcast_in_dim3A_668 = arith.constant 99 : i32
        %broadcast_in_dim3A_669 = vector.broadcast %broadcast_in_dim3A_668 : i32 to vector<16xi32>
        %gather3A_670 = tpu.vector_load_idx %arg12[%add3A_50, %broadcast_in_dim3A_669] : memref<80x128xf32, #tpu.memory_space<vmem>>[vector<16xi32>, vector<16xi32>], vector<16xf32>,
        %gather3A_671 = tpu.vector_load_idx %arg13[%add3A_50, %broadcast_in_dim3A_669] : memref<80x128xf32, #tpu.memory_space<vmem>>[vector<16xi32>, vector<16xi32>], vector<16xf32>,
        %mul3A_672 = arith.mulf %gather3A_670, %gather3A_671 : vector<16xf32>
        %add3A_673 = arith.addf %add3A_667, %mul3A_672 : vector<16xf32>
        %broadcast_in_dim3A_674 = arith.constant 100 : i32
        %broadcast_in_dim3A_675 = vector.broadcast %broadcast_in_dim3A_674 : i32 to vector<16xi32>
        %gather3A_676 = tpu.vector_load_idx %arg12[%add3A_50, %broadcast_in_dim3A_675] : memref<80x128xf32, #tpu.memory_space<vmem>>[vector<16xi32>, vector<16xi32>], vector<16xf32>,
        %gather3A_677 = tpu.vector_load_idx %arg13[%add3A_50, %broadcast_in_dim3A_675] : memref<80x128xf32, #tpu.memory_space<vmem>>[vector<16xi32>, vector<16xi32>], vector<16xf32>,
        %mul3A_678 = arith.mulf %gather3A_676, %gather3A_677 : vector<16xf32>
        %add3A_679 = arith.addf %add3A_673, %mul3A_678 : vector<16xf32>
        %broadcast_in_dim3A_680 = arith.constant 101 : i32
        %broadcast_in_dim3A_681 = vector.broadcast %broadcast_in_dim3A_680 : i32 to vector<16xi32>
        %gather3A_682 = tpu.vector_load_idx %arg12[%add3A_50, %broadcast_in_dim3A_681] : memref<80x128xf32, #tpu.memory_space<vmem>>[vector<16xi32>, vector<16xi32>], vector<16xf32>,
        %gather3A_683 = tpu.vector_load_idx %arg13[%add3A_50, %broadcast_in_dim3A_681] : memref<80x128xf32, #tpu.memory_space<vmem>>[vector<16xi32>, vector<16xi32>], vector<16xf32>,
        %mul3A_684 = arith.mulf %gather3A_682, %gather3A_683 : vector<16xf32>
        %add3A_685 = arith.addf %add3A_679, %mul3A_684 : vector<16xf32>
        %broadcast_in_dim3A_686 = arith.constant 102 : i32
        %broadcast_in_dim3A_687 = vector.broadcast %broadcast_in_dim3A_686 : i32 to vector<16xi32>
        %gather3A_688 = tpu.vector_load_idx %arg12[%add3A_50, %broadcast_in_dim3A_687] : memref<80x128xf32, #tpu.memory_space<vmem>>[vector<16xi32>, vector<16xi32>], vector<16xf32>,
        %gather3A_689 = tpu.vector_load_idx %arg13[%add3A_50, %broadcast_in_dim3A_687] : memref<80x128xf32, #tpu.memory_space<vmem>>[vector<16xi32>, vector<16xi32>], vector<16xf32>,
        %mul3A_690 = arith.mulf %gather3A_688, %gather3A_689 : vector<16xf32>
        %add3A_691 = arith.addf %add3A_685, %mul3A_690 : vector<16xf32>
        %broadcast_in_dim3A_692 = arith.constant 103 : i32
        %broadcast_in_dim3A_693 = vector.broadcast %broadcast_in_dim3A_692 : i32 to vector<16xi32>
        %gather3A_694 = tpu.vector_load_idx %arg12[%add3A_50, %broadcast_in_dim3A_693] : memref<80x128xf32, #tpu.memory_space<vmem>>[vector<16xi32>, vector<16xi32>], vector<16xf32>,
        %gather3A_695 = tpu.vector_load_idx %arg13[%add3A_50, %broadcast_in_dim3A_693] : memref<80x128xf32, #tpu.memory_space<vmem>>[vector<16xi32>, vector<16xi32>], vector<16xf32>,
        %mul3A_696 = arith.mulf %gather3A_694, %gather3A_695 : vector<16xf32>
        %add3A_697 = arith.addf %add3A_691, %mul3A_696 : vector<16xf32>
        %broadcast_in_dim3A_698 = arith.constant 104 : i32
        %broadcast_in_dim3A_699 = vector.broadcast %broadcast_in_dim3A_698 : i32 to vector<16xi32>
        %gather3A_700 = tpu.vector_load_idx %arg12[%add3A_50, %broadcast_in_dim3A_699] : memref<80x128xf32, #tpu.memory_space<vmem>>[vector<16xi32>, vector<16xi32>], vector<16xf32>,
        %gather3A_701 = tpu.vector_load_idx %arg13[%add3A_50, %broadcast_in_dim3A_699] : memref<80x128xf32, #tpu.memory_space<vmem>>[vector<16xi32>, vector<16xi32>], vector<16xf32>,
        %mul3A_702 = arith.mulf %gather3A_700, %gather3A_701 : vector<16xf32>
        %add3A_703 = arith.addf %add3A_697, %mul3A_702 : vector<16xf32>
        %broadcast_in_dim3A_704 = arith.constant 105 : i32
        %broadcast_in_dim3A_705 = vector.broadcast %broadcast_in_dim3A_704 : i32 to vector<16xi32>
        %gather3A_706 = tpu.vector_load_idx %arg12[%add3A_50, %broadcast_in_dim3A_705] : memref<80x128xf32, #tpu.memory_space<vmem>>[vector<16xi32>, vector<16xi32>], vector<16xf32>,
        %gather3A_707 = tpu.vector_load_idx %arg13[%add3A_50, %broadcast_in_dim3A_705] : memref<80x128xf32, #tpu.memory_space<vmem>>[vector<16xi32>, vector<16xi32>], vector<16xf32>,
        %mul3A_708 = arith.mulf %gather3A_706, %gather3A_707 : vector<16xf32>
        %add3A_709 = arith.addf %add3A_703, %mul3A_708 : vector<16xf32>
        %broadcast_in_dim3A_710 = arith.constant 106 : i32
        %broadcast_in_dim3A_711 = vector.broadcast %broadcast_in_dim3A_710 : i32 to vector<16xi32>
        %gather3A_712 = tpu.vector_load_idx %arg12[%add3A_50, %broadcast_in_dim3A_711] : memref<80x128xf32, #tpu.memory_space<vmem>>[vector<16xi32>, vector<16xi32>], vector<16xf32>,
        %gather3A_713 = tpu.vector_load_idx %arg13[%add3A_50, %broadcast_in_dim3A_711] : memref<80x128xf32, #tpu.memory_space<vmem>>[vector<16xi32>, vector<16xi32>], vector<16xf32>,
        %mul3A_714 = arith.mulf %gather3A_712, %gather3A_713 : vector<16xf32>
        %add3A_715 = arith.addf %add3A_709, %mul3A_714 : vector<16xf32>
        %broadcast_in_dim3A_716 = arith.constant 107 : i32
        %broadcast_in_dim3A_717 = vector.broadcast %broadcast_in_dim3A_716 : i32 to vector<16xi32>
        %gather3A_718 = tpu.vector_load_idx %arg12[%add3A_50, %broadcast_in_dim3A_717] : memref<80x128xf32, #tpu.memory_space<vmem>>[vector<16xi32>, vector<16xi32>], vector<16xf32>,
        %gather3A_719 = tpu.vector_load_idx %arg13[%add3A_50, %broadcast_in_dim3A_717] : memref<80x128xf32, #tpu.memory_space<vmem>>[vector<16xi32>, vector<16xi32>], vector<16xf32>,
        %mul3A_720 = arith.mulf %gather3A_718, %gather3A_719 : vector<16xf32>
        %add3A_721 = arith.addf %add3A_715, %mul3A_720 : vector<16xf32>
        %broadcast_in_dim3A_722 = arith.constant 108 : i32
        %broadcast_in_dim3A_723 = vector.broadcast %broadcast_in_dim3A_722 : i32 to vector<16xi32>
        %gather3A_724 = tpu.vector_load_idx %arg12[%add3A_50, %broadcast_in_dim3A_723] : memref<80x128xf32, #tpu.memory_space<vmem>>[vector<16xi32>, vector<16xi32>], vector<16xf32>,
        %gather3A_725 = tpu.vector_load_idx %arg13[%add3A_50, %broadcast_in_dim3A_723] : memref<80x128xf32, #tpu.memory_space<vmem>>[vector<16xi32>, vector<16xi32>], vector<16xf32>,
        %mul3A_726 = arith.mulf %gather3A_724, %gather3A_725 : vector<16xf32>
        %add3A_727 = arith.addf %add3A_721, %mul3A_726 : vector<16xf32>
        %broadcast_in_dim3A_728 = arith.constant 109 : i32
        %broadcast_in_dim3A_729 = vector.broadcast %broadcast_in_dim3A_728 : i32 to vector<16xi32>
        %gather3A_730 = tpu.vector_load_idx %arg12[%add3A_50, %broadcast_in_dim3A_729] : memref<80x128xf32, #tpu.memory_space<vmem>>[vector<16xi32>, vector<16xi32>], vector<16xf32>,
        %gather3A_731 = tpu.vector_load_idx %arg13[%add3A_50, %broadcast_in_dim3A_729] : memref<80x128xf32, #tpu.memory_space<vmem>>[vector<16xi32>, vector<16xi32>], vector<16xf32>,
        %mul3A_732 = arith.mulf %gather3A_730, %gather3A_731 : vector<16xf32>
        %add3A_733 = arith.addf %add3A_727, %mul3A_732 : vector<16xf32>
        %broadcast_in_dim3A_734 = arith.constant 110 : i32
        %broadcast_in_dim3A_735 = vector.broadcast %broadcast_in_dim3A_734 : i32 to vector<16xi32>
        %gather3A_736 = tpu.vector_load_idx %arg12[%add3A_50, %broadcast_in_dim3A_735] : memref<80x128xf32, #tpu.memory_space<vmem>>[vector<16xi32>, vector<16xi32>], vector<16xf32>,
        %gather3A_737 = tpu.vector_load_idx %arg13[%add3A_50, %broadcast_in_dim3A_735] : memref<80x128xf32, #tpu.memory_space<vmem>>[vector<16xi32>, vector<16xi32>], vector<16xf32>,
        %mul3A_738 = arith.mulf %gather3A_736, %gather3A_737 : vector<16xf32>
        %add3A_739 = arith.addf %add3A_733, %mul3A_738 : vector<16xf32>
        %broadcast_in_dim3A_740 = arith.constant 111 : i32
        %broadcast_in_dim3A_741 = vector.broadcast %broadcast_in_dim3A_740 : i32 to vector<16xi32>
        %gather3A_742 = tpu.vector_load_idx %arg12[%add3A_50, %broadcast_in_dim3A_741] : memref<80x128xf32, #tpu.memory_space<vmem>>[vector<16xi32>, vector<16xi32>], vector<16xf32>,
        %gather3A_743 = tpu.vector_load_idx %arg13[%add3A_50, %broadcast_in_dim3A_741] : memref<80x128xf32, #tpu.memory_space<vmem>>[vector<16xi32>, vector<16xi32>], vector<16xf32>,
        %mul3A_744 = arith.mulf %gather3A_742, %gather3A_743 : vector<16xf32>
        %add3A_745 = arith.addf %add3A_739, %mul3A_744 : vector<16xf32>
        %broadcast_in_dim3A_746 = arith.constant 112 : i32
        %broadcast_in_dim3A_747 = vector.broadcast %broadcast_in_dim3A_746 : i32 to vector<16xi32>
        %gather3A_748 = tpu.vector_load_idx %arg12[%add3A_50, %broadcast_in_dim3A_747] : memref<80x128xf32, #tpu.memory_space<vmem>>[vector<16xi32>, vector<16xi32>], vector<16xf32>,
        %gather3A_749 = tpu.vector_load_idx %arg13[%add3A_50, %broadcast_in_dim3A_747] : memref<80x128xf32, #tpu.memory_space<vmem>>[vector<16xi32>, vector<16xi32>], vector<16xf32>,
        %mul3A_750 = arith.mulf %gather3A_748, %gather3A_749 : vector<16xf32>
        %add3A_751 = arith.addf %add3A_745, %mul3A_750 : vector<16xf32>
        %broadcast_in_dim3A_752 = arith.constant 113 : i32
        %broadcast_in_dim3A_753 = vector.broadcast %broadcast_in_dim3A_752 : i32 to vector<16xi32>
        %gather3A_754 = tpu.vector_load_idx %arg12[%add3A_50, %broadcast_in_dim3A_753] : memref<80x128xf32, #tpu.memory_space<vmem>>[vector<16xi32>, vector<16xi32>], vector<16xf32>,
        %gather3A_755 = tpu.vector_load_idx %arg13[%add3A_50, %broadcast_in_dim3A_753] : memref<80x128xf32, #tpu.memory_space<vmem>>[vector<16xi32>, vector<16xi32>], vector<16xf32>,
        %mul3A_756 = arith.mulf %gather3A_754, %gather3A_755 : vector<16xf32>
        %add3A_757 = arith.addf %add3A_751, %mul3A_756 : vector<16xf32>
        %broadcast_in_dim3A_758 = arith.constant 114 : i32
        %broadcast_in_dim3A_759 = vector.broadcast %broadcast_in_dim3A_758 : i32 to vector<16xi32>
        %gather3A_760 = tpu.vector_load_idx %arg12[%add3A_50, %broadcast_in_dim3A_759] : memref<80x128xf32, #tpu.memory_space<vmem>>[vector<16xi32>, vector<16xi32>], vector<16xf32>,
        %gather3A_761 = tpu.vector_load_idx %arg13[%add3A_50, %broadcast_in_dim3A_759] : memref<80x128xf32, #tpu.memory_space<vmem>>[vector<16xi32>, vector<16xi32>], vector<16xf32>,
        %mul3A_762 = arith.mulf %gather3A_760, %gather3A_761 : vector<16xf32>
        %add3A_763 = arith.addf %add3A_757, %mul3A_762 : vector<16xf32>
        %broadcast_in_dim3A_764 = arith.constant 115 : i32
        %broadcast_in_dim3A_765 = vector.broadcast %broadcast_in_dim3A_764 : i32 to vector<16xi32>
        %gather3A_766 = tpu.vector_load_idx %arg12[%add3A_50, %broadcast_in_dim3A_765] : memref<80x128xf32, #tpu.memory_space<vmem>>[vector<16xi32>, vector<16xi32>], vector<16xf32>,
        %gather3A_767 = tpu.vector_load_idx %arg13[%add3A_50, %broadcast_in_dim3A_765] : memref<80x128xf32, #tpu.memory_space<vmem>>[vector<16xi32>, vector<16xi32>], vector<16xf32>,
        %mul3A_768 = arith.mulf %gather3A_766, %gather3A_767 : vector<16xf32>
        %add3A_769 = arith.addf %add3A_763, %mul3A_768 : vector<16xf32>
        %broadcast_in_dim3A_770 = arith.constant 116 : i32
        %broadcast_in_dim3A_771 = vector.broadcast %broadcast_in_dim3A_770 : i32 to vector<16xi32>
        %gather3A_772 = tpu.vector_load_idx %arg12[%add3A_50, %broadcast_in_dim3A_771] : memref<80x128xf32, #tpu.memory_space<vmem>>[vector<16xi32>, vector<16xi32>], vector<16xf32>,
        %gather3A_773 = tpu.vector_load_idx %arg13[%add3A_50, %broadcast_in_dim3A_771] : memref<80x128xf32, #tpu.memory_space<vmem>>[vector<16xi32>, vector<16xi32>], vector<16xf32>,
        %mul3A_774 = arith.mulf %gather3A_772, %gather3A_773 : vector<16xf32>
        %add3A_775 = arith.addf %add3A_769, %mul3A_774 : vector<16xf32>
        %broadcast_in_dim3A_776 = arith.constant 117 : i32
        %broadcast_in_dim3A_777 = vector.broadcast %broadcast_in_dim3A_776 : i32 to vector<16xi32>
        %gather3A_778 = tpu.vector_load_idx %arg12[%add3A_50, %broadcast_in_dim3A_777] : memref<80x128xf32, #tpu.memory_space<vmem>>[vector<16xi32>, vector<16xi32>], vector<16xf32>,
        %gather3A_779 = tpu.vector_load_idx %arg13[%add3A_50, %broadcast_in_dim3A_777] : memref<80x128xf32, #tpu.memory_space<vmem>>[vector<16xi32>, vector<16xi32>], vector<16xf32>,
        %mul3A_780 = arith.mulf %gather3A_778, %gather3A_779 : vector<16xf32>
        %add3A_781 = arith.addf %add3A_775, %mul3A_780 : vector<16xf32>
        %broadcast_in_dim3A_782 = arith.constant 118 : i32
        %broadcast_in_dim3A_783 = vector.broadcast %broadcast_in_dim3A_782 : i32 to vector<16xi32>
        %gather3A_784 = tpu.vector_load_idx %arg12[%add3A_50, %broadcast_in_dim3A_783] : memref<80x128xf32, #tpu.memory_space<vmem>>[vector<16xi32>, vector<16xi32>], vector<16xf32>,
        %gather3A_785 = tpu.vector_load_idx %arg13[%add3A_50, %broadcast_in_dim3A_783] : memref<80x128xf32, #tpu.memory_space<vmem>>[vector<16xi32>, vector<16xi32>], vector<16xf32>,
        %mul3A_786 = arith.mulf %gather3A_784, %gather3A_785 : vector<16xf32>
        %add3A_787 = arith.addf %add3A_781, %mul3A_786 : vector<16xf32>
        %broadcast_in_dim3A_788 = arith.constant 119 : i32
        %broadcast_in_dim3A_789 = vector.broadcast %broadcast_in_dim3A_788 : i32 to vector<16xi32>
        %gather3A_790 = tpu.vector_load_idx %arg12[%add3A_50, %broadcast_in_dim3A_789] : memref<80x128xf32, #tpu.memory_space<vmem>>[vector<16xi32>, vector<16xi32>], vector<16xf32>,
        %gather3A_791 = tpu.vector_load_idx %arg13[%add3A_50, %broadcast_in_dim3A_789] : memref<80x128xf32, #tpu.memory_space<vmem>>[vector<16xi32>, vector<16xi32>], vector<16xf32>,
        %mul3A_792 = arith.mulf %gather3A_790, %gather3A_791 : vector<16xf32>
        %add3A_793 = arith.addf %add3A_787, %mul3A_792 : vector<16xf32>
        %broadcast_in_dim3A_794 = arith.constant 120 : i32
        %broadcast_in_dim3A_795 = vector.broadcast %broadcast_in_dim3A_794 : i32 to vector<16xi32>
        %gather3A_796 = tpu.vector_load_idx %arg12[%add3A_50, %broadcast_in_dim3A_795] : memref<80x128xf32, #tpu.memory_space<vmem>>[vector<16xi32>, vector<16xi32>], vector<16xf32>,
        %gather3A_797 = tpu.vector_load_idx %arg13[%add3A_50, %broadcast_in_dim3A_795] : memref<80x128xf32, #tpu.memory_space<vmem>>[vector<16xi32>, vector<16xi32>], vector<16xf32>,
        %mul3A_798 = arith.mulf %gather3A_796, %gather3A_797 : vector<16xf32>
        %add3A_799 = arith.addf %add3A_793, %mul3A_798 : vector<16xf32>
        %broadcast_in_dim3A_800 = arith.constant 121 : i32
        %broadcast_in_dim3A_801 = vector.broadcast %broadcast_in_dim3A_800 : i32 to vector<16xi32>
        %gather3A_802 = tpu.vector_load_idx %arg12[%add3A_50, %broadcast_in_dim3A_801] : memref<80x128xf32, #tpu.memory_space<vmem>>[vector<16xi32>, vector<16xi32>], vector<16xf32>,
        %gather3A_803 = tpu.vector_load_idx %arg13[%add3A_50, %broadcast_in_dim3A_801] : memref<80x128xf32, #tpu.memory_space<vmem>>[vector<16xi32>, vector<16xi32>], vector<16xf32>,
        %mul3A_804 = arith.mulf %gather3A_802, %gather3A_803 : vector<16xf32>
        %add3A_805 = arith.addf %add3A_799, %mul3A_804 : vector<16xf32>
        %broadcast_in_dim3A_806 = arith.constant 122 : i32
        %broadcast_in_dim3A_807 = vector.broadcast %broadcast_in_dim3A_806 : i32 to vector<16xi32>
        %gather3A_808 = tpu.vector_load_idx %arg12[%add3A_50, %broadcast_in_dim3A_807] : memref<80x128xf32, #tpu.memory_space<vmem>>[vector<16xi32>, vector<16xi32>], vector<16xf32>,
        %gather3A_809 = tpu.vector_load_idx %arg13[%add3A_50, %broadcast_in_dim3A_807] : memref<80x128xf32, #tpu.memory_space<vmem>>[vector<16xi32>, vector<16xi32>], vector<16xf32>,
        %mul3A_810 = arith.mulf %gather3A_808, %gather3A_809 : vector<16xf32>
        %add3A_811 = arith.addf %add3A_805, %mul3A_810 : vector<16xf32>
        %broadcast_in_dim3A_812 = arith.constant 123 : i32
        %broadcast_in_dim3A_813 = vector.broadcast %broadcast_in_dim3A_812 : i32 to vector<16xi32>
        %gather3A_814 = tpu.vector_load_idx %arg12[%add3A_50, %broadcast_in_dim3A_813] : memref<80x128xf32, #tpu.memory_space<vmem>>[vector<16xi32>, vector<16xi32>], vector<16xf32>,
        %gather3A_815 = tpu.vector_load_idx %arg13[%add3A_50, %broadcast_in_dim3A_813] : memref<80x128xf32, #tpu.memory_space<vmem>>[vector<16xi32>, vector<16xi32>], vector<16xf32>,
        %mul3A_816 = arith.mulf %gather3A_814, %gather3A_815 : vector<16xf32>
        %add3A_817 = arith.addf %add3A_811, %mul3A_816 : vector<16xf32>
        %broadcast_in_dim3A_818 = arith.constant 124 : i32
        %broadcast_in_dim3A_819 = vector.broadcast %broadcast_in_dim3A_818 : i32 to vector<16xi32>
        %gather3A_820 = tpu.vector_load_idx %arg12[%add3A_50, %broadcast_in_dim3A_819] : memref<80x128xf32, #tpu.memory_space<vmem>>[vector<16xi32>, vector<16xi32>], vector<16xf32>,
        %gather3A_821 = tpu.vector_load_idx %arg13[%add3A_50, %broadcast_in_dim3A_819] : memref<80x128xf32, #tpu.memory_space<vmem>>[vector<16xi32>, vector<16xi32>], vector<16xf32>,
        %mul3A_822 = arith.mulf %gather3A_820, %gather3A_821 : vector<16xf32>
        %add3A_823 = arith.addf %add3A_817, %mul3A_822 : vector<16xf32>
        %broadcast_in_dim3A_824 = arith.constant 125 : i32
        %broadcast_in_dim3A_825 = vector.broadcast %broadcast_in_dim3A_824 : i32 to vector<16xi32>
        %gather3A_826 = tpu.vector_load_idx %arg12[%add3A_50, %broadcast_in_dim3A_825] : memref<80x128xf32, #tpu.memory_space<vmem>>[vector<16xi32>, vector<16xi32>], vector<16xf32>,
        %gather3A_827 = tpu.vector_load_idx %arg13[%add3A_50, %broadcast_in_dim3A_825] : memref<80x128xf32, #tpu.memory_space<vmem>>[vector<16xi32>, vector<16xi32>], vector<16xf32>,
        %mul3A_828 = arith.mulf %gather3A_826, %gather3A_827 : vector<16xf32>
        %add3A_829 = arith.addf %add3A_823, %mul3A_828 : vector<16xf32>
        %broadcast_in_dim3A_830 = arith.constant 126 : i32
        %broadcast_in_dim3A_831 = vector.broadcast %broadcast_in_dim3A_830 : i32 to vector<16xi32>
        %gather3A_832 = tpu.vector_load_idx %arg12[%add3A_50, %broadcast_in_dim3A_831] : memref<80x128xf32, #tpu.memory_space<vmem>>[vector<16xi32>, vector<16xi32>], vector<16xf32>,
        %gather3A_833 = tpu.vector_load_idx %arg13[%add3A_50, %broadcast_in_dim3A_831] : memref<80x128xf32, #tpu.memory_space<vmem>>[vector<16xi32>, vector<16xi32>], vector<16xf32>,
        %mul3A_834 = arith.mulf %gather3A_832, %gather3A_833 : vector<16xf32>
        %add3A_835 = arith.addf %add3A_829, %mul3A_834 : vector<16xf32>
        %broadcast_in_dim3A_836 = arith.constant 127 : i32
        %broadcast_in_dim3A_837 = vector.broadcast %broadcast_in_dim3A_836 : i32 to vector<16xi32>
        %gather3A_838 = tpu.vector_load_idx %arg12[%add3A_50, %broadcast_in_dim3A_837] : memref<80x128xf32, #tpu.memory_space<vmem>>[vector<16xi32>, vector<16xi32>], vector<16xf32>,
        %gather3A_839 = tpu.vector_load_idx %arg13[%add3A_50, %broadcast_in_dim3A_837] : memref<80x128xf32, #tpu.memory_space<vmem>>[vector<16xi32>, vector<16xi32>], vector<16xf32>,
        %mul3A_840 = arith.mulf %gather3A_838, %gather3A_839 : vector<16xf32>
        %add3A_841 = arith.addf %add3A_835, %mul3A_840 : vector<16xf32>
        %mul3A_842 = arith.constant 16 : i32
        %mul3A_843 = arith.muli %scan3A_46, %mul3A_842 : i32
        %add3A_844 = arith.constant 240 : i32
        %add3A_845 = arith.addi %add3A_844, %mul3A_843 : i32
        %swap3A_846 = arith.index_cast %add3A_845 : i32 to index
        %swap3A_847 = tpu.vector_load %arg14[%swap3A_846] {strides = array<i32>} : memref<320xf32, #tpu.memory_space<vmem>>, vector<16xf32>,
        tpu.vector_store %arg14[%swap3A_846], %add3A_841 {strides = array<i32>} : memref<320xf32, #tpu.memory_space<vmem>>, vector<16xf32>,
      }
      %scan3A_43 = arith.constant 5 : i32
      %mul3A_44 = arith.constant 4 : i32
      %mul3A_45 = arith.muli %add3A_19, %mul3A_44 : i32
      "tpu.region"() ({
        %run_scoped3A = tpu.sem_alloc : memref<!tpu.dma_semaphore, #tpu.memory_space<semaphore_mem>>
        %dma_start3A_46 = tpu.memref_slice %arg8[%mul3A_45] : memref<1280000xf32, #tpu.memory_space<hbm>> -> memref<320xf32, #tpu.memory_space<hbm>>
        %dma_start3A_47 = tpu.memref_slice %arg8[%mul3A_45] : memref<1280000xf32, #tpu.memory_space<hbm>> -> memref<320xf32, #tpu.memory_space<hbm>>
        tpu.enqueue_dma source(%arg14 : memref<320xf32, #tpu.memory_space<vmem>>) target(%dma_start3A_47 : memref<320xf32, #tpu.memory_space<hbm>>) target_semaphore(%run_scoped3A : memref<!tpu.dma_semaphore, #tpu.memory_space<semaphore_mem>>)
        %dma_wait3A_48 = tpu.memref_slice %arg8[%mul3A_45] : memref<1280000xf32, #tpu.memory_space<hbm>> -> memref<320xf32, #tpu.memory_space<hbm>>
        %dma_wait3A_49 = tpu.memref_slice %arg8[%mul3A_45] : memref<1280000xf32, #tpu.memory_space<hbm>> -> memref<320xf32, #tpu.memory_space<hbm>>
        tpu.wait_dma2 semaphore(%run_scoped3A : memref<!tpu.dma_semaphore, #tpu.memory_space<semaphore_mem>>) src(%arg14 : memref<320xf32, #tpu.memory_space<vmem>>) dst(%dma_wait3A_49 : memref<320xf32, #tpu.memory_space<hbm>>)
        tpu.yield
      }) : () -> ()
      "tpu.region"() ({
        %run_scoped3A = tpu.sem_alloc : memref<!tpu.dma_semaphore, #tpu.memory_space<semaphore_mem>>
        %dma_start3A_46 = arith.constant 0 : i32
        %dma_start3A_47 = tpu.memref_slice %arg14[%dma_start3A_46] : memref<320xf32, #tpu.memory_space<vmem>> -> memref<80xf32, #tpu.memory_space<vmem>>
        %dma_start3A_48 = arith.constant 0 : i32
        %dma_start3A_49 = tpu.memref_slice %arg20[%dma_start3A_48] : memref<40000xf32, #tpu.memory_space<vmem_shared>> -> memref<40000xf32, #tpu.memory_space<vmem_shared>>
        tpu.enqueue_indirect_dma source(%dma_start3A_47 : memref<80xf32, #tpu.memory_space<vmem>>) target(%dma_start3A_49 : memref<40000xf32, #tpu.memory_space<vmem_shared>>) offsets(%arg15 : memref<80xi32, #tpu.memory_space<vmem>>) semaphore(%run_scoped3A : memref<!tpu.dma_semaphore, #tpu.memory_space<semaphore_mem>>) {add = true}
        %dma_wait3A_50 = arith.constant 0 : i32
        %dma_wait3A_51 = tpu.memref_slice %arg14[%dma_wait3A_50] : memref<320xf32, #tpu.memory_space<vmem>> -> memref<80xf32, #tpu.memory_space<vmem>>
        %dma_wait3A_52 = arith.constant 0 : i32
        %dma_wait3A_53 = tpu.memref_slice %arg20[%dma_wait3A_52] : memref<40000xf32, #tpu.memory_space<vmem_shared>> -> memref<40000xf32, #tpu.memory_space<vmem_shared>>
        tpu.wait_indirect_dma semaphore(%run_scoped3A : memref<!tpu.dma_semaphore, #tpu.memory_space<semaphore_mem>>) src(%dma_wait3A_51 : memref<80xf32, #tpu.memory_space<vmem>>) dst(%dma_wait3A_53 : memref<40000xf32, #tpu.memory_space<vmem_shared>>)
        tpu.yield
      }) : () -> ()
      "tpu.region"() ({
        %run_scoped3A = tpu.sem_alloc : memref<!tpu.dma_semaphore, #tpu.memory_space<semaphore_mem>>
        %dma_start3A_46 = arith.constant 80 : i32
        %dma_start3A_47 = tpu.memref_slice %arg14[%dma_start3A_46] : memref<320xf32, #tpu.memory_space<vmem>> -> memref<80xf32, #tpu.memory_space<vmem>>
        %dma_start3A_48 = arith.constant 0 : i32
        %dma_start3A_49 = tpu.memref_slice %arg20[%dma_start3A_48] : memref<40000xf32, #tpu.memory_space<vmem_shared>> -> memref<40000xf32, #tpu.memory_space<vmem_shared>>
        tpu.enqueue_indirect_dma source(%dma_start3A_47 : memref<80xf32, #tpu.memory_space<vmem>>) target(%dma_start3A_49 : memref<40000xf32, #tpu.memory_space<vmem_shared>>) offsets(%arg16 : memref<80xi32, #tpu.memory_space<vmem>>) semaphore(%run_scoped3A : memref<!tpu.dma_semaphore, #tpu.memory_space<semaphore_mem>>) {add = true}
        %dma_wait3A_50 = arith.constant 80 : i32
        %dma_wait3A_51 = tpu.memref_slice %arg14[%dma_wait3A_50] : memref<320xf32, #tpu.memory_space<vmem>> -> memref<80xf32, #tpu.memory_space<vmem>>
        %dma_wait3A_52 = arith.constant 0 : i32
        %dma_wait3A_53 = tpu.memref_slice %arg20[%dma_wait3A_52] : memref<40000xf32, #tpu.memory_space<vmem_shared>> -> memref<40000xf32, #tpu.memory_space<vmem_shared>>
        tpu.wait_indirect_dma semaphore(%run_scoped3A : memref<!tpu.dma_semaphore, #tpu.memory_space<semaphore_mem>>) src(%dma_wait3A_51 : memref<80xf32, #tpu.memory_space<vmem>>) dst(%dma_wait3A_53 : memref<40000xf32, #tpu.memory_space<vmem_shared>>)
        tpu.yield
      }) : () -> ()
      "tpu.region"() ({
        %run_scoped3A = tpu.sem_alloc : memref<!tpu.dma_semaphore, #tpu.memory_space<semaphore_mem>>
        %dma_start3A_46 = arith.constant 160 : i32
        %dma_start3A_47 = tpu.memref_slice %arg14[%dma_start3A_46] : memref<320xf32, #tpu.memory_space<vmem>> -> memref<80xf32, #tpu.memory_space<vmem>>
        %dma_start3A_48 = arith.constant 0 : i32
        %dma_start3A_49 = tpu.memref_slice %arg20[%dma_start3A_48] : memref<40000xf32, #tpu.memory_space<vmem_shared>> -> memref<40000xf32, #tpu.memory_space<vmem_shared>>
        tpu.enqueue_indirect_dma source(%dma_start3A_47 : memref<80xf32, #tpu.memory_space<vmem>>) target(%dma_start3A_49 : memref<40000xf32, #tpu.memory_space<vmem_shared>>) offsets(%arg17 : memref<80xi32, #tpu.memory_space<vmem>>) semaphore(%run_scoped3A : memref<!tpu.dma_semaphore, #tpu.memory_space<semaphore_mem>>) {add = true}
        %dma_wait3A_50 = arith.constant 160 : i32
        %dma_wait3A_51 = tpu.memref_slice %arg14[%dma_wait3A_50] : memref<320xf32, #tpu.memory_space<vmem>> -> memref<80xf32, #tpu.memory_space<vmem>>
        %dma_wait3A_52 = arith.constant 0 : i32
        %dma_wait3A_53 = tpu.memref_slice %arg20[%dma_wait3A_52] : memref<40000xf32, #tpu.memory_space<vmem_shared>> -> memref<40000xf32, #tpu.memory_space<vmem_shared>>
        tpu.wait_indirect_dma semaphore(%run_scoped3A : memref<!tpu.dma_semaphore, #tpu.memory_space<semaphore_mem>>) src(%dma_wait3A_51 : memref<80xf32, #tpu.memory_space<vmem>>) dst(%dma_wait3A_53 : memref<40000xf32, #tpu.memory_space<vmem_shared>>)
        tpu.yield
      }) : () -> ()
      "tpu.region"() ({
        %run_scoped3A = tpu.sem_alloc : memref<!tpu.dma_semaphore, #tpu.memory_space<semaphore_mem>>
        %dma_start3A_46 = arith.constant 240 : i32
        %dma_start3A_47 = tpu.memref_slice %arg14[%dma_start3A_46] : memref<320xf32, #tpu.memory_space<vmem>> -> memref<80xf32, #tpu.memory_space<vmem>>
        %dma_start3A_48 = arith.constant 0 : i32
        %dma_start3A_49 = tpu.memref_slice %arg20[%dma_start3A_48] : memref<40000xf32, #tpu.memory_space<vmem_shared>> -> memref<40000xf32, #tpu.memory_space<vmem_shared>>
        tpu.enqueue_indirect_dma source(%dma_start3A_47 : memref<80xf32, #tpu.memory_space<vmem>>) target(%dma_start3A_49 : memref<40000xf32, #tpu.memory_space<vmem_shared>>) offsets(%arg18 : memref<80xi32, #tpu.memory_space<vmem>>) semaphore(%run_scoped3A : memref<!tpu.dma_semaphore, #tpu.memory_space<semaphore_mem>>) {add = true}
        %dma_wait3A_50 = arith.constant 240 : i32
        %dma_wait3A_51 = tpu.memref_slice %arg14[%dma_wait3A_50] : memref<320xf32, #tpu.memory_space<vmem>> -> memref<80xf32, #tpu.memory_space<vmem>>
        %dma_wait3A_52 = arith.constant 0 : i32
        %dma_wait3A_53 = tpu.memref_slice %arg20[%dma_wait3A_52] : memref<40000xf32, #tpu.memory_space<vmem_shared>> -> memref<40000xf32, #tpu.memory_space<vmem_shared>>
        tpu.wait_indirect_dma semaphore(%run_scoped3A : memref<!tpu.dma_semaphore, #tpu.memory_space<semaphore_mem>>) src(%dma_wait3A_51 : memref<80xf32, #tpu.memory_space<vmem>>) dst(%dma_wait3A_53 : memref<40000xf32, #tpu.memory_space<vmem_shared>>)
        tpu.yield
      }) : () -> ()
    }
    %scan3A_9 = arith.constant 125 : i32
    %barrier3A_10 = arith.constant 0 : index
    tpu.barrier barrier_id(%barrier3A_10)
    %eq3A_11 = arith.constant 0 : i32
    %eq3A_12 = arith.cmpi eq, %arg1, %eq3A_11 : i32
    %convert_element_type3A_13 = arith.extui %eq3A_12 : i1 to i32
    %cond3A_14 = arith.constant 0 : i32
    %cond3A_15 = arith.cmpi ne, %convert_element_type3A_13, %cond3A_14 : i32
    scf.if %cond3A_15 {
      "tpu.region"() ({
        %run_scoped3A = tpu.sem_alloc : memref<!tpu.dma_semaphore, #tpu.memory_space<semaphore_mem>>
        tpu.enqueue_dma source(%arg20 : memref<40000xf32, #tpu.memory_space<vmem_shared>>) target(%arg19 : memref<40000xf32, #tpu.memory_space<vmem>>) target_semaphore(%run_scoped3A : memref<!tpu.dma_semaphore, #tpu.memory_space<semaphore_mem>>)
        tpu.wait_dma2 semaphore(%run_scoped3A : memref<!tpu.dma_semaphore, #tpu.memory_space<semaphore_mem>>) src(%arg20 : memref<40000xf32, #tpu.memory_space<vmem_shared>>) dst(%arg19 : memref<40000xf32, #tpu.memory_space<vmem>>)
        tpu.yield
      }) : () -> ()
      %mul3A_16 = arith.constant 10000 : i32
      %mul3A_17 = arith.muli %arg0, %mul3A_16 : i32
      %mul3A_18 = arith.constant 4 : i32
      %mul3A_19 = arith.muli %mul3A_17, %mul3A_18 : i32
      "tpu.region"() ({
        %run_scoped3A = tpu.sem_alloc : memref<!tpu.dma_semaphore, #tpu.memory_space<semaphore_mem>>
        %dma_start3A = tpu.memref_slice %arg9[%mul3A_19] : memref<80000xf32, #tpu.memory_space<hbm>> -> memref<40000xf32, #tpu.memory_space<hbm>>
        %dma_start3A_20 = tpu.memref_slice %arg9[%mul3A_19] : memref<80000xf32, #tpu.memory_space<hbm>> -> memref<40000xf32, #tpu.memory_space<hbm>>
        tpu.enqueue_dma source(%arg19 : memref<40000xf32, #tpu.memory_space<vmem>>) target(%dma_start3A_20 : memref<40000xf32, #tpu.memory_space<hbm>>) target_semaphore(%run_scoped3A : memref<!tpu.dma_semaphore, #tpu.memory_space<semaphore_mem>>)
        %dma_wait3A = tpu.memref_slice %arg9[%mul3A_19] : memref<80000xf32, #tpu.memory_space<hbm>> -> memref<40000xf32, #tpu.memory_space<hbm>>
        %dma_wait3A_21 = tpu.memref_slice %arg9[%mul3A_19] : memref<80000xf32, #tpu.memory_space<hbm>> -> memref<40000xf32, #tpu.memory_space<hbm>>
        tpu.wait_dma2 semaphore(%run_scoped3A : memref<!tpu.dma_semaphore, #tpu.memory_space<semaphore_mem>>) src(%arg19 : memref<40000xf32, #tpu.memory_space<vmem>>) dst(%dma_wait3A_21 : memref<40000xf32, #tpu.memory_space<hbm>>)
        tpu.yield
      }) : () -> ()
    } else {
    }
    return
  }
}

#map = affine_map<(d0, d1) -> (0)>
module attributes {stable_mosaic.version = 14 : i64} {
  func.func @_pass2_body(%arg0: i32, %arg1: i32, %arg2: memref<1280000xf32, #tpu.memory_space<hbm>>, %arg3: memref<320000xi32, #tpu.memory_space<hbm>>, %arg4: memref<1280000xi32, #tpu.memory_space<hbm>>, %arg5: memref<80000xf32, #tpu.memory_space<hbm>>, %arg6: memref<40000xf32, #tpu.memory_space<hbm>>, %arg7: memref<80000xf32, #tpu.memory_space<hbm>>, %arg8: memref<80xi32, #tpu.memory_space<vmem>>, %arg9: memref<320xf32, #tpu.memory_space<vmem>>, %arg10: memref<320xf32, #tpu.memory_space<vmem>>, %arg11: memref<80xi32, #tpu.memory_space<vmem>>, %arg12: memref<80xi32, #tpu.memory_space<vmem>>, %arg13: memref<80xi32, #tpu.memory_space<vmem>>, %arg14: memref<80xi32, #tpu.memory_space<vmem>>, %arg15: memref<40000xf32, #tpu.memory_space<vmem>>, %arg16: memref<40000xf32, #tpu.memory_space<vmem>>, %arg17: memref<40000xf32, #tpu.memory_space<vmem_shared>>) attributes {dimension_semantics = [#tpu.dimension_semantics<core_parallel>, #tpu.dimension_semantics<subcore_parallel>], iteration_bounds = array<i64: 2, 16>, scalar_prefetch = 0 : i64, scratch_operands = 10 : i64, tpu.core_type = #tpu.core_type<sc_vector_subcore>, window_params = [{transform_indices = #map}, {transform_indices = #map}, {transform_indices = #map}, {transform_indices = #map}, {transform_indices = #map}, {transform_indices = #map}]} {
    %mul3A = arith.constant 16 : i32
    %mul3A_0 = arith.muli %arg0, %mul3A : i32
    %add3A = arith.addi %mul3A_0, %arg1 : i32
    %eq3A = arith.constant 0 : i32
    %eq3A_1 = arith.cmpi eq, %arg1, %eq3A : i32
    %convert_element_type3A = arith.extui %eq3A_1 : i1 to i32
    %cond3A = arith.constant 0 : i32
    %cond3A_2 = arith.cmpi ne, %convert_element_type3A, %cond3A : i32
    scf.if %cond3A_2 {
      "tpu.region"() ({
        %run_scoped3A = tpu.sem_alloc : memref<!tpu.dma_semaphore, #tpu.memory_space<semaphore_mem>>
        tpu.enqueue_dma source(%arg6 : memref<40000xf32, #tpu.memory_space<hbm>>) target(%arg15 : memref<40000xf32, #tpu.memory_space<vmem>>) target_semaphore(%run_scoped3A : memref<!tpu.dma_semaphore, #tpu.memory_space<semaphore_mem>>)
        tpu.wait_dma2 semaphore(%run_scoped3A : memref<!tpu.dma_semaphore, #tpu.memory_space<semaphore_mem>>) src(%arg6 : memref<40000xf32, #tpu.memory_space<hbm>>) dst(%arg15 : memref<40000xf32, #tpu.memory_space<vmem>>)
        tpu.yield
      }) : () -> ()
      "tpu.region"() ({
        %run_scoped3A = tpu.sem_alloc : memref<!tpu.dma_semaphore, #tpu.memory_space<semaphore_mem>>
        tpu.enqueue_dma source(%arg15 : memref<40000xf32, #tpu.memory_space<vmem>>) target(%arg17 : memref<40000xf32, #tpu.memory_space<vmem_shared>>) target_semaphore(%run_scoped3A : memref<!tpu.dma_semaphore, #tpu.memory_space<semaphore_mem>>)
        tpu.wait_dma2 semaphore(%run_scoped3A : memref<!tpu.dma_semaphore, #tpu.memory_space<semaphore_mem>>) src(%arg15 : memref<40000xf32, #tpu.memory_space<vmem>>) dst(%arg17 : memref<40000xf32, #tpu.memory_space<vmem_shared>>)
        tpu.yield
      }) : () -> ()
    } else {
    }
    "tpu.region"() ({
      %run_scoped3A = tpu.sem_alloc : memref<!tpu.dma_semaphore, #tpu.memory_space<semaphore_mem>>
      %dma_start3A = arith.constant 0 : i32
      %dma_start3A_16 = tpu.memref_slice %arg5[%dma_start3A] : memref<80000xf32, #tpu.memory_space<hbm>> -> memref<40000xf32, #tpu.memory_space<hbm>>
      %dma_start3A_17 = arith.constant 0 : i32
      %dma_start3A_18 = tpu.memref_slice %arg5[%dma_start3A_17] : memref<80000xf32, #tpu.memory_space<hbm>> -> memref<40000xf32, #tpu.memory_space<hbm>>
      tpu.enqueue_dma source(%dma_start3A_18 : memref<40000xf32, #tpu.memory_space<hbm>>) target(%arg15 : memref<40000xf32, #tpu.memory_space<vmem>>) target_semaphore(%run_scoped3A : memref<!tpu.dma_semaphore, #tpu.memory_space<semaphore_mem>>)
      %dma_wait3A = arith.constant 0 : i32
      %dma_wait3A_19 = tpu.memref_slice %arg5[%dma_wait3A] : memref<80000xf32, #tpu.memory_space<hbm>> -> memref<40000xf32, #tpu.memory_space<hbm>>
      %dma_wait3A_20 = arith.constant 0 : i32
      %dma_wait3A_21 = tpu.memref_slice %arg5[%dma_wait3A_20] : memref<80000xf32, #tpu.memory_space<hbm>> -> memref<40000xf32, #tpu.memory_space<hbm>>
      tpu.wait_dma2 semaphore(%run_scoped3A : memref<!tpu.dma_semaphore, #tpu.memory_space<semaphore_mem>>) src(%dma_wait3A_21 : memref<40000xf32, #tpu.memory_space<hbm>>) dst(%arg15 : memref<40000xf32, #tpu.memory_space<vmem>>)
      tpu.yield
    }) : () -> ()
    "tpu.region"() ({
      %run_scoped3A = tpu.sem_alloc : memref<!tpu.dma_semaphore, #tpu.memory_space<semaphore_mem>>
      %dma_start3A = arith.constant 40000 : i32
      %dma_start3A_16 = tpu.memref_slice %arg5[%dma_start3A] : memref<80000xf32, #tpu.memory_space<hbm>> -> memref<40000xf32, #tpu.memory_space<hbm>>
      %dma_start3A_17 = arith.constant 40000 : i32
      %dma_start3A_18 = tpu.memref_slice %arg5[%dma_start3A_17] : memref<80000xf32, #tpu.memory_space<hbm>> -> memref<40000xf32, #tpu.memory_space<hbm>>
      tpu.enqueue_dma source(%dma_start3A_18 : memref<40000xf32, #tpu.memory_space<hbm>>) target(%arg16 : memref<40000xf32, #tpu.memory_space<vmem>>) target_semaphore(%run_scoped3A : memref<!tpu.dma_semaphore, #tpu.memory_space<semaphore_mem>>)
      %dma_wait3A = arith.constant 40000 : i32
      %dma_wait3A_19 = tpu.memref_slice %arg5[%dma_wait3A] : memref<80000xf32, #tpu.memory_space<hbm>> -> memref<40000xf32, #tpu.memory_space<hbm>>
      %dma_wait3A_20 = arith.constant 40000 : i32
      %dma_wait3A_21 = tpu.memref_slice %arg5[%dma_wait3A_20] : memref<80000xf32, #tpu.memory_space<hbm>> -> memref<40000xf32, #tpu.memory_space<hbm>>
      tpu.wait_dma2 semaphore(%run_scoped3A : memref<!tpu.dma_semaphore, #tpu.memory_space<semaphore_mem>>) src(%dma_wait3A_21 : memref<40000xf32, #tpu.memory_space<hbm>>) dst(%arg16 : memref<40000xf32, #tpu.memory_space<vmem>>)
      tpu.yield
    }) : () -> ()
    %barrier3A = arith.constant 0 : index
    tpu.barrier barrier_id(%barrier3A)
    %iota3A = tpu.iota {dimensions = array<i32: 0>} : vector<16xi32>
    %mul3A_3 = arith.constant 10000 : i32
    %mul3A_4 = arith.muli %add3A, %mul3A_3 : i32
    %scan3A = arith.constant 0 : i32
    %scan3A_5 = arith.constant 0 : i32
    %scan3A_6 = arith.constant 125 : i32
    %scan3A_7 = arith.addi %scan3A_5, %scan3A_6 : i32
    %scan3A_8 = arith.constant 1 : i32
    scf.for %scan3A_16 = %scan3A_5 to %scan3A_7 step %scan3A_8  : i32 {
      %mul3A_17 = arith.constant 80 : i32
      %mul3A_18 = arith.muli %scan3A_16, %mul3A_17 : i32
      %add3A_19 = arith.addi %mul3A_4, %mul3A_18 : i32
      "tpu.region"() ({
        %run_scoped3A = tpu.sem_alloc : memref<!tpu.dma_semaphore, #tpu.memory_space<semaphore_mem>>
        %dma_start3A = tpu.memref_slice %arg3[%add3A_19] : memref<320000xi32, #tpu.memory_space<hbm>> -> memref<80xi32, #tpu.memory_space<hbm>>
        %dma_start3A_36 = tpu.memref_slice %arg3[%add3A_19] : memref<320000xi32, #tpu.memory_space<hbm>> -> memref<80xi32, #tpu.memory_space<hbm>>
        tpu.enqueue_dma source(%dma_start3A_36 : memref<80xi32, #tpu.memory_space<hbm>>) target(%arg8 : memref<80xi32, #tpu.memory_space<vmem>>) target_semaphore(%run_scoped3A : memref<!tpu.dma_semaphore, #tpu.memory_space<semaphore_mem>>)
        %dma_wait3A = tpu.memref_slice %arg3[%add3A_19] : memref<320000xi32, #tpu.memory_space<hbm>> -> memref<80xi32, #tpu.memory_space<hbm>>
        %dma_wait3A_37 = tpu.memref_slice %arg3[%add3A_19] : memref<320000xi32, #tpu.memory_space<hbm>> -> memref<80xi32, #tpu.memory_space<hbm>>
        tpu.wait_dma2 semaphore(%run_scoped3A : memref<!tpu.dma_semaphore, #tpu.memory_space<semaphore_mem>>) src(%dma_wait3A_37 : memref<80xi32, #tpu.memory_space<hbm>>) dst(%arg8 : memref<80xi32, #tpu.memory_space<vmem>>)
        tpu.yield
      }) : () -> ()
      %add3A_20 = arith.constant 0 : i32
      %add3A_21 = arith.addi %add3A_20, %add3A_19 : i32
      "tpu.region"() ({
        %run_scoped3A = tpu.sem_alloc : memref<!tpu.dma_semaphore, #tpu.memory_space<semaphore_mem>>
        %dma_start3A = tpu.memref_slice %arg4[%add3A_21] : memref<1280000xi32, #tpu.memory_space<hbm>> -> memref<80xi32, #tpu.memory_space<hbm>>
        %dma_start3A_36 = tpu.memref_slice %arg4[%add3A_21] : memref<1280000xi32, #tpu.memory_space<hbm>> -> memref<80xi32, #tpu.memory_space<hbm>>
        tpu.enqueue_dma source(%dma_start3A_36 : memref<80xi32, #tpu.memory_space<hbm>>) target(%arg11 : memref<80xi32, #tpu.memory_space<vmem>>) target_semaphore(%run_scoped3A : memref<!tpu.dma_semaphore, #tpu.memory_space<semaphore_mem>>)
        %dma_wait3A = tpu.memref_slice %arg4[%add3A_21] : memref<1280000xi32, #tpu.memory_space<hbm>> -> memref<80xi32, #tpu.memory_space<hbm>>
        %dma_wait3A_37 = tpu.memref_slice %arg4[%add3A_21] : memref<1280000xi32, #tpu.memory_space<hbm>> -> memref<80xi32, #tpu.memory_space<hbm>>
        tpu.wait_dma2 semaphore(%run_scoped3A : memref<!tpu.dma_semaphore, #tpu.memory_space<semaphore_mem>>) src(%dma_wait3A_37 : memref<80xi32, #tpu.memory_space<hbm>>) dst(%arg11 : memref<80xi32, #tpu.memory_space<vmem>>)
        tpu.yield
      }) : () -> ()
      %add3A_22 = arith.constant 320000 : i32
      %add3A_23 = arith.addi %add3A_22, %add3A_19 : i32
      "tpu.region"() ({
        %run_scoped3A = tpu.sem_alloc : memref<!tpu.dma_semaphore, #tpu.memory_space<semaphore_mem>>
        %dma_start3A = tpu.memref_slice %arg4[%add3A_23] : memref<1280000xi32, #tpu.memory_space<hbm>> -> memref<80xi32, #tpu.memory_space<hbm>>
        %dma_start3A_36 = tpu.memref_slice %arg4[%add3A_23] : memref<1280000xi32, #tpu.memory_space<hbm>> -> memref<80xi32, #tpu.memory_space<hbm>>
        tpu.enqueue_dma source(%dma_start3A_36 : memref<80xi32, #tpu.memory_space<hbm>>) target(%arg12 : memref<80xi32, #tpu.memory_space<vmem>>) target_semaphore(%run_scoped3A : memref<!tpu.dma_semaphore, #tpu.memory_space<semaphore_mem>>)
        %dma_wait3A = tpu.memref_slice %arg4[%add3A_23] : memref<1280000xi32, #tpu.memory_space<hbm>> -> memref<80xi32, #tpu.memory_space<hbm>>
        %dma_wait3A_37 = tpu.memref_slice %arg4[%add3A_23] : memref<1280000xi32, #tpu.memory_space<hbm>> -> memref<80xi32, #tpu.memory_space<hbm>>
        tpu.wait_dma2 semaphore(%run_scoped3A : memref<!tpu.dma_semaphore, #tpu.memory_space<semaphore_mem>>) src(%dma_wait3A_37 : memref<80xi32, #tpu.memory_space<hbm>>) dst(%arg12 : memref<80xi32, #tpu.memory_space<vmem>>)
        tpu.yield
      }) : () -> ()
      %add3A_24 = arith.constant 640000 : i32
      %add3A_25 = arith.addi %add3A_24, %add3A_19 : i32
      "tpu.region"() ({
        %run_scoped3A = tpu.sem_alloc : memref<!tpu.dma_semaphore, #tpu.memory_space<semaphore_mem>>
        %dma_start3A = tpu.memref_slice %arg4[%add3A_25] : memref<1280000xi32, #tpu.memory_space<hbm>> -> memref<80xi32, #tpu.memory_space<hbm>>
        %dma_start3A_36 = tpu.memref_slice %arg4[%add3A_25] : memref<1280000xi32, #tpu.memory_space<hbm>> -> memref<80xi32, #tpu.memory_space<hbm>>
        tpu.enqueue_dma source(%dma_start3A_36 : memref<80xi32, #tpu.memory_space<hbm>>) target(%arg13 : memref<80xi32, #tpu.memory_space<vmem>>) target_semaphore(%run_scoped3A : memref<!tpu.dma_semaphore, #tpu.memory_space<semaphore_mem>>)
        %dma_wait3A = tpu.memref_slice %arg4[%add3A_25] : memref<1280000xi32, #tpu.memory_space<hbm>> -> memref<80xi32, #tpu.memory_space<hbm>>
        %dma_wait3A_37 = tpu.memref_slice %arg4[%add3A_25] : memref<1280000xi32, #tpu.memory_space<hbm>> -> memref<80xi32, #tpu.memory_space<hbm>>
        tpu.wait_dma2 semaphore(%run_scoped3A : memref<!tpu.dma_semaphore, #tpu.memory_space<semaphore_mem>>) src(%dma_wait3A_37 : memref<80xi32, #tpu.memory_space<hbm>>) dst(%arg13 : memref<80xi32, #tpu.memory_space<vmem>>)
        tpu.yield
      }) : () -> ()
      %add3A_26 = arith.constant 960000 : i32
      %add3A_27 = arith.addi %add3A_26, %add3A_19 : i32
      "tpu.region"() ({
        %run_scoped3A = tpu.sem_alloc : memref<!tpu.dma_semaphore, #tpu.memory_space<semaphore_mem>>
        %dma_start3A = tpu.memref_slice %arg4[%add3A_27] : memref<1280000xi32, #tpu.memory_space<hbm>> -> memref<80xi32, #tpu.memory_space<hbm>>
        %dma_start3A_36 = tpu.memref_slice %arg4[%add3A_27] : memref<1280000xi32, #tpu.memory_space<hbm>> -> memref<80xi32, #tpu.memory_space<hbm>>
        tpu.enqueue_dma source(%dma_start3A_36 : memref<80xi32, #tpu.memory_space<hbm>>) target(%arg14 : memref<80xi32, #tpu.memory_space<vmem>>) target_semaphore(%run_scoped3A : memref<!tpu.dma_semaphore, #tpu.memory_space<semaphore_mem>>)
        %dma_wait3A = tpu.memref_slice %arg4[%add3A_27] : memref<1280000xi32, #tpu.memory_space<hbm>> -> memref<80xi32, #tpu.memory_space<hbm>>
        %dma_wait3A_37 = tpu.memref_slice %arg4[%add3A_27] : memref<1280000xi32, #tpu.memory_space<hbm>> -> memref<80xi32, #tpu.memory_space<hbm>>
        tpu.wait_dma2 semaphore(%run_scoped3A : memref<!tpu.dma_semaphore, #tpu.memory_space<semaphore_mem>>) src(%dma_wait3A_37 : memref<80xi32, #tpu.memory_space<hbm>>) dst(%arg14 : memref<80xi32, #tpu.memory_space<vmem>>)
        tpu.yield
      }) : () -> ()
      %mul3A_28 = arith.constant 4 : i32
      %mul3A_29 = arith.muli %add3A_19, %mul3A_28 : i32
      "tpu.region"() ({
        %run_scoped3A = tpu.sem_alloc : memref<!tpu.dma_semaphore, #tpu.memory_space<semaphore_mem>>
        %dma_start3A = tpu.memref_slice %arg2[%mul3A_29] : memref<1280000xf32, #tpu.memory_space<hbm>> -> memref<320xf32, #tpu.memory_space<hbm>>
        %dma_start3A_36 = tpu.memref_slice %arg2[%mul3A_29] : memref<1280000xf32, #tpu.memory_space<hbm>> -> memref<320xf32, #tpu.memory_space<hbm>>
        tpu.enqueue_dma source(%dma_start3A_36 : memref<320xf32, #tpu.memory_space<hbm>>) target(%arg9 : memref<320xf32, #tpu.memory_space<vmem>>) target_semaphore(%run_scoped3A : memref<!tpu.dma_semaphore, #tpu.memory_space<semaphore_mem>>)
        %dma_wait3A = tpu.memref_slice %arg2[%mul3A_29] : memref<1280000xf32, #tpu.memory_space<hbm>> -> memref<320xf32, #tpu.memory_space<hbm>>
        %dma_wait3A_37 = tpu.memref_slice %arg2[%mul3A_29] : memref<1280000xf32, #tpu.memory_space<hbm>> -> memref<320xf32, #tpu.memory_space<hbm>>
        tpu.wait_dma2 semaphore(%run_scoped3A : memref<!tpu.dma_semaphore, #tpu.memory_space<semaphore_mem>>) src(%dma_wait3A_37 : memref<320xf32, #tpu.memory_space<hbm>>) dst(%arg9 : memref<320xf32, #tpu.memory_space<vmem>>)
        tpu.yield
      }) : () -> ()
      %scan3A_30 = arith.constant 0 : i32
      %scan3A_31 = arith.constant 0 : i32
      %scan3A_32 = arith.constant 5 : i32
      %scan3A_33 = arith.addi %scan3A_31, %scan3A_32 : i32
      %scan3A_34 = arith.constant 1 : i32
      scf.for %scan3A_36 = %scan3A_31 to %scan3A_33 step %scan3A_34  : i32 {
        %mul3A_37 = arith.constant 16 : i32
        %mul3A_38 = arith.muli %scan3A_36, %mul3A_37 : i32
        %get3A = arith.index_cast %mul3A_38 : i32 to index
        %get3A_39 = tpu.vector_load %arg8[%get3A] {strides = array<i32>} : memref<80xi32, #tpu.memory_space<vmem>>, vector<16xi32>,
        %mul3A_40 = arith.constant 4 : i32
        %mul3A_41 = vector.broadcast %mul3A_40 : i32 to vector<16xi32>
        %mul3A_42 = arith.muli %get3A_39, %mul3A_41 : vector<16xi32>
        %mul3A_43 = arith.constant 16 : i32
        %mul3A_44 = arith.muli %scan3A_36, %mul3A_43 : i32
        %add3A_45 = arith.constant 0 : i32
        %add3A_46 = arith.addi %add3A_45, %mul3A_44 : i32
        %get3A_47 = arith.index_cast %add3A_46 : i32 to index
        %get3A_48 = tpu.vector_load %arg9[%get3A_47] {strides = array<i32>} : memref<320xf32, #tpu.memory_space<vmem>>, vector<16xf32>,
        %add3A_49 = arith.constant 0 : i32
        %add3A_50 = vector.broadcast %add3A_49 : i32 to vector<16xi32>
        %add3A_51 = arith.addi %mul3A_42, %add3A_50 : vector<16xi32>
        %gather3A = tpu.vector_load_idx %arg15[%add3A_51] : memref<40000xf32, #tpu.memory_space<vmem>>[vector<16xi32>], vector<16xf32>,
        %add3A_52 = arith.constant 0 : i32
        %add3A_53 = vector.broadcast %add3A_52 : i32 to vector<16xi32>
        %add3A_54 = arith.addi %mul3A_42, %add3A_53 : vector<16xi32>
        %gather3A_55 = tpu.vector_load_idx %arg16[%add3A_54] : memref<40000xf32, #tpu.memory_space<vmem>>[vector<16xi32>], vector<16xf32>,
        %sub3A = arith.subf %get3A_48, %gather3A : vector<16xf32>
        %sub3A_56 = arith.subf %sub3A, %gather3A_55 : vector<16xf32>
        %exp3A = math.exp %sub3A_56 : vector<16xf32>
        %mul3A_57 = arith.constant 16 : i32
        %mul3A_58 = arith.muli %scan3A_36, %mul3A_57 : i32
        %add3A_59 = arith.constant 0 : i32
        %add3A_60 = arith.addi %add3A_59, %mul3A_58 : i32
        %swap3A = arith.index_cast %add3A_60 : i32 to index
        %swap3A_61 = tpu.vector_load %arg10[%swap3A] {strides = array<i32>} : memref<320xf32, #tpu.memory_space<vmem>>, vector<16xf32>,
        tpu.vector_store %arg10[%swap3A], %exp3A {strides = array<i32>} : memref<320xf32, #tpu.memory_space<vmem>>, vector<16xf32>,
        %mul3A_62 = arith.constant 16 : i32
        %mul3A_63 = arith.muli %scan3A_36, %mul3A_62 : i32
        %add3A_64 = arith.constant 80 : i32
        %add3A_65 = arith.addi %add3A_64, %mul3A_63 : i32
        %get3A_66 = arith.index_cast %add3A_65 : i32 to index
        %get3A_67 = tpu.vector_load %arg9[%get3A_66] {strides = array<i32>} : memref<320xf32, #tpu.memory_space<vmem>>, vector<16xf32>,
        %add3A_68 = arith.constant 1 : i32
        %add3A_69 = vector.broadcast %add3A_68 : i32 to vector<16xi32>
        %add3A_70 = arith.addi %mul3A_42, %add3A_69 : vector<16xi32>
        %gather3A_71 = tpu.vector_load_idx %arg15[%add3A_70] : memref<40000xf32, #tpu.memory_space<vmem>>[vector<16xi32>], vector<16xf32>,
        %add3A_72 = arith.constant 1 : i32
        %add3A_73 = vector.broadcast %add3A_72 : i32 to vector<16xi32>
        %add3A_74 = arith.addi %mul3A_42, %add3A_73 : vector<16xi32>
        %gather3A_75 = tpu.vector_load_idx %arg16[%add3A_74] : memref<40000xf32, #tpu.memory_space<vmem>>[vector<16xi32>], vector<16xf32>,
        %sub3A_76 = arith.subf %get3A_67, %gather3A_71 : vector<16xf32>
        %sub3A_77 = arith.subf %sub3A_76, %gather3A_75 : vector<16xf32>
        %exp3A_78 = math.exp %sub3A_77 : vector<16xf32>
        %mul3A_79 = arith.constant 16 : i32
        %mul3A_80 = arith.muli %scan3A_36, %mul3A_79 : i32
        %add3A_81 = arith.constant 80 : i32
        %add3A_82 = arith.addi %add3A_81, %mul3A_80 : i32
        %swap3A_83 = arith.index_cast %add3A_82 : i32 to index
        %swap3A_84 = tpu.vector_load %arg10[%swap3A_83] {strides = array<i32>} : memref<320xf32, #tpu.memory_space<vmem>>, vector<16xf32>,
        tpu.vector_store %arg10[%swap3A_83], %exp3A_78 {strides = array<i32>} : memref<320xf32, #tpu.memory_space<vmem>>, vector<16xf32>,
        %mul3A_85 = arith.constant 16 : i32
        %mul3A_86 = arith.muli %scan3A_36, %mul3A_85 : i32
        %add3A_87 = arith.constant 160 : i32
        %add3A_88 = arith.addi %add3A_87, %mul3A_86 : i32
        %get3A_89 = arith.index_cast %add3A_88 : i32 to index
        %get3A_90 = tpu.vector_load %arg9[%get3A_89] {strides = array<i32>} : memref<320xf32, #tpu.memory_space<vmem>>, vector<16xf32>,
        %add3A_91 = arith.constant 2 : i32
        %add3A_92 = vector.broadcast %add3A_91 : i32 to vector<16xi32>
        %add3A_93 = arith.addi %mul3A_42, %add3A_92 : vector<16xi32>
        %gather3A_94 = tpu.vector_load_idx %arg15[%add3A_93] : memref<40000xf32, #tpu.memory_space<vmem>>[vector<16xi32>], vector<16xf32>,
        %add3A_95 = arith.constant 2 : i32
        %add3A_96 = vector.broadcast %add3A_95 : i32 to vector<16xi32>
        %add3A_97 = arith.addi %mul3A_42, %add3A_96 : vector<16xi32>
        %gather3A_98 = tpu.vector_load_idx %arg16[%add3A_97] : memref<40000xf32, #tpu.memory_space<vmem>>[vector<16xi32>], vector<16xf32>,
        %sub3A_99 = arith.subf %get3A_90, %gather3A_94 : vector<16xf32>
        %sub3A_100 = arith.subf %sub3A_99, %gather3A_98 : vector<16xf32>
        %exp3A_101 = math.exp %sub3A_100 : vector<16xf32>
        %mul3A_102 = arith.constant 16 : i32
        %mul3A_103 = arith.muli %scan3A_36, %mul3A_102 : i32
        %add3A_104 = arith.constant 160 : i32
        %add3A_105 = arith.addi %add3A_104, %mul3A_103 : i32
        %swap3A_106 = arith.index_cast %add3A_105 : i32 to index
        %swap3A_107 = tpu.vector_load %arg10[%swap3A_106] {strides = array<i32>} : memref<320xf32, #tpu.memory_space<vmem>>, vector<16xf32>,
        tpu.vector_store %arg10[%swap3A_106], %exp3A_101 {strides = array<i32>} : memref<320xf32, #tpu.memory_space<vmem>>, vector<16xf32>,
        %mul3A_108 = arith.constant 16 : i32
        %mul3A_109 = arith.muli %scan3A_36, %mul3A_108 : i32
        %add3A_110 = arith.constant 240 : i32
        %add3A_111 = arith.addi %add3A_110, %mul3A_109 : i32
        %get3A_112 = arith.index_cast %add3A_111 : i32 to index
        %get3A_113 = tpu.vector_load %arg9[%get3A_112] {strides = array<i32>} : memref<320xf32, #tpu.memory_space<vmem>>, vector<16xf32>,
        %add3A_114 = arith.constant 3 : i32
        %add3A_115 = vector.broadcast %add3A_114 : i32 to vector<16xi32>
        %add3A_116 = arith.addi %mul3A_42, %add3A_115 : vector<16xi32>
        %gather3A_117 = tpu.vector_load_idx %arg15[%add3A_116] : memref<40000xf32, #tpu.memory_space<vmem>>[vector<16xi32>], vector<16xf32>,
        %add3A_118 = arith.constant 3 : i32
        %add3A_119 = vector.broadcast %add3A_118 : i32 to vector<16xi32>
        %add3A_120 = arith.addi %mul3A_42, %add3A_119 : vector<16xi32>
        %gather3A_121 = tpu.vector_load_idx %arg16[%add3A_120] : memref<40000xf32, #tpu.memory_space<vmem>>[vector<16xi32>], vector<16xf32>,
        %sub3A_122 = arith.subf %get3A_113, %gather3A_117 : vector<16xf32>
        %sub3A_123 = arith.subf %sub3A_122, %gather3A_121 : vector<16xf32>
        %exp3A_124 = math.exp %sub3A_123 : vector<16xf32>
        %mul3A_125 = arith.constant 16 : i32
        %mul3A_126 = arith.muli %scan3A_36, %mul3A_125 : i32
        %add3A_127 = arith.constant 240 : i32
        %add3A_128 = arith.addi %add3A_127, %mul3A_126 : i32
        %swap3A_129 = arith.index_cast %add3A_128 : i32 to index
        %swap3A_130 = tpu.vector_load %arg10[%swap3A_129] {strides = array<i32>} : memref<320xf32, #tpu.memory_space<vmem>>, vector<16xf32>,
        tpu.vector_store %arg10[%swap3A_129], %exp3A_124 {strides = array<i32>} : memref<320xf32, #tpu.memory_space<vmem>>, vector<16xf32>,
      }
      %scan3A_35 = arith.constant 5 : i32
      "tpu.region"() ({
        %run_scoped3A = tpu.sem_alloc : memref<!tpu.dma_semaphore, #tpu.memory_space<semaphore_mem>>
        %dma_start3A = arith.constant 0 : i32
        %dma_start3A_36 = tpu.memref_slice %arg10[%dma_start3A] : memref<320xf32, #tpu.memory_space<vmem>> -> memref<80xf32, #tpu.memory_space<vmem>>
        %dma_start3A_37 = arith.constant 0 : i32
        %dma_start3A_38 = tpu.memref_slice %arg17[%dma_start3A_37] : memref<40000xf32, #tpu.memory_space<vmem_shared>> -> memref<40000xf32, #tpu.memory_space<vmem_shared>>
        tpu.enqueue_indirect_dma source(%dma_start3A_36 : memref<80xf32, #tpu.memory_space<vmem>>) target(%dma_start3A_38 : memref<40000xf32, #tpu.memory_space<vmem_shared>>) offsets(%arg11 : memref<80xi32, #tpu.memory_space<vmem>>) semaphore(%run_scoped3A : memref<!tpu.dma_semaphore, #tpu.memory_space<semaphore_mem>>) {add = true}
        %dma_wait3A = arith.constant 0 : i32
        %dma_wait3A_39 = tpu.memref_slice %arg10[%dma_wait3A] : memref<320xf32, #tpu.memory_space<vmem>> -> memref<80xf32, #tpu.memory_space<vmem>>
        %dma_wait3A_40 = arith.constant 0 : i32
        %dma_wait3A_41 = tpu.memref_slice %arg17[%dma_wait3A_40] : memref<40000xf32, #tpu.memory_space<vmem_shared>> -> memref<40000xf32, #tpu.memory_space<vmem_shared>>
        tpu.wait_indirect_dma semaphore(%run_scoped3A : memref<!tpu.dma_semaphore, #tpu.memory_space<semaphore_mem>>) src(%dma_wait3A_39 : memref<80xf32, #tpu.memory_space<vmem>>) dst(%dma_wait3A_41 : memref<40000xf32, #tpu.memory_space<vmem_shared>>)
        tpu.yield
      }) : () -> ()
      "tpu.region"() ({
        %run_scoped3A = tpu.sem_alloc : memref<!tpu.dma_semaphore, #tpu.memory_space<semaphore_mem>>
        %dma_start3A = arith.constant 80 : i32
        %dma_start3A_36 = tpu.memref_slice %arg10[%dma_start3A] : memref<320xf32, #tpu.memory_space<vmem>> -> memref<80xf32, #tpu.memory_space<vmem>>
        %dma_start3A_37 = arith.constant 0 : i32
        %dma_start3A_38 = tpu.memref_slice %arg17[%dma_start3A_37] : memref<40000xf32, #tpu.memory_space<vmem_shared>> -> memref<40000xf32, #tpu.memory_space<vmem_shared>>
        tpu.enqueue_indirect_dma source(%dma_start3A_36 : memref<80xf32, #tpu.memory_space<vmem>>) target(%dma_start3A_38 : memref<40000xf32, #tpu.memory_space<vmem_shared>>) offsets(%arg12 : memref<80xi32, #tpu.memory_space<vmem>>) semaphore(%run_scoped3A : memref<!tpu.dma_semaphore, #tpu.memory_space<semaphore_mem>>) {add = true}
        %dma_wait3A = arith.constant 80 : i32
        %dma_wait3A_39 = tpu.memref_slice %arg10[%dma_wait3A] : memref<320xf32, #tpu.memory_space<vmem>> -> memref<80xf32, #tpu.memory_space<vmem>>
        %dma_wait3A_40 = arith.constant 0 : i32
        %dma_wait3A_41 = tpu.memref_slice %arg17[%dma_wait3A_40] : memref<40000xf32, #tpu.memory_space<vmem_shared>> -> memref<40000xf32, #tpu.memory_space<vmem_shared>>
        tpu.wait_indirect_dma semaphore(%run_scoped3A : memref<!tpu.dma_semaphore, #tpu.memory_space<semaphore_mem>>) src(%dma_wait3A_39 : memref<80xf32, #tpu.memory_space<vmem>>) dst(%dma_wait3A_41 : memref<40000xf32, #tpu.memory_space<vmem_shared>>)
        tpu.yield
      }) : () -> ()
      "tpu.region"() ({
        %run_scoped3A = tpu.sem_alloc : memref<!tpu.dma_semaphore, #tpu.memory_space<semaphore_mem>>
        %dma_start3A = arith.constant 160 : i32
        %dma_start3A_36 = tpu.memref_slice %arg10[%dma_start3A] : memref<320xf32, #tpu.memory_space<vmem>> -> memref<80xf32, #tpu.memory_space<vmem>>
        %dma_start3A_37 = arith.constant 0 : i32
        %dma_start3A_38 = tpu.memref_slice %arg17[%dma_start3A_37] : memref<40000xf32, #tpu.memory_space<vmem_shared>> -> memref<40000xf32, #tpu.memory_space<vmem_shared>>
        tpu.enqueue_indirect_dma source(%dma_start3A_36 : memref<80xf32, #tpu.memory_space<vmem>>) target(%dma_start3A_38 : memref<40000xf32, #tpu.memory_space<vmem_shared>>) offsets(%arg13 : memref<80xi32, #tpu.memory_space<vmem>>) semaphore(%run_scoped3A : memref<!tpu.dma_semaphore, #tpu.memory_space<semaphore_mem>>) {add = true}
        %dma_wait3A = arith.constant 160 : i32
        %dma_wait3A_39 = tpu.memref_slice %arg10[%dma_wait3A] : memref<320xf32, #tpu.memory_space<vmem>> -> memref<80xf32, #tpu.memory_space<vmem>>
        %dma_wait3A_40 = arith.constant 0 : i32
        %dma_wait3A_41 = tpu.memref_slice %arg17[%dma_wait3A_40] : memref<40000xf32, #tpu.memory_space<vmem_shared>> -> memref<40000xf32, #tpu.memory_space<vmem_shared>>
        tpu.wait_indirect_dma semaphore(%run_scoped3A : memref<!tpu.dma_semaphore, #tpu.memory_space<semaphore_mem>>) src(%dma_wait3A_39 : memref<80xf32, #tpu.memory_space<vmem>>) dst(%dma_wait3A_41 : memref<40000xf32, #tpu.memory_space<vmem_shared>>)
        tpu.yield
      }) : () -> ()
      "tpu.region"() ({
        %run_scoped3A = tpu.sem_alloc : memref<!tpu.dma_semaphore, #tpu.memory_space<semaphore_mem>>
        %dma_start3A = arith.constant 240 : i32
        %dma_start3A_36 = tpu.memref_slice %arg10[%dma_start3A] : memref<320xf32, #tpu.memory_space<vmem>> -> memref<80xf32, #tpu.memory_space<vmem>>
        %dma_start3A_37 = arith.constant 0 : i32
        %dma_start3A_38 = tpu.memref_slice %arg17[%dma_start3A_37] : memref<40000xf32, #tpu.memory_space<vmem_shared>> -> memref<40000xf32, #tpu.memory_space<vmem_shared>>
        tpu.enqueue_indirect_dma source(%dma_start3A_36 : memref<80xf32, #tpu.memory_space<vmem>>) target(%dma_start3A_38 : memref<40000xf32, #tpu.memory_space<vmem_shared>>) offsets(%arg14 : memref<80xi32, #tpu.memory_space<vmem>>) semaphore(%run_scoped3A : memref<!tpu.dma_semaphore, #tpu.memory_space<semaphore_mem>>) {add = true}
        %dma_wait3A = arith.constant 240 : i32
        %dma_wait3A_39 = tpu.memref_slice %arg10[%dma_wait3A] : memref<320xf32, #tpu.memory_space<vmem>> -> memref<80xf32, #tpu.memory_space<vmem>>
        %dma_wait3A_40 = arith.constant 0 : i32
        %dma_wait3A_41 = tpu.memref_slice %arg17[%dma_wait3A_40] : memref<40000xf32, #tpu.memory_space<vmem_shared>> -> memref<40000xf32, #tpu.memory_space<vmem_shared>>
        tpu.wait_indirect_dma semaphore(%run_scoped3A : memref<!tpu.dma_semaphore, #tpu.memory_space<semaphore_mem>>) src(%dma_wait3A_39 : memref<80xf32, #tpu.memory_space<vmem>>) dst(%dma_wait3A_41 : memref<40000xf32, #tpu.memory_space<vmem_shared>>)
        tpu.yield
      }) : () -> ()
    }
    %scan3A_9 = arith.constant 125 : i32
    %barrier3A_10 = arith.constant 0 : index
    tpu.barrier barrier_id(%barrier3A_10)
    %eq3A_11 = arith.constant 0 : i32
    %eq3A_12 = arith.cmpi eq, %arg1, %eq3A_11 : i32
    %convert_element_type3A_13 = arith.extui %eq3A_12 : i1 to i32
    %cond3A_14 = arith.constant 0 : i32
    %cond3A_15 = arith.cmpi ne, %convert_element_type3A_13, %cond3A_14 : i32
    scf.if %cond3A_15 {
      "tpu.region"() ({
        %run_scoped3A = tpu.sem_alloc : memref<!tpu.dma_semaphore, #tpu.memory_space<semaphore_mem>>
        tpu.enqueue_dma source(%arg17 : memref<40000xf32, #tpu.memory_space<vmem_shared>>) target(%arg15 : memref<40000xf32, #tpu.memory_space<vmem>>) target_semaphore(%run_scoped3A : memref<!tpu.dma_semaphore, #tpu.memory_space<semaphore_mem>>)
        tpu.wait_dma2 semaphore(%run_scoped3A : memref<!tpu.dma_semaphore, #tpu.memory_space<semaphore_mem>>) src(%arg17 : memref<40000xf32, #tpu.memory_space<vmem_shared>>) dst(%arg15 : memref<40000xf32, #tpu.memory_space<vmem>>)
        tpu.yield
      }) : () -> ()
      %mul3A_16 = arith.constant 40000 : i32
      %mul3A_17 = arith.muli %arg0, %mul3A_16 : i32
      "tpu.region"() ({
        %run_scoped3A = tpu.sem_alloc : memref<!tpu.dma_semaphore, #tpu.memory_space<semaphore_mem>>
        %dma_start3A = tpu.memref_slice %arg7[%mul3A_17] : memref<80000xf32, #tpu.memory_space<hbm>> -> memref<40000xf32, #tpu.memory_space<hbm>>
        %dma_start3A_18 = tpu.memref_slice %arg7[%mul3A_17] : memref<80000xf32, #tpu.memory_space<hbm>> -> memref<40000xf32, #tpu.memory_space<hbm>>
        tpu.enqueue_dma source(%arg15 : memref<40000xf32, #tpu.memory_space<vmem>>) target(%dma_start3A_18 : memref<40000xf32, #tpu.memory_space<hbm>>) target_semaphore(%run_scoped3A : memref<!tpu.dma_semaphore, #tpu.memory_space<semaphore_mem>>)
        %dma_wait3A = tpu.memref_slice %arg7[%mul3A_17] : memref<80000xf32, #tpu.memory_space<hbm>> -> memref<40000xf32, #tpu.memory_space<hbm>>
        %dma_wait3A_19 = tpu.memref_slice %arg7[%mul3A_17] : memref<80000xf32, #tpu.memory_space<hbm>> -> memref<40000xf32, #tpu.memory_space<hbm>>
        tpu.wait_dma2 semaphore(%run_scoped3A : memref<!tpu.dma_semaphore, #tpu.memory_space<semaphore_mem>>) src(%arg15 : memref<40000xf32, #tpu.memory_space<vmem>>) dst(%dma_wait3A_19 : memref<40000xf32, #tpu.memory_space<hbm>>)
        tpu.yield
      }) : () -> ()
    } else {
    }
    return
  }
}

module attributes {stable_mosaic.version = 14 : i64} {
  func.func @_prep_body(%arg0: i32, %arg1: memref<1000x128xf32, #tpu.memory_space<vmem>>, %arg2: memref<128x128xf32, #tpu.memory_space<vmem>>, %arg3: memref<128x128xf32, #tpu.memory_space<vmem>>, %arg4: memref<128x128xf32, #tpu.memory_space<vmem>>, %arg5: memref<128x32xf32, #tpu.memory_space<vmem>>, %arg6: memref<1x32xf32, #tpu.memory_space<vmem>>, %arg7: memref<1x32xf32, #tpu.memory_space<vmem>>, %arg8: memref<1x1xf32, #tpu.memory_space<vmem>>, %arg9: memref<1000x128xf32, #tpu.memory_space<vmem>>, %arg10: memref<1000x128xf32, #tpu.memory_space<vmem>>, %arg11: memref<1000x128xf32, #tpu.memory_space<vmem>>) attributes {dimension_semantics = [#tpu.dimension_semantics<arbitrary>], iteration_bounds = array<i64: 10>, scalar_prefetch = 0 : i64, scratch_operands = 0 : i64, tpu.core_type = #tpu.core_type<tc>, window_params = [{transform_indices = @transform_0, window_bounds = array<i64: 1000, 128>}, {pipeline_mode = #tpu.pipeline_mode<synchronous>, transform_indices = @transform_1, window_bounds = array<i64: 128, 128>}, {pipeline_mode = #tpu.pipeline_mode<synchronous>, transform_indices = @transform_2, window_bounds = array<i64: 128, 128>}, {pipeline_mode = #tpu.pipeline_mode<synchronous>, transform_indices = @transform_3, window_bounds = array<i64: 128, 128>}, {pipeline_mode = #tpu.pipeline_mode<synchronous>, transform_indices = @transform_4, window_bounds = array<i64: 128, 32>}, {pipeline_mode = #tpu.pipeline_mode<synchronous>, transform_indices = @transform_5, window_bounds = array<i64: 1, 32>}, {pipeline_mode = #tpu.pipeline_mode<synchronous>, transform_indices = @transform_6, window_bounds = array<i64: 1, 32>}, {pipeline_mode = #tpu.pipeline_mode<synchronous>, transform_indices = @transform_7, window_bounds = array<i64: 1, 1>}, {transform_indices = @transform_8, window_bounds = array<i64: 1000, 128>}, {transform_indices = @transform_9, window_bounds = array<i64: 1000, 128>}, {transform_indices = @transform_10, window_bounds = array<i64: 1000, 128>}]} {
    %get3A = arith.constant 0 : index
    %get3A_0 = arith.constant 0 : index
    %get3A_1 = vector.load %arg1[%get3A, %get3A_0] : memref<1000x128xf32, #tpu.memory_space<vmem>>, vector<1000x128xf32>
    %get3A_2 = arith.constant 0 : index
    %get3A_3 = arith.constant 0 : index
    %get3A_4 = vector.load %arg2[%get3A_2, %get3A_3] : memref<128x128xf32, #tpu.memory_space<vmem>>, vector<128x128xf32>
    %dot_general3A = arith.constant dense<0.000000e+00> : vector<1000x128xf32>
    %dot_general3A_5 = tpu.matmul %get3A_1, %get3A_4, %dot_general3A {dimension_numbers = #tpu.dot_dimension_numbers<[1], [0], [0], [1], [0, 0, 1, 1], [], []>, transpose_lhs_hint = false} : vector<1000x128xf32>, vector<128x128xf32>, vector<1000x128xf32> -> vector<1000x128xf32>
    %get3A_6 = arith.constant 0 : index
    %get3A_7 = arith.constant 0 : index
    %get3A_8 = vector.load %arg3[%get3A_6, %get3A_7] : memref<128x128xf32, #tpu.memory_space<vmem>>, vector<128x128xf32>
    %dot_general3A_9 = arith.constant dense<0.000000e+00> : vector<1000x128xf32>
    %dot_general3A_10 = tpu.matmul %get3A_1, %get3A_8, %dot_general3A_9 {dimension_numbers = #tpu.dot_dimension_numbers<[1], [0], [0], [1], [0, 0, 1, 1], [], []>, transpose_lhs_hint = false} : vector<1000x128xf32>, vector<128x128xf32>, vector<1000x128xf32> -> vector<1000x128xf32>
    %swap3A = arith.constant 0 : index
    %swap3A_11 = arith.constant 0 : index
    %swap3A_12 = vector.load %arg10[%swap3A, %swap3A_11] : memref<1000x128xf32, #tpu.memory_space<vmem>>, vector<1000x128xf32>
    tpu.vector_store %arg10[%swap3A, %swap3A_11], %dot_general3A_10 {strides = array<i32>} : memref<1000x128xf32, #tpu.memory_space<vmem>>, vector<1000x128xf32>,
    %get3A_13 = arith.constant 0 : index
    %get3A_14 = arith.constant 0 : index
    %get3A_15 = vector.load %arg4[%get3A_13, %get3A_14] : memref<128x128xf32, #tpu.memory_space<vmem>>, vector<128x128xf32>
    %dot_general3A_16 = arith.constant dense<0.000000e+00> : vector<1000x128xf32>
    %dot_general3A_17 = tpu.matmul %get3A_1, %get3A_15, %dot_general3A_16 {dimension_numbers = #tpu.dot_dimension_numbers<[1], [0], [0], [1], [0, 0, 1, 1], [], []>, transpose_lhs_hint = false} : vector<1000x128xf32>, vector<128x128xf32>, vector<1000x128xf32> -> vector<1000x128xf32>
    %swap3A_18 = arith.constant 0 : index
    %swap3A_19 = arith.constant 0 : index
    %swap3A_20 = vector.load %arg11[%swap3A_18, %swap3A_19] : memref<1000x128xf32, #tpu.memory_space<vmem>>, vector<1000x128xf32>
    tpu.vector_store %arg11[%swap3A_18, %swap3A_19], %dot_general3A_17 {strides = array<i32>} : memref<1000x128xf32, #tpu.memory_space<vmem>>, vector<1000x128xf32>,
    %get3A_21 = arith.constant 0 : index
    %get3A_22 = arith.constant 0 : index
    %get3A_23 = vector.load %arg5[%get3A_21, %get3A_22] : memref<128x32xf32, #tpu.memory_space<vmem>>, vector<128x32xf32>
    %dot_general3A_24 = arith.constant dense<0.000000e+00> : vector<1000x32xf32>
    %dot_general3A_25 = tpu.matmul %get3A_1, %get3A_23, %dot_general3A_24 {dimension_numbers = #tpu.dot_dimension_numbers<[1], [0], [0], [1], [0, 0, 1, 1], [], []>, transpose_lhs_hint = false} : vector<1000x128xf32>, vector<128x32xf32>, vector<1000x32xf32> -> vector<1000x32xf32>
    %get3A_26 = arith.constant 0 : index
    %get3A_27 = arith.constant 0 : index
    %get3A_28 = vector.load %arg6[%get3A_26, %get3A_27] : memref<1x32xf32, #tpu.memory_space<vmem>>, vector<1x32xf32>
    %add3A = vector.broadcast %get3A_28 : vector<1x32xf32> to vector<1000x32xf32>
    %add3A_29 = arith.addf %dot_general3A_25, %add3A : vector<1000x32xf32>
    %max3A = arith.constant 0.000000e+00 : f32
    %max3A_30 = vector.broadcast %max3A : f32 to vector<1000x32xf32>
    %max3A_31 = arith.maximumf %add3A_29, %max3A_30 : vector<1000x32xf32>
    %get3A_32 = arith.constant 0 : index
    %get3A_33 = arith.constant 0 : index
    %get3A_34 = vector.load %arg7[%get3A_32, %get3A_33] : memref<1x32xf32, #tpu.memory_space<vmem>>, vector<1x32xf32>
    %mul3A = vector.broadcast %get3A_34 : vector<1x32xf32> to vector<1000x32xf32>
    %mul3A_35 = arith.mulf %max3A_31, %mul3A : vector<1000x32xf32>
    %reduce_sum3A = arith.constant dense<0.000000e+00> : vector<1000xf32>
    %reduce_sum3A_36 = vector.multi_reduction <add>, %mul3A_35, %reduce_sum3A [1] : vector<1000x32xf32> to vector<1000xf32>
    %broadcast_in_dim3A = vector.shape_cast %reduce_sum3A_36 : vector<1000xf32> to vector<1000x1xf32>
    %get3A_37 = arith.constant 0 : index
    %get3A_38 = arith.constant 0 : index
    %get3A_39 = vector.load %arg8[%get3A_37, %get3A_38] : memref<1x1xf32, #tpu.memory_space<vmem>>, vector<1x1xf32>
    %add3A_40 = vector.broadcast %get3A_39 : vector<1x1xf32> to vector<1000x1xf32>
    %add3A_41 = arith.addf %broadcast_in_dim3A, %add3A_40 : vector<1000x1xf32>
    %logistic3A = arith.negf %add3A_41 : vector<1000x1xf32>
    %logistic3A_42 = math.exp %logistic3A : vector<1000x1xf32>
    %logistic3A_43 = arith.constant 1.000000e+00 : f32
    %logistic3A_44 = vector.broadcast %logistic3A_43 : f32 to vector<1000x1xf32>
    %logistic3A_45 = arith.addf %logistic3A_44, %logistic3A_42 : vector<1000x1xf32>
    %logistic3A_46 = arith.divf %logistic3A_44, %logistic3A_45 : vector<1000x1xf32>
    %mul3A_47 = arith.constant 0.176776692 : f32
    %mul3A_48 = vector.broadcast %mul3A_47 : f32 to vector<1000x1xf32>
    %mul3A_49 = arith.mulf %logistic3A_46, %mul3A_48 : vector<1000x1xf32>
    %mul3A_50 = vector.broadcast %mul3A_49 : vector<1000x1xf32> to vector<1000x128xf32>
    %mul3A_51 = arith.mulf %dot_general3A_5, %mul3A_50 : vector<1000x128xf32>
    %swap3A_52 = arith.constant 0 : index
    %swap3A_53 = arith.constant 0 : index
    %swap3A_54 = vector.load %arg9[%swap3A_52, %swap3A_53] : memref<1000x128xf32, #tpu.memory_space<vmem>>, vector<1000x128xf32>
    tpu.vector_store %arg9[%swap3A_52, %swap3A_53], %mul3A_51 {strides = array<i32>} : memref<1000x128xf32, #tpu.memory_space<vmem>>, vector<1000x128xf32>,
    return
  }
  func.func @transform_0(%arg0: i32) -> (i32, i32) {
    %c0_i32 = arith.constant 0 : i32
    %c0_i32_0 = arith.constant 0 : i32
    return %arg0, %c0_i32 : i32, i32
  }
  func.func @transform_1(%arg0: i32) -> (i32, i32) {
    %c0_i32 = arith.constant 0 : i32
    %c0_i32_0 = arith.constant 0 : i32
    %c0_i32_1 = arith.constant 0 : i32
    return %c0_i32, %c0_i32_0 : i32, i32
  }
  func.func @transform_2(%arg0: i32) -> (i32, i32) {
    %c0_i32 = arith.constant 0 : i32
    %c0_i32_0 = arith.constant 0 : i32
    %c0_i32_1 = arith.constant 0 : i32
    return %c0_i32, %c0_i32_0 : i32, i32
  }
  func.func @transform_3(%arg0: i32) -> (i32, i32) {
    %c0_i32 = arith.constant 0 : i32
    %c0_i32_0 = arith.constant 0 : i32
    %c0_i32_1 = arith.constant 0 : i32
    return %c0_i32, %c0_i32_0 : i32, i32
  }
  func.func @transform_4(%arg0: i32) -> (i32, i32) {
    %c0_i32 = arith.constant 0 : i32
    %c0_i32_0 = arith.constant 0 : i32
    %c0_i32_1 = arith.constant 0 : i32
    return %c0_i32, %c0_i32_0 : i32, i32
  }
  func.func @transform_5(%arg0: i32) -> (i32, i32) {
    %c0_i32 = arith.constant 0 : i32
    %c0_i32_0 = arith.constant 0 : i32
    %c0_i32_1 = arith.constant 0 : i32
    return %c0_i32, %c0_i32_0 : i32, i32
  }
  func.func @transform_6(%arg0: i32) -> (i32, i32) {
    %c0_i32 = arith.constant 0 : i32
    %c0_i32_0 = arith.constant 0 : i32
    %c0_i32_1 = arith.constant 0 : i32
    return %c0_i32, %c0_i32_0 : i32, i32
  }
  func.func @transform_7(%arg0: i32) -> (i32, i32) {
    %c0_i32 = arith.constant 0 : i32
    %c0_i32_0 = arith.constant 0 : i32
    %c0_i32_1 = arith.constant 0 : i32
    return %c0_i32, %c0_i32_0 : i32, i32
  }
  func.func @transform_8(%arg0: i32) -> (i32, i32) {
    %c0_i32 = arith.constant 0 : i32
    %c0_i32_0 = arith.constant 0 : i32
    return %arg0, %c0_i32 : i32, i32
  }
  func.func @transform_9(%arg0: i32) -> (i32, i32) {
    %c0_i32 = arith.constant 0 : i32
    %c0_i32_0 = arith.constant 0 : i32
    return %arg0, %c0_i32 : i32, i32
  }
  func.func @transform_10(%arg0: i32) -> (i32, i32) {
    %c0_i32 = arith.constant 0 : i32
    %c0_i32_0 = arith.constant 0 : i32
    return %arg0, %c0_i32 : i32, i32
  }
}

module attributes {stable_mosaic.version = 14 : i64} {
  func.func @_tail_body(%arg0: i32, %arg1: memref<1000x128xf32, #tpu.memory_space<vmem>>, %arg2: memref<1000x4xf32, #tpu.memory_space<vmem>>, %arg3: memref<1000x4xf32, #tpu.memory_space<vmem>>, %arg4: memref<1000x128xf32, #tpu.memory_space<vmem>>, %arg5: memref<128x128xf32, #tpu.memory_space<vmem>>, %arg6: memref<1x128xf32, #tpu.memory_space<vmem>>, %arg7: memref<1000x128xf32, #tpu.memory_space<vmem>>) attributes {dimension_semantics = [#tpu.dimension_semantics<arbitrary>], iteration_bounds = array<i64: 10>, scalar_prefetch = 0 : i64, scratch_operands = 0 : i64, tpu.core_type = #tpu.core_type<tc>, window_params = [{transform_indices = @transform_0, window_bounds = array<i64: 1000, 128>}, {transform_indices = @transform_1, window_bounds = array<i64: 1000, 4>}, {transform_indices = @transform_2, window_bounds = array<i64: 1000, 4>}, {transform_indices = @transform_3, window_bounds = array<i64: 1000, 128>}, {pipeline_mode = #tpu.pipeline_mode<synchronous>, transform_indices = @transform_4, window_bounds = array<i64: 128, 128>}, {pipeline_mode = #tpu.pipeline_mode<synchronous>, transform_indices = @transform_5, window_bounds = array<i64: 1, 128>}, {transform_indices = @transform_6, window_bounds = array<i64: 1000, 128>}]} {
    %get3A = arith.constant 0 : index
    %get3A_0 = arith.constant 0 : index
    %get3A_1 = vector.load %arg2[%get3A, %get3A_0] : memref<1000x4xf32, #tpu.memory_space<vmem>>, vector<1000x4xf32>
    %get3A_2 = arith.constant 0 : index
    %get3A_3 = arith.constant 0 : index
    %get3A_4 = vector.load %arg3[%get3A_2, %get3A_3] : memref<1000x4xf32, #tpu.memory_space<vmem>>, vector<1000x4xf32>
    %add3A = arith.addf %get3A_1, %get3A_4 : vector<1000x4xf32>
    %add3A_5 = arith.constant 9.99999993E-9 : f32
    %add3A_6 = vector.broadcast %add3A_5 : f32 to vector<1000x4xf32>
    %add3A_7 = arith.addf %add3A, %add3A_6 : vector<1000x4xf32>
    %div3A = arith.divf %add3A, %add3A_7 : vector<1000x4xf32>
    %iota3A = tpu.iota {dimensions = array<i32: 0>} : vector<4x128xi32>
    %iota3A_8 = tpu.iota {dimensions = array<i32: 1>} : vector<4x128xi32>
    %jit3A = arith.constant 32 : i32
    %div3A_9 = vector.broadcast %jit3A : i32 to vector<4x128xi32>
    %div3A_10 = arith.divsi %iota3A_8, %div3A_9 : vector<4x128xi32>
    %sign3A = arith.constant 0 : i32
    %sign3A_11 = vector.broadcast %sign3A : i32 to vector<4x128xi32>
    %sign3A_12 = arith.cmpi sgt, %iota3A_8, %sign3A_11 : vector<4x128xi32>
    %sign3A_13 = arith.extui %sign3A_12 : vector<4x128xi1> to vector<4x128xi32>
    %sign3A_14 = arith.constant 0 : i32
    %sign3A_15 = vector.broadcast %sign3A_14 : i32 to vector<4x128xi32>
    %sign3A_16 = arith.cmpi slt, %iota3A_8, %sign3A_15 : vector<4x128xi32>
    %sign3A_17 = arith.extui %sign3A_16 : vector<4x128xi1> to vector<4x128xi32>
    %sign3A_18 = arith.subi %sign3A_13, %sign3A_17 : vector<4x128xi32>
    %sign3A_19 = arith.constant 0 : i32
    %sign3A_20 = arith.cmpi sgt, %jit3A, %sign3A_19 : i32
    %sign3A_21 = arith.extui %sign3A_20 : i1 to i32
    %sign3A_22 = arith.constant 0 : i32
    %sign3A_23 = arith.cmpi slt, %jit3A, %sign3A_22 : i32
    %sign3A_24 = arith.extui %sign3A_23 : i1 to i32
    %sign3A_25 = arith.subi %sign3A_21, %sign3A_24 : i32
    %ne3A = vector.broadcast %sign3A_25 : i32 to vector<4x128xi32>
    %ne3A_26 = arith.cmpi ne, %sign3A_18, %ne3A : vector<4x128xi32>
    %rem3A = vector.broadcast %jit3A : i32 to vector<4x128xi32>
    %rem3A_27 = arith.remsi %iota3A_8, %rem3A : vector<4x128xi32>
    %ne3A_28 = arith.constant 0 : i32
    %ne3A_29 = vector.broadcast %ne3A_28 : i32 to vector<4x128xi32>
    %ne3A_30 = arith.cmpi ne, %rem3A_27, %ne3A_29 : vector<4x128xi32>
    %and3A = arith.andi %ne3A_26, %ne3A_30 : vector<4x128xi1>
    %sub3A = arith.constant 1 : i32
    %sub3A_31 = vector.broadcast %sub3A : i32 to vector<4x128xi32>
    %sub3A_32 = arith.subi %div3A_10, %sub3A_31 : vector<4x128xi32>
    %select_n3A = arith.select %and3A, %sub3A_32, %div3A_10 : vector<4x128xi1>, vector<4x128xi32>
    %eq3A = arith.cmpi eq, %select_n3A, %iota3A : vector<4x128xi32>
    %convert_element_type3A = arith.extui %eq3A : vector<4x128xi1> to vector<4x128xi32>
    %convert_element_type3A_33 = arith.sitofp %convert_element_type3A : vector<4x128xi32> to vector<4x128xf32>
    %dot_general3A = arith.constant dense<0.000000e+00> : vector<1000x128xf32>
    %dot_general3A_34 = tpu.matmul %div3A, %convert_element_type3A_33, %dot_general3A {dimension_numbers = #tpu.dot_dimension_numbers<[1], [0], [0], [1], [0, 0, 1, 1], [], []>, transpose_lhs_hint = false} : vector<1000x4xf32>, vector<4x128xf32>, vector<1000x128xf32> -> vector<1000x128xf32>
    %get3A_35 = arith.constant 0 : index
    %get3A_36 = arith.constant 0 : index
    %get3A_37 = vector.load %arg1[%get3A_35, %get3A_36] : memref<1000x128xf32, #tpu.memory_space<vmem>>, vector<1000x128xf32>
    %mul3A = arith.mulf %get3A_37, %dot_general3A_34 : vector<1000x128xf32>
    %get3A_38 = arith.constant 0 : index
    %get3A_39 = arith.constant 0 : index
    %get3A_40 = vector.load %arg5[%get3A_38, %get3A_39] : memref<128x128xf32, #tpu.memory_space<vmem>>, vector<128x128xf32>
    %dot_general3A_41 = arith.constant dense<0.000000e+00> : vector<1000x128xf32>
    %dot_general3A_42 = tpu.matmul %mul3A, %get3A_40, %dot_general3A_41 {dimension_numbers = #tpu.dot_dimension_numbers<[1], [0], [0], [1], [0, 0, 1, 1], [], []>, transpose_lhs_hint = false} : vector<1000x128xf32>, vector<128x128xf32>, vector<1000x128xf32> -> vector<1000x128xf32>
    %get3A_43 = arith.constant 0 : index
    %get3A_44 = arith.constant 0 : index
    %get3A_45 = vector.load %arg6[%get3A_43, %get3A_44] : memref<1x128xf32, #tpu.memory_space<vmem>>, vector<1x128xf32>
    %add3A_46 = vector.broadcast %get3A_45 : vector<1x128xf32> to vector<1000x128xf32>
    %add3A_47 = arith.addf %dot_general3A_42, %add3A_46 : vector<1000x128xf32>
    %get3A_48 = arith.constant 0 : index
    %get3A_49 = arith.constant 0 : index
    %get3A_50 = vector.load %arg4[%get3A_48, %get3A_49] : memref<1000x128xf32, #tpu.memory_space<vmem>>, vector<1000x128xf32>
    %add3A_51 = arith.addf %add3A_47, %get3A_50 : vector<1000x128xf32>
    %swap3A = arith.constant 0 : index
    %swap3A_52 = arith.constant 0 : index
    %swap3A_53 = vector.load %arg7[%swap3A, %swap3A_52] : memref<1000x128xf32, #tpu.memory_space<vmem>>, vector<1000x128xf32>
    tpu.vector_store %arg7[%swap3A, %swap3A_52], %add3A_51 {strides = array<i32>} : memref<1000x128xf32, #tpu.memory_space<vmem>>, vector<1000x128xf32>,
    return
  }
  func.func @transform_0(%arg0: i32) -> (i32, i32) {
    %c0_i32 = arith.constant 0 : i32
    %c0_i32_0 = arith.constant 0 : i32
    return %arg0, %c0_i32 : i32, i32
  }
  func.func @transform_1(%arg0: i32) -> (i32, i32) {
    %c0_i32 = arith.constant 0 : i32
    %c0_i32_0 = arith.constant 0 : i32
    return %arg0, %c0_i32 : i32, i32
  }
  func.func @transform_2(%arg0: i32) -> (i32, i32) {
    %c0_i32 = arith.constant 0 : i32
    %c0_i32_0 = arith.constant 0 : i32
    return %arg0, %c0_i32 : i32, i32
  }
  func.func @transform_3(%arg0: i32) -> (i32, i32) {
    %c0_i32 = arith.constant 0 : i32
    %c0_i32_0 = arith.constant 0 : i32
    return %arg0, %c0_i32 : i32, i32
  }
  func.func @transform_4(%arg0: i32) -> (i32, i32) {
    %c0_i32 = arith.constant 0 : i32
    %c0_i32_0 = arith.constant 0 : i32
    %c0_i32_1 = arith.constant 0 : i32
    return %c0_i32, %c0_i32_0 : i32, i32
  }
  func.func @transform_5(%arg0: i32) -> (i32, i32) {
    %c0_i32 = arith.constant 0 : i32
    %c0_i32_0 = arith.constant 0 : i32
    %c0_i32_1 = arith.constant 0 : i32
    return %c0_i32, %c0_i32_0 : i32, i32
  }
  func.func @transform_6(%arg0: i32) -> (i32, i32) {
    %c0_i32 = arith.constant 0 : i32
    %c0_i32_0 = arith.constant 0 : i32
    return %arg0, %c0_i32 : i32, i32
  }
}

</mosaic_0001>

<sc_bundles>
// kernel: kernel.6.cloned.1.call-start
scs
__scs_entry_jumppad:
0x0: {  	(pc) =	sbr.rel $0x88, $3  }
0x1: {  	(tag) =	ssettag $0x0;
	lr =	simm.s32 $0x1  }
0x2: {  	[smem:$0x3F96] =	sst lr;
	_ =	strace $0xD0000000  }
0x3: {  	_ = 	snop  }
0x4: {  	_ = 	snop  }
0x5: {  	_ = 	snop  }
0x6: {  	_ = 	snop  }
0x7: {  	_ = 	snop  }
__scs_overlays_trampoline_lowered:
0x8: {  	[smem:$0x3FA5] =	sst s0  }
0x9: {  	[smem:$0x3FA6] =	sst s1  }
0xa: {  	[smem:$0x3FA7] =	sst s2  }
0xb: {  	[smem:$0x3FA8] =	sst s3  }
0xc: {  	[smem:$0x3FA9] =	sst s4  }
0xd: {  	[smem:$0x3FAA] =	sst s5  }
0xe: {  	[smem:$0x3FAB] =	sst s6  }
0xf: {  	[smem:$0x3FAC] =	sst s7  }
0x10: {  	[smem:$0x3FAD] =	sst s8  }
0x11: {  	[smem:$0x3FAE] =	sst s9;
	s0 =	simm.s32 @!p0 $0x0  }
0x12: {  	s1 =	sld [smem:$0x3F94];
	s0 =	simm.s32 @p0 $0x1  }
0x13: {  	[smem:$0x3FAF] =	sst s0;
	s0 =	simm.s32 @!p1 $0x0  }
0x14: {  	s2 =	sld [smem:$0x3F93];
	s0 =	simm.s32 @p1 $0x1  }
0x15: {  	[smem:$0x3FB0] =	sst s0;
	s0 =	simm.s32 @!p2 $0x0  }
0x16: {  	s3 =	sld [smem:$0x3FDB];
	s0 =	simm.s32 @p2 $0x1  }
0x17: {  	s4 =	simm.s32 $0x1BF5;
	[smem:$0x3FB2] =	sst s0  }
0x18: {  	s0 =	sld [smem:$0x3F95];
	_ =	swait.ge [sflag:s4], $0x0  }
0x19: {  	s7 =	sld [smem:$0x3F96]  }
0x1a: {  	s8 =	sadd.s32 $0xFFFFE003, lr  }
0x1b: {  	s9 =	sadd.s32 $0xFFFFFEF7, lr;
	s5 =	simm.s32 $0xFFFFFFFF;
	p2 =	slt.u32 s8, $0xFFFFF086  }
0x1c: {  	p1 =	slt.u32 s9, $0xF7A;
	s5 =	simm.s32 @!p2 $0x0  }
0x1d: {  	s5 =	simm.s32 @p1 $0x1;
	p0 =	seq.s32 s7, s2  }
0x1e: {  	s7 =	smul.u32 @!p0 $0xF7A, s2;
	p2 =	seq.s32 @!p0 s5, $0x0  }
0x1f: {  	s9 =	smul.u32 $0xF7A, s1;
	s8 =	simm.s32 @!p0 $0x1BF5;
	p2 =	por !p2, p0  }
0x20: {  	[sflag:s8] =	ssyncset.s32 @!p0 $0xFFFFF086;
	s6 =	sadd.s32 @!p0 s3, s7;
	s7 =	simm.s32 @!p0 $0x108  }
0x21: {  	s3 =	sadd.s32 s3, s9;
	s6 =	sadd.s32 @!p0 $0x88, s6;
	s7 =	simm.s32 @p2 $0x1082  }
0x22: {  	[simem:s7], [sflag:s8] =	dma.local @!p0 [hbm:s6], $0xF7A  }
0x23: {  	s9 =	sor.u32 $0xD0000000, s2;
	s6 =	simm.s32 $0x108;
	_ =	swait.ge @!p0 [sflag:s8], $0x0  }
0x24: {  	s3 =	sadd.s32 $0x88, s3;
	s6 =	simm.s32 @!p1 $0x1082;
	[sflag:s4] =	ssyncset.s32 $0xFFFFF086  }
0x25: {  	[simem:s6], [sflag:s4] =	dma.local [hbm:s3], $0xF7A  }
0x26: {  	[smem:$0x3F96] =	sst s1;
	(tag) =	ssettag s2;
	_ =	strace s9  }
0x27: {  	s1 =	sld [smem:$0x3FA6]  }
0x28: {  	s2 =	sld [smem:$0x3FA7]  }
0x29: {  	s4 =	sld [smem:$0x3FA9]  }
0x2a: {  	p0 =	seq.s32 s5, $0x0;
	s5 =	sld [smem:$0x3FAA]  }
0x2b: {  	s6 =	sld [smem:$0x3FAB]  }
0x2c: {  	s7 =	sld [smem:$0x3FAC]  }
0x2d: {  	s3 =	simm.s32 $0x108;
	s8 =	sld [smem:$0x3FAD]  }
0x2e: {  	s3 =	simm.s32 @!p0 $0x1082;
	s9 =	sld [smem:$0x3FAE]  }
0x2f: {  	lr =	sadd.s32 s0, s3;
	s0 =	sld [smem:$0x3FA5]  }
0x30: {  	s3 =	sld [smem:$0x3FA8]  }
0x31: {  	[smem:$0x3FB1] =	sst s10  }
0x32: {  	s10 =	sld [smem:$0x3FAF];
	_ =	sdelay $0x3  }
0x33: {  	p0 =	seq.s32 s10, $0x1;
	s10 =	sld [smem:$0x3FB1];
	_ =	sdelay $0x3  }
0x34: {  	[smem:$0x3FB1] =	sst s10  }
0x35: {  	s10 =	sld [smem:$0x3FB0];
	_ =	sdelay $0x3  }
0x36: {  	p1 =	seq.s32 s10, $0x1;
	s10 =	sld [smem:$0x3FB1];
	_ =	sdelay $0x3  }
0x37: {  	[smem:$0x3FB1] =	sst s10  }
0x38: {  	s10 =	sld [smem:$0x3FB2]  }
0x39: {  	_ = 	snop;
	(pc) =	sbr.ind lr, $3  }
0x3a: {  	_ = 	snop  }
0x3b: {  	_ = 	snop  }
0x3c: {  	p2 =	seq.s32 s10, $0x1;
	s10 =	sld [smem:$0x3FB1]  }
0x3d: {  	_ =	shalt  }
0x3e: {  	_ =	shalt  }
0x3f: {  	_ =	shalt  }
0x40: {  	_ =	shalt  }
0x41: {  	_ =	shalt  }
0x42: {  	_ =	shalt  }
0x43: {  	_ =	shalt  }
0x44: {  	_ =	shalt  }
0x45: {  	_ =	shalt  }
0x46: {  	_ =	shalt  }
0x47: {  	_ =	shalt  }
0x48: {  	_ =	shalt  }
0x49: {  	_ =	shalt  }
0x4a: {  	_ =	shalt  }
0x4b: {  	_ =	shalt  }
0x4c: {  	_ =	shalt  }
0x4d: {  	_ =	shalt  }
0x4e: {  	_ =	shalt  }
0x4f: {  	_ =	shalt  }
0x50: {  	_ =	shalt  }
0x51: {  	_ =	shalt  }
0x52: {  	_ =	shalt  }
0x53: {  	_ =	shalt  }
0x54: {  	_ =	shalt  }
0x55: {  	_ =	shalt  }
0x56: {  	_ =	shalt  }
0x57: {  	_ =	shalt  }
0x58: {  	_ =	shalt  }
0x59: {  	_ =	shalt  }
0x5a: {  	_ =	shalt  }
0x5b: {  	_ =	shalt  }
0x5c: {  	_ =	shalt  }
0x5d: {  	_ =	shalt  }
0x5e: {  	_ =	shalt  }
0x5f: {  	_ =	shalt  }
0x60: {  	_ =	shalt  }
0x61: {  	_ =	shalt  }
0x62: {  	_ =	shalt  }
0x63: {  	_ =	shalt  }
0x64: {  	_ =	shalt  }
0x65: {  	_ =	shalt  }
0x66: {  	_ =	shalt  }
0x67: {  	_ =	shalt  }
0x68: {  	_ =	shalt  }
0x69: {  	_ =	shalt  }
0x6a: {  	_ =	shalt  }
0x6b: {  	_ =	shalt  }
0x6c: {  	_ =	shalt  }
0x6d: {  	_ =	shalt  }
0x6e: {  	_ =	shalt  }
0x6f: {  	_ =	shalt  }
0x70: {  	_ =	shalt  }
0x71: {  	_ =	shalt  }
0x72: {  	_ =	shalt  }
0x73: {  	_ =	shalt  }
0x74: {  	_ =	shalt  }
0x75: {  	_ =	shalt  }
0x76: {  	_ =	shalt  }
0x77: {  	_ =	shalt  }
0x78: {  	_ =	shalt  }
0x79: {  	_ =	shalt  }
0x7a: {  	_ =	shalt  }
0x7b: {  	_ =	shalt  }
0x7c: {  	_ =	shalt  }
0x7d: {  	_ =	shalt  }
0x7e: {  	_ =	shalt  }
0x7f: {  	_ =	shalt  }
0x80: {  	_ =	shalt  }
0x81: {  	_ =	shalt  }
0x82: {  	_ =	shalt  }
0x83: {  	_ =	shalt  }
0x84: {  	_ =	shalt  }
0x85: {  	_ =	shalt  }
0x86: {  	_ =	shalt  }
0x87: {  	_ =	shalt  }
.Lfunc_end0:
.L_simem_size_0:
called_computation_lowered:
.L_overlay_start_0:
0x88: {  	s2 =	sld [smem:$0x3FD9]  }
0x89: {  	s3 =	sld [smem:$0x3FFE];
	_ =	sdelay $0x1  }
0x8a: {  	s1 =	srdreg.scid  }
0x8b: {  	s0 =	sand.u32 $0x1, s1  }
0x8c: {  	s17 =	sshll.u32 s0, $0xA;
	s2 =	sadd.s32 s3, s2  }
0x8d: {  	s2 =	sadd.s32 s2, s17  }
0x8e: {  	[smem:$0x3FBD] =	sst s2  }
0x8f: {  	_ = 	snop  }
0x90: {  	s2 =	sld [smem:$0x3FD0];
	(tm) =	ssettm $0x1  }
0x91: {  	s18 =	sld [smem:$0x3FFB];
	_ =	sdelay $0x3  }
0x92: {  	_ =	strace s18  }
0x93: {  	s3 =	sld [smem:$0x3FFC];
	_ =	sdelay $0x3  }
0x94: {  	_ =	strace s3  }
0x95: {  	s3 =	sld [smem:$0x3FFD];
	_ =	sdelay $0x3  }
0x96: {  	_ =	strace s3  }
0x97: {  	_ =	strace $0x8FFFFFFF  }
0x98: {  	s19 =	sld [smem:$0x3FDB];
	_ =	sdelay $0x1  }
0x99: {  	s4 =	simm.s32 $_scs_section_size  }
0x9a: {  	s5 =	simm.s32 $_size__tile_overlayer_lowered;
	s6 =	simm.s32 $_tile_overlayer_lowered  }
0x9b: {  	s22 =	simm.s32 $0x1BFF;
	s21 =	sshll.u32 s6, $0x1;
	s3 =	sadd.s32 s4, s19  }
0x9c: {  	s7 =	simm.s32 $0x0;
	s20 =	sshll.u32 s5, $0x1;
	s5 =	sadd.s32 s21, s3  }
0x9d: {  	[timem:s7], [sflag:s22] =	dma.local [hbm:s5], s20  }
0x9e: {  	_ =	swait.ge [sflag:s22], s20  }
0x9f: {  	s4 =	ssub.s32 $0x0, s20;
	[sflag:s22] =	ssyncset.done $0x0  }
0xa0: {  	[sflag:s22] =	ssyncadd.s32 s4;
	_ =	sdelay $0x1  }
0xa1: {  	s23 =	simm.s32 $0x1B8B  }
0xa2: {  	_ =	swait.ge [sflag:s23], $0x1  }
0xa3: {  	[sflag:s23] =	ssyncset.done $0x0  }
0xa4: {  	s25 =	simm.s32 $0x1B8E;
	s24 =	sld [smem:$0x3FFE];
	[sflag:s23] =	ssyncadd.s32 $0xFFFFFFFF  }
0xa5: {  	s26 =	simm.s32 $execute0_lowered;
	[smem:$0x3FD2] =	sst s25  }
0xa6: {  	s5 =	sshll.u32 s26, $0x1;
	_ =	strace $0x80000046;
	[dreg:$0x1] =	wrdreg $0xFFFFFFFF  }
0xa7: {  	s28 =	simm.s32 $_size_execute0_lowered;
	s3 =	sadd.s32 s3, s5;
	[dreg:$0x0] =	wrdreg $0x0  }
0xa8: {  	s5 =	sshll.u32 s28, $0x1;
	[dreg:$0x2] =	wrdreg s3  }
0xa9: {  	[dreg:$0x3] =	wrdreg s5  }
0xaa: {  	[dreg:$0x4] =	wrdreg $0xC0  }
0xab: {  	_ =	task [dreg:s7], $0x5FFFF  }
0xac: {  	[dreg:$0x1] =	wrdreg $0xFFFFFFFF  }
0xad: {  	[dreg:$0x0] =	wrdreg $0x60  }
0xae: {  	[dreg:$0x2] =	wrdreg s2  }
0xaf: {  	[dreg:$0x3] =	wrdreg s24  }
0xb0: {  	[dreg:$0x4] =	wrdreg $0xF1000  }
0xb1: {  	[dreg:$0x5] =	wrdreg $0x9  }
0xb2: {  	_ =	task.clear_ibuf [dreg:s7], $0x6FFFF;
	_ =	strace $0x90000046  }
0xb3: {  	s29 =	simm.s32 $0x9;
	_ =	strace $0x80000048  }
0xb4: {  	_ =	swait.ge [sflag:s29], $0x1  }
0xb5: {  	[sflag:s29] =	ssyncadd.s32 $0xFFFFFFFF  }
0xb6: {  	_ =	strace $0x90000048  }
0xb7: {  	_ =	sfence  }
0xb8: {  	s30 =	sld [smem:$0x0];
	_ =	sdelay $0x2  }
0xb9: {  	s31 =	sshll.u32 s1, $0xD;
	s1 =	sshrl.u32 s1, $0x2  }
0xba: {  	s3 =	sand.u32 $0x4000, s31;
	s1 =	sadd.s32 s1, s30  }
0xbb: {  	s0 =	sor.u32 s3, s0;
	s1 =	sshll.u32 s1, $0x11  }
0xbc: {  	s0 =	sor.u32 s1, s0  }
0xbd: {  	s0 =	sadd.s32 $0x8F2B, s0  }
0xbe: {  	[sflag:s0] =	ssyncadd.remote.s32 $0x1  }
0xbf: {  	_ =	sfence.sel $0xFFFF  }
0xc0: {  	[dreg:$0x0] =	wrdreg $0xFFFFFFFF;
	(pc) =	sbr.abs _section_cstart, $3  }
0xc1: {  	[dreg:$0x1] =	wrdreg $0xFFFFFFFF  }
0xc2: {  	_ =	task.clear_ibuf [dreg:s7], $0x2FFFF;
	_ =	strace $0x9FFFFFFF  }
0xc3: {  	(tm) =	ssettm $0x7FFFFFFF  }
tec
execute0_lowered:
.L_overlay_start_1:
0x0: {  	(tag) =	ssettag $0x1  }
0x1: {  	s1 =	rddreg [dreg:$0x0]  }
0x2: {  	s0 =	rddreg [dreg:$0x1]  }
0x3: {  	s2 =	rddreg [dreg:$0x2]  }
0x4: {  	s3 =	simm.s32 $0x0;
	s8 =	srdreg.scid;
	s11 =	stileid.u32  }
0x5: {  	s13 =	simm.s32 $0x3;
	s14 =	simm.s32 $0x80;
	s15 =	simm.s32 $0x5280  }
0x6: {  	s16 =	simm.s32 $0x5300;
	s17 =	simm.s32 $0x5380;
	s18 =	simm.s32 $0x5400  }
0x7: {  	s19 =	simm.s32 $0x50;
	s20 =	simm.s32 $0x100;
	s21 =	simm.s32 $0x2900  }
0x8: {  	s22 =	simm.s32 $0x1;
	s23 =	simm.s32 $0x2;
	s24 =	simm.s32 $0x5100  }
0x9: {  	s25 =	simm.s32 $0x5150;
	s26 =	simm.s32 $0x51A0;
	s28 =	simm.s32 $0x51F0  }
0xa: {  	s29 =	simm.s32 $0x0;
	[smem:$0x7FF] =	sst s3;
	s4 =	sadd.s32 $0x3C400, s0  }
0xb: {  	s5 =	sadd.s32 $0x1600, s0;
	s6 =	sadd.s32 $0xB400, s0;
	s8 =	sand.u32 $0x1, s8  }
0xc: {  	s7 =	sadd.s32 $0x15200, s0;
	s9 =	sadd.s32 $0x63600, s0;
	s10 =	smul.u32 $0x1388, s8  }
0xd: {  	_ =	strace $0x80000047;
	[dreg:$0x4] =	wrdreg s9;
	s12 =	ssub.s32 $0x2, s8  }
0xe: {  	s9 =	sadd.s32 $0x64A00, s0;
	s30 =	sshrl.u32 s12, $0x1;
	s0 =	sadd.s32 s10, s0  }
0xf: {  	s8 =	sshll.u32 s8, $0x4;
	s12 =	ssub.s32 s12, s30;
	s0 =	sadd.s32 $0x8BC00, s0  }
0x10: {  	v0 =	vlaneseq.u32;
	s8 =	sor.u32 s11, s8;
	s31 =	smax.u32 s12, $0x1;
	[dreg:$0x5] =	wrdreg s0  }
0x11: {  	p0 =	sne.s32 s11, $0x0;
	v0 =	vmul.u32 $0x80, v0;
	s10 =	smul.u32 $0x2710, s8;
	[dreg:$0x6] =	wrdreg s31  }
.LBB2_1:
0x12: {  	s0 =	simm.s32 @!p0 $0x0;
	s8 =	simm.s32 @!p0 $0x5480;
	s11 =	rddreg [dreg:$0x4]  }
0x13: {  	[tilespmem:s8], [sflag:$0x3] =	stream.linear.gather @!p0 [hbm4b:s11+s0], $0x9C80, $0x38;
	[tilespmem:$0xFAC8] =	vst v63  }
0x14: {  	s0 =	simm.s32 @!p0 $0x3  }
0x15: {  	_ =	swait.ge @!p0 [sflag:s0], $0x9C80  }
0x16: {  	[sflag:s0] =	ssyncset.done @!p0 $0x0  }
0x17: {  	[sflag:s0] =	ssyncadd.s32 @!p0 $0xFFFF6380  }
0x18: {  	[spmem:s2] =	stream.linear.scatter @!p0 [tilespmem:s8], [sflag:$0x3], $0x9C80, $0x38;
	[tilespmem:$0xFAC8] =	vst v63  }
0x19: {  	_ =	swait.ge @!p0 [sflag:s0], $0x9C80  }
0x1a: {  	[sflag:s0] =	ssyncset.done @!p0 $0x0  }
0x1b: {  	[sflag:s0] =	ssyncadd.s32 @!p0 $0xFFFF6380  }
0x1c: {  	s30 =	simm.s32 $0x0;
	[bflag:$0x0] =	sbarrier.arrive $0xFFFF  }
.LBB2_2:
0x1d: {  	s0 =	smul.u32 $0x50, s30;
	_ =	sdelay $0x1  }
0x1e: {  	s31 =	sadd.s32 s10, s0  }
0x1f: {  	s0 =	sshrl.u32 s31, $0x3  }
0x20: {  	s11 =	simm.s32 $0x0;
	s8 =	sadd.s32 s5, s0  }
0x21: {  	[tilespmem:s11], [sflag:$0x3] =	stream.linear.gather [hbm4b:s8+s11], $0x50, $0x38;
	[tilespmem:$0xFAC8] =	vst v63  }
0x22: {  	_ =	swait.ge [sflag:s13], $0x50  }
0x23: {  	[sflag:s13] =	ssyncset.done $0x0  }
0x24: {  	s12 =	sadd.s32 s6, s0;
	[sflag:s13] =	ssyncadd.s32 $0xFFFFFFB0  }
0x25: {  	[tilespmem:s14], [sflag:$0x3] =	stream.linear.gather [hbm4b:s12+s11], $0x50, $0x38;
	[tilespmem:$0xFAC8] =	vst v63  }
0x26: {  	_ =	swait.ge [sflag:s13], $0x50  }
0x27: {  	[sflag:s13] =	ssyncset.done $0x0  }
0x28: {  	s0 =	sadd.s32 s7, s0;
	[sflag:s13] =	ssyncadd.s32 $0xFFFFFFB0  }
0x29: {  	[tilespmem:s15], [sflag:$0x3] =	stream.linear.gather [hbm4b:s0+s11], $0x50, $0x38;
	[tilespmem:$0xFAC8] =	vst v63  }
0x2a: {  	_ =	swait.ge [sflag:s13], $0x50  }
0x2b: {  	[sflag:s13] =	ssyncset.done $0x0  }
0x2c: {  	s12 =	sadd.s32 $0x9C40, s0;
	[sflag:s13] =	ssyncadd.s32 $0xFFFFFFB0  }
0x2d: {  	[tilespmem:s16], [sflag:$0x3] =	stream.linear.gather [hbm4b:s12+s11], $0x50, $0x38;
	[tilespmem:$0xFAC8] =	vst v63  }
0x2e: {  	_ =	swait.ge [sflag:s13], $0x50  }
0x2f: {  	[sflag:s13] =	ssyncset.done $0x0  }
0x30: {  	s12 =	sadd.s32 $0x13880, s0;
	[sflag:s13] =	ssyncadd.s32 $0xFFFFFFB0  }
0x31: {  	[tilespmem:s17], [sflag:$0x3] =	stream.linear.gather [hbm4b:s12+s11], $0x50, $0x38;
	[tilespmem:$0xFAC8] =	vst v63  }
0x32: {  	_ =	swait.ge [sflag:s13], $0x50  }
0x33: {  	[sflag:s13] =	ssyncset.done $0x0  }
0x34: {  	s0 =	sadd.s32 $0x1D4C0, s0;
	[sflag:s13] =	ssyncadd.s32 $0xFFFFFFB0  }
0x35: {  	[tilespmem:s18], [sflag:$0x3] =	stream.linear.gather [hbm4b:s0+s11], $0x50, $0x38;
	[tilespmem:$0xFAC8] =	vst v63  }
0x36: {  	_ =	swait.ge [sflag:s13], $0x50  }
0x37: {  	[sflag:s13] =	ssyncset.done $0x0  }
0x38: {  	[sflag:s13] =	ssyncadd.s32 $0xFFFFFFB0  }
0x39: {  	[tilespmem:s20], [sflag:$0x1] =	stream.indirect.gather [hbm4b:s1+s19], $0x80, s11, s19, $0xb8;
	[tilespmem:$0xFAC8] =	vst v63  }
0x3a: {  	_ = 	snop  }
0x3b: {  	v1 =	vmov s11;
	[tilespmem:s21], [sflag:$0x2] =	stream.indirect.gather [hbm4b:s4+s19], $0x80, s14, s19, $0xb8;
	[tilespmem:$0xFAC8] =	vst v63  }
0x3c: {  	v1 =	vshll.u32 v1, $0x7;
	_ =	swait.ge [sflag:s22], $0x2800  }
0x3d: {  	v1 =	vor.u32 v0, v1;
	[sflag:s22] =	ssyncset.done $0x0  }
0x3e: {  	[sflag:s22] =	ssyncadd.s32 $0xFFFFD800  }
0x3f: {  	v2 =	vor.u32 $0x1, v1;
	_ =	swait.ge [sflag:s23], $0x2800  }
0x40: {  	[sflag:s23] =	ssyncset.done $0x0  }
0x41: {  	v3 =	vor.u32 $0x2, v1;
	[sflag:s23] =	ssyncadd.s32 $0xFFFFD800  }
0x42: {  	v4 =	vld.idx.msk [tilespmem:v1+s20+$0x0], $0xffff  }
0x43: {  	v5 =	vor.u32 $0x3, v1;
	v6 =	vld.idx.msk [tilespmem:v1+s21+$0x0], $0xffff  }
0x44: {  	v7 =	vld.idx.msk [tilespmem:v2+s21+$0x0], $0xffff  }
0x45: {  	v8 =	vor.u32 $0x4, v1;
	v2 =	vld.idx.msk [tilespmem:v2+s20+$0x0], $0xffff  }
0x46: {  	v9 =	vld.idx.msk [tilespmem:v3+s21+$0x0], $0xffff  }
0x47: {  	v10 =	vor.u32 $0x5, v1;
	v3 =	vld.idx.msk [tilespmem:v3+s20+$0x0], $0xffff  }
0x48: {  	v11 =	vld.idx.msk [tilespmem:v5+s21+$0x0], $0xffff;
	v4 =	vmul.f32 v6, v4  }
0x49: {  	v5 =	vld.idx.msk [tilespmem:v5+s20+$0x0], $0xffff;
	v6 =	vor.u32 $0x6, v1  }
0x4a: {  	v12 =	vld.idx.msk [tilespmem:v8+s21+$0x0], $0xffff;
	v2 =	vmul.f32 v7, v2;
	v4 =	vadd.f32 $0.0e+00, v4  }
0x4b: {  	v8 =	vld.idx.msk [tilespmem:v8+s20+$0x0], $0xffff;
	v7 =	vor.u32 $0x7, v1  }
0x4c: {  	v13 =	vld.idx.msk [tilespmem:v10+s21+$0x0], $0xffff;
	v3 =	vmul.f32 v9, v3;
	v2 =	vadd.f32 v2, v4  }
0x4d: {  	v55 =	vld.idx.msk [tilespmem:v10+s20+$0x0], $0xffff;
	v4 =	vor.u32 $0x8, v1  }
0x4e: {  	v56 =	vld.idx.msk [tilespmem:v6+s21+$0x0], $0xffff;
	v2 =	vadd.f32 v3, v2;
	v3 =	vmul.f32 v11, v5  }
0x4f: {  	v6 =	vld.idx.msk [tilespmem:v6+s20+$0x0], $0xffff;
	v5 =	vor.u32 $0x9, v1  }
0x50: {  	v57 =	vld.idx.msk [tilespmem:v7+s21+$0x0], $0xffff;
	v2 =	vadd.f32 v3, v2;
	v3 =	vmul.f32 v12, v8  }
0x51: {  	v7 =	vld.idx.msk [tilespmem:v7+s20+$0x0], $0xffff;
	v8 =	vor.u32 $0xA, v1  }
0x52: {  	v58 =	vld.idx.msk [tilespmem:v4+s21+$0x0], $0xffff;
	v2 =	vadd.f32 v3, v2;
	v3 =	vmul.f32 v13, v55  }
0x53: {  	v59 =	vor.u32 $0xB, v1;
	v4 =	vld.idx.msk [tilespmem:v4+s20+$0x0], $0xffff  }
0x54: {  	v60 =	vld.idx.msk [tilespmem:v5+s21+$0x0], $0xffff;
	v2 =	vadd.f32 v3, v2;
	v3 =	vmul.f32 v56, v6  }
0x55: {  	v5 =	vld.idx.msk [tilespmem:v5+s20+$0x0], $0xffff;
	v6 =	vor.u32 $0xC, v1  }
0x56: {  	v61 =	vld.idx.msk [tilespmem:v8+s21+$0x0], $0xffff;
	v2 =	vadd.f32 v3, v2;
	v3 =	vmul.f32 v57, v7  }
0x57: {  	v8 =	vld.idx.msk [tilespmem:v8+s20+$0x0], $0xffff;
	v7 =	vor.u32 $0xD, v1  }
0x58: {  	v62 =	vld.idx.msk [tilespmem:v59+s21+$0x0], $0xffff;
	v2 =	vadd.f32 v3, v2;
	v3 =	vmul.f32 v58, v4  }
0x59: {  	v9 =	vld.idx.msk [tilespmem:v59+s20+$0x0], $0xffff;
	v4 =	vor.u32 $0xE, v1  }
0x5a: {  	v63 =	vld.idx.msk [tilespmem:v6+s21+$0x0], $0xffff;
	v2 =	vadd.f32 v3, v2;
	v3 =	vmul.f32 v60, v5  }
0x5b: {  	v6 =	vld.idx.msk [tilespmem:v6+s20+$0x0], $0xffff;
	v5 =	vor.u32 $0xF, v1  }
0x5c: {  	v16 =	vld.idx.msk [tilespmem:v7+s21+$0x0], $0xffff;
	v2 =	vadd.f32 v3, v2;
	v3 =	vmul.f32 v61, v8  }
0x5d: {  	v7 =	vld.idx.msk [tilespmem:v7+s20+$0x0], $0xffff;
	v8 =	vor.u32 $0x10, v1  }
0x5e: {  	v17 =	vld.idx.msk [tilespmem:v4+s21+$0x0], $0xffff;
	v2 =	vadd.f32 v3, v2;
	v3 =	vmul.f32 v62, v9  }
0x5f: {  	v18 =	vor.u32 $0x11, v1;
	v4 =	vld.idx.msk [tilespmem:v4+s20+$0x0], $0xffff  }
0x60: {  	v19 =	vld.idx.msk [tilespmem:v5+s21+$0x0], $0xffff;
	v2 =	vadd.f32 v3, v2;
	v3 =	vmul.f32 v63, v6  }
0x61: {  	v5 =	vld.idx.msk [tilespmem:v5+s20+$0x0], $0xffff;
	v6 =	vor.u32 $0x12, v1  }
0x62: {  	v20 =	vld.idx.msk [tilespmem:v8+s21+$0x0], $0xffff;
	v2 =	vadd.f32 v3, v2;
	v3 =	vmul.f32 v16, v7  }
0x63: {  	v8 =	vld.idx.msk [tilespmem:v8+s20+$0x0], $0xffff;
	v7 =	vor.u32 $0x13, v1  }
0x64: {  	v21 =	vld.idx.msk [tilespmem:v18+s21+$0x0], $0xffff;
	v2 =	vadd.f32 v3, v2;
	v3 =	vmul.f32 v17, v4  }
0x65: {  	v9 =	vld.idx.msk [tilespmem:v18+s20+$0x0], $0xffff;
	v4 =	vor.u32 $0x14, v1  }
0x66: {  	v22 =	vld.idx.msk [tilespmem:v6+s21+$0x0], $0xffff;
	v2 =	vadd.f32 v3, v2;
	v3 =	vmul.f32 v19, v5  }
0x67: {  	v6 =	vld.idx.msk [tilespmem:v6+s20+$0x0], $0xffff;
	v5 =	vor.u32 $0x15, v1  }
0x68: {  	v23 =	vld.idx.msk [tilespmem:v7+s21+$0x0], $0xffff;
	v2 =	vadd.f32 v3, v2;
	v3 =	vmul.f32 v20, v8  }
0x69: {  	v7 =	vld.idx.msk [tilespmem:v7+s20+$0x0], $0xffff;
	v8 =	vor.u32 $0x16, v1  }
0x6a: {  	v24 =	vld.idx.msk [tilespmem:v4+s21+$0x0], $0xffff;
	v2 =	vadd.f32 v3, v2;
	v3 =	vmul.f32 v21, v9  }
0x6b: {  	v25 =	vor.u32 $0x17, v1;
	v4 =	vld.idx.msk [tilespmem:v4+s20+$0x0], $0xffff  }
0x6c: {  	v26 =	vld.idx.msk [tilespmem:v5+s21+$0x0], $0xffff;
	v2 =	vadd.f32 v3, v2;
	v3 =	vmul.f32 v22, v6  }
0x6d: {  	v5 =	vld.idx.msk [tilespmem:v5+s20+$0x0], $0xffff;
	v6 =	vor.u32 $0x18, v1  }
0x6e: {  	v27 =	vld.idx.msk [tilespmem:v8+s21+$0x0], $0xffff;
	v2 =	vadd.f32 v3, v2;
	v3 =	vmul.f32 v23, v7  }
0x6f: {  	v8 =	vld.idx.msk [tilespmem:v8+s20+$0x0], $0xffff;
	v7 =	vor.u32 $0x19, v1  }
0x70: {  	v28 =	vld.idx.msk [tilespmem:v25+s21+$0x0], $0xffff;
	v2 =	vadd.f32 v3, v2;
	v3 =	vmul.f32 v24, v4  }
0x71: {  	v9 =	vld.idx.msk [tilespmem:v25+s20+$0x0], $0xffff;
	v4 =	vor.u32 $0x1A, v1  }
0x72: {  	v29 =	vld.idx.msk [tilespmem:v6+s21+$0x0], $0xffff;
	v2 =	vadd.f32 v3, v2;
	v3 =	vmul.f32 v26, v5  }
0x73: {  	v6 =	vld.idx.msk [tilespmem:v6+s20+$0x0], $0xffff;
	v5 =	vor.u32 $0x1B, v1  }
0x74: {  	v30 =	vld.idx.msk [tilespmem:v7+s21+$0x0], $0xffff;
	v2 =	vadd.f32 v3, v2;
	v3 =	vmul.f32 v27, v8  }
0x75: {  	v7 =	vld.idx.msk [tilespmem:v7+s20+$0x0], $0xffff;
	v8 =	vor.u32 $0x1C, v1  }
0x76: {  	v31 =	vld.idx.msk [tilespmem:v4+s21+$0x0], $0xffff;
	v2 =	vadd.f32 v3, v2;
	v3 =	vmul.f32 v28, v9  }
0x77: {  	v32 =	vor.u32 $0x1D, v1;
	v4 =	vld.idx.msk [tilespmem:v4+s20+$0x0], $0xffff  }
0x78: {  	v33 =	vld.idx.msk [tilespmem:v5+s21+$0x0], $0xffff;
	v2 =	vadd.f32 v3, v2;
	v3 =	vmul.f32 v29, v6  }
0x79: {  	v5 =	vld.idx.msk [tilespmem:v5+s20+$0x0], $0xffff;
	v6 =	vor.u32 $0x1E, v1  }
0x7a: {  	v34 =	vld.idx.msk [tilespmem:v8+s21+$0x0], $0xffff;
	v2 =	vadd.f32 v3, v2;
	v3 =	vmul.f32 v30, v7  }
0x7b: {  	v8 =	vld.idx.msk [tilespmem:v8+s20+$0x0], $0xffff;
	v7 =	vor.u32 $0x1F, v1  }
0x7c: {  	v35 =	vld.idx.msk [tilespmem:v32+s21+$0x0], $0xffff;
	v2 =	vadd.f32 v3, v2;
	v3 =	vmul.f32 v31, v4  }
0x7d: {  	v4 =	vld.idx.msk [tilespmem:v32+s20+$0x0], $0xffff  }
0x7e: {  	v36 =	vld.idx.msk [tilespmem:v6+s21+$0x0], $0xffff;
	v2 =	vadd.f32 v3, v2;
	v3 =	vmul.f32 v33, v5  }
0x7f: {  	v5 =	vld.idx.msk [tilespmem:v6+s20+$0x0], $0xffff  }
0x80: {  	v6 =	vld.idx.msk [tilespmem:v7+s21+$0x0], $0xffff;
	v2 =	vadd.f32 v3, v2;
	v3 =	vmul.f32 v34, v8  }
0x81: {  	v7 =	vld.idx.msk [tilespmem:v7+s20+$0x0], $0xffff  }
0x82: {  	v2 =	vadd.f32 v3, v2;
	v3 =	vmul.f32 v35, v4;
	_ =	sdelay $0x1  }
0x83: {  	v2 =	vadd.f32 v3, v2;
	v3 =	vmul.f32 v36, v5;
	_ =	sdelay $0x1  }
0x84: {  	v4 =	vor.u32 $0x20, v1;
	v2 =	vadd.f32 v3, v2;
	v3 =	vmul.f32 v6, v7;
	_ =	sdelay $0x1  }
0x85: {  	v2 =	vadd.f32 v3, v2;
	v3 =	vor.u32 $0x21, v1  }
0x86: {  	s0 =	simm.s32 $0x51A0  }
0x87: {  	[tilespmem:s0+$0xFFFFFF60] =	vst v2;
	v2 =	vor.u32 $0x22, v1  }
0x88: {  	v5 =	vld.idx.msk [tilespmem:v4+s20+$0x0], $0xffff  }
0x89: {  	v6 =	vor.u32 $0x23, v1;
	v4 =	vld.idx.msk [tilespmem:v4+s21+$0x0], $0xffff  }
0x8a: {  	v7 =	vld.idx.msk [tilespmem:v3+s21+$0x0], $0xffff  }
0x8b: {  	v8 =	vor.u32 $0x24, v1;
	v3 =	vld.idx.msk [tilespmem:v3+s20+$0x0], $0xffff  }
0x8c: {  	v37 =	vld.idx.msk [tilespmem:v2+s21+$0x0], $0xffff  }
0x8d: {  	v38 =	vor.u32 $0x25, v1;
	v2 =	vld.idx.msk [tilespmem:v2+s20+$0x0], $0xffff  }
0x8e: {  	v39 =	vld.idx.msk [tilespmem:v6+s21+$0x0], $0xffff;
	v4 =	vmul.f32 v4, v5  }
0x8f: {  	v5 =	vld.idx.msk [tilespmem:v6+s20+$0x0], $0xffff;
	v6 =	vor.u32 $0x26, v1  }
0x90: {  	v40 =	vld.idx.msk [tilespmem:v8+s21+$0x0], $0xffff;
	v4 =	vadd.f32 $0.0e+00, v4;
	v3 =	vmul.f32 v7, v3  }
0x91: {  	v7 =	vld.idx.msk [tilespmem:v8+s20+$0x0], $0xffff;
	v8 =	vor.u32 $0x27, v1  }
0x92: {  	v41 =	vld.idx.msk [tilespmem:v38+s21+$0x0], $0xffff;
	v3 =	vadd.f32 v3, v4;
	v2 =	vmul.f32 v37, v2  }
0x93: {  	v42 =	vor.u32 $0x28, v1;
	v4 =	vld.idx.msk [tilespmem:v38+s20+$0x0], $0xffff  }
0x94: {  	v43 =	vld.idx.msk [tilespmem:v6+s21+$0x0], $0xffff;
	v2 =	vadd.f32 v2, v3;
	v3 =	vmul.f32 v39, v5  }
0x95: {  	v5 =	vld.idx.msk [tilespmem:v6+s20+$0x0], $0xffff;
	v6 =	vor.u32 $0x29, v1  }
0x96: {  	v44 =	vld.idx.msk [tilespmem:v8+s21+$0x0], $0xffff;
	v2 =	vadd.f32 v3, v2;
	v3 =	vmul.f32 v40, v7  }
0x97: {  	v7 =	vld.idx.msk [tilespmem:v8+s20+$0x0], $0xffff;
	v8 =	vor.u32 $0x2A, v1  }
0x98: {  	v45 =	vld.idx.msk [tilespmem:v42+s21+$0x0], $0xffff;
	v2 =	vadd.f32 v3, v2;
	v3 =	vmul.f32 v41, v4  }
0x99: {  	v46 =	vor.u32 $0x2B, v1;
	v4 =	vld.idx.msk [tilespmem:v42+s20+$0x0], $0xffff  }
0x9a: {  	v47 =	vld.idx.msk [tilespmem:v6+s21+$0x0], $0xffff;
	v2 =	vadd.f32 v3, v2;
	v3 =	vmul.f32 v43, v5  }
0x9b: {  	v5 =	vld.idx.msk [tilespmem:v6+s20+$0x0], $0xffff;
	v6 =	vor.u32 $0x2C, v1  }
0x9c: {  	v48 =	vld.idx.msk [tilespmem:v8+s21+$0x0], $0xffff;
	v2 =	vadd.f32 v3, v2;
	v3 =	vmul.f32 v44, v7  }
0x9d: {  	v7 =	vld.idx.msk [tilespmem:v8+s20+$0x0], $0xffff;
	v8 =	vor.u32 $0x2D, v1  }
0x9e: {  	v49 =	vld.idx.msk [tilespmem:v46+s21+$0x0], $0xffff;
	v2 =	vadd.f32 v3, v2;
	v3 =	vmul.f32 v45, v4  }
0x9f: {  	v50 =	vor.u32 $0x2E, v1;
	v4 =	vld.idx.msk [tilespmem:v46+s20+$0x0], $0xffff  }
0xa0: {  	v51 =	vld.idx.msk [tilespmem:v6+s21+$0x0], $0xffff;
	v2 =	vadd.f32 v3, v2;
	v3 =	vmul.f32 v47, v5  }
0xa1: {  	v5 =	vld.idx.msk [tilespmem:v6+s20+$0x0], $0xffff;
	v6 =	vor.u32 $0x2F, v1  }
0xa2: {  	v52 =	vld.idx.msk [tilespmem:v8+s21+$0x0], $0xffff;
	v2 =	vadd.f32 v3, v2;
	v3 =	vmul.f32 v48, v7  }
0xa3: {  	v7 =	vld.idx.msk [tilespmem:v8+s20+$0x0], $0xffff;
	v8 =	vor.u32 $0x30, v1  }
0xa4: {  	v53 =	vld.idx.msk [tilespmem:v50+s21+$0x0], $0xffff;
	v2 =	vadd.f32 v3, v2;
	v3 =	vmul.f32 v49, v4  }
0xa5: {  	v54 =	vor.u32 $0x31, v1;
	v4 =	vld.idx.msk [tilespmem:v50+s20+$0x0], $0xffff  }
0xa6: {  	v55 =	vld.idx.msk [tilespmem:v6+s21+$0x0], $0xffff;
	v2 =	vadd.f32 v3, v2;
	v3 =	vmul.f32 v51, v5  }
0xa7: {  	v5 =	vld.idx.msk [tilespmem:v6+s20+$0x0], $0xffff;
	v6 =	vor.u32 $0x32, v1  }
0xa8: {  	v56 =	vld.idx.msk [tilespmem:v8+s21+$0x0], $0xffff;
	v2 =	vadd.f32 v3, v2;
	v3 =	vmul.f32 v52, v7  }
0xa9: {  	v7 =	vld.idx.msk [tilespmem:v8+s20+$0x0], $0xffff;
	v8 =	vor.u32 $0x33, v1  }
0xaa: {  	v57 =	vld.idx.msk [tilespmem:v54+s21+$0x0], $0xffff;
	v2 =	vadd.f32 v3, v2;
	v3 =	vmul.f32 v53, v4  }
0xab: {  	v58 =	vor.u32 $0x34, v1;
	v4 =	vld.idx.msk [tilespmem:v54+s20+$0x0], $0xffff  }
0xac: {  	v59 =	vld.idx.msk [tilespmem:v6+s21+$0x0], $0xffff;
	v2 =	vadd.f32 v3, v2;
	v3 =	vmul.f32 v55, v5  }
0xad: {  	v5 =	vld.idx.msk [tilespmem:v6+s20+$0x0], $0xffff;
	v6 =	vor.u32 $0x35, v1  }
0xae: {  	v60 =	vld.idx.msk [tilespmem:v8+s21+$0x0], $0xffff;
	v2 =	vadd.f32 v3, v2;
	v3 =	vmul.f32 v56, v7  }
0xaf: {  	v7 =	vld.idx.msk [tilespmem:v8+s20+$0x0], $0xffff;
	v8 =	vor.u32 $0x36, v1  }
0xb0: {  	v61 =	vld.idx.msk [tilespmem:v58+s21+$0x0], $0xffff;
	v2 =	vadd.f32 v3, v2;
	v3 =	vmul.f32 v57, v4  }
0xb1: {  	v62 =	vor.u32 $0x37, v1;
	v4 =	vld.idx.msk [tilespmem:v58+s20+$0x0], $0xffff  }
0xb2: {  	v63 =	vld.idx.msk [tilespmem:v6+s21+$0x0], $0xffff;
	v2 =	vadd.f32 v3, v2;
	v3 =	vmul.f32 v59, v5  }
0xb3: {  	v5 =	vld.idx.msk [tilespmem:v6+s20+$0x0], $0xffff;
	v6 =	vor.u32 $0x38, v1  }
0xb4: {  	v16 =	vld.idx.msk [tilespmem:v8+s21+$0x0], $0xffff;
	v2 =	vadd.f32 v3, v2;
	v3 =	vmul.f32 v60, v7  }
0xb5: {  	v7 =	vld.idx.msk [tilespmem:v8+s20+$0x0], $0xffff;
	v8 =	vor.u32 $0x39, v1  }
0xb6: {  	v17 =	vld.idx.msk [tilespmem:v62+s21+$0x0], $0xffff;
	v2 =	vadd.f32 v3, v2;
	v3 =	vmul.f32 v61, v4  }
0xb7: {  	v18 =	vor.u32 $0x3A, v1;
	v4 =	vld.idx.msk [tilespmem:v62+s20+$0x0], $0xffff  }
0xb8: {  	v19 =	vld.idx.msk [tilespmem:v6+s21+$0x0], $0xffff;
	v2 =	vadd.f32 v3, v2;
	v3 =	vmul.f32 v63, v5  }
0xb9: {  	v5 =	vld.idx.msk [tilespmem:v6+s20+$0x0], $0xffff;
	v6 =	vor.u32 $0x3B, v1  }
0xba: {  	v20 =	vld.idx.msk [tilespmem:v8+s21+$0x0], $0xffff;
	v2 =	vadd.f32 v3, v2;
	v3 =	vmul.f32 v16, v7  }
0xbb: {  	v7 =	vld.idx.msk [tilespmem:v8+s20+$0x0], $0xffff;
	v8 =	vor.u32 $0x3C, v1  }
0xbc: {  	v21 =	vld.idx.msk [tilespmem:v18+s21+$0x0], $0xffff;
	v2 =	vadd.f32 v3, v2;
	v3 =	vmul.f32 v17, v4  }
0xbd: {  	v22 =	vor.u32 $0x3D, v1;
	v4 =	vld.idx.msk [tilespmem:v18+s20+$0x0], $0xffff  }
0xbe: {  	v23 =	vld.idx.msk [tilespmem:v6+s21+$0x0], $0xffff;
	v2 =	vadd.f32 v3, v2;
	v3 =	vmul.f32 v19, v5  }
0xbf: {  	v5 =	vld.idx.msk [tilespmem:v6+s20+$0x0], $0xffff;
	v6 =	vor.u32 $0x3E, v1  }
0xc0: {  	v24 =	vld.idx.msk [tilespmem:v8+s21+$0x0], $0xffff;
	v2 =	vadd.f32 v3, v2;
	v3 =	vmul.f32 v20, v7  }
0xc1: {  	v7 =	vld.idx.msk [tilespmem:v8+s20+$0x0], $0xffff;
	v8 =	vor.u32 $0x3F, v1  }
0xc2: {  	v25 =	vld.idx.msk [tilespmem:v22+s21+$0x0], $0xffff;
	v2 =	vadd.f32 v3, v2;
	v3 =	vmul.f32 v21, v4  }
0xc3: {  	v4 =	vld.idx.msk [tilespmem:v22+s20+$0x0], $0xffff  }
0xc4: {  	v26 =	vld.idx.msk [tilespmem:v6+s21+$0x0], $0xffff;
	v2 =	vadd.f32 v3, v2;
	v3 =	vmul.f32 v23, v5  }
0xc5: {  	v5 =	vld.idx.msk [tilespmem:v6+s20+$0x0], $0xffff  }
0xc6: {  	v6 =	vld.idx.msk [tilespmem:v8+s21+$0x0], $0xffff;
	v2 =	vadd.f32 v3, v2;
	v3 =	vmul.f32 v24, v7  }
0xc7: {  	v7 =	vld.idx.msk [tilespmem:v8+s20+$0x0], $0xffff  }
0xc8: {  	v2 =	vadd.f32 v3, v2;
	v3 =	vmul.f32 v25, v4;
	_ =	sdelay $0x1  }
0xc9: {  	v2 =	vadd.f32 v3, v2;
	v3 =	vmul.f32 v26, v5;
	_ =	sdelay $0x1  }
0xca: {  	v4 =	vor.u32 $0x40, v1;
	v2 =	vadd.f32 v3, v2;
	v3 =	vmul.f32 v6, v7;
	_ =	sdelay $0x1  }
0xcb: {  	v2 =	vadd.f32 v3, v2;
	v3 =	vor.u32 $0x41, v1;
	_ =	sdelay $0x1  }
0xcc: {  	[tilespmem:s0+$0xFFFFFFB0] =	vst v2;
	v2 =	vor.u32 $0x42, v1  }
0xcd: {  	v5 =	vld.idx.msk [tilespmem:v4+s20+$0x0], $0xffff  }
0xce: {  	v6 =	vor.u32 $0x43, v1;
	v4 =	vld.idx.msk [tilespmem:v4+s21+$0x0], $0xffff  }
0xcf: {  	v7 =	vld.idx.msk [tilespmem:v3+s21+$0x0], $0xffff  }
0xd0: {  	v8 =	vor.u32 $0x44, v1;
	v3 =	vld.idx.msk [tilespmem:v3+s20+$0x0], $0xffff  }
0xd1: {  	v27 =	vld.idx.msk [tilespmem:v2+s21+$0x0], $0xffff  }
0xd2: {  	v28 =	vor.u32 $0x45, v1;
	v2 =	vld.idx.msk [tilespmem:v2+s20+$0x0], $0xffff  }
0xd3: {  	v29 =	vld.idx.msk [tilespmem:v6+s21+$0x0], $0xffff;
	v4 =	vmul.f32 v4, v5  }
0xd4: {  	v5 =	vld.idx.msk [tilespmem:v6+s20+$0x0], $0xffff;
	v6 =	vor.u32 $0x46, v1  }
0xd5: {  	v30 =	vld.idx.msk [tilespmem:v8+s21+$0x0], $0xffff;
	v4 =	vadd.f32 $0.0e+00, v4;
	v3 =	vmul.f32 v7, v3  }
0xd6: {  	v7 =	vld.idx.msk [tilespmem:v8+s20+$0x0], $0xffff;
	v8 =	vor.u32 $0x47, v1  }
0xd7: {  	v31 =	vld.idx.msk [tilespmem:v28+s21+$0x0], $0xffff;
	v3 =	vadd.f32 v3, v4;
	v2 =	vmul.f32 v27, v2  }
0xd8: {  	v32 =	vor.u32 $0x48, v1;
	v4 =	vld.idx.msk [tilespmem:v28+s20+$0x0], $0xffff  }
0xd9: {  	v33 =	vld.idx.msk [tilespmem:v6+s21+$0x0], $0xffff;
	v2 =	vadd.f32 v2, v3;
	v3 =	vmul.f32 v29, v5  }
0xda: {  	v5 =	vld.idx.msk [tilespmem:v6+s20+$0x0], $0xffff;
	v6 =	vor.u32 $0x49, v1  }
0xdb: {  	v34 =	vld.idx.msk [tilespmem:v8+s21+$0x0], $0xffff;
	v2 =	vadd.f32 v3, v2;
	v3 =	vmul.f32 v30, v7  }
0xdc: {  	v7 =	vld.idx.msk [tilespmem:v8+s20+$0x0], $0xffff;
	v8 =	vor.u32 $0x4A, v1  }
0xdd: {  	v35 =	vld.idx.msk [tilespmem:v32+s21+$0x0], $0xffff;
	v2 =	vadd.f32 v3, v2;
	v3 =	vmul.f32 v31, v4  }
0xde: {  	v36 =	vor.u32 $0x4B, v1;
	v4 =	vld.idx.msk [tilespmem:v32+s20+$0x0], $0xffff  }
0xdf: {  	v37 =	vld.idx.msk [tilespmem:v6+s21+$0x0], $0xffff;
	v2 =	vadd.f32 v3, v2;
	v3 =	vmul.f32 v33, v5  }
0xe0: {  	v5 =	vld.idx.msk [tilespmem:v6+s20+$0x0], $0xffff;
	v6 =	vor.u32 $0x4C, v1  }
0xe1: {  	v38 =	vld.idx.msk [tilespmem:v8+s21+$0x0], $0xffff;
	v2 =	vadd.f32 v3, v2;
	v3 =	vmul.f32 v34, v7  }
0xe2: {  	v7 =	vld.idx.msk [tilespmem:v8+s20+$0x0], $0xffff;
	v8 =	vor.u32 $0x4D, v1  }
0xe3: {  	v39 =	vld.idx.msk [tilespmem:v36+s21+$0x0], $0xffff;
	v2 =	vadd.f32 v3, v2;
	v3 =	vmul.f32 v35, v4  }
0xe4: {  	v40 =	vor.u32 $0x4E, v1;
	v4 =	vld.idx.msk [tilespmem:v36+s20+$0x0], $0xffff  }
0xe5: {  	v41 =	vld.idx.msk [tilespmem:v6+s21+$0x0], $0xffff;
	v2 =	vadd.f32 v3, v2;
	v3 =	vmul.f32 v37, v5  }
0xe6: {  	v5 =	vld.idx.msk [tilespmem:v6+s20+$0x0], $0xffff;
	v6 =	vor.u32 $0x4F, v1  }
0xe7: {  	v42 =	vld.idx.msk [tilespmem:v8+s21+$0x0], $0xffff;
	v2 =	vadd.f32 v3, v2;
	v3 =	vmul.f32 v38, v7  }
0xe8: {  	v7 =	vld.idx.msk [tilespmem:v8+s20+$0x0], $0xffff;
	v8 =	vor.u32 $0x50, v1  }
0xe9: {  	v43 =	vld.idx.msk [tilespmem:v40+s21+$0x0], $0xffff;
	v2 =	vadd.f32 v3, v2;
	v3 =	vmul.f32 v39, v4  }
0xea: {  	v44 =	vor.u32 $0x51, v1;
	v4 =	vld.idx.msk [tilespmem:v40+s20+$0x0], $0xffff  }
0xeb: {  	v45 =	vld.idx.msk [tilespmem:v6+s21+$0x0], $0xffff;
	v2 =	vadd.f32 v3, v2;
	v3 =	vmul.f32 v41, v5  }
0xec: {  	v5 =	vld.idx.msk [tilespmem:v6+s20+$0x0], $0xffff;
	v6 =	vor.u32 $0x52, v1  }
0xed: {  	v46 =	vld.idx.msk [tilespmem:v8+s21+$0x0], $0xffff;
	v2 =	vadd.f32 v3, v2;
	v3 =	vmul.f32 v42, v7  }
0xee: {  	v7 =	vld.idx.msk [tilespmem:v8+s20+$0x0], $0xffff;
	v8 =	vor.u32 $0x53, v1  }
0xef: {  	v47 =	vld.idx.msk [tilespmem:v44+s21+$0x0], $0xffff;
	v2 =	vadd.f32 v3, v2;
	v3 =	vmul.f32 v43, v4  }
0xf0: {  	v48 =	vor.u32 $0x54, v1;
	v4 =	vld.idx.msk [tilespmem:v44+s20+$0x0], $0xffff  }
0xf1: {  	v49 =	vld.idx.msk [tilespmem:v6+s21+$0x0], $0xffff;
	v2 =	vadd.f32 v3, v2;
	v3 =	vmul.f32 v45, v5  }
0xf2: {  	v5 =	vld.idx.msk [tilespmem:v6+s20+$0x0], $0xffff;
	v6 =	vor.u32 $0x55, v1  }
0xf3: {  	v50 =	vld.idx.msk [tilespmem:v8+s21+$0x0], $0xffff;
	v2 =	vadd.f32 v3, v2;
	v3 =	vmul.f32 v46, v7  }
0xf4: {  	v7 =	vld.idx.msk [tilespmem:v8+s20+$0x0], $0xffff;
	v8 =	vor.u32 $0x56, v1  }
0xf5: {  	v51 =	vld.idx.msk [tilespmem:v48+s21+$0x0], $0xffff;
	v2 =	vadd.f32 v3, v2;
	v3 =	vmul.f32 v47, v4  }
0xf6: {  	v52 =	vor.u32 $0x57, v1;
	v4 =	vld.idx.msk [tilespmem:v48+s20+$0x0], $0xffff  }
0xf7: {  	v53 =	vld.idx.msk [tilespmem:v6+s21+$0x0], $0xffff;
	v2 =	vadd.f32 v3, v2;
	v3 =	vmul.f32 v49, v5  }
0xf8: {  	v5 =	vld.idx.msk [tilespmem:v6+s20+$0x0], $0xffff;
	v6 =	vor.u32 $0x58, v1  }
0xf9: {  	v54 =	vld.idx.msk [tilespmem:v8+s21+$0x0], $0xffff;
	v2 =	vadd.f32 v3, v2;
	v3 =	vmul.f32 v50, v7  }
0xfa: {  	v7 =	vld.idx.msk [tilespmem:v8+s20+$0x0], $0xffff;
	v8 =	vor.u32 $0x59, v1  }
0xfb: {  	v55 =	vld.idx.msk [tilespmem:v52+s21+$0x0], $0xffff;
	v2 =	vadd.f32 v3, v2;
	v3 =	vmul.f32 v51, v4  }
0xfc: {  	v56 =	vor.u32 $0x5A, v1;
	v4 =	vld.idx.msk [tilespmem:v52+s20+$0x0], $0xffff  }
0xfd: {  	v57 =	vld.idx.msk [tilespmem:v6+s21+$0x0], $0xffff;
	v2 =	vadd.f32 v3, v2;
	v3 =	vmul.f32 v53, v5  }
0xfe: {  	v5 =	vld.idx.msk [tilespmem:v6+s20+$0x0], $0xffff;
	v6 =	vor.u32 $0x5B, v1  }
0xff: {  	v58 =	vld.idx.msk [tilespmem:v8+s21+$0x0], $0xffff;
	v2 =	vadd.f32 v3, v2;
	v3 =	vmul.f32 v54, v7  }
0x100: {  	v7 =	vld.idx.msk [tilespmem:v8+s20+$0x0], $0xffff;
	v8 =	vor.u32 $0x5C, v1  }
0x101: {  	v59 =	vld.idx.msk [tilespmem:v56+s21+$0x0], $0xffff;
	v2 =	vadd.f32 v3, v2;
	v3 =	vmul.f32 v55, v4  }
0x102: {  	v60 =	vor.u32 $0x5D, v1;
	v4 =	vld.idx.msk [tilespmem:v56+s20+$0x0], $0xffff  }
0x103: {  	v61 =	vld.idx.msk [tilespmem:v6+s21+$0x0], $0xffff;
	v2 =	vadd.f32 v3, v2;
	v3 =	vmul.f32 v57, v5  }
0x104: {  	v5 =	vld.idx.msk [tilespmem:v6+s20+$0x0], $0xffff;
	v6 =	vor.u32 $0x5E, v1  }
0x105: {  	v62 =	vld.idx.msk [tilespmem:v8+s21+$0x0], $0xffff;
	v2 =	vadd.f32 v3, v2;
	v3 =	vmul.f32 v58, v7  }
0x106: {  	v7 =	vld.idx.msk [tilespmem:v8+s20+$0x0], $0xffff;
	v8 =	vor.u32 $0x5F, v1  }
0x107: {  	v63 =	vld.idx.msk [tilespmem:v60+s21+$0x0], $0xffff;
	v2 =	vadd.f32 v3, v2;
	v3 =	vmul.f32 v59, v4  }
0x108: {  	v4 =	vld.idx.msk [tilespmem:v60+s20+$0x0], $0xffff  }
0x109: {  	v16 =	vld.idx.msk [tilespmem:v6+s21+$0x0], $0xffff;
	v2 =	vadd.f32 v3, v2;
	v3 =	vmul.f32 v61, v5  }
0x10a: {  	v5 =	vld.idx.msk [tilespmem:v6+s20+$0x0], $0xffff  }
0x10b: {  	v6 =	vld.idx.msk [tilespmem:v8+s21+$0x0], $0xffff;
	v2 =	vadd.f32 v3, v2;
	v3 =	vmul.f32 v62, v7  }
0x10c: {  	v7 =	vld.idx.msk [tilespmem:v8+s20+$0x0], $0xffff  }
0x10d: {  	v2 =	vadd.f32 v3, v2;
	v3 =	vmul.f32 v63, v4;
	_ =	sdelay $0x1  }
0x10e: {  	v2 =	vadd.f32 v3, v2;
	v3 =	vmul.f32 v16, v5;
	_ =	sdelay $0x1  }
0x10f: {  	v4 =	vor.u32 $0x60, v1;
	v2 =	vadd.f32 v3, v2;
	v3 =	vmul.f32 v6, v7  }
0x110: {  	v5 =	vor.u32 $0x61, v1  }
0x111: {  	v2 =	vadd.f32 v3, v2;
	_ =	sdelay $0x1  }
0x112: {  	v7 =	vor.u32 $0x63, v1;
	[tilespmem:s0+$0x0] =	vst v2  }
0x113: {  	v3 =	vld.idx.msk [tilespmem:v4+s20+$0x0], $0xffff  }
0x114: {  	v2 =	vor.u32 $0x62, v1;
	v6 =	vld.idx.msk [tilespmem:v5+s21+$0x0], $0xffff  }
0x115: {  	v4 =	vld.idx.msk [tilespmem:v4+s21+$0x0], $0xffff  }
0x116: {  	v18 =	vor.u32 $0x65, v1;
	v5 =	vld.idx.msk [tilespmem:v5+s20+$0x0], $0xffff  }
0x117: {  	v20 =	vor.u32 $0x66, v1;
	v19 =	vld.idx.msk [tilespmem:v7+s20+$0x0], $0xffff  }
0x118: {  	v8 =	vor.u32 $0x64, v1;
	v7 =	vld.idx.msk [tilespmem:v7+s21+$0x0], $0xffff  }
0x119: {  	v17 =	vld.idx.msk [tilespmem:v2+s20+$0x0], $0xffff  }
0x11a: {  	v21 =	vor.u32 $0x67, v1;
	v2 =	vld.idx.msk [tilespmem:v2+s21+$0x0], $0xffff  }
0x11b: {  	v10 =	vld.idx.msk [tilespmem:v18+s21+$0x0], $0xffff;
	v3 =	vmul.f32 v4, v3  }
0x11c: {  	v23 =	vor.u32 $0x69, v1;
	v22 =	vld.idx.msk [tilespmem:v20+s21+$0x0], $0xffff  }
0x11d: {  	v4 =	vld.idx.msk [tilespmem:v8+s20+$0x0], $0xffff;
	v5 =	vmul.f32 v6, v5;
	v3 =	vadd.f32 $0.0e+00, v3  }
0x11e: {  	v25 =	vor.u32 $0x6A, v1;
	v8 =	vld.idx.msk [tilespmem:v8+s21+$0x0], $0xffff  }
0x11f: {  	v24 =	vld.idx.msk [tilespmem:v21+s21+$0x0], $0xffff;
	v2 =	vmul.f32 v2, v17;
	v3 =	vadd.f32 v5, v3  }
0x120: {  	v14 =	vor.u32 $0x68, v1;
	v6 =	vld.idx.msk [tilespmem:v18+s20+$0x0], $0xffff  }
0x121: {  	v27 =	vld.idx.msk [tilespmem:v23+s21+$0x0], $0xffff;
	v7 =	vmul.f32 v7, v19;
	v2 =	vadd.f32 v2, v3  }
0x122: {  	v26 =	vor.u32 $0x6B, v1;
	v5 =	vld.idx.msk [tilespmem:v20+s20+$0x0], $0xffff  }
0x123: {  	v29 =	vld.idx.msk [tilespmem:v25+s21+$0x0], $0xffff;
	v4 =	vmul.f32 v8, v4;
	v2 =	vadd.f32 v7, v2  }
0x124: {  	v30 =	vor.u32 $0x6D, v1;
	v3 =	vld.idx.msk [tilespmem:v21+s20+$0x0], $0xffff  }
0x125: {  	v8 =	vld.idx.msk [tilespmem:v14+s21+$0x0], $0xffff;
	v6 =	vmul.f32 v10, v6;
	v2 =	vadd.f32 v4, v2  }
0x126: {  	v32 =	vor.u32 $0x6E, v1;
	v7 =	vld.idx.msk [tilespmem:v14+s20+$0x0], $0xffff  }
0x127: {  	v31 =	vld.idx.msk [tilespmem:v26+s21+$0x0], $0xffff;
	v5 =	vmul.f32 v22, v5;
	v2 =	vadd.f32 v6, v2  }
0x128: {  	v28 =	vor.u32 $0x6C, v1;
	v4 =	vld.idx.msk [tilespmem:v23+s20+$0x0], $0xffff  }
0x129: {  	v34 =	vld.idx.msk [tilespmem:v30+s21+$0x0], $0xffff;
	v3 =	vmul.f32 v24, v3;
	v2 =	vadd.f32 v5, v2  }
0x12a: {  	v33 =	vor.u32 $0x6F, v1;
	v6 =	vld.idx.msk [tilespmem:v25+s20+$0x0], $0xffff  }
0x12b: {  	v36 =	vld.idx.msk [tilespmem:v32+s21+$0x0], $0xffff;
	v7 =	vmul.f32 v8, v7;
	v2 =	vadd.f32 v3, v2  }
0x12c: {  	v37 =	vor.u32 $0x71, v1;
	v5 =	vld.idx.msk [tilespmem:v26+s20+$0x0], $0xffff  }
0x12d: {  	v8 =	vld.idx.msk [tilespmem:v28+s21+$0x0], $0xffff;
	v4 =	vmul.f32 v27, v4;
	v2 =	vadd.f32 v7, v2  }
0x12e: {  	v39 =	vor.u32 $0x72, v1;
	v3 =	vld.idx.msk [tilespmem:v28+s20+$0x0], $0xffff  }
0x12f: {  	v38 =	vld.idx.msk [tilespmem:v33+s21+$0x0], $0xffff;
	v6 =	vmul.f32 v29, v6;
	v2 =	vadd.f32 v4, v2  }
0x130: {  	v35 =	vor.u32 $0x70, v1;
	v7 =	vld.idx.msk [tilespmem:v30+s20+$0x0], $0xffff  }
0x131: {  	v41 =	vld.idx.msk [tilespmem:v37+s21+$0x0], $0xffff;
	v5 =	vmul.f32 v31, v5;
	v2 =	vadd.f32 v6, v2  }
0x132: {  	v40 =	vor.u32 $0x73, v1;
	v4 =	vld.idx.msk [tilespmem:v32+s20+$0x0], $0xffff  }
0x133: {  	v43 =	vld.idx.msk [tilespmem:v39+s21+$0x0], $0xffff;
	v3 =	vmul.f32 v8, v3;
	v2 =	vadd.f32 v5, v2  }
0x134: {  	v44 =	vor.u32 $0x75, v1;
	v6 =	vld.idx.msk [tilespmem:v33+s20+$0x0], $0xffff  }
0x135: {  	v8 =	vld.idx.msk [tilespmem:v35+s21+$0x0], $0xffff;
	v7 =	vmul.f32 v34, v7;
	v2 =	vadd.f32 v3, v2  }
0x136: {  	v46 =	vor.u32 $0x76, v1;
	v5 =	vld.idx.msk [tilespmem:v35+s20+$0x0], $0xffff  }
0x137: {  	v45 =	vld.idx.msk [tilespmem:v40+s21+$0x0], $0xffff;
	v4 =	vmul.f32 v36, v4;
	v2 =	vadd.f32 v7, v2  }
0x138: {  	v42 =	vor.u32 $0x74, v1;
	v3 =	vld.idx.msk [tilespmem:v37+s20+$0x0], $0xffff  }
0x139: {  	v48 =	vld.idx.msk [tilespmem:v44+s21+$0x0], $0xffff;
	v6 =	vmul.f32 v38, v6;
	v2 =	vadd.f32 v4, v2  }
0x13a: {  	v47 =	vor.u32 $0x77, v1;
	v7 =	vld.idx.msk [tilespmem:v39+s20+$0x0], $0xffff  }
0x13b: {  	v50 =	vld.idx.msk [tilespmem:v46+s21+$0x0], $0xffff;
	v5 =	vmul.f32 v8, v5;
	v2 =	vadd.f32 v6, v2  }
0x13c: {  	v51 =	vor.u32 $0x79, v1;
	v4 =	vld.idx.msk [tilespmem:v40+s20+$0x0], $0xffff  }
0x13d: {  	v8 =	vld.idx.msk [tilespmem:v42+s21+$0x0], $0xffff;
	v3 =	vmul.f32 v41, v3;
	v2 =	vadd.f32 v5, v2  }
0x13e: {  	v53 =	vor.u32 $0x7A, v1;
	v6 =	vld.idx.msk [tilespmem:v42+s20+$0x0], $0xffff  }
0x13f: {  	v52 =	vld.idx.msk [tilespmem:v47+s21+$0x0], $0xffff;
	v7 =	vmul.f32 v43, v7;
	v2 =	vadd.f32 v3, v2  }
0x140: {  	v49 =	vor.u32 $0x78, v1;
	v5 =	vld.idx.msk [tilespmem:v44+s20+$0x0], $0xffff  }
0x141: {  	v55 =	vld.idx.msk [tilespmem:v51+s21+$0x0], $0xffff;
	v4 =	vmul.f32 v45, v4;
	v2 =	vadd.f32 v7, v2  }
0x142: {  	v54 =	vor.u32 $0x7B, v1;
	v3 =	vld.idx.msk [tilespmem:v46+s20+$0x0], $0xffff  }
0x143: {  	v57 =	vld.idx.msk [tilespmem:v53+s21+$0x0], $0xffff;
	v6 =	vmul.f32 v8, v6;
	v2 =	vadd.f32 v4, v2  }
0x144: {  	v58 =	vor.u32 $0x7D, v1;
	v7 =	vld.idx.msk [tilespmem:v47+s20+$0x0], $0xffff  }
0x145: {  	v8 =	vld.idx.msk [tilespmem:v49+s21+$0x0], $0xffff;
	v5 =	vmul.f32 v48, v5;
	v2 =	vadd.f32 v6, v2  }
0x146: {  	v60 =	vor.u32 $0x7E, v1;
	v4 =	vld.idx.msk [tilespmem:v49+s20+$0x0], $0xffff  }
0x147: {  	v59 =	vld.idx.msk [tilespmem:v54+s21+$0x0], $0xffff;
	v3 =	vmul.f32 v50, v3;
	v2 =	vadd.f32 v5, v2  }
0x148: {  	v56 =	vor.u32 $0x7C, v1;
	v6 =	vld.idx.msk [tilespmem:v51+s20+$0x0], $0xffff  }
0x149: {  	v61 =	vld.idx.msk [tilespmem:v58+s21+$0x0], $0xffff;
	v7 =	vmul.f32 v52, v7;
	v2 =	vadd.f32 v3, v2  }
0x14a: {  	v5 =	vld.idx.msk [tilespmem:v53+s20+$0x0], $0xffff  }
0x14b: {  	v63 =	vld.idx.msk [tilespmem:v60+s20+$0x0], $0xffff;
	v4 =	vmul.f32 v8, v4;
	v2 =	vadd.f32 v7, v2  }
0x14c: {  	v3 =	vld.idx.msk [tilespmem:v54+s20+$0x0], $0xffff  }
0x14d: {  	v62 =	vor.u32 $0x7F, v1;
	v8 =	vld.idx.msk [tilespmem:v56+s21+$0x0], $0xffff;
	v6 =	vmul.f32 v55, v6;
	v2 =	vadd.f32 v4, v2  }
0x14e: {  	v7 =	vld.idx.msk [tilespmem:v56+s20+$0x0], $0xffff  }
0x14f: {  	v1 =	vmul.f32 v57, v5;
	v4 =	vld.idx.msk [tilespmem:v58+s20+$0x0], $0xffff;
	v2 =	vadd.f32 v6, v2  }
0x150: {  	v12 =	vld.idx.msk [tilespmem:v60+s21+$0x0], $0xffff  }
0x151: {  	v3 =	vmul.f32 v59, v3;
	v1 =	vadd.f32 v1, v2  }
0x152: {  	v2 =	vld.idx.msk [tilespmem:v62+s20+$0x0], $0xffff  }
0x153: {  	v5 =	vmul.f32 v8, v7;
	v6 =	vadd.f32 v3, v1;
	v3 =	vld.idx.msk [tilespmem:v62+s21+$0x0], $0xffff  }
0x154: {  	s12 =	simm.s32 $0x10;
	v1 =	vmul.f32 v61, v4  }
0x155: {  	s8 =	simm.s32 $0x51A0;
	s11 =	simm.s32 $0x20;
	v4 =	vmul.f32 v12, v63;
	v5 =	vadd.f32 v5, v6;
	v6 =	vmov s12  }
.LBB2_3:
0x156: {  	p1 =	sne.s32 s11, $0x40  }
0x157: {  	v6 =	vshll.u32 v6, $0x7;
	v5 =	vadd.f32 v1, v5;
	s0 =	sadd.s32 $0x10, s0;
	s12 =	smov.u32 s11;
	s11 =	sadd.s32 $0x10, s11  }
0x158: {  	v2 =	vmul.f32 v3, v2;
	v1 =	vor.u32 v0, v6  }
0x159: {  	v3 =	vor.u32 $0x1, v1;
	v13 =	vor.u32 $0x2, v1;
	v4 =	vadd.f32 v4, v5  }
0x15a: {  	v14 =	vor.u32 $0x3, v1;
	v15 =	vor.u32 $0x4, v1;
	v16 =	vor.u32 $0x5, v1  }
0x15b: {  	v17 =	vor.u32 $0x6, v1;
	v18 =	vor.u32 $0x7, v1;
	v2 =	vadd.f32 v2, v4  }
0x15c: {  	v19 =	vor.u32 $0x8, v1;
	v20 =	vor.u32 $0x9, v1;
	v21 =	vor.u32 $0xA, v1  }
0x15d: {  	v22 =	vor.u32 $0xB, v1;
	v23 =	vor.u32 $0xC, v1;
	v24 =	vor.u32 $0xD, v1;
	[tilespmem:s8+$0x50] =	vst v2;
	s8 =	smov.u32 s0  }
0x15e: {  	v26 =	vor.u32 $0xE, v1;
	v27 =	vor.u32 $0xF, v1;
	v28 =	vor.u32 $0x10, v1;
	v25 =	vld.idx.msk [tilespmem:v1+s20+$0x0], $0xffff  }
0x15f: {  	v30 =	vor.u32 $0x11, v1;
	v31 =	vor.u32 $0x12, v1;
	v32 =	vor.u32 $0x13, v1;
	v29 =	vld.idx.msk [tilespmem:v1+s21+$0x0], $0xffff  }
0x160: {  	v34 =	vor.u32 $0x14, v1;
	v12 =	vor.u32 $0x15, v1;
	v11 =	vor.u32 $0x16, v1;
	v33 =	vld.idx.msk [tilespmem:v3+s21+$0x0], $0xffff  }
0x161: {  	v10 =	vor.u32 $0x17, v1;
	v9 =	vor.u32 $0x18, v1;
	v8 =	vor.u32 $0x19, v1;
	v35 =	vld.idx.msk [tilespmem:v3+s20+$0x0], $0xffff  }
0x162: {  	v7 =	vor.u32 $0x1A, v1;
	v6 =	vor.u32 $0x1B, v1;
	v5 =	vor.u32 $0x1C, v1;
	v36 =	vld.idx.msk [tilespmem:v13+s21+$0x0], $0xffff  }
0x163: {  	v4 =	vor.u32 $0x1D, v1;
	v2 =	vor.u32 $0x1F, v1;
	v3 =	vor.u32 $0x1E, v1;
	v13 =	vld.idx.msk [tilespmem:v13+s20+$0x0], $0xffff  }
0x164: {  	v37 =	vld.idx.msk [tilespmem:v14+s21+$0x0], $0xffff  }
0x165: {  	v25 =	vmul.f32 v29, v25;
	v14 =	vld.idx.msk [tilespmem:v14+s20+$0x0], $0xffff  }
0x166: {  	v29 =	vld.idx.msk [tilespmem:v15+s21+$0x0], $0xffff  }
0x167: {  	v25 =	vadd.f32 $0.0e+00, v25;
	v33 =	vmul.f32 v33, v35;
	v15 =	vld.idx.msk [tilespmem:v15+s20+$0x0], $0xffff  }
0x168: {  	v35 =	vld.idx.msk [tilespmem:v16+s21+$0x0], $0xffff  }
0x169: {  	v25 =	vadd.f32 v33, v25;
	v13 =	vmul.f32 v36, v13;
	v16 =	vld.idx.msk [tilespmem:v16+s20+$0x0], $0xffff  }
0x16a: {  	v33 =	vld.idx.msk [tilespmem:v17+s21+$0x0], $0xffff  }
0x16b: {  	v13 =	vadd.f32 v13, v25;
	v14 =	vmul.f32 v37, v14;
	v17 =	vld.idx.msk [tilespmem:v17+s20+$0x0], $0xffff  }
0x16c: {  	v25 =	vld.idx.msk [tilespmem:v18+s21+$0x0], $0xffff  }
0x16d: {  	v13 =	vadd.f32 v14, v13;
	v14 =	vmul.f32 v29, v15;
	v15 =	vld.idx.msk [tilespmem:v18+s20+$0x0], $0xffff  }
0x16e: {  	v18 =	vld.idx.msk [tilespmem:v19+s21+$0x0], $0xffff  }
0x16f: {  	v13 =	vadd.f32 v14, v13;
	v14 =	vmul.f32 v35, v16;
	v16 =	vld.idx.msk [tilespmem:v19+s20+$0x0], $0xffff  }
0x170: {  	v19 =	vld.idx.msk [tilespmem:v20+s21+$0x0], $0xffff  }
0x171: {  	v13 =	vadd.f32 v14, v13;
	v14 =	vmul.f32 v33, v17;
	v17 =	vld.idx.msk [tilespmem:v20+s20+$0x0], $0xffff  }
0x172: {  	v20 =	vld.idx.msk [tilespmem:v21+s21+$0x0], $0xffff  }
0x173: {  	v13 =	vadd.f32 v14, v13;
	v14 =	vmul.f32 v25, v15;
	v15 =	vld.idx.msk [tilespmem:v21+s20+$0x0], $0xffff  }
0x174: {  	v21 =	vld.idx.msk [tilespmem:v22+s21+$0x0], $0xffff  }
0x175: {  	v13 =	vadd.f32 v14, v13;
	v14 =	vmul.f32 v18, v16;
	v16 =	vld.idx.msk [tilespmem:v22+s20+$0x0], $0xffff  }
0x176: {  	v18 =	vld.idx.msk [tilespmem:v23+s21+$0x0], $0xffff  }
0x177: {  	v13 =	vadd.f32 v14, v13;
	v14 =	vmul.f32 v19, v17;
	v17 =	vld.idx.msk [tilespmem:v23+s20+$0x0], $0xffff  }
0x178: {  	v19 =	vld.idx.msk [tilespmem:v24+s21+$0x0], $0xffff  }
0x179: {  	v13 =	vadd.f32 v14, v13;
	v14 =	vmul.f32 v20, v15;
	v15 =	vld.idx.msk [tilespmem:v24+s20+$0x0], $0xffff  }
0x17a: {  	v20 =	vld.idx.msk [tilespmem:v26+s21+$0x0], $0xffff  }
0x17b: {  	v13 =	vadd.f32 v14, v13;
	v14 =	vmul.f32 v21, v16;
	v16 =	vld.idx.msk [tilespmem:v26+s20+$0x0], $0xffff  }
0x17c: {  	v21 =	vld.idx.msk [tilespmem:v27+s21+$0x0], $0xffff  }
0x17d: {  	v13 =	vadd.f32 v14, v13;
	v14 =	vmul.f32 v18, v17;
	v17 =	vld.idx.msk [tilespmem:v27+s20+$0x0], $0xffff  }
0x17e: {  	v18 =	vld.idx.msk [tilespmem:v28+s21+$0x0], $0xffff  }
0x17f: {  	v13 =	vadd.f32 v14, v13;
	v14 =	vmul.f32 v19, v15;
	v15 =	vld.idx.msk [tilespmem:v28+s20+$0x0], $0xffff  }
0x180: {  	v19 =	vld.idx.msk [tilespmem:v30+s21+$0x0], $0xffff  }
0x181: {  	v13 =	vadd.f32 v14, v13;
	v14 =	vmul.f32 v20, v16;
	v16 =	vld.idx.msk [tilespmem:v30+s20+$0x0], $0xffff  }
0x182: {  	v20 =	vld.idx.msk [tilespmem:v31+s21+$0x0], $0xffff  }
0x183: {  	v13 =	vadd.f32 v14, v13;
	v14 =	vmul.f32 v21, v17;
	v17 =	vld.idx.msk [tilespmem:v31+s20+$0x0], $0xffff  }
0x184: {  	v21 =	vld.idx.msk [tilespmem:v32+s21+$0x0], $0xffff  }
0x185: {  	v13 =	vadd.f32 v14, v13;
	v14 =	vmul.f32 v18, v15;
	v15 =	vld.idx.msk [tilespmem:v32+s20+$0x0], $0xffff  }
0x186: {  	v18 =	vld.idx.msk [tilespmem:v34+s21+$0x0], $0xffff  }
0x187: {  	v13 =	vadd.f32 v14, v13;
	v14 =	vmul.f32 v19, v16;
	v16 =	vld.idx.msk [tilespmem:v34+s20+$0x0], $0xffff  }
0x188: {  	v19 =	vld.idx.msk [tilespmem:v12+s21+$0x0], $0xffff  }
0x189: {  	v13 =	vadd.f32 v14, v13;
	v14 =	vmul.f32 v20, v17;
	v12 =	vld.idx.msk [tilespmem:v12+s20+$0x0], $0xffff  }
0x18a: {  	v17 =	vld.idx.msk [tilespmem:v11+s21+$0x0], $0xffff  }
0x18b: {  	v13 =	vadd.f32 v14, v13;
	v14 =	vmul.f32 v21, v15;
	v11 =	vld.idx.msk [tilespmem:v11+s20+$0x0], $0xffff  }
0x18c: {  	v15 =	vld.idx.msk [tilespmem:v10+s21+$0x0], $0xffff  }
0x18d: {  	v13 =	vadd.f32 v14, v13;
	v14 =	vmul.f32 v18, v16;
	v10 =	vld.idx.msk [tilespmem:v10+s20+$0x0], $0xffff  }
0x18e: {  	v16 =	vld.idx.msk [tilespmem:v9+s21+$0x0], $0xffff  }
0x18f: {  	v13 =	vadd.f32 v14, v13;
	v12 =	vmul.f32 v19, v12;
	v9 =	vld.idx.msk [tilespmem:v9+s20+$0x0], $0xffff  }
0x190: {  	v14 =	vld.idx.msk [tilespmem:v8+s21+$0x0], $0xffff  }
0x191: {  	v12 =	vadd.f32 v12, v13;
	v11 =	vmul.f32 v17, v11;
	v8 =	vld.idx.msk [tilespmem:v8+s20+$0x0], $0xffff  }
0x192: {  	v13 =	vld.idx.msk [tilespmem:v7+s21+$0x0], $0xffff  }
0x193: {  	v11 =	vadd.f32 v11, v12;
	v10 =	vmul.f32 v15, v10;
	v7 =	vld.idx.msk [tilespmem:v7+s20+$0x0], $0xffff  }
0x194: {  	v12 =	vld.idx.msk [tilespmem:v6+s21+$0x0], $0xffff  }
0x195: {  	v10 =	vadd.f32 v10, v11;
	v9 =	vmul.f32 v16, v9;
	v6 =	vld.idx.msk [tilespmem:v6+s20+$0x0], $0xffff  }
0x196: {  	v11 =	vld.idx.msk [tilespmem:v5+s21+$0x0], $0xffff  }
0x197: {  	v9 =	vadd.f32 v9, v10;
	v8 =	vmul.f32 v14, v8;
	v5 =	vld.idx.msk [tilespmem:v5+s20+$0x0], $0xffff  }
0x198: {  	v10 =	vld.idx.msk [tilespmem:v4+s21+$0x0], $0xffff  }
0x199: {  	v8 =	vadd.f32 v8, v9;
	v7 =	vmul.f32 v13, v7;
	v4 =	vld.idx.msk [tilespmem:v4+s20+$0x0], $0xffff  }
0x19a: {  	v9 =	vld.idx.msk [tilespmem:v3+s21+$0x0], $0xffff  }
0x19b: {  	v7 =	vadd.f32 v7, v8;
	v6 =	vmul.f32 v12, v6;
	v3 =	vld.idx.msk [tilespmem:v3+s20+$0x0], $0xffff  }
0x19c: {  	v8 =	vld.idx.msk [tilespmem:v2+s21+$0x0], $0xffff  }
0x19d: {  	v6 =	vadd.f32 v6, v7;
	v5 =	vmul.f32 v11, v5;
	v2 =	vld.idx.msk [tilespmem:v2+s20+$0x0], $0xffff;
	_ =	sdelay $0x1  }
0x19e: {  	v5 =	vadd.f32 v5, v6;
	v4 =	vmul.f32 v10, v4;
	_ =	sdelay $0x1  }
0x19f: {  	v4 =	vadd.f32 v4, v5;
	v3 =	vmul.f32 v9, v3;
	_ =	sdelay $0x1  }
0x1a0: {  	v3 =	vadd.f32 v3, v4;
	v2 =	vmul.f32 v8, v2;
	v4 =	vor.u32 $0x20, v1;
	_ =	sdelay $0x1  }
0x1a1: {  	v2 =	vadd.f32 v2, v3;
	v3 =	vor.u32 $0x21, v1;
	_ =	sdelay $0x1  }
0x1a2: {  	[tilespmem:s0+$0xFFFFFF60] =	vst v2;
	v2 =	vor.u32 $0x22, v1  }
0x1a3: {  	v5 =	vld.idx.msk [tilespmem:v4+s20+$0x0], $0xffff  }
0x1a4: {  	v6 =	vor.u32 $0x23, v1;
	v4 =	vld.idx.msk [tilespmem:v4+s21+$0x0], $0xffff  }
0x1a5: {  	v7 =	vld.idx.msk [tilespmem:v3+s21+$0x0], $0xffff  }
0x1a6: {  	v8 =	vor.u32 $0x24, v1;
	v3 =	vld.idx.msk [tilespmem:v3+s20+$0x0], $0xffff  }
0x1a7: {  	v9 =	vld.idx.msk [tilespmem:v2+s21+$0x0], $0xffff  }
0x1a8: {  	v10 =	vor.u32 $0x25, v1;
	v2 =	vld.idx.msk [tilespmem:v2+s20+$0x0], $0xffff  }
0x1a9: {  	v11 =	vld.idx.msk [tilespmem:v6+s21+$0x0], $0xffff  }
0x1aa: {  	v4 =	vmul.f32 v4, v5;
	v5 =	vld.idx.msk [tilespmem:v6+s20+$0x0], $0xffff;
	v6 =	vor.u32 $0x26, v1  }
0x1ab: {  	v12 =	vld.idx.msk [tilespmem:v8+s21+$0x0], $0xffff  }
0x1ac: {  	v4 =	vadd.f32 $0.0e+00, v4;
	v3 =	vmul.f32 v7, v3;
	v7 =	vld.idx.msk [tilespmem:v8+s20+$0x0], $0xffff;
	v8 =	vor.u32 $0x27, v1  }
0x1ad: {  	v13 =	vld.idx.msk [tilespmem:v10+s21+$0x0], $0xffff  }
0x1ae: {  	v3 =	vadd.f32 v3, v4;
	v2 =	vmul.f32 v9, v2;
	v9 =	vor.u32 $0x28, v1;
	v4 =	vld.idx.msk [tilespmem:v10+s20+$0x0], $0xffff  }
0x1af: {  	v10 =	vld.idx.msk [tilespmem:v6+s21+$0x0], $0xffff  }
0x1b0: {  	v2 =	vadd.f32 v2, v3;
	v3 =	vmul.f32 v11, v5;
	v5 =	vld.idx.msk [tilespmem:v6+s20+$0x0], $0xffff;
	v6 =	vor.u32 $0x29, v1  }
0x1b1: {  	v11 =	vld.idx.msk [tilespmem:v8+s21+$0x0], $0xffff  }
0x1b2: {  	v2 =	vadd.f32 v3, v2;
	v3 =	vmul.f32 v12, v7;
	v7 =	vld.idx.msk [tilespmem:v8+s20+$0x0], $0xffff;
	v8 =	vor.u32 $0x2A, v1  }
0x1b3: {  	v12 =	vld.idx.msk [tilespmem:v9+s21+$0x0], $0xffff  }
0x1b4: {  	v2 =	vadd.f32 v3, v2;
	v3 =	vmul.f32 v13, v4;
	v4 =	vld.idx.msk [tilespmem:v9+s20+$0x0], $0xffff;
	v9 =	vor.u32 $0x2B, v1  }
0x1b5: {  	v13 =	vld.idx.msk [tilespmem:v6+s21+$0x0], $0xffff  }
0x1b6: {  	v2 =	vadd.f32 v3, v2;
	v3 =	vmul.f32 v10, v5;
	v5 =	vld.idx.msk [tilespmem:v6+s20+$0x0], $0xffff;
	v6 =	vor.u32 $0x2C, v1  }
0x1b7: {  	v10 =	vld.idx.msk [tilespmem:v8+s21+$0x0], $0xffff  }
0x1b8: {  	v2 =	vadd.f32 v3, v2;
	v3 =	vmul.f32 v11, v7;
	v7 =	vld.idx.msk [tilespmem:v8+s20+$0x0], $0xffff;
	v8 =	vor.u32 $0x2D, v1  }
0x1b9: {  	v11 =	vld.idx.msk [tilespmem:v9+s21+$0x0], $0xffff  }
0x1ba: {  	v2 =	vadd.f32 v3, v2;
	v3 =	vmul.f32 v12, v4;
	v4 =	vld.idx.msk [tilespmem:v9+s20+$0x0], $0xffff;
	v9 =	vor.u32 $0x2E, v1  }
0x1bb: {  	v12 =	vld.idx.msk [tilespmem:v6+s21+$0x0], $0xffff  }
0x1bc: {  	v2 =	vadd.f32 v3, v2;
	v3 =	vmul.f32 v13, v5;
	v5 =	vld.idx.msk [tilespmem:v6+s20+$0x0], $0xffff;
	v6 =	vor.u32 $0x2F, v1  }
0x1bd: {  	v13 =	vld.idx.msk [tilespmem:v8+s21+$0x0], $0xffff  }
0x1be: {  	v2 =	vadd.f32 v3, v2;
	v3 =	vmul.f32 v10, v7;
	v7 =	vld.idx.msk [tilespmem:v8+s20+$0x0], $0xffff;
	v8 =	vor.u32 $0x30, v1  }
0x1bf: {  	v10 =	vld.idx.msk [tilespmem:v9+s21+$0x0], $0xffff  }
0x1c0: {  	v2 =	vadd.f32 v3, v2;
	v3 =	vmul.f32 v11, v4;
	v4 =	vld.idx.msk [tilespmem:v9+s20+$0x0], $0xffff;
	v9 =	vor.u32 $0x31, v1  }
0x1c1: {  	v11 =	vld.idx.msk [tilespmem:v6+s21+$0x0], $0xffff  }
0x1c2: {  	v2 =	vadd.f32 v3, v2;
	v3 =	vmul.f32 v12, v5;
	v5 =	vld.idx.msk [tilespmem:v6+s20+$0x0], $0xffff;
	v6 =	vor.u32 $0x32, v1  }
0x1c3: {  	v12 =	vld.idx.msk [tilespmem:v8+s21+$0x0], $0xffff  }
0x1c4: {  	v2 =	vadd.f32 v3, v2;
	v3 =	vmul.f32 v13, v7;
	v7 =	vld.idx.msk [tilespmem:v8+s20+$0x0], $0xffff;
	v8 =	vor.u32 $0x33, v1  }
0x1c5: {  	v13 =	vld.idx.msk [tilespmem:v9+s21+$0x0], $0xffff  }
0x1c6: {  	v2 =	vadd.f32 v3, v2;
	v3 =	vmul.f32 v10, v4;
	v4 =	vld.idx.msk [tilespmem:v9+s20+$0x0], $0xffff;
	v9 =	vor.u32 $0x34, v1  }
0x1c7: {  	v10 =	vld.idx.msk [tilespmem:v6+s21+$0x0], $0xffff  }
0x1c8: {  	v2 =	vadd.f32 v3, v2;
	v3 =	vmul.f32 v11, v5;
	v5 =	vld.idx.msk [tilespmem:v6+s20+$0x0], $0xffff;
	v6 =	vor.u32 $0x35, v1  }
0x1c9: {  	v11 =	vld.idx.msk [tilespmem:v8+s21+$0x0], $0xffff  }
0x1ca: {  	v2 =	vadd.f32 v3, v2;
	v3 =	vmul.f32 v12, v7;
	v7 =	vld.idx.msk [tilespmem:v8+s20+$0x0], $0xffff;
	v8 =	vor.u32 $0x36, v1  }
0x1cb: {  	v12 =	vld.idx.msk [tilespmem:v9+s21+$0x0], $0xffff  }
0x1cc: {  	v2 =	vadd.f32 v3, v2;
	v3 =	vmul.f32 v13, v4;
	v4 =	vld.idx.msk [tilespmem:v9+s20+$0x0], $0xffff;
	v9 =	vor.u32 $0x37, v1  }
0x1cd: {  	v13 =	vld.idx.msk [tilespmem:v6+s21+$0x0], $0xffff  }
0x1ce: {  	v2 =	vadd.f32 v3, v2;
	v3 =	vmul.f32 v10, v5;
	v5 =	vld.idx.msk [tilespmem:v6+s20+$0x0], $0xffff;
	v6 =	vor.u32 $0x38, v1  }
0x1cf: {  	v10 =	vld.idx.msk [tilespmem:v8+s21+$0x0], $0xffff  }
0x1d0: {  	v2 =	vadd.f32 v3, v2;
	v3 =	vmul.f32 v11, v7;
	v7 =	vld.idx.msk [tilespmem:v8+s20+$0x0], $0xffff;
	v8 =	vor.u32 $0x39, v1  }
0x1d1: {  	v11 =	vld.idx.msk [tilespmem:v9+s21+$0x0], $0xffff  }
0x1d2: {  	v2 =	vadd.f32 v3, v2;
	v3 =	vmul.f32 v12, v4;
	v4 =	vld.idx.msk [tilespmem:v9+s20+$0x0], $0xffff;
	v9 =	vor.u32 $0x3A, v1  }
0x1d3: {  	v12 =	vld.idx.msk [tilespmem:v6+s21+$0x0], $0xffff  }
0x1d4: {  	v2 =	vadd.f32 v3, v2;
	v3 =	vmul.f32 v13, v5;
	v5 =	vld.idx.msk [tilespmem:v6+s20+$0x0], $0xffff;
	v6 =	vor.u32 $0x3B, v1  }
0x1d5: {  	v13 =	vld.idx.msk [tilespmem:v8+s21+$0x0], $0xffff  }
0x1d6: {  	v2 =	vadd.f32 v3, v2;
	v3 =	vmul.f32 v10, v7;
	v7 =	vld.idx.msk [tilespmem:v8+s20+$0x0], $0xffff;
	v8 =	vor.u32 $0x3C, v1  }
0x1d7: {  	v10 =	vld.idx.msk [tilespmem:v9+s21+$0x0], $0xffff  }
0x1d8: {  	v2 =	vadd.f32 v3, v2;
	v3 =	vmul.f32 v11, v4;
	v4 =	vld.idx.msk [tilespmem:v9+s20+$0x0], $0xffff;
	v9 =	vor.u32 $0x3D, v1  }
0x1d9: {  	v11 =	vld.idx.msk [tilespmem:v6+s21+$0x0], $0xffff  }
0x1da: {  	v2 =	vadd.f32 v3, v2;
	v3 =	vmul.f32 v12, v5;
	v5 =	vld.idx.msk [tilespmem:v6+s20+$0x0], $0xffff;
	v6 =	vor.u32 $0x3E, v1  }
0x1db: {  	v12 =	vld.idx.msk [tilespmem:v8+s21+$0x0], $0xffff  }
0x1dc: {  	v2 =	vadd.f32 v3, v2;
	v3 =	vmul.f32 v13, v7;
	v7 =	vld.idx.msk [tilespmem:v8+s20+$0x0], $0xffff;
	v8 =	vor.u32 $0x3F, v1  }
0x1dd: {  	v13 =	vld.idx.msk [tilespmem:v9+s21+$0x0], $0xffff  }
0x1de: {  	v2 =	vadd.f32 v3, v2;
	v3 =	vmul.f32 v10, v4;
	v4 =	vld.idx.msk [tilespmem:v9+s20+$0x0], $0xffff  }
0x1df: {  	v9 =	vld.idx.msk [tilespmem:v6+s21+$0x0], $0xffff  }
0x1e0: {  	v2 =	vadd.f32 v3, v2;
	v3 =	vmul.f32 v11, v5;
	v5 =	vld.idx.msk [tilespmem:v6+s20+$0x0], $0xffff  }
0x1e1: {  	v6 =	vld.idx.msk [tilespmem:v8+s21+$0x0], $0xffff  }
0x1e2: {  	v2 =	vadd.f32 v3, v2;
	v3 =	vmul.f32 v12, v7;
	v7 =	vld.idx.msk [tilespmem:v8+s20+$0x0], $0xffff;
	_ =	sdelay $0x1  }
0x1e3: {  	v2 =	vadd.f32 v3, v2;
	v3 =	vmul.f32 v13, v4;
	_ =	sdelay $0x1  }
0x1e4: {  	v2 =	vadd.f32 v3, v2;
	v3 =	vmul.f32 v9, v5;
	_ =	sdelay $0x1  }
0x1e5: {  	v4 =	vor.u32 $0x40, v1;
	v2 =	vadd.f32 v3, v2;
	v3 =	vmul.f32 v6, v7;
	_ =	sdelay $0x1  }
0x1e6: {  	v2 =	vadd.f32 v3, v2;
	v3 =	vor.u32 $0x41, v1;
	_ =	sdelay $0x1  }
0x1e7: {  	[tilespmem:s0+$0xFFFFFFB0] =	vst v2;
	v2 =	vor.u32 $0x42, v1  }
0x1e8: {  	v5 =	vld.idx.msk [tilespmem:v4+s20+$0x0], $0xffff  }
0x1e9: {  	v6 =	vor.u32 $0x43, v1;
	v4 =	vld.idx.msk [tilespmem:v4+s21+$0x0], $0xffff  }
0x1ea: {  	v7 =	vld.idx.msk [tilespmem:v3+s21+$0x0], $0xffff  }
0x1eb: {  	v8 =	vor.u32 $0x44, v1;
	v3 =	vld.idx.msk [tilespmem:v3+s20+$0x0], $0xffff  }
0x1ec: {  	v9 =	vld.idx.msk [tilespmem:v2+s21+$0x0], $0xffff  }
0x1ed: {  	v10 =	vor.u32 $0x45, v1;
	v2 =	vld.idx.msk [tilespmem:v2+s20+$0x0], $0xffff  }
0x1ee: {  	v11 =	vld.idx.msk [tilespmem:v6+s21+$0x0], $0xffff  }
0x1ef: {  	v4 =	vmul.f32 v4, v5;
	v5 =	vld.idx.msk [tilespmem:v6+s20+$0x0], $0xffff;
	v6 =	vor.u32 $0x46, v1  }
0x1f0: {  	v12 =	vld.idx.msk [tilespmem:v8+s21+$0x0], $0xffff  }
0x1f1: {  	v4 =	vadd.f32 $0.0e+00, v4;
	v3 =	vmul.f32 v7, v3;
	v7 =	vld.idx.msk [tilespmem:v8+s20+$0x0], $0xffff;
	v8 =	vor.u32 $0x47, v1  }
0x1f2: {  	v13 =	vld.idx.msk [tilespmem:v10+s21+$0x0], $0xffff  }
0x1f3: {  	v3 =	vadd.f32 v3, v4;
	v2 =	vmul.f32 v9, v2;
	v9 =	vor.u32 $0x48, v1;
	v4 =	vld.idx.msk [tilespmem:v10+s20+$0x0], $0xffff  }
0x1f4: {  	v10 =	vld.idx.msk [tilespmem:v6+s21+$0x0], $0xffff  }
0x1f5: {  	v2 =	vadd.f32 v2, v3;
	v3 =	vmul.f32 v11, v5;
	v5 =	vld.idx.msk [tilespmem:v6+s20+$0x0], $0xffff;
	v6 =	vor.u32 $0x49, v1  }
0x1f6: {  	v11 =	vld.idx.msk [tilespmem:v8+s21+$0x0], $0xffff  }
0x1f7: {  	v2 =	vadd.f32 v3, v2;
	v3 =	vmul.f32 v12, v7;
	v7 =	vld.idx.msk [tilespmem:v8+s20+$0x0], $0xffff;
	v8 =	vor.u32 $0x4A, v1  }
0x1f8: {  	v12 =	vld.idx.msk [tilespmem:v9+s21+$0x0], $0xffff  }
0x1f9: {  	v2 =	vadd.f32 v3, v2;
	v3 =	vmul.f32 v13, v4;
	v4 =	vld.idx.msk [tilespmem:v9+s20+$0x0], $0xffff;
	v9 =	vor.u32 $0x4B, v1  }
0x1fa: {  	v13 =	vld.idx.msk [tilespmem:v6+s21+$0x0], $0xffff  }
0x1fb: {  	v2 =	vadd.f32 v3, v2;
	v3 =	vmul.f32 v10, v5;
	v5 =	vld.idx.msk [tilespmem:v6+s20+$0x0], $0xffff;
	v6 =	vor.u32 $0x4C, v1  }
0x1fc: {  	v10 =	vld.idx.msk [tilespmem:v8+s21+$0x0], $0xffff  }
0x1fd: {  	v2 =	vadd.f32 v3, v2;
	v3 =	vmul.f32 v11, v7;
	v7 =	vld.idx.msk [tilespmem:v8+s20+$0x0], $0xffff;
	v8 =	vor.u32 $0x4D, v1  }
0x1fe: {  	v11 =	vld.idx.msk [tilespmem:v9+s21+$0x0], $0xffff  }
0x1ff: {  	v2 =	vadd.f32 v3, v2;
	v3 =	vmul.f32 v12, v4;
	v4 =	vld.idx.msk [tilespmem:v9+s20+$0x0], $0xffff;
	v9 =	vor.u32 $0x4E, v1  }
0x200: {  	v12 =	vld.idx.msk [tilespmem:v6+s21+$0x0], $0xffff  }
0x201: {  	v2 =	vadd.f32 v3, v2;
	v3 =	vmul.f32 v13, v5;
	v5 =	vld.idx.msk [tilespmem:v6+s20+$0x0], $0xffff;
	v6 =	vor.u32 $0x4F, v1  }
0x202: {  	v13 =	vld.idx.msk [tilespmem:v8+s21+$0x0], $0xffff  }
0x203: {  	v2 =	vadd.f32 v3, v2;
	v3 =	vmul.f32 v10, v7;
	v7 =	vld.idx.msk [tilespmem:v8+s20+$0x0], $0xffff;
	v8 =	vor.u32 $0x50, v1  }
0x204: {  	v10 =	vld.idx.msk [tilespmem:v9+s21+$0x0], $0xffff  }
0x205: {  	v2 =	vadd.f32 v3, v2;
	v3 =	vmul.f32 v11, v4;
	v4 =	vld.idx.msk [tilespmem:v9+s20+$0x0], $0xffff;
	v9 =	vor.u32 $0x51, v1  }
0x206: {  	v11 =	vld.idx.msk [tilespmem:v6+s21+$0x0], $0xffff  }
0x207: {  	v2 =	vadd.f32 v3, v2;
	v3 =	vmul.f32 v12, v5;
	v5 =	vld.idx.msk [tilespmem:v6+s20+$0x0], $0xffff;
	v6 =	vor.u32 $0x52, v1  }
0x208: {  	v12 =	vld.idx.msk [tilespmem:v8+s21+$0x0], $0xffff  }
0x209: {  	v2 =	vadd.f32 v3, v2;
	v3 =	vmul.f32 v13, v7;
	v7 =	vld.idx.msk [tilespmem:v8+s20+$0x0], $0xffff;
	v8 =	vor.u32 $0x53, v1  }
0x20a: {  	v13 =	vld.idx.msk [tilespmem:v9+s21+$0x0], $0xffff  }
0x20b: {  	v2 =	vadd.f32 v3, v2;
	v3 =	vmul.f32 v10, v4;
	v4 =	vld.idx.msk [tilespmem:v9+s20+$0x0], $0xffff;
	v9 =	vor.u32 $0x54, v1  }
0x20c: {  	v10 =	vld.idx.msk [tilespmem:v6+s21+$0x0], $0xffff  }
0x20d: {  	v2 =	vadd.f32 v3, v2;
	v3 =	vmul.f32 v11, v5;
	v5 =	vld.idx.msk [tilespmem:v6+s20+$0x0], $0xffff;
	v6 =	vor.u32 $0x55, v1  }
0x20e: {  	v11 =	vld.idx.msk [tilespmem:v8+s21+$0x0], $0xffff  }
0x20f: {  	v2 =	vadd.f32 v3, v2;
	v3 =	vmul.f32 v12, v7;
	v7 =	vld.idx.msk [tilespmem:v8+s20+$0x0], $0xffff;
	v8 =	vor.u32 $0x56, v1  }
0x210: {  	v12 =	vld.idx.msk [tilespmem:v9+s21+$0x0], $0xffff  }
0x211: {  	v2 =	vadd.f32 v3, v2;
	v3 =	vmul.f32 v13, v4;
	v4 =	vld.idx.msk [tilespmem:v9+s20+$0x0], $0xffff;
	v9 =	vor.u32 $0x57, v1  }
0x212: {  	v13 =	vld.idx.msk [tilespmem:v6+s21+$0x0], $0xffff  }
0x213: {  	v2 =	vadd.f32 v3, v2;
	v3 =	vmul.f32 v10, v5;
	v5 =	vld.idx.msk [tilespmem:v6+s20+$0x0], $0xffff;
	v6 =	vor.u32 $0x58, v1  }
0x214: {  	v10 =	vld.idx.msk [tilespmem:v8+s21+$0x0], $0xffff  }
0x215: {  	v2 =	vadd.f32 v3, v2;
	v3 =	vmul.f32 v11, v7;
	v7 =	vld.idx.msk [tilespmem:v8+s20+$0x0], $0xffff;
	v8 =	vor.u32 $0x59, v1  }
0x216: {  	v11 =	vld.idx.msk [tilespmem:v9+s21+$0x0], $0xffff  }
0x217: {  	v2 =	vadd.f32 v3, v2;
	v3 =	vmul.f32 v12, v4;
	v4 =	vld.idx.msk [tilespmem:v9+s20+$0x0], $0xffff;
	v9 =	vor.u32 $0x5A, v1  }
0x218: {  	v12 =	vld.idx.msk [tilespmem:v6+s21+$0x0], $0xffff  }
0x219: {  	v2 =	vadd.f32 v3, v2;
	v3 =	vmul.f32 v13, v5;
	v5 =	vld.idx.msk [tilespmem:v6+s20+$0x0], $0xffff;
	v6 =	vor.u32 $0x5B, v1  }
0x21a: {  	v13 =	vld.idx.msk [tilespmem:v8+s21+$0x0], $0xffff  }
0x21b: {  	v2 =	vadd.f32 v3, v2;
	v3 =	vmul.f32 v10, v7;
	v7 =	vld.idx.msk [tilespmem:v8+s20+$0x0], $0xffff;
	v8 =	vor.u32 $0x5C, v1  }
0x21c: {  	v10 =	vld.idx.msk [tilespmem:v9+s21+$0x0], $0xffff  }
0x21d: {  	v2 =	vadd.f32 v3, v2;
	v3 =	vmul.f32 v11, v4;
	v4 =	vld.idx.msk [tilespmem:v9+s20+$0x0], $0xffff;
	v9 =	vor.u32 $0x5D, v1  }
0x21e: {  	v11 =	vld.idx.msk [tilespmem:v6+s21+$0x0], $0xffff  }
0x21f: {  	v2 =	vadd.f32 v3, v2;
	v3 =	vmul.f32 v12, v5;
	v5 =	vld.idx.msk [tilespmem:v6+s20+$0x0], $0xffff;
	v6 =	vor.u32 $0x5E, v1  }
0x220: {  	v12 =	vld.idx.msk [tilespmem:v8+s21+$0x0], $0xffff  }
0x221: {  	v2 =	vadd.f32 v3, v2;
	v3 =	vmul.f32 v13, v7;
	v7 =	vld.idx.msk [tilespmem:v8+s20+$0x0], $0xffff;
	v8 =	vor.u32 $0x5F, v1  }
0x222: {  	v13 =	vld.idx.msk [tilespmem:v9+s21+$0x0], $0xffff  }
0x223: {  	v2 =	vadd.f32 v3, v2;
	v3 =	vmul.f32 v10, v4;
	v4 =	vld.idx.msk [tilespmem:v9+s20+$0x0], $0xffff  }
0x224: {  	v9 =	vld.idx.msk [tilespmem:v6+s21+$0x0], $0xffff  }
0x225: {  	v2 =	vadd.f32 v3, v2;
	v3 =	vmul.f32 v11, v5;
	v5 =	vld.idx.msk [tilespmem:v6+s20+$0x0], $0xffff  }
0x226: {  	v6 =	vld.idx.msk [tilespmem:v8+s21+$0x0], $0xffff  }
0x227: {  	v2 =	vadd.f32 v3, v2;
	v3 =	vmul.f32 v12, v7;
	v7 =	vld.idx.msk [tilespmem:v8+s20+$0x0], $0xffff;
	_ =	sdelay $0x1  }
0x228: {  	v2 =	vadd.f32 v3, v2;
	v3 =	vmul.f32 v13, v4;
	_ =	sdelay $0x1  }
0x229: {  	v2 =	vadd.f32 v3, v2;
	v3 =	vmul.f32 v9, v5;
	_ =	sdelay $0x1  }
0x22a: {  	v4 =	vor.u32 $0x60, v1;
	v2 =	vadd.f32 v3, v2;
	v3 =	vmul.f32 v6, v7  }
0x22b: {  	v5 =	vor.u32 $0x61, v1  }
0x22c: {  	v2 =	vadd.f32 v3, v2;
	_ =	sdelay $0x1  }
0x22d: {  	[tilespmem:s0+$0x0] =	vst v2;
	v2 =	vor.u32 $0x62, v1  }
0x22e: {  	v3 =	vld.idx.msk [tilespmem:v4+s20+$0x0], $0xffff  }
0x22f: {  	v7 =	vor.u32 $0x63, v1;
	v6 =	vld.idx.msk [tilespmem:v5+s21+$0x0], $0xffff  }
0x230: {  	v4 =	vld.idx.msk [tilespmem:v4+s21+$0x0], $0xffff  }
0x231: {  	v8 =	vor.u32 $0x64, v1;
	v5 =	vld.idx.msk [tilespmem:v5+s20+$0x0], $0xffff  }
0x232: {  	v9 =	vld.idx.msk [tilespmem:v2+s20+$0x0], $0xffff  }
0x233: {  	v10 =	vor.u32 $0x65, v1;
	v2 =	vld.idx.msk [tilespmem:v2+s21+$0x0], $0xffff  }
0x234: {  	v11 =	vld.idx.msk [tilespmem:v7+s20+$0x0], $0xffff  }
0x235: {  	v12 =	vor.u32 $0x66, v1;
	v7 =	vld.idx.msk [tilespmem:v7+s21+$0x0], $0xffff  }
0x236: {  	v3 =	vmul.f32 v4, v3;
	v4 =	vld.idx.msk [tilespmem:v8+s20+$0x0], $0xffff  }
0x237: {  	v5 =	vmul.f32 v6, v5;
	v6 =	vld.idx.msk [tilespmem:v8+s21+$0x0], $0xffff;
	v8 =	vor.u32 $0x67, v1  }
0x238: {  	v3 =	vadd.f32 $0.0e+00, v3;
	v13 =	vld.idx.msk [tilespmem:v10+s20+$0x0], $0xffff  }
0x239: {  	v2 =	vmul.f32 v2, v9;
	v9 =	vld.idx.msk [tilespmem:v10+s21+$0x0], $0xffff;
	v10 =	vor.u32 $0x68, v1  }
0x23a: {  	v3 =	vadd.f32 v5, v3;
	v5 =	vld.idx.msk [tilespmem:v12+s20+$0x0], $0xffff  }
0x23b: {  	v7 =	vmul.f32 v7, v11;
	v11 =	vld.idx.msk [tilespmem:v12+s21+$0x0], $0xffff;
	v12 =	vor.u32 $0x69, v1  }
0x23c: {  	v2 =	vadd.f32 v2, v3;
	v3 =	vld.idx.msk [tilespmem:v8+s20+$0x0], $0xffff  }
0x23d: {  	v4 =	vmul.f32 v6, v4;
	v6 =	vld.idx.msk [tilespmem:v8+s21+$0x0], $0xffff;
	v8 =	vor.u32 $0x6A, v1  }
0x23e: {  	v2 =	vadd.f32 v7, v2;
	v7 =	vld.idx.msk [tilespmem:v10+s20+$0x0], $0xffff  }
0x23f: {  	v9 =	vmul.f32 v9, v13;
	v13 =	vor.u32 $0x6B, v1;
	v10 =	vld.idx.msk [tilespmem:v10+s21+$0x0], $0xffff  }
0x240: {  	v2 =	vadd.f32 v4, v2;
	v4 =	vld.idx.msk [tilespmem:v12+s20+$0x0], $0xffff  }
0x241: {  	v5 =	vmul.f32 v11, v5;
	v11 =	vld.idx.msk [tilespmem:v12+s21+$0x0], $0xffff;
	v12 =	vor.u32 $0x6C, v1  }
0x242: {  	v2 =	vadd.f32 v9, v2;
	v9 =	vld.idx.msk [tilespmem:v8+s20+$0x0], $0xffff  }
0x243: {  	v3 =	vmul.f32 v6, v3;
	v6 =	vld.idx.msk [tilespmem:v8+s21+$0x0], $0xffff;
	v8 =	vor.u32 $0x6D, v1  }
0x244: {  	v2 =	vadd.f32 v5, v2;
	v5 =	vld.idx.msk [tilespmem:v13+s20+$0x0], $0xffff  }
0x245: {  	v7 =	vmul.f32 v10, v7;
	v10 =	vld.idx.msk [tilespmem:v13+s21+$0x0], $0xffff;
	v13 =	vor.u32 $0x6E, v1  }
0x246: {  	v2 =	vadd.f32 v3, v2;
	v3 =	vld.idx.msk [tilespmem:v12+s20+$0x0], $0xffff  }
0x247: {  	v4 =	vmul.f32 v11, v4;
	v11 =	vld.idx.msk [tilespmem:v12+s21+$0x0], $0xffff;
	v12 =	vor.u32 $0x6F, v1  }
0x248: {  	v2 =	vadd.f32 v7, v2;
	v7 =	vld.idx.msk [tilespmem:v8+s20+$0x0], $0xffff  }
0x249: {  	v6 =	vmul.f32 v6, v9;
	v9 =	vor.u32 $0x70, v1;
	v8 =	vld.idx.msk [tilespmem:v8+s21+$0x0], $0xffff  }
0x24a: {  	v2 =	vadd.f32 v4, v2;
	v4 =	vld.idx.msk [tilespmem:v13+s20+$0x0], $0xffff  }
0x24b: {  	v5 =	vmul.f32 v10, v5;
	v10 =	vld.idx.msk [tilespmem:v13+s21+$0x0], $0xffff;
	v13 =	vor.u32 $0x71, v1  }
0x24c: {  	v2 =	vadd.f32 v6, v2;
	v6 =	vld.idx.msk [tilespmem:v12+s20+$0x0], $0xffff  }
0x24d: {  	v3 =	vmul.f32 v11, v3;
	v11 =	vld.idx.msk [tilespmem:v12+s21+$0x0], $0xffff;
	v12 =	vor.u32 $0x72, v1  }
0x24e: {  	v2 =	vadd.f32 v5, v2;
	v5 =	vld.idx.msk [tilespmem:v9+s20+$0x0], $0xffff  }
0x24f: {  	v7 =	vmul.f32 v8, v7;
	v8 =	vld.idx.msk [tilespmem:v9+s21+$0x0], $0xffff;
	v9 =	vor.u32 $0x73, v1  }
0x250: {  	v2 =	vadd.f32 v3, v2;
	v3 =	vld.idx.msk [tilespmem:v13+s20+$0x0], $0xffff  }
0x251: {  	v4 =	vmul.f32 v10, v4;
	v10 =	vld.idx.msk [tilespmem:v13+s21+$0x0], $0xffff;
	v13 =	vor.u32 $0x74, v1  }
0x252: {  	v2 =	vadd.f32 v7, v2;
	v7 =	vld.idx.msk [tilespmem:v12+s20+$0x0], $0xffff  }
0x253: {  	v6 =	vmul.f32 v11, v6;
	v11 =	vld.idx.msk [tilespmem:v12+s21+$0x0], $0xffff;
	v12 =	vor.u32 $0x75, v1  }
0x254: {  	v2 =	vadd.f32 v4, v2;
	v4 =	vld.idx.msk [tilespmem:v9+s20+$0x0], $0xffff  }
0x255: {  	v5 =	vmul.f32 v8, v5;
	v8 =	vld.idx.msk [tilespmem:v9+s21+$0x0], $0xffff;
	v9 =	vor.u32 $0x76, v1  }
0x256: {  	v2 =	vadd.f32 v6, v2;
	v6 =	vld.idx.msk [tilespmem:v13+s20+$0x0], $0xffff  }
0x257: {  	v3 =	vmul.f32 v10, v3;
	v10 =	vld.idx.msk [tilespmem:v13+s21+$0x0], $0xffff;
	v13 =	vor.u32 $0x77, v1  }
0x258: {  	v2 =	vadd.f32 v5, v2;
	v5 =	vld.idx.msk [tilespmem:v12+s20+$0x0], $0xffff  }
0x259: {  	v7 =	vmul.f32 v11, v7;
	v11 =	vld.idx.msk [tilespmem:v12+s21+$0x0], $0xffff;
	v12 =	vor.u32 $0x78, v1  }
0x25a: {  	v2 =	vadd.f32 v3, v2;
	v3 =	vld.idx.msk [tilespmem:v9+s20+$0x0], $0xffff  }
0x25b: {  	v4 =	vmul.f32 v8, v4;
	v8 =	vld.idx.msk [tilespmem:v9+s21+$0x0], $0xffff;
	v9 =	vor.u32 $0x79, v1  }
0x25c: {  	v2 =	vadd.f32 v7, v2;
	v7 =	vld.idx.msk [tilespmem:v13+s20+$0x0], $0xffff  }
0x25d: {  	v6 =	vmul.f32 v10, v6;
	v10 =	vld.idx.msk [tilespmem:v13+s21+$0x0], $0xffff;
	v13 =	vor.u32 $0x7A, v1  }
0x25e: {  	v2 =	vadd.f32 v4, v2;
	v4 =	vld.idx.msk [tilespmem:v12+s20+$0x0], $0xffff  }
0x25f: {  	v5 =	vmul.f32 v11, v5;
	v11 =	vld.idx.msk [tilespmem:v12+s21+$0x0], $0xffff;
	v12 =	vor.u32 $0x7B, v1  }
0x260: {  	v2 =	vadd.f32 v6, v2;
	v6 =	vld.idx.msk [tilespmem:v9+s20+$0x0], $0xffff  }
0x261: {  	v3 =	vmul.f32 v8, v3;
	v8 =	vld.idx.msk [tilespmem:v9+s21+$0x0], $0xffff;
	v9 =	vor.u32 $0x7C, v1  }
0x262: {  	v2 =	vadd.f32 v5, v2;
	v5 =	vld.idx.msk [tilespmem:v13+s20+$0x0], $0xffff  }
0x263: {  	v7 =	vmul.f32 v10, v7;
	v10 =	vld.idx.msk [tilespmem:v13+s21+$0x0], $0xffff;
	v13 =	vor.u32 $0x7D, v1  }
0x264: {  	v2 =	vadd.f32 v3, v2;
	v3 =	vld.idx.msk [tilespmem:v12+s20+$0x0], $0xffff  }
0x265: {  	v4 =	vmul.f32 v11, v4;
	v11 =	vld.idx.msk [tilespmem:v12+s21+$0x0], $0xffff;
	v12 =	vor.u32 $0x7E, v1  }
0x266: {  	v2 =	vadd.f32 v7, v2;
	v7 =	vld.idx.msk [tilespmem:v9+s20+$0x0], $0xffff  }
0x267: {  	v1 =	vor.u32 $0x7F, v1;
	v6 =	vmul.f32 v8, v6;
	v8 =	vld.idx.msk [tilespmem:v9+s21+$0x0], $0xffff  }
0x268: {  	v2 =	vadd.f32 v4, v2;
	v4 =	vld.idx.msk [tilespmem:v13+s20+$0x0], $0xffff  }
0x269: {  	v5 =	vmul.f32 v10, v5;
	v9 =	vld.idx.msk [tilespmem:v13+s21+$0x0], $0xffff  }
0x26a: {  	v2 =	vadd.f32 v6, v2;
	v10 =	vld.idx.msk [tilespmem:v12+s20+$0x0], $0xffff  }
0x26b: {  	v6 =	vmul.f32 v11, v3;
	v11 =	vld.idx.msk [tilespmem:v12+s21+$0x0], $0xffff  }
0x26c: {  	v5 =	vadd.f32 v5, v2;
	v2 =	vld.idx.msk [tilespmem:v1+s20+$0x0], $0xffff  }
.Ltmp0:
0x26d: {  	v7 =	vmul.f32 v8, v7;
	v3 =	vld.idx.msk [tilespmem:v1+s21+$0x0], $0xffff;
	(pc) =	sbr.rel @p1 .LBB2_3-.Ltmp0, $4  }
0x26e: {  	v5 =	vadd.f32 v6, v5  }
0x26f: {  	v1 =	vmul.f32 v9, v4  }
0x270: {  	v5 =	vadd.f32 v7, v5  }
0x271: {  	v6 =	vmov s12;
	v4 =	vmul.f32 v11, v10  }
0x272: {  	v5 =	vadd.f32 v1, v5  }
0x273: {  	v1 =	vshll.u32 v6, $0x7  }
0x274: {  	v2 =	vmul.f32 v3, v2;
	v1 =	vor.u32 v0, v1;
	v3 =	vadd.f32 v4, v5;
	_ =	sdelay $0x1  }
0x275: {  	v30 =	vor.u32 $0x1, v1;
	v2 =	vadd.f32 v2, v3;
	_ =	sdelay $0x1  }
0x276: {  	v3 =	vor.u32 $0x2, v1;
	[tilespmem:s8+$0x50] =	vst v2  }
0x277: {  	v2 =	vld.idx.msk [tilespmem:v1+s20+$0x0], $0xffff  }
0x278: {  	v31 =	vor.u32 $0x3, v1;
	v32 =	vld.idx.msk [tilespmem:v1+s21+$0x0], $0xffff  }
0x279: {  	v7 =	vld.idx.msk [tilespmem:v30+s21+$0x0], $0xffff  }
0x27a: {  	v8 =	vor.u32 $0x4, v1;
	v4 =	vld.idx.msk [tilespmem:v30+s20+$0x0], $0xffff  }
0x27b: {  	v9 =	vld.idx.msk [tilespmem:v3+s21+$0x0], $0xffff  }
0x27c: {  	v10 =	vor.u32 $0x5, v1;
	v3 =	vld.idx.msk [tilespmem:v3+s20+$0x0], $0xffff  }
0x27d: {  	v11 =	vld.idx.msk [tilespmem:v31+s21+$0x0], $0xffff;
	v2 =	vmul.f32 v32, v2  }
0x27e: {  	v33 =	vor.u32 $0x6, v1;
	v5 =	vld.idx.msk [tilespmem:v31+s20+$0x0], $0xffff  }
0x27f: {  	v12 =	vld.idx.msk [tilespmem:v8+s21+$0x0], $0xffff;
	v4 =	vmul.f32 v7, v4;
	v2 =	vadd.f32 $0.0e+00, v2  }
0x280: {  	v34 =	vor.u32 $0x7, v1;
	v8 =	vld.idx.msk [tilespmem:v8+s20+$0x0], $0xffff  }
0x281: {  	v13 =	vld.idx.msk [tilespmem:v10+s21+$0x0], $0xffff;
	v3 =	vmul.f32 v9, v3;
	v2 =	vadd.f32 v4, v2  }
0x282: {  	v35 =	vor.u32 $0x8, v1;
	v36 =	vld.idx.msk [tilespmem:v10+s20+$0x0], $0xffff  }
0x283: {  	v37 =	vld.idx.msk [tilespmem:v33+s21+$0x0], $0xffff;
	v2 =	vadd.f32 v3, v2;
	v3 =	vmul.f32 v11, v5  }
0x284: {  	v38 =	vor.u32 $0x9, v1;
	v6 =	vld.idx.msk [tilespmem:v33+s20+$0x0], $0xffff  }
0x285: {  	v39 =	vld.idx.msk [tilespmem:v34+s21+$0x0], $0xffff;
	v2 =	vadd.f32 v3, v2;
	v3 =	vmul.f32 v12, v8  }
0x286: {  	v40 =	vor.u32 $0xA, v1;
	v7 =	vld.idx.msk [tilespmem:v34+s20+$0x0], $0xffff  }
0x287: {  	v41 =	vld.idx.msk [tilespmem:v35+s21+$0x0], $0xffff;
	v2 =	vadd.f32 v3, v2;
	v3 =	vmul.f32 v13, v36  }
0x288: {  	v42 =	vor.u32 $0xB, v1;
	v4 =	vld.idx.msk [tilespmem:v35+s20+$0x0], $0xffff  }
0x289: {  	v43 =	vld.idx.msk [tilespmem:v38+s21+$0x0], $0xffff;
	v2 =	vadd.f32 v3, v2;
	v3 =	vmul.f32 v37, v6  }
0x28a: {  	v44 =	vor.u32 $0xC, v1;
	v5 =	vld.idx.msk [tilespmem:v38+s20+$0x0], $0xffff  }
0x28b: {  	v45 =	vld.idx.msk [tilespmem:v40+s21+$0x0], $0xffff;
	v2 =	vadd.f32 v3, v2;
	v3 =	vmul.f32 v39, v7  }
0x28c: {  	v46 =	vor.u32 $0xD, v1;
	v8 =	vld.idx.msk [tilespmem:v40+s20+$0x0], $0xffff  }
0x28d: {  	v47 =	vld.idx.msk [tilespmem:v42+s21+$0x0], $0xffff;
	v2 =	vadd.f32 v3, v2;
	v3 =	vmul.f32 v41, v4  }
0x28e: {  	v48 =	vor.u32 $0xE, v1;
	v9 =	vld.idx.msk [tilespmem:v42+s20+$0x0], $0xffff  }
0x28f: {  	v49 =	vld.idx.msk [tilespmem:v44+s21+$0x0], $0xffff;
	v2 =	vadd.f32 v3, v2;
	v3 =	vmul.f32 v43, v5  }
0x290: {  	v50 =	vor.u32 $0xF, v1;
	v6 =	vld.idx.msk [tilespmem:v44+s20+$0x0], $0xffff  }
0x291: {  	v51 =	vld.idx.msk [tilespmem:v46+s21+$0x0], $0xffff;
	v2 =	vadd.f32 v3, v2;
	v3 =	vmul.f32 v45, v8  }
0x292: {  	v52 =	vor.u32 $0x10, v1;
	v7 =	vld.idx.msk [tilespmem:v46+s20+$0x0], $0xffff  }
0x293: {  	v53 =	vld.idx.msk [tilespmem:v48+s21+$0x0], $0xffff;
	v2 =	vadd.f32 v3, v2;
	v3 =	vmul.f32 v47, v9  }
0x294: {  	v54 =	vor.u32 $0x11, v1;
	v4 =	vld.idx.msk [tilespmem:v48+s20+$0x0], $0xffff  }
0x295: {  	v55 =	vld.idx.msk [tilespmem:v50+s21+$0x0], $0xffff;
	v2 =	vadd.f32 v3, v2;
	v3 =	vmul.f32 v49, v6  }
0x296: {  	v56 =	vor.u32 $0x12, v1;
	v5 =	vld.idx.msk [tilespmem:v50+s20+$0x0], $0xffff  }
0x297: {  	v57 =	vld.idx.msk [tilespmem:v52+s21+$0x0], $0xffff;
	v2 =	vadd.f32 v3, v2;
	v3 =	vmul.f32 v51, v7  }
0x298: {  	v58 =	vor.u32 $0x13, v1;
	v8 =	vld.idx.msk [tilespmem:v52+s20+$0x0], $0xffff  }
0x299: {  	v59 =	vld.idx.msk [tilespmem:v54+s21+$0x0], $0xffff;
	v2 =	vadd.f32 v3, v2;
	v3 =	vmul.f32 v53, v4  }
0x29a: {  	v60 =	vor.u32 $0x14, v1;
	v9 =	vld.idx.msk [tilespmem:v54+s20+$0x0], $0xffff  }
0x29b: {  	v61 =	vld.idx.msk [tilespmem:v56+s21+$0x0], $0xffff;
	v2 =	vadd.f32 v3, v2;
	v3 =	vmul.f32 v55, v5  }
0x29c: {  	v62 =	vor.u32 $0x15, v1;
	v6 =	vld.idx.msk [tilespmem:v56+s20+$0x0], $0xffff  }
0x29d: {  	v63 =	vld.idx.msk [tilespmem:v58+s21+$0x0], $0xffff;
	v2 =	vadd.f32 v3, v2;
	v3 =	vmul.f32 v57, v8  }
0x29e: {  	v16 =	vor.u32 $0x16, v1;
	v7 =	vld.idx.msk [tilespmem:v58+s20+$0x0], $0xffff  }
0x29f: {  	v17 =	vld.idx.msk [tilespmem:v60+s21+$0x0], $0xffff;
	v2 =	vadd.f32 v3, v2;
	v3 =	vmul.f32 v59, v9  }
0x2a0: {  	v18 =	vor.u32 $0x17, v1;
	v4 =	vld.idx.msk [tilespmem:v60+s20+$0x0], $0xffff  }
0x2a1: {  	v19 =	vld.idx.msk [tilespmem:v62+s21+$0x0], $0xffff;
	v2 =	vadd.f32 v3, v2;
	v3 =	vmul.f32 v61, v6  }
0x2a2: {  	v20 =	vor.u32 $0x18, v1;
	v5 =	vld.idx.msk [tilespmem:v62+s20+$0x0], $0xffff  }
0x2a3: {  	v21 =	vld.idx.msk [tilespmem:v16+s21+$0x0], $0xffff;
	v2 =	vadd.f32 v3, v2;
	v3 =	vmul.f32 v63, v7  }
0x2a4: {  	v22 =	vor.u32 $0x19, v1;
	v8 =	vld.idx.msk [tilespmem:v16+s20+$0x0], $0xffff  }
0x2a5: {  	v23 =	vld.idx.msk [tilespmem:v18+s21+$0x0], $0xffff;
	v2 =	vadd.f32 v3, v2;
	v3 =	vmul.f32 v17, v4  }
0x2a6: {  	v24 =	vor.u32 $0x1A, v1;
	v9 =	vld.idx.msk [tilespmem:v18+s20+$0x0], $0xffff  }
0x2a7: {  	v25 =	vld.idx.msk [tilespmem:v20+s21+$0x0], $0xffff;
	v2 =	vadd.f32 v3, v2;
	v3 =	vmul.f32 v19, v5  }
0x2a8: {  	v26 =	vor.u32 $0x1B, v1;
	v6 =	vld.idx.msk [tilespmem:v20+s20+$0x0], $0xffff  }
0x2a9: {  	v27 =	vld.idx.msk [tilespmem:v22+s21+$0x0], $0xffff;
	v2 =	vadd.f32 v3, v2;
	v3 =	vmul.f32 v21, v8  }
0x2aa: {  	v28 =	vor.u32 $0x1C, v1;
	v7 =	vld.idx.msk [tilespmem:v22+s20+$0x0], $0xffff  }
0x2ab: {  	v29 =	vld.idx.msk [tilespmem:v24+s21+$0x0], $0xffff;
	v2 =	vadd.f32 v3, v2;
	v3 =	vmul.f32 v23, v9  }
0x2ac: {  	v30 =	vor.u32 $0x1D, v1;
	v4 =	vld.idx.msk [tilespmem:v24+s20+$0x0], $0xffff  }
0x2ad: {  	v31 =	vld.idx.msk [tilespmem:v26+s21+$0x0], $0xffff;
	v2 =	vadd.f32 v3, v2;
	v3 =	vmul.f32 v25, v6  }
0x2ae: {  	v32 =	vor.u32 $0x1E, v1;
	v5 =	vld.idx.msk [tilespmem:v26+s20+$0x0], $0xffff  }
0x2af: {  	v33 =	vld.idx.msk [tilespmem:v28+s21+$0x0], $0xffff;
	v2 =	vadd.f32 v3, v2;
	v3 =	vmul.f32 v27, v7  }
0x2b0: {  	v34 =	vor.u32 $0x1F, v1;
	v8 =	vld.idx.msk [tilespmem:v28+s20+$0x0], $0xffff  }
0x2b1: {  	v35 =	vld.idx.msk [tilespmem:v30+s21+$0x0], $0xffff;
	v2 =	vadd.f32 v3, v2;
	v3 =	vmul.f32 v29, v4  }
0x2b2: {  	v36 =	vld.idx.msk [tilespmem:v30+s20+$0x0], $0xffff  }
0x2b3: {  	v38 =	vld.idx.msk [tilespmem:v32+s20+$0x0], $0xffff;
	v2 =	vadd.f32 v3, v2;
	v3 =	vmul.f32 v31, v5  }
0x2b4: {  	v37 =	vld.idx.msk [tilespmem:v32+s21+$0x0], $0xffff  }
0x2b5: {  	v39 =	vld.idx.msk [tilespmem:v34+s21+$0x0], $0xffff;
	v2 =	vadd.f32 v3, v2;
	v3 =	vmul.f32 v33, v8  }
0x2b6: {  	v7 =	vld.idx.msk [tilespmem:v34+s20+$0x0], $0xffff  }
0x2b7: {  	v2 =	vadd.f32 v3, v2;
	v3 =	vmul.f32 v35, v36;
	_ =	sdelay $0x1  }
0x2b8: {  	v2 =	vadd.f32 v3, v2;
	v3 =	vmul.f32 v37, v38;
	_ =	sdelay $0x1  }
0x2b9: {  	v40 =	vor.u32 $0x20, v1;
	v2 =	vadd.f32 v3, v2;
	v3 =	vmul.f32 v39, v7;
	_ =	sdelay $0x1  }
0x2ba: {  	v2 =	vadd.f32 v3, v2;
	v3 =	vor.u32 $0x21, v1  }
0x2bb: {  	s0 =	sadd.s32 $0x10, s0  }
0x2bc: {  	[tilespmem:s0+$0xFFFFFF60] =	vst v2;
	v2 =	vor.u32 $0x22, v1  }
0x2bd: {  	v41 =	vld.idx.msk [tilespmem:v40+s20+$0x0], $0xffff  }
0x2be: {  	v42 =	vor.u32 $0x23, v1;
	v4 =	vld.idx.msk [tilespmem:v40+s21+$0x0], $0xffff  }
0x2bf: {  	v43 =	vld.idx.msk [tilespmem:v3+s21+$0x0], $0xffff  }
0x2c0: {  	v44 =	vor.u32 $0x24, v1;
	v3 =	vld.idx.msk [tilespmem:v3+s20+$0x0], $0xffff  }
0x2c1: {  	v45 =	vld.idx.msk [tilespmem:v2+s21+$0x0], $0xffff  }
0x2c2: {  	v46 =	vor.u32 $0x25, v1;
	v2 =	vld.idx.msk [tilespmem:v2+s20+$0x0], $0xffff  }
0x2c3: {  	v47 =	vld.idx.msk [tilespmem:v42+s21+$0x0], $0xffff;
	v4 =	vmul.f32 v4, v41  }
0x2c4: {  	v49 =	vor.u32 $0x26, v1;
	v48 =	vld.idx.msk [tilespmem:v42+s20+$0x0], $0xffff  }
0x2c5: {  	v50 =	vld.idx.msk [tilespmem:v44+s21+$0x0], $0xffff;
	v4 =	vadd.f32 $0.0e+00, v4;
	v3 =	vmul.f32 v43, v3  }
0x2c6: {  	v52 =	vor.u32 $0x27, v1;
	v51 =	vld.idx.msk [tilespmem:v44+s20+$0x0], $0xffff  }
0x2c7: {  	v53 =	vld.idx.msk [tilespmem:v46+s21+$0x0], $0xffff;
	v3 =	vadd.f32 v3, v4;
	v2 =	vmul.f32 v45, v2  }
0x2c8: {  	v55 =	vor.u32 $0x28, v1;
	v54 =	vld.idx.msk [tilespmem:v46+s20+$0x0], $0xffff  }
0x2c9: {  	v56 =	vld.idx.msk [tilespmem:v49+s21+$0x0], $0xffff;
	v2 =	vadd.f32 v2, v3;
	v3 =	vmul.f32 v47, v48  }
0x2ca: {  	v58 =	vor.u32 $0x29, v1;
	v57 =	vld.idx.msk [tilespmem:v49+s20+$0x0], $0xffff  }
0x2cb: {  	v59 =	vld.idx.msk [tilespmem:v52+s21+$0x0], $0xffff;
	v2 =	vadd.f32 v3, v2;
	v3 =	vmul.f32 v50, v51  }
0x2cc: {  	v61 =	vor.u32 $0x2A, v1;
	v60 =	vld.idx.msk [tilespmem:v52+s20+$0x0], $0xffff  }
0x2cd: {  	v62 =	vld.idx.msk [tilespmem:v55+s21+$0x0], $0xffff;
	v2 =	vadd.f32 v3, v2;
	v3 =	vmul.f32 v53, v54  }
0x2ce: {  	v16 =	vor.u32 $0x2B, v1;
	v63 =	vld.idx.msk [tilespmem:v55+s20+$0x0], $0xffff  }
0x2cf: {  	v17 =	vld.idx.msk [tilespmem:v58+s21+$0x0], $0xffff;
	v2 =	vadd.f32 v3, v2;
	v3 =	vmul.f32 v56, v57  }
0x2d0: {  	v19 =	vor.u32 $0x2C, v1;
	v18 =	vld.idx.msk [tilespmem:v58+s20+$0x0], $0xffff  }
0x2d1: {  	v20 =	vld.idx.msk [tilespmem:v61+s21+$0x0], $0xffff;
	v2 =	vadd.f32 v3, v2;
	v3 =	vmul.f32 v59, v60  }
0x2d2: {  	v22 =	vor.u32 $0x2D, v1;
	v21 =	vld.idx.msk [tilespmem:v61+s20+$0x0], $0xffff  }
0x2d3: {  	v23 =	vld.idx.msk [tilespmem:v16+s21+$0x0], $0xffff;
	v2 =	vadd.f32 v3, v2;
	v3 =	vmul.f32 v62, v63  }
0x2d4: {  	v25 =	vor.u32 $0x2E, v1;
	v24 =	vld.idx.msk [tilespmem:v16+s20+$0x0], $0xffff  }
0x2d5: {  	v26 =	vld.idx.msk [tilespmem:v19+s21+$0x0], $0xffff;
	v2 =	vadd.f32 v3, v2;
	v3 =	vmul.f32 v17, v18  }
0x2d6: {  	v28 =	vor.u32 $0x2F, v1;
	v27 =	vld.idx.msk [tilespmem:v19+s20+$0x0], $0xffff  }
0x2d7: {  	v29 =	vld.idx.msk [tilespmem:v22+s21+$0x0], $0xffff;
	v2 =	vadd.f32 v3, v2;
	v3 =	vmul.f32 v20, v21  }
0x2d8: {  	v31 =	vor.u32 $0x30, v1;
	v30 =	vld.idx.msk [tilespmem:v22+s20+$0x0], $0xffff  }
0x2d9: {  	v32 =	vld.idx.msk [tilespmem:v25+s21+$0x0], $0xffff;
	v2 =	vadd.f32 v3, v2;
	v3 =	vmul.f32 v23, v24  }
0x2da: {  	v34 =	vor.u32 $0x31, v1;
	v33 =	vld.idx.msk [tilespmem:v25+s20+$0x0], $0xffff  }
0x2db: {  	v35 =	vld.idx.msk [tilespmem:v28+s21+$0x0], $0xffff;
	v2 =	vadd.f32 v3, v2;
	v3 =	vmul.f32 v26, v27  }
0x2dc: {  	v37 =	vor.u32 $0x32, v1;
	v36 =	vld.idx.msk [tilespmem:v28+s20+$0x0], $0xffff  }
0x2dd: {  	v38 =	vld.idx.msk [tilespmem:v31+s21+$0x0], $0xffff;
	v2 =	vadd.f32 v3, v2;
	v3 =	vmul.f32 v29, v30  }
0x2de: {  	v39 =	vld.idx.msk [tilespmem:v31+s20+$0x0], $0xffff;
	v40 =	vor.u32 $0x33, v1  }
0x2df: {  	v42 =	vld.idx.msk [tilespmem:v34+s20+$0x0], $0xffff;
	v2 =	vadd.f32 v3, v2;
	v3 =	vmul.f32 v32, v33  }
0x2e0: {  	v41 =	vld.idx.msk [tilespmem:v34+s21+$0x0], $0xffff;
	v43 =	vor.u32 $0x34, v1  }
0x2e1: {  	v44 =	vld.idx.msk [tilespmem:v37+s21+$0x0], $0xffff;
	v2 =	vadd.f32 v3, v2;
	v3 =	vmul.f32 v35, v36  }
0x2e2: {  	v46 =	vor.u32 $0x35, v1;
	v45 =	vld.idx.msk [tilespmem:v37+s20+$0x0], $0xffff  }
0x2e3: {  	v47 =	vld.idx.msk [tilespmem:v40+s21+$0x0], $0xffff;
	v2 =	vadd.f32 v3, v2;
	v3 =	vmul.f32 v38, v39  }
0x2e4: {  	v49 =	vor.u32 $0x36, v1;
	v48 =	vld.idx.msk [tilespmem:v40+s20+$0x0], $0xffff  }
0x2e5: {  	v50 =	vld.idx.msk [tilespmem:v43+s21+$0x0], $0xffff;
	v2 =	vadd.f32 v3, v2;
	v3 =	vmul.f32 v41, v42  }
0x2e6: {  	v52 =	vor.u32 $0x37, v1;
	v51 =	vld.idx.msk [tilespmem:v43+s20+$0x0], $0xffff  }
0x2e7: {  	v53 =	vld.idx.msk [tilespmem:v46+s21+$0x0], $0xffff;
	v2 =	vadd.f32 v3, v2;
	v3 =	vmul.f32 v44, v45  }
0x2e8: {  	v55 =	vor.u32 $0x38, v1;
	v54 =	vld.idx.msk [tilespmem:v46+s20+$0x0], $0xffff  }
0x2e9: {  	v56 =	vld.idx.msk [tilespmem:v49+s21+$0x0], $0xffff;
	v2 =	vadd.f32 v3, v2;
	v3 =	vmul.f32 v47, v48  }
0x2ea: {  	v58 =	vor.u32 $0x39, v1;
	v57 =	vld.idx.msk [tilespmem:v49+s20+$0x0], $0xffff  }
0x2eb: {  	v59 =	vld.idx.msk [tilespmem:v52+s21+$0x0], $0xffff;
	v2 =	vadd.f32 v3, v2;
	v3 =	vmul.f32 v50, v51  }
0x2ec: {  	v61 =	vor.u32 $0x3A, v1;
	v60 =	vld.idx.msk [tilespmem:v52+s20+$0x0], $0xffff  }
0x2ed: {  	v62 =	vld.idx.msk [tilespmem:v55+s21+$0x0], $0xffff;
	v2 =	vadd.f32 v3, v2;
	v3 =	vmul.f32 v53, v54  }
0x2ee: {  	v16 =	vor.u32 $0x3B, v1;
	v63 =	vld.idx.msk [tilespmem:v55+s20+$0x0], $0xffff  }
0x2ef: {  	v17 =	vld.idx.msk [tilespmem:v58+s21+$0x0], $0xffff;
	v2 =	vadd.f32 v3, v2;
	v3 =	vmul.f32 v56, v57  }
0x2f0: {  	v19 =	vor.u32 $0x3C, v1;
	v18 =	vld.idx.msk [tilespmem:v58+s20+$0x0], $0xffff  }
0x2f1: {  	v20 =	vld.idx.msk [tilespmem:v61+s21+$0x0], $0xffff;
	v2 =	vadd.f32 v3, v2;
	v3 =	vmul.f32 v59, v60  }
0x2f2: {  	v22 =	vor.u32 $0x3D, v1;
	v21 =	vld.idx.msk [tilespmem:v61+s20+$0x0], $0xffff  }
0x2f3: {  	v23 =	vld.idx.msk [tilespmem:v16+s21+$0x0], $0xffff;
	v2 =	vadd.f32 v3, v2;
	v3 =	vmul.f32 v62, v63  }
0x2f4: {  	v25 =	vor.u32 $0x3E, v1;
	v24 =	vld.idx.msk [tilespmem:v16+s20+$0x0], $0xffff  }
0x2f5: {  	v26 =	vld.idx.msk [tilespmem:v19+s21+$0x0], $0xffff;
	v2 =	vadd.f32 v3, v2;
	v3 =	vmul.f32 v17, v18  }
0x2f6: {  	v28 =	vor.u32 $0x3F, v1;
	v27 =	vld.idx.msk [tilespmem:v19+s20+$0x0], $0xffff  }
0x2f7: {  	v29 =	vld.idx.msk [tilespmem:v22+s21+$0x0], $0xffff;
	v2 =	vadd.f32 v3, v2;
	v3 =	vmul.f32 v20, v21  }
0x2f8: {  	v30 =	vld.idx.msk [tilespmem:v22+s20+$0x0], $0xffff  }
0x2f9: {  	v31 =	vld.idx.msk [tilespmem:v25+s21+$0x0], $0xffff;
	v2 =	vadd.f32 v3, v2;
	v3 =	vmul.f32 v23, v24  }
0x2fa: {  	v32 =	vld.idx.msk [tilespmem:v25+s20+$0x0], $0xffff  }
0x2fb: {  	v34 =	vld.idx.msk [tilespmem:v28+s20+$0x0], $0xffff;
	v2 =	vadd.f32 v3, v2;
	v3 =	vmul.f32 v26, v27  }
0x2fc: {  	v33 =	vld.idx.msk [tilespmem:v28+s21+$0x0], $0xffff  }
0x2fd: {  	v2 =	vadd.f32 v3, v2;
	v3 =	vmul.f32 v29, v30;
	_ =	sdelay $0x1  }
0x2fe: {  	v2 =	vadd.f32 v3, v2;
	v3 =	vmul.f32 v31, v32;
	_ =	sdelay $0x1  }
0x2ff: {  	v35 =	vor.u32 $0x40, v1;
	v2 =	vadd.f32 v3, v2;
	v3 =	vmul.f32 v33, v34;
	_ =	sdelay $0x1  }
0x300: {  	v2 =	vadd.f32 v3, v2;
	v3 =	vor.u32 $0x41, v1;
	_ =	sdelay $0x1  }
0x301: {  	[tilespmem:s0+$0xFFFFFFB0] =	vst v2;
	v2 =	vor.u32 $0x42, v1  }
0x302: {  	v36 =	vld.idx.msk [tilespmem:v35+s20+$0x0], $0xffff  }
0x303: {  	v37 =	vor.u32 $0x43, v1;
	v4 =	vld.idx.msk [tilespmem:v35+s21+$0x0], $0xffff  }
0x304: {  	v38 =	vld.idx.msk [tilespmem:v3+s21+$0x0], $0xffff  }
0x305: {  	v39 =	vor.u32 $0x44, v1;
	v3 =	vld.idx.msk [tilespmem:v3+s20+$0x0], $0xffff  }
0x306: {  	v40 =	vld.idx.msk [tilespmem:v2+s21+$0x0], $0xffff  }
0x307: {  	v41 =	vor.u32 $0x45, v1;
	v2 =	vld.idx.msk [tilespmem:v2+s20+$0x0], $0xffff  }
0x308: {  	v42 =	vld.idx.msk [tilespmem:v37+s21+$0x0], $0xffff;
	v4 =	vmul.f32 v4, v36  }
0x309: {  	v44 =	vor.u32 $0x46, v1;
	v43 =	vld.idx.msk [tilespmem:v37+s20+$0x0], $0xffff  }
0x30a: {  	v45 =	vld.idx.msk [tilespmem:v39+s21+$0x0], $0xffff;
	v4 =	vadd.f32 $0.0e+00, v4;
	v3 =	vmul.f32 v38, v3  }
0x30b: {  	v47 =	vor.u32 $0x47, v1;
	v46 =	vld.idx.msk [tilespmem:v39+s20+$0x0], $0xffff  }
0x30c: {  	v48 =	vld.idx.msk [tilespmem:v41+s21+$0x0], $0xffff;
	v3 =	vadd.f32 v3, v4;
	v2 =	vmul.f32 v40, v2  }
0x30d: {  	v50 =	vor.u32 $0x48, v1;
	v49 =	vld.idx.msk [tilespmem:v41+s20+$0x0], $0xffff  }
0x30e: {  	v51 =	vld.idx.msk [tilespmem:v44+s21+$0x0], $0xffff;
	v2 =	vadd.f32 v2, v3;
	v3 =	vmul.f32 v42, v43  }
0x30f: {  	v53 =	vor.u32 $0x49, v1;
	v52 =	vld.idx.msk [tilespmem:v44+s20+$0x0], $0xffff  }
0x310: {  	v54 =	vld.idx.msk [tilespmem:v47+s21+$0x0], $0xffff;
	v2 =	vadd.f32 v3, v2;
	v3 =	vmul.f32 v45, v46  }
0x311: {  	v56 =	vor.u32 $0x4A, v1;
	v55 =	vld.idx.msk [tilespmem:v47+s20+$0x0], $0xffff  }
0x312: {  	v57 =	vld.idx.msk [tilespmem:v50+s21+$0x0], $0xffff;
	v2 =	vadd.f32 v3, v2;
	v3 =	vmul.f32 v48, v49  }
0x313: {  	v59 =	vor.u32 $0x4B, v1;
	v58 =	vld.idx.msk [tilespmem:v50+s20+$0x0], $0xffff  }
0x314: {  	v60 =	vld.idx.msk [tilespmem:v53+s21+$0x0], $0xffff;
	v2 =	vadd.f32 v3, v2;
	v3 =	vmul.f32 v51, v52  }
0x315: {  	v62 =	vor.u32 $0x4C, v1;
	v61 =	vld.idx.msk [tilespmem:v53+s20+$0x0], $0xffff  }
0x316: {  	v63 =	vld.idx.msk [tilespmem:v56+s21+$0x0], $0xffff;
	v2 =	vadd.f32 v3, v2;
	v3 =	vmul.f32 v54, v55  }
0x317: {  	v17 =	vor.u32 $0x4D, v1;
	v16 =	vld.idx.msk [tilespmem:v56+s20+$0x0], $0xffff  }
0x318: {  	v18 =	vld.idx.msk [tilespmem:v59+s21+$0x0], $0xffff;
	v2 =	vadd.f32 v3, v2;
	v3 =	vmul.f32 v57, v58  }
0x319: {  	v20 =	vor.u32 $0x4E, v1;
	v19 =	vld.idx.msk [tilespmem:v59+s20+$0x0], $0xffff  }
0x31a: {  	v21 =	vld.idx.msk [tilespmem:v62+s21+$0x0], $0xffff;
	v2 =	vadd.f32 v3, v2;
	v3 =	vmul.f32 v60, v61  }
0x31b: {  	v23 =	vor.u32 $0x4F, v1;
	v22 =	vld.idx.msk [tilespmem:v62+s20+$0x0], $0xffff  }
0x31c: {  	v24 =	vld.idx.msk [tilespmem:v17+s21+$0x0], $0xffff;
	v2 =	vadd.f32 v3, v2;
	v3 =	vmul.f32 v63, v16  }
0x31d: {  	v26 =	vor.u32 $0x50, v1;
	v25 =	vld.idx.msk [tilespmem:v17+s20+$0x0], $0xffff  }
0x31e: {  	v27 =	vld.idx.msk [tilespmem:v20+s21+$0x0], $0xffff;
	v2 =	vadd.f32 v3, v2;
	v3 =	vmul.f32 v18, v19  }
0x31f: {  	v29 =	vor.u32 $0x51, v1;
	v28 =	vld.idx.msk [tilespmem:v20+s20+$0x0], $0xffff  }
0x320: {  	v30 =	vld.idx.msk [tilespmem:v23+s21+$0x0], $0xffff;
	v2 =	vadd.f32 v3, v2;
	v3 =	vmul.f32 v21, v22  }
0x321: {  	v32 =	vor.u32 $0x52, v1;
	v31 =	vld.idx.msk [tilespmem:v23+s20+$0x0], $0xffff  }
0x322: {  	v33 =	vld.idx.msk [tilespmem:v26+s21+$0x0], $0xffff;
	v2 =	vadd.f32 v3, v2;
	v3 =	vmul.f32 v24, v25  }
0x323: {  	v34 =	vld.idx.msk [tilespmem:v26+s20+$0x0], $0xffff;
	v35 =	vor.u32 $0x53, v1  }
0x324: {  	v37 =	vld.idx.msk [tilespmem:v29+s20+$0x0], $0xffff;
	v2 =	vadd.f32 v3, v2;
	v3 =	vmul.f32 v27, v28  }
0x325: {  	v36 =	vld.idx.msk [tilespmem:v29+s21+$0x0], $0xffff;
	v38 =	vor.u32 $0x54, v1  }
0x326: {  	v39 =	vld.idx.msk [tilespmem:v32+s21+$0x0], $0xffff;
	v2 =	vadd.f32 v3, v2;
	v3 =	vmul.f32 v30, v31  }
0x327: {  	v41 =	vor.u32 $0x55, v1;
	v40 =	vld.idx.msk [tilespmem:v32+s20+$0x0], $0xffff  }
0x328: {  	v42 =	vld.idx.msk [tilespmem:v35+s21+$0x0], $0xffff;
	v2 =	vadd.f32 v3, v2;
	v3 =	vmul.f32 v33, v34  }
0x329: {  	v44 =	vor.u32 $0x56, v1;
	v43 =	vld.idx.msk [tilespmem:v35+s20+$0x0], $0xffff  }
0x32a: {  	v45 =	vld.idx.msk [tilespmem:v38+s21+$0x0], $0xffff;
	v2 =	vadd.f32 v3, v2;
	v3 =	vmul.f32 v36, v37  }
0x32b: {  	v47 =	vor.u32 $0x57, v1;
	v46 =	vld.idx.msk [tilespmem:v38+s20+$0x0], $0xffff  }
0x32c: {  	v48 =	vld.idx.msk [tilespmem:v41+s21+$0x0], $0xffff;
	v2 =	vadd.f32 v3, v2;
	v3 =	vmul.f32 v39, v40  }
0x32d: {  	v50 =	vor.u32 $0x58, v1;
	v49 =	vld.idx.msk [tilespmem:v41+s20+$0x0], $0xffff  }
0x32e: {  	v51 =	vld.idx.msk [tilespmem:v44+s21+$0x0], $0xffff;
	v2 =	vadd.f32 v3, v2;
	v3 =	vmul.f32 v42, v43  }
0x32f: {  	v53 =	vor.u32 $0x59, v1;
	v52 =	vld.idx.msk [tilespmem:v44+s20+$0x0], $0xffff  }
0x330: {  	v54 =	vld.idx.msk [tilespmem:v47+s21+$0x0], $0xffff;
	v2 =	vadd.f32 v3, v2;
	v3 =	vmul.f32 v45, v46  }
0x331: {  	v56 =	vor.u32 $0x5A, v1;
	v55 =	vld.idx.msk [tilespmem:v47+s20+$0x0], $0xffff  }
0x332: {  	v57 =	vld.idx.msk [tilespmem:v50+s21+$0x0], $0xffff;
	v2 =	vadd.f32 v3, v2;
	v3 =	vmul.f32 v48, v49  }
0x333: {  	v59 =	vor.u32 $0x5B, v1;
	v58 =	vld.idx.msk [tilespmem:v50+s20+$0x0], $0xffff  }
0x334: {  	v60 =	vld.idx.msk [tilespmem:v53+s21+$0x0], $0xffff;
	v2 =	vadd.f32 v3, v2;
	v3 =	vmul.f32 v51, v52  }
0x335: {  	v62 =	vor.u32 $0x5C, v1;
	v61 =	vld.idx.msk [tilespmem:v53+s20+$0x0], $0xffff  }
0x336: {  	v63 =	vld.idx.msk [tilespmem:v56+s21+$0x0], $0xffff;
	v2 =	vadd.f32 v3, v2;
	v3 =	vmul.f32 v54, v55  }
0x337: {  	v17 =	vor.u32 $0x5D, v1;
	v16 =	vld.idx.msk [tilespmem:v56+s20+$0x0], $0xffff  }
0x338: {  	v18 =	vld.idx.msk [tilespmem:v59+s21+$0x0], $0xffff;
	v2 =	vadd.f32 v3, v2;
	v3 =	vmul.f32 v57, v58  }
0x339: {  	v20 =	vor.u32 $0x5E, v1;
	v19 =	vld.idx.msk [tilespmem:v59+s20+$0x0], $0xffff  }
0x33a: {  	v21 =	vld.idx.msk [tilespmem:v62+s21+$0x0], $0xffff;
	v2 =	vadd.f32 v3, v2;
	v3 =	vmul.f32 v60, v61  }
0x33b: {  	v23 =	vor.u32 $0x5F, v1;
	v22 =	vld.idx.msk [tilespmem:v62+s20+$0x0], $0xffff  }
0x33c: {  	v24 =	vld.idx.msk [tilespmem:v17+s21+$0x0], $0xffff;
	v2 =	vadd.f32 v3, v2;
	v3 =	vmul.f32 v63, v16  }
0x33d: {  	v25 =	vld.idx.msk [tilespmem:v17+s20+$0x0], $0xffff  }
0x33e: {  	v26 =	vld.idx.msk [tilespmem:v20+s21+$0x0], $0xffff;
	v2 =	vadd.f32 v3, v2;
	v3 =	vmul.f32 v18, v19  }
0x33f: {  	v27 =	vld.idx.msk [tilespmem:v20+s20+$0x0], $0xffff  }
0x340: {  	v29 =	vld.idx.msk [tilespmem:v23+s20+$0x0], $0xffff;
	v2 =	vadd.f32 v3, v2;
	v3 =	vmul.f32 v21, v22  }
0x341: {  	v28 =	vld.idx.msk [tilespmem:v23+s21+$0x0], $0xffff  }
0x342: {  	v2 =	vadd.f32 v3, v2;
	v3 =	vmul.f32 v24, v25;
	_ =	sdelay $0x1  }
0x343: {  	v2 =	vadd.f32 v3, v2;
	v3 =	vmul.f32 v26, v27;
	_ =	sdelay $0x1  }
0x344: {  	v30 =	vor.u32 $0x60, v1;
	v2 =	vadd.f32 v3, v2;
	v3 =	vmul.f32 v28, v29;
	_ =	sdelay $0x1  }
0x345: {  	v31 =	vor.u32 $0x61, v1;
	v2 =	vadd.f32 v3, v2;
	_ =	sdelay $0x1  }
0x346: {  	[tilespmem:s0+$0x0] =	vst v2;
	v2 =	vor.u32 $0x62, v1  }
0x347: {  	v3 =	vld.idx.msk [tilespmem:v30+s20+$0x0], $0xffff  }
0x348: {  	v32 =	vor.u32 $0x63, v1;
	v4 =	vld.idx.msk [tilespmem:v30+s21+$0x0], $0xffff  }
0x349: {  	v33 =	vld.idx.msk [tilespmem:v31+s21+$0x0], $0xffff  }
0x34a: {  	v34 =	vor.u32 $0x64, v1;
	v5 =	vld.idx.msk [tilespmem:v31+s20+$0x0], $0xffff  }
0x34b: {  	v35 =	vld.idx.msk [tilespmem:v2+s20+$0x0], $0xffff  }
0x34c: {  	v36 =	vor.u32 $0x65, v1;
	v2 =	vld.idx.msk [tilespmem:v2+s21+$0x0], $0xffff  }
0x34d: {  	v37 =	vld.idx.msk [tilespmem:v32+s20+$0x0], $0xffff;
	v3 =	vmul.f32 v4, v3  }
0x34e: {  	v39 =	vor.u32 $0x66, v1;
	v38 =	vld.idx.msk [tilespmem:v32+s21+$0x0], $0xffff  }
0x34f: {  	v40 =	vld.idx.msk [tilespmem:v34+s20+$0x0], $0xffff;
	v5 =	vmul.f32 v33, v5;
	v3 =	vadd.f32 $0.0e+00, v3  }
0x350: {  	v42 =	vor.u32 $0x67, v1;
	v41 =	vld.idx.msk [tilespmem:v34+s21+$0x0], $0xffff  }
0x351: {  	v43 =	vld.idx.msk [tilespmem:v36+s20+$0x0], $0xffff;
	v2 =	vmul.f32 v2, v35;
	v3 =	vadd.f32 v5, v3  }
0x352: {  	v45 =	vor.u32 $0x68, v1;
	v44 =	vld.idx.msk [tilespmem:v36+s21+$0x0], $0xffff  }
0x353: {  	v46 =	vld.idx.msk [tilespmem:v39+s20+$0x0], $0xffff;
	v4 =	vmul.f32 v38, v37;
	v2 =	vadd.f32 v2, v3  }
0x354: {  	v47 =	vor.u32 $0x69, v1;
	v3 =	vld.idx.msk [tilespmem:v39+s21+$0x0], $0xffff  }
0x355: {  	v48 =	vld.idx.msk [tilespmem:v42+s20+$0x0], $0xffff;
	v7 =	vmul.f32 v41, v40;
	v2 =	vadd.f32 v4, v2  }
0x356: {  	v50 =	vor.u32 $0x6A, v1;
	v49 =	vld.idx.msk [tilespmem:v42+s21+$0x0], $0xffff  }
0x357: {  	v51 =	vld.idx.msk [tilespmem:v45+s20+$0x0], $0xffff;
	v5 =	vmul.f32 v44, v43;
	v2 =	vadd.f32 v7, v2  }
0x358: {  	v53 =	vor.u32 $0x6B, v1;
	v52 =	vld.idx.msk [tilespmem:v45+s21+$0x0], $0xffff  }
0x359: {  	v54 =	vld.idx.msk [tilespmem:v47+s20+$0x0], $0xffff;
	v3 =	vmul.f32 v3, v46;
	v2 =	vadd.f32 v5, v2  }
0x35a: {  	v56 =	vor.u32 $0x6C, v1;
	v55 =	vld.idx.msk [tilespmem:v47+s21+$0x0], $0xffff  }
0x35b: {  	v57 =	vld.idx.msk [tilespmem:v50+s20+$0x0], $0xffff;
	v4 =	vmul.f32 v49, v48;
	v2 =	vadd.f32 v3, v2  }
0x35c: {  	v58 =	vor.u32 $0x6D, v1;
	v3 =	vld.idx.msk [tilespmem:v50+s21+$0x0], $0xffff  }
0x35d: {  	v59 =	vld.idx.msk [tilespmem:v53+s20+$0x0], $0xffff;
	v7 =	vmul.f32 v52, v51;
	v2 =	vadd.f32 v4, v2  }
0x35e: {  	v61 =	vor.u32 $0x6E, v1;
	v60 =	vld.idx.msk [tilespmem:v53+s21+$0x0], $0xffff  }
0x35f: {  	v62 =	vld.idx.msk [tilespmem:v56+s20+$0x0], $0xffff;
	v5 =	vmul.f32 v55, v54;
	v2 =	vadd.f32 v7, v2  }
0x360: {  	v63 =	vor.u32 $0x6F, v1;
	v6 =	vld.idx.msk [tilespmem:v56+s21+$0x0], $0xffff  }
0x361: {  	v16 =	vld.idx.msk [tilespmem:v58+s20+$0x0], $0xffff;
	v3 =	vmul.f32 v3, v57;
	v2 =	vadd.f32 v5, v2  }
0x362: {  	v18 =	vor.u32 $0x70, v1;
	v17 =	vld.idx.msk [tilespmem:v58+s21+$0x0], $0xffff  }
0x363: {  	v19 =	vld.idx.msk [tilespmem:v61+s20+$0x0], $0xffff;
	v4 =	vmul.f32 v60, v59;
	v2 =	vadd.f32 v3, v2  }
0x364: {  	v20 =	vor.u32 $0x71, v1;
	v3 =	vld.idx.msk [tilespmem:v61+s21+$0x0], $0xffff  }
0x365: {  	v21 =	vld.idx.msk [tilespmem:v63+s20+$0x0], $0xffff;
	v6 =	vmul.f32 v6, v62;
	v2 =	vadd.f32 v4, v2  }
0x366: {  	v23 =	vor.u32 $0x72, v1;
	v22 =	vld.idx.msk [tilespmem:v63+s21+$0x0], $0xffff  }
0x367: {  	v24 =	vld.idx.msk [tilespmem:v18+s20+$0x0], $0xffff;
	v5 =	vmul.f32 v17, v16;
	v2 =	vadd.f32 v6, v2  }
0x368: {  	v26 =	vor.u32 $0x73, v1;
	v25 =	vld.idx.msk [tilespmem:v18+s21+$0x0], $0xffff  }
0x369: {  	v27 =	vld.idx.msk [tilespmem:v20+s20+$0x0], $0xffff;
	v3 =	vmul.f32 v3, v19;
	v2 =	vadd.f32 v5, v2  }
0x36a: {  	v29 =	vor.u32 $0x74, v1;
	v28 =	vld.idx.msk [tilespmem:v20+s21+$0x0], $0xffff  }
0x36b: {  	v30 =	vld.idx.msk [tilespmem:v23+s20+$0x0], $0xffff;
	v4 =	vmul.f32 v22, v21;
	v2 =	vadd.f32 v3, v2  }
0x36c: {  	v31 =	vor.u32 $0x75, v1;
	v3 =	vld.idx.msk [tilespmem:v23+s21+$0x0], $0xffff  }
0x36d: {  	v32 =	vld.idx.msk [tilespmem:v26+s20+$0x0], $0xffff;
	v6 =	vmul.f32 v25, v24;
	v2 =	vadd.f32 v4, v2  }
0x36e: {  	v34 =	vor.u32 $0x76, v1;
	v33 =	vld.idx.msk [tilespmem:v26+s21+$0x0], $0xffff  }
0x36f: {  	v36 =	vld.idx.msk [tilespmem:v29+s21+$0x0], $0xffff;
	v5 =	vmul.f32 v28, v27;
	v2 =	vadd.f32 v6, v2  }
0x370: {  	v37 =	vor.u32 $0x77, v1;
	v35 =	vld.idx.msk [tilespmem:v29+s20+$0x0], $0xffff  }
0x371: {  	v38 =	vld.idx.msk [tilespmem:v31+s20+$0x0], $0xffff;
	v3 =	vmul.f32 v3, v30;
	v2 =	vadd.f32 v5, v2  }
0x372: {  	v40 =	vor.u32 $0x78, v1;
	v39 =	vld.idx.msk [tilespmem:v31+s21+$0x0], $0xffff  }
0x373: {  	v41 =	vld.idx.msk [tilespmem:v34+s20+$0x0], $0xffff;
	v4 =	vmul.f32 v33, v32;
	v2 =	vadd.f32 v3, v2  }
0x374: {  	v42 =	vor.u32 $0x79, v1;
	v3 =	vld.idx.msk [tilespmem:v34+s21+$0x0], $0xffff  }
0x375: {  	v43 =	vld.idx.msk [tilespmem:v37+s20+$0x0], $0xffff;
	v6 =	vmul.f32 v36, v35;
	v2 =	vadd.f32 v4, v2  }
0x376: {  	v45 =	vor.u32 $0x7A, v1;
	v44 =	vld.idx.msk [tilespmem:v37+s21+$0x0], $0xffff  }
0x377: {  	v47 =	vld.idx.msk [tilespmem:v40+s21+$0x0], $0xffff;
	v5 =	vmul.f32 v39, v38;
	v2 =	vadd.f32 v6, v2  }
0x378: {  	v48 =	vor.u32 $0x7B, v1;
	v46 =	vld.idx.msk [tilespmem:v40+s20+$0x0], $0xffff  }
0x379: {  	v49 =	vld.idx.msk [tilespmem:v42+s20+$0x0], $0xffff;
	v3 =	vmul.f32 v3, v41;
	v2 =	vadd.f32 v5, v2  }
0x37a: {  	v51 =	vor.u32 $0x7C, v1;
	v50 =	vld.idx.msk [tilespmem:v42+s21+$0x0], $0xffff  }
0x37b: {  	v52 =	vld.idx.msk [tilespmem:v45+s20+$0x0], $0xffff;
	v4 =	vmul.f32 v44, v43;
	v2 =	vadd.f32 v3, v2  }
0x37c: {  	v53 =	vor.u32 $0x7D, v1;
	v3 =	vld.idx.msk [tilespmem:v45+s21+$0x0], $0xffff  }
0x37d: {  	v54 =	vld.idx.msk [tilespmem:v48+s20+$0x0], $0xffff;
	v6 =	vmul.f32 v47, v46;
	v2 =	vadd.f32 v4, v2  }
0x37e: {  	v56 =	vor.u32 $0x7E, v1;
	v55 =	vld.idx.msk [tilespmem:v48+s21+$0x0], $0xffff  }
0x37f: {  	v58 =	vld.idx.msk [tilespmem:v51+s21+$0x0], $0xffff;
	v5 =	vmul.f32 v50, v49;
	v2 =	vadd.f32 v6, v2  }
0x380: {  	v1 =	vor.u32 $0x7F, v1;
	v57 =	vld.idx.msk [tilespmem:v51+s20+$0x0], $0xffff  }
0x381: {  	v59 =	vld.idx.msk [tilespmem:v53+s20+$0x0], $0xffff;
	v3 =	vmul.f32 v3, v52;
	v2 =	vadd.f32 v5, v2  }
0x382: {  	v60 =	vld.idx.msk [tilespmem:v53+s21+$0x0], $0xffff  }
0x383: {  	v61 =	vld.idx.msk [tilespmem:v56+s20+$0x0], $0xffff;
	v4 =	vmul.f32 v55, v54;
	v2 =	vadd.f32 v3, v2  }
0x384: {  	v3 =	vld.idx.msk [tilespmem:v56+s21+$0x0], $0xffff  }
0x385: {  	v62 =	vld.idx.msk [tilespmem:v1+s20+$0x0], $0xffff;
	v6 =	vmul.f32 v58, v57;
	v2 =	vadd.f32 v4, v2  }
0x386: {  	v1 =	vld.idx.msk [tilespmem:v1+s21+$0x0], $0xffff  }
0x387: {  	v63 =	vmul.f32 v60, v59;
	v2 =	vadd.f32 v6, v2;
	_ =	sdelay $0x1  }
0x388: {  	v3 =	vmul.f32 v3, v61;
	v2 =	vadd.f32 v63, v2;
	_ =	sdelay $0x1  }
0x389: {  	v1 =	vmul.f32 v1, v62;
	v2 =	vadd.f32 v3, v2;
	_ =	sdelay $0x1  }
0x38a: {  	v1 =	vadd.f32 v1, v2  }
0x38b: {  	s12 =	sshrl.u32 s31, $0x1  }
0x38c: {  	s31 =	sadd.s32 s9, s12;
	[tilespmem:s0+$0x50] =	vst v1  }
0x38d: {  	[hbm4b:s31+s3] =	stream.linear.scatter [tilespmem:s24], [sflag:$0x3], $0x140, $0x38;
	[tilespmem:$0xFAC8] =	vst v63  }
0x38e: {  	_ =	swait.ge [sflag:s13], $0x140  }
0x38f: {  	[sflag:s13] =	ssyncset.done $0x0  }
0x390: {  	[sflag:s13] =	ssyncadd.s32 $0xFFFFFEC0  }
0x391: {  	[spmem:s2] =	stream.indirect.scatter.add.f32 [tilespmem:s24], [sflag:$0x3], $0x1, s15, s19, $0xb8;
	[tilespmem:$0xFAC8] =	vst v63  }
0x392: {  	_ =	swait.ge [sflag:s13], $0x50  }
0x393: {  	[sflag:s13] =	ssyncset.done $0x0  }
0x394: {  	[sflag:s13] =	ssyncadd.s32 $0xFFFFFFB0  }
0x395: {  	[spmem:s2] =	stream.indirect.scatter.add.f32 [tilespmem:s25], [sflag:$0x3], $0x1, s16, s19, $0xb8;
	[tilespmem:$0xFAC8] =	vst v63  }
0x396: {  	_ =	swait.ge [sflag:s13], $0x50  }
0x397: {  	[sflag:s13] =	ssyncset.done $0x0  }
0x398: {  	[sflag:s13] =	ssyncadd.s32 $0xFFFFFFB0  }
0x399: {  	[spmem:s2] =	stream.indirect.scatter.add.f32 [tilespmem:s26], [sflag:$0x3], $0x1, s17, s19, $0xb8;
	[tilespmem:$0xFAC8] =	vst v63  }
0x39a: {  	s30 =	sadd.s32 $0x1, s30;
	_ =	swait.ge [sflag:s13], $0x50  }
0x39b: {  	p1 =	sne.s32 s30, $0x7D;
	[sflag:s13] =	ssyncset.done $0x0  }
.Ltmp1:
0x39c: {  	[sflag:s13] =	ssyncadd.s32 $0xFFFFFFB0;
	(pc) =	sbr.rel @p1 .LBB2_2-.Ltmp1, $4  }
0x39d: {  	[spmem:s2] =	stream.indirect.scatter.add.f32 [tilespmem:s28], [sflag:$0x3], $0x1, s18, s19, $0xb8;
	[tilespmem:$0xFAC8] =	vst v63  }
0x39e: {  	_ =	swait.ge [sflag:s13], $0x50  }
0x39f: {  	[sflag:s13] =	ssyncset.done $0x0  }
0x3a0: {  	[sflag:s13] =	ssyncadd.s32 $0xFFFFFFB0  }
0x3a1: {  	[bflag:$0x0] =	sbarrier.arrive $0xFFFF;
	s0 =	simm.s32 @!p0 $0x5480;
	s8 =	simm.s32 @!p0 $0x3  }
0x3a2: {  	[tilespmem:s0], [sflag:$0x3] =	stream.linear.gather @!p0 [spmem:s2], $0x9C80, $0x38;
	[tilespmem:$0xFAC8] =	vst v63  }
0x3a3: {  	_ =	swait.ge @!p0 [sflag:s8], $0x9C80  }
0x3a4: {  	[sflag:s8] =	ssyncset.done @!p0 $0x0  }
0x3a5: {  	s11 =	simm.s32 @!p0 $0x0;
	s12 =	rddreg [dreg:$0x5];
	[sflag:s8] =	ssyncadd.s32 @!p0 $0xFFFF6380  }
0x3a6: {  	[hbm4b:s12+s11] =	stream.linear.scatter @!p0 [tilespmem:s0], [sflag:$0x3], $0x9C40, $0x38;
	[tilespmem:$0xFAC8] =	vst v63  }
0x3a7: {  	_ =	swait.ge @!p0 [sflag:s8], $0x9C40  }
0x3a8: {  	s29 =	sadd.s32 $0x1, s29;
	s31 =	rddreg [dreg:$0x6]  }
0x3a9: {  	p1 =	sne.s32 s29, s31  }
.Ltmp2:
0x3aa: {  	_ = 	snop;
	(pc) =	sbr.rel @p1 .LBB2_1-.Ltmp2, $3  }
0x3ab: {  	_ =	sdelay $0x1  }
0x3ac: {  	[sflag:s8] =	ssyncset.done @!p0 $0x0  }
0x3ad: {  	[sflag:s8] =	ssyncadd.s32 @!p0 $0xFFFF63C0  }
0x3ae: {  	_ =	sfence.sel $0x180000  }
0x3af: {  	[bflag:$0x0] =	sbarrier.arrive $0xFFFF  }
0x3b0: {  	_ =	strace $0x90000047  }
0x3b1: {  	[bflag:$0x2] =	sbarrier.arrive $0xFFFF  }
0x3b2: {  	s0 =	rddreg [dreg:$0x3]  }
0x3b3: {  	s0 =	sadd.s32 @!p0 $0x100000, s0  }
0x3b4: {  	[sflag:s0] =	ssyncadd.tile.s32 @!p0 $0x1;
	_ =	shalt  }
.Lfunc_end2:
_tile_overlayer_lowered:
.L_overlay_start_2:
0x3b5: {  	(tag) =	ssettag $0x2  }
0x3b6: {  	s0 =	rddreg [dreg:$0x0];
	s2 =	stileid.u32  }
0x3b7: {  	s1 =	rddreg [dreg:$0x1];
	p0 =	sne.s32 s2, $0x0  }
0x3b8: {  	s3 =	rddreg [dreg:$0x2];
	[bflag:$0x3] =	sbarrier.arrive $0xFFFF;
	s2 =	simm.s32 @!p0 $0x1C03  }
0x3b9: {  	[timem:s3], [sflag:s2] =	dma.local @!p0 [hbm:s0], s1  }
0x3ba: {  	s0 =	simm.s32 @!p0 $0x3  }
0x3bb: {  	_ =	swait.ge @!p0 [sflag:s0], s1  }
0x3bc: {  	s1 =	ssub.s32 @!p0 $0x0, s1;
	[sflag:s0] =	ssyncset.done @!p0 $0x0  }
0x3bd: {  	[sflag:s0] =	ssyncadd.s32 @!p0 s1  }
0x3be: {  	[bflag:$0x3] =	sbarrier.arrive $0xFFFF  }
0x3bf: {  	_ =	shalt  }

// kernel: kernel.9.cloned.1.call-start
scs
__scs_entry_jumppad:
0x0: {  	(pc) =	sbr.rel $0x88, $3  }
0x1: {  	(tag) =	ssettag $0x0;
	lr =	simm.s32 $0x1  }
0x2: {  	[smem:$0x3F96] =	sst lr;
	_ =	strace $0xD0000000  }
0x3: {  	_ = 	snop  }
0x4: {  	_ = 	snop  }
0x5: {  	_ = 	snop  }
0x6: {  	_ = 	snop  }
0x7: {  	_ = 	snop  }
__scs_overlays_trampoline_lowered:
0x8: {  	[smem:$0x3FA5] =	sst s0  }
0x9: {  	[smem:$0x3FA6] =	sst s1  }
0xa: {  	[smem:$0x3FA7] =	sst s2  }
0xb: {  	[smem:$0x3FA8] =	sst s3  }
0xc: {  	[smem:$0x3FA9] =	sst s4  }
0xd: {  	[smem:$0x3FAA] =	sst s5  }
0xe: {  	[smem:$0x3FAB] =	sst s6  }
0xf: {  	[smem:$0x3FAC] =	sst s7  }
0x10: {  	[smem:$0x3FAD] =	sst s8  }
0x11: {  	[smem:$0x3FAE] =	sst s9;
	s0 =	simm.s32 @!p0 $0x0  }
0x12: {  	s1 =	sld [smem:$0x3F94];
	s0 =	simm.s32 @p0 $0x1  }
0x13: {  	[smem:$0x3FAF] =	sst s0;
	s0 =	simm.s32 @!p1 $0x0  }
0x14: {  	s2 =	sld [smem:$0x3F93];
	s0 =	simm.s32 @p1 $0x1  }
0x15: {  	[smem:$0x3FB0] =	sst s0;
	s0 =	simm.s32 @!p2 $0x0  }
0x16: {  	s3 =	sld [smem:$0x3FDB];
	s0 =	simm.s32 @p2 $0x1  }
0x17: {  	s4 =	simm.s32 $0x1BF5;
	[smem:$0x3FB2] =	sst s0  }
0x18: {  	s0 =	sld [smem:$0x3F95];
	_ =	swait.ge [sflag:s4], $0x0  }
0x19: {  	s7 =	sld [smem:$0x3F96]  }
0x1a: {  	s8 =	sadd.s32 $0xFFFFE003, lr  }
0x1b: {  	s9 =	sadd.s32 $0xFFFFFEF7, lr;
	s5 =	simm.s32 $0xFFFFFFFF;
	p2 =	slt.u32 s8, $0xFFFFF086  }
0x1c: {  	p1 =	slt.u32 s9, $0xF7A;
	s5 =	simm.s32 @!p2 $0x0  }
0x1d: {  	s5 =	simm.s32 @p1 $0x1;
	p0 =	seq.s32 s7, s2  }
0x1e: {  	s7 =	smul.u32 @!p0 $0xF7A, s2;
	p2 =	seq.s32 @!p0 s5, $0x0  }
0x1f: {  	s9 =	smul.u32 $0xF7A, s1;
	s8 =	simm.s32 @!p0 $0x1BF5;
	p2 =	por !p2, p0  }
0x20: {  	[sflag:s8] =	ssyncset.s32 @!p0 $0xFFFFF086;
	s6 =	sadd.s32 @!p0 s3, s7;
	s7 =	simm.s32 @!p0 $0x108  }
0x21: {  	s3 =	sadd.s32 s3, s9;
	s6 =	sadd.s32 @!p0 $0x88, s6;
	s7 =	simm.s32 @p2 $0x1082  }
0x22: {  	[simem:s7], [sflag:s8] =	dma.local @!p0 [hbm:s6], $0xF7A  }
0x23: {  	s9 =	sor.u32 $0xD0000000, s2;
	s6 =	simm.s32 $0x108;
	_ =	swait.ge @!p0 [sflag:s8], $0x0  }
0x24: {  	s3 =	sadd.s32 $0x88, s3;
	s6 =	simm.s32 @!p1 $0x1082;
	[sflag:s4] =	ssyncset.s32 $0xFFFFF086  }
0x25: {  	[simem:s6], [sflag:s4] =	dma.local [hbm:s3], $0xF7A  }
0x26: {  	[smem:$0x3F96] =	sst s1;
	(tag) =	ssettag s2;
	_ =	strace s9  }
0x27: {  	s1 =	sld [smem:$0x3FA6]  }
0x28: {  	s2 =	sld [smem:$0x3FA7]  }
0x29: {  	s4 =	sld [smem:$0x3FA9]  }
0x2a: {  	p0 =	seq.s32 s5, $0x0;
	s5 =	sld [smem:$0x3FAA]  }
0x2b: {  	s6 =	sld [smem:$0x3FAB]  }
0x2c: {  	s7 =	sld [smem:$0x3FAC]  }
0x2d: {  	s3 =	simm.s32 $0x108;
	s8 =	sld [smem:$0x3FAD]  }
0x2e: {  	s3 =	simm.s32 @!p0 $0x1082;
	s9 =	sld [smem:$0x3FAE]  }
0x2f: {  	lr =	sadd.s32 s0, s3;
	s0 =	sld [smem:$0x3FA5]  }
0x30: {  	s3 =	sld [smem:$0x3FA8]  }
0x31: {  	[smem:$0x3FB1] =	sst s10  }
0x32: {  	s10 =	sld [smem:$0x3FAF];
	_ =	sdelay $0x3  }
0x33: {  	p0 =	seq.s32 s10, $0x1;
	s10 =	sld [smem:$0x3FB1];
	_ =	sdelay $0x3  }
0x34: {  	[smem:$0x3FB1] =	sst s10  }
0x35: {  	s10 =	sld [smem:$0x3FB0];
	_ =	sdelay $0x3  }
0x36: {  	p1 =	seq.s32 s10, $0x1;
	s10 =	sld [smem:$0x3FB1];
	_ =	sdelay $0x3  }
0x37: {  	[smem:$0x3FB1] =	sst s10  }
0x38: {  	s10 =	sld [smem:$0x3FB2]  }
0x39: {  	_ = 	snop;
	(pc) =	sbr.ind lr, $3  }
0x3a: {  	_ = 	snop  }
0x3b: {  	_ = 	snop  }
0x3c: {  	p2 =	seq.s32 s10, $0x1;
	s10 =	sld [smem:$0x3FB1]  }
0x3d: {  	_ =	shalt  }
0x3e: {  	_ =	shalt  }
0x3f: {  	_ =	shalt  }
0x40: {  	_ =	shalt  }
0x41: {  	_ =	shalt  }
0x42: {  	_ =	shalt  }
0x43: {  	_ =	shalt  }
0x44: {  	_ =	shalt  }
0x45: {  	_ =	shalt  }
0x46: {  	_ =	shalt  }
0x47: {  	_ =	shalt  }
0x48: {  	_ =	shalt  }
0x49: {  	_ =	shalt  }
0x4a: {  	_ =	shalt  }
0x4b: {  	_ =	shalt  }
0x4c: {  	_ =	shalt  }
0x4d: {  	_ =	shalt  }
0x4e: {  	_ =	shalt  }
0x4f: {  	_ =	shalt  }
0x50: {  	_ =	shalt  }
0x51: {  	_ =	shalt  }
0x52: {  	_ =	shalt  }
0x53: {  	_ =	shalt  }
0x54: {  	_ =	shalt  }
0x55: {  	_ =	shalt  }
0x56: {  	_ =	shalt  }
0x57: {  	_ =	shalt  }
0x58: {  	_ =	shalt  }
0x59: {  	_ =	shalt  }
0x5a: {  	_ =	shalt  }
0x5b: {  	_ =	shalt  }
0x5c: {  	_ =	shalt  }
0x5d: {  	_ =	shalt  }
0x5e: {  	_ =	shalt  }
0x5f: {  	_ =	shalt  }
0x60: {  	_ =	shalt  }
0x61: {  	_ =	shalt  }
0x62: {  	_ =	shalt  }
0x63: {  	_ =	shalt  }
0x64: {  	_ =	shalt  }
0x65: {  	_ =	shalt  }
0x66: {  	_ =	shalt  }
0x67: {  	_ =	shalt  }
0x68: {  	_ =	shalt  }
0x69: {  	_ =	shalt  }
0x6a: {  	_ =	shalt  }
0x6b: {  	_ =	shalt  }
0x6c: {  	_ =	shalt  }
0x6d: {  	_ =	shalt  }
0x6e: {  	_ =	shalt  }
0x6f: {  	_ =	shalt  }
0x70: {  	_ =	shalt  }
0x71: {  	_ =	shalt  }
0x72: {  	_ =	shalt  }
0x73: {  	_ =	shalt  }
0x74: {  	_ =	shalt  }
0x75: {  	_ =	shalt  }
0x76: {  	_ =	shalt  }
0x77: {  	_ =	shalt  }
0x78: {  	_ =	shalt  }
0x79: {  	_ =	shalt  }
0x7a: {  	_ =	shalt  }
0x7b: {  	_ =	shalt  }
0x7c: {  	_ =	shalt  }
0x7d: {  	_ =	shalt  }
0x7e: {  	_ =	shalt  }
0x7f: {  	_ =	shalt  }
0x80: {  	_ =	shalt  }
0x81: {  	_ =	shalt  }
0x82: {  	_ =	shalt  }
0x83: {  	_ =	shalt  }
0x84: {  	_ =	shalt  }
0x85: {  	_ =	shalt  }
0x86: {  	_ =	shalt  }
0x87: {  	_ =	shalt  }
.Lfunc_end0:
.L_simem_size_0:
called_computation.1_lowered:
.L_overlay_start_0:
0x88: {  	s2 =	sld [smem:$0x3FD9]  }
0x89: {  	s3 =	sld [smem:$0x3FFE];
	_ =	sdelay $0x1  }
0x8a: {  	s1 =	srdreg.scid  }
0x8b: {  	s0 =	sand.u32 $0x1, s1  }
0x8c: {  	s17 =	sshll.u32 s0, $0xA;
	s2 =	sadd.s32 s3, s2  }
0x8d: {  	s2 =	sadd.s32 s2, s17  }
0x8e: {  	[smem:$0x3FBD] =	sst s2  }
0x8f: {  	_ = 	snop  }
0x90: {  	s2 =	sld [smem:$0x3FD0];
	(tm) =	ssettm $0x1  }
0x91: {  	s18 =	sld [smem:$0x3FFB];
	_ =	sdelay $0x3  }
0x92: {  	_ =	strace s18  }
0x93: {  	s3 =	sld [smem:$0x3FFC];
	_ =	sdelay $0x3  }
0x94: {  	_ =	strace s3  }
0x95: {  	s3 =	sld [smem:$0x3FFD];
	_ =	sdelay $0x3  }
0x96: {  	_ =	strace s3  }
0x97: {  	_ =	strace $0x8FFFFFFF  }
0x98: {  	s19 =	sld [smem:$0x3FDB];
	_ =	sdelay $0x1  }
0x99: {  	s4 =	simm.s32 $_scs_section_size  }
0x9a: {  	s5 =	simm.s32 $_size__tile_overlayer_lowered;
	s6 =	simm.s32 $_tile_overlayer_lowered  }
0x9b: {  	s22 =	simm.s32 $0x1BFF;
	s21 =	sshll.u32 s6, $0x1;
	s3 =	sadd.s32 s4, s19  }
0x9c: {  	s7 =	simm.s32 $0x0;
	s20 =	sshll.u32 s5, $0x1;
	s5 =	sadd.s32 s21, s3  }
0x9d: {  	[timem:s7], [sflag:s22] =	dma.local [hbm:s5], s20  }
0x9e: {  	_ =	swait.ge [sflag:s22], s20  }
0x9f: {  	s4 =	ssub.s32 $0x0, s20;
	[sflag:s22] =	ssyncset.done $0x0  }
0xa0: {  	[sflag:s22] =	ssyncadd.s32 s4;
	_ =	sdelay $0x1  }
0xa1: {  	s23 =	simm.s32 $0x1B8B  }
0xa2: {  	_ =	swait.ge [sflag:s23], $0x1  }
0xa3: {  	[sflag:s23] =	ssyncset.done $0x0  }
0xa4: {  	s25 =	simm.s32 $0x1B8E;
	s24 =	sld [smem:$0x3FFE];
	[sflag:s23] =	ssyncadd.s32 $0xFFFFFFFF  }
0xa5: {  	s26 =	simm.s32 $execute0_lowered;
	[smem:$0x3FD2] =	sst s25  }
0xa6: {  	s5 =	sshll.u32 s26, $0x1;
	_ =	strace $0x80000049;
	[dreg:$0x1] =	wrdreg $0xFFFFFFFF  }
0xa7: {  	s28 =	simm.s32 $_size_execute0_lowered;
	s3 =	sadd.s32 s3, s5;
	[dreg:$0x0] =	wrdreg $0x0  }
0xa8: {  	s5 =	sshll.u32 s28, $0x1;
	[dreg:$0x2] =	wrdreg s3  }
0xa9: {  	[dreg:$0x3] =	wrdreg s5  }
0xaa: {  	[dreg:$0x4] =	wrdreg $0xC0  }
0xab: {  	_ =	task [dreg:s7], $0x5FFFF  }
0xac: {  	[dreg:$0x1] =	wrdreg $0xFFFFFFFF  }
0xad: {  	[dreg:$0x0] =	wrdreg $0x60  }
0xae: {  	[dreg:$0x2] =	wrdreg s24  }
0xaf: {  	[dreg:$0x3] =	wrdreg s2  }
0xb0: {  	[dreg:$0x4] =	wrdreg $0x13E800  }
0xb1: {  	[dreg:$0x5] =	wrdreg $0x9  }
0xb2: {  	_ =	task.clear_ibuf [dreg:s7], $0x6FFFF;
	_ =	strace $0x90000049  }
0xb3: {  	s29 =	simm.s32 $0x9;
	_ =	strace $0x8000004B  }
0xb4: {  	_ =	swait.ge [sflag:s29], $0x1  }
0xb5: {  	[sflag:s29] =	ssyncadd.s32 $0xFFFFFFFF  }
0xb6: {  	_ =	strace $0x9000004B  }
0xb7: {  	_ =	sfence  }
0xb8: {  	s30 =	sld [smem:$0x0];
	_ =	sdelay $0x2  }
0xb9: {  	s31 =	sshll.u32 s1, $0xD;
	s1 =	sshrl.u32 s1, $0x2  }
0xba: {  	s3 =	sand.u32 $0x4000, s31;
	s1 =	sadd.s32 s1, s30  }
0xbb: {  	s0 =	sor.u32 s3, s0;
	s1 =	sshll.u32 s1, $0x11  }
0xbc: {  	s0 =	sor.u32 s1, s0  }
0xbd: {  	s0 =	sadd.s32 $0x8F2B, s0  }
0xbe: {  	[sflag:s0] =	ssyncadd.remote.s32 $0x1  }
0xbf: {  	_ =	sfence.sel $0xFFFF  }
0xc0: {  	[dreg:$0x0] =	wrdreg $0xFFFFFFFF;
	(pc) =	sbr.abs _section_cstart, $3  }
0xc1: {  	[dreg:$0x1] =	wrdreg $0xFFFFFFFF  }
0xc2: {  	_ =	task.clear_ibuf [dreg:s7], $0x2FFFF;
	_ =	strace $0x9FFFFFFF  }
0xc3: {  	(tm) =	ssettm $0x7FFFFFFF  }
tec
execute0_lowered:
.L_overlay_start_1:
0x0: {  	(tag) =	ssettag $0x1  }
0x1: {  	s5 =	rddreg [dreg:$0x0]  }
0x2: {  	s0 =	srdreg.scid;
	s6 =	rddreg [dreg:$0x1]  }
0x3: {  	s14 =	stileid.u32;
	s1 =	rddreg [dreg:$0x2];
	s2 =	simm.s32 $0x0  }
0x4: {  	s17 =	simm.s32 $0x380;
	s18 =	simm.s32 $0x400;
	s19 =	simm.s32 $0x480  }
0x5: {  	s20 =	simm.s32 $0x500;
	s21 =	simm.s32 $0x80;
	s22 =	simm.s32 $0x50  }
0x6: {  	s23 =	simm.s32 $0x200;
	s24 =	simm.s32 $0x250;
	s25 =	simm.s32 $0x2A0  }
0x7: {  	s26 =	simm.s32 $0x2F0;
	s3 =	sand.u32 $0x1, s0;
	s0 =	rddreg [dreg:$0x3]  }
0x8: {  	s28 =	simm.s32 $0x0;
	s7 =	smul.u32 $0x2710, s14;
	[smem:$0x7FF] =	sst s2  }
0x9: {  	s13 =	sadd.s32 $0x15200, s5;
	p0 =	sne.s32 s14, $0x0;
	s4 =	smul.u32 $0x27100, s3  }
0xa: {  	s14 =	simm.s32 $0x580;
	s29 =	ssub.s32 $0x2, s3;
	s15 =	smul.u32 $0x1388, s3  }
0xb: {  	_ =	strace $0x8000004A;
	s3 =	sadd.s32 $0x8BC00, s5;
	s12 =	sshrl.u32 s29, $0x1  }
0xc: {  	s11 =	sadd.s32 s7, s4;
	s7 =	ssub.s32 s29, s12;
	s6 =	sadd.s32 s6, s15  }
0xd: {  	s4 =	sshrl.u32 s11, $0x1;
	s9 =	sshrl.u32 s11, $0x3;
	s7 =	smax.u32 s7, $0x1  }
0xe: {  	s30 =	sadd.s32 $0xEA600, s11;
	s31 =	sadd.s32 $0x9C400, s11;
	s11 =	sadd.s32 $0x4E200, s11  }
0xf: {  	s8 =	sadd.s32 s4, s5;
	s10 =	sadd.s32 s9, s5;
	s4 =	sadd.s32 $0x63600, s5  }
0x10: {  	s5 =	sadd.s32 $0x8CF88, s5;
	s9 =	sadd.s32 s9, s13;
	s12 =	sshrl.u32 s30, $0x3  }
0x11: {  	s15 =	sshrl.u32 s31, $0x3;
	s16 =	sshrl.u32 s11, $0x3;
	s8 =	sadd.s32 $0x64A00, s8  }
0x12: {  	s10 =	sadd.s32 $0xB400, s10;
	s11 =	sadd.s32 s12, s13;
	s12 =	sadd.s32 s15, s13  }
0x13: {  	s13 =	sadd.s32 s16, s13;
	s15 =	simm.s32 $0x1;
	s16 =	simm.s32 $0xA200  }
.LBB2_1:
0x14: {  	s29 =	simm.s32 @!p0 $0x0;
	s30 =	simm.s32 @!p0 $0x580  }
0x15: {  	[tilespmem:s30], [sflag:$0x1] =	stream.linear.gather @!p0 [hbm4b:s4+s29], $0x9C80, $0x38;
	[tilespmem:$0x14848] =	vst v63  }
0x16: {  	s29 =	simm.s32 @!p0 $0x1  }
0x17: {  	_ =	swait.ge @!p0 [sflag:s29], $0x9C80  }
0x18: {  	[sflag:s29] =	ssyncset.done @!p0 $0x0  }
0x19: {  	[sflag:s29] =	ssyncadd.s32 @!p0 $0xFFFF6380  }
0x1a: {  	[spmem:s1] =	stream.linear.scatter @!p0 [tilespmem:s30], [sflag:$0x1], $0x9C80, $0x38;
	[tilespmem:$0x14848] =	vst v63  }
0x1b: {  	_ =	swait.ge @!p0 [sflag:s29], $0x9C80  }
0x1c: {  	[sflag:s29] =	ssyncset.done @!p0 $0x0  }
0x1d: {  	[sflag:s29] =	ssyncadd.s32 @!p0 $0xFFFF6380  }
0x1e: {  	[tilespmem:s14], [sflag:$0x1] =	stream.linear.gather [hbm4b:s3+s2], $0x9C40, $0x38;
	[tilespmem:$0x14848] =	vst v63  }
0x1f: {  	_ =	swait.ge [sflag:s15], $0x9C40  }
0x20: {  	[sflag:s15] =	ssyncset.done $0x0  }
0x21: {  	[sflag:s15] =	ssyncadd.s32 $0xFFFF63C0  }
0x22: {  	[tilespmem:s16], [sflag:$0x1] =	stream.linear.gather [hbm4b:s5+s2], $0x9C40, $0x38;
	[tilespmem:$0x14848] =	vst v63  }
0x23: {  	_ =	swait.ge [sflag:s15], $0x9C40  }
0x24: {  	[sflag:s15] =	ssyncset.done $0x0  }
0x25: {  	[sflag:s15] =	ssyncadd.s32 $0xFFFF63C0  }
0x26: {  	s30 =	simm.s32 $0x0;
	s29 =	smov.u32 s8;
	[bflag:$0x0] =	sbarrier.arrive $0xFFFF  }
.LBB2_2:
0x27: {  	s31 =	sadd.s32 s30, s10  }
0x28: {  	[tilespmem:s2], [sflag:$0x1] =	stream.linear.gather [hbm4b:s31+s2], $0x50, $0x38;
	[tilespmem:$0x14848] =	vst v63  }
0x29: {  	_ =	swait.ge [sflag:s15], $0x50  }
0x2a: {  	[sflag:s15] =	ssyncset.done $0x0  }
0x2b: {  	s31 =	sadd.s32 s30, s9;
	[sflag:s15] =	ssyncadd.s32 $0xFFFFFFB0  }
0x2c: {  	[tilespmem:s17], [sflag:$0x1] =	stream.linear.gather [hbm4b:s31+s2], $0x50, $0x38;
	[tilespmem:$0x14848] =	vst v63  }
0x2d: {  	_ =	swait.ge [sflag:s15], $0x50  }
0x2e: {  	[sflag:s15] =	ssyncset.done $0x0  }
0x2f: {  	s31 =	sadd.s32 s30, s13;
	[sflag:s15] =	ssyncadd.s32 $0xFFFFFFB0  }
0x30: {  	[tilespmem:s18], [sflag:$0x1] =	stream.linear.gather [hbm4b:s31+s2], $0x50, $0x38;
	[tilespmem:$0x14848] =	vst v63  }
0x31: {  	_ =	swait.ge [sflag:s15], $0x50  }
0x32: {  	[sflag:s15] =	ssyncset.done $0x0  }
0x33: {  	s31 =	sadd.s32 s30, s12;
	[sflag:s15] =	ssyncadd.s32 $0xFFFFFFB0  }
0x34: {  	[tilespmem:s19], [sflag:$0x1] =	stream.linear.gather [hbm4b:s31+s2], $0x50, $0x38;
	[tilespmem:$0x14848] =	vst v63  }
0x35: {  	_ =	swait.ge [sflag:s15], $0x50  }
0x36: {  	[sflag:s15] =	ssyncset.done $0x0  }
0x37: {  	s31 =	sadd.s32 s30, s11;
	[sflag:s15] =	ssyncadd.s32 $0xFFFFFFB0  }
0x38: {  	[tilespmem:s20], [sflag:$0x1] =	stream.linear.gather [hbm4b:s31+s2], $0x50, $0x38;
	[tilespmem:$0x14848] =	vst v63  }
0x39: {  	_ =	swait.ge [sflag:s15], $0x50  }
0x3a: {  	[sflag:s15] =	ssyncset.done $0x0  }
0x3b: {  	[sflag:s15] =	ssyncadd.s32 $0xFFFFFFB0  }
0x3c: {  	[tilespmem:s21], [sflag:$0x1] =	stream.linear.gather [hbm4b:s29+s2], $0x140, $0x38;
	[tilespmem:$0x14848] =	vst v63  }
0x3d: {  	_ =	swait.ge [sflag:s15], $0x140  }
0x3e: {  	[sflag:s15] =	ssyncset.done $0x0  }
0x3f: {  	[sflag:s15] =	ssyncadd.s32 $0xFFFFFEC0  }
0x40: {  	v0 =	vld [tilespmem:$0x0];
	_ =	sdelay $0x4  }
0x41: {  	v0 =	vshll.u32 v0, $0x2;
	_ =	sdelay $0x3  }
0x42: {  	v1 =	vld [tilespmem:$0x80]  }
0x43: {  	v2 =	vld.idx.msk [tilespmem:v0+s14+$0x0], $0xffff;
	_ =	sdelay $0x1  }
0x44: {  	v3 =	vld.idx.msk [tilespmem:v0+s16+$0x0], $0xffff;
	_ =	sdelay $0x2  }
0x45: {  	v1 =	vsub.f32 v1, v2;
	_ =	sdelay $0x1  }
0x46: {  	v1 =	vsub.f32 v1, v3;
	_ =	sdelay $0x1  }
0x47: {  	v1 =	vmul.f32 $1.442695020e+00, v1;
	_ =	sdelay $0x1  }
0x48: {  	(erf) = vpow2.f32 v1;
	_ =	sdelay $0x5  }
0x49: {  	v54 =	vor.u32 $0x1, v0;
	_ =	sdelay $0x2  }
0x4a: {  	v55 =	vpop (erf)  }
0x4b: {  	v56 =	vld [tilespmem:$0xD0];
	[tilespmem:$0x200] =	vst v55  }
0x4c: {  	v57 =	vld.idx.msk [tilespmem:v54+s14+$0x0], $0xffff;
	_ =	sdelay $0x1  }
0x4d: {  	v1 =	vld.idx.msk [tilespmem:v54+s16+$0x0], $0xffff;
	_ =	sdelay $0x2  }
0x4e: {  	v2 =	vsub.f32 v56, v57;
	_ =	sdelay $0x1  }
0x4f: {  	v1 =	vsub.f32 v2, v1;
	_ =	sdelay $0x1  }
0x50: {  	v1 =	vmul.f32 $1.442695020e+00, v1;
	_ =	sdelay $0x1  }
0x51: {  	(erf) = vpow2.f32 v1;
	_ =	sdelay $0x5  }
0x52: {  	v58 =	vor.u32 $0x2, v0;
	_ =	sdelay $0x2  }
0x53: {  	v59 =	vpop (erf)  }
0x54: {  	v60 =	vld [tilespmem:$0x120];
	[tilespmem:$0x250] =	vst v59  }
0x55: {  	v61 =	vld.idx.msk [tilespmem:v58+s14+$0x0], $0xffff;
	_ =	sdelay $0x1  }
0x56: {  	v1 =	vld.idx.msk [tilespmem:v58+s16+$0x0], $0xffff;
	_ =	sdelay $0x2  }
0x57: {  	v2 =	vsub.f32 v60, v61;
	_ =	sdelay $0x1  }
0x58: {  	v1 =	vsub.f32 v2, v1;
	_ =	sdelay $0x1  }
0x59: {  	v1 =	vmul.f32 $1.442695020e+00, v1;
	_ =	sdelay $0x1  }
0x5a: {  	(erf) = vpow2.f32 v1;
	_ =	sdelay $0x5  }
0x5b: {  	v0 =	vor.u32 $0x3, v0;
	_ =	sdelay $0x2  }
0x5c: {  	v1 =	vpop (erf)  }
0x5d: {  	v62 =	vld [tilespmem:$0x170];
	[tilespmem:$0x2A0] =	vst v1  }
0x5e: {  	v63 =	vld.idx.msk [tilespmem:v0+s14+$0x0], $0xffff;
	_ =	sdelay $0x1  }
0x5f: {  	v0 =	vld.idx.msk [tilespmem:v0+s16+$0x0], $0xffff;
	_ =	sdelay $0x2  }
0x60: {  	v1 =	vsub.f32 v62, v63;
	_ =	sdelay $0x1  }
0x61: {  	v0 =	vsub.f32 v1, v0;
	_ =	sdelay $0x1  }
0x62: {  	v0 =	vmul.f32 $1.442695020e+00, v0;
	_ =	sdelay $0x1  }
0x63: {  	(erf) = vpow2.f32 v0  }
0x64: {  	v4 =	vld [tilespmem:$0x10];
	_ =	sdelay $0x4  }
0x65: {  	v0 =	vshll.u32 v4, $0x2;
	_ =	sdelay $0x2  }
0x66: {  	v5 =	vpop (erf)  }
0x67: {  	v6 =	vld [tilespmem:$0x90];
	[tilespmem:$0x2F0] =	vst v5  }
0x68: {  	v7 =	vld.idx.msk [tilespmem:v0+s14+$0x0], $0xffff;
	_ =	sdelay $0x1  }
0x69: {  	v8 =	vld.idx.msk [tilespmem:v0+s16+$0x0], $0xffff;
	_ =	sdelay $0x2  }
0x6a: {  	v1 =	vsub.f32 v6, v7;
	_ =	sdelay $0x1  }
0x6b: {  	v1 =	vsub.f32 v1, v8;
	_ =	sdelay $0x1  }
0x6c: {  	v1 =	vmul.f32 $1.442695020e+00, v1;
	_ =	sdelay $0x1  }
0x6d: {  	(erf) = vpow2.f32 v1;
	_ =	sdelay $0x5  }
0x6e: {  	v9 =	vor.u32 $0x1, v0;
	_ =	sdelay $0x2  }
0x6f: {  	v10 =	vpop (erf)  }
0x70: {  	v11 =	vld [tilespmem:$0xE0];
	[tilespmem:$0x210] =	vst v10  }
0x71: {  	v12 =	vld.idx.msk [tilespmem:v9+s14+$0x0], $0xffff;
	_ =	sdelay $0x1  }
0x72: {  	v1 =	vld.idx.msk [tilespmem:v9+s16+$0x0], $0xffff;
	_ =	sdelay $0x2  }
0x73: {  	v2 =	vsub.f32 v11, v12;
	_ =	sdelay $0x1  }
0x74: {  	v1 =	vsub.f32 v2, v1;
	_ =	sdelay $0x1  }
0x75: {  	v1 =	vmul.f32 $1.442695020e+00, v1;
	_ =	sdelay $0x1  }
0x76: {  	(erf) = vpow2.f32 v1;
	_ =	sdelay $0x5  }
0x77: {  	v13 =	vor.u32 $0x2, v0;
	_ =	sdelay $0x2  }
0x78: {  	v14 =	vpop (erf)  }
0x79: {  	v15 =	vld [tilespmem:$0x130];
	[tilespmem:$0x260] =	vst v14  }
0x7a: {  	v16 =	vld.idx.msk [tilespmem:v13+s14+$0x0], $0xffff;
	_ =	sdelay $0x1  }
0x7b: {  	v1 =	vld.idx.msk [tilespmem:v13+s16+$0x0], $0xffff;
	_ =	sdelay $0x2  }
0x7c: {  	v2 =	vsub.f32 v15, v16;
	_ =	sdelay $0x1  }
0x7d: {  	v1 =	vsub.f32 v2, v1;
	_ =	sdelay $0x1  }
0x7e: {  	v1 =	vmul.f32 $1.442695020e+00, v1;
	_ =	sdelay $0x1  }
0x7f: {  	(erf) = vpow2.f32 v1;
	_ =	sdelay $0x5  }
0x80: {  	v0 =	vor.u32 $0x3, v0;
	_ =	sdelay $0x2  }
0x81: {  	v1 =	vpop (erf)  }
0x82: {  	v17 =	vld [tilespmem:$0x180];
	[tilespmem:$0x2B0] =	vst v1  }
0x83: {  	v18 =	vld.idx.msk [tilespmem:v0+s14+$0x0], $0xffff;
	_ =	sdelay $0x1  }
0x84: {  	v0 =	vld.idx.msk [tilespmem:v0+s16+$0x0], $0xffff;
	_ =	sdelay $0x2  }
0x85: {  	v1 =	vsub.f32 v17, v18;
	_ =	sdelay $0x1  }
0x86: {  	v0 =	vsub.f32 v1, v0;
	_ =	sdelay $0x1  }
0x87: {  	v0 =	vmul.f32 $1.442695020e+00, v0;
	_ =	sdelay $0x1  }
0x88: {  	(erf) = vpow2.f32 v0  }
0x89: {  	v19 =	vld [tilespmem:$0x20];
	_ =	sdelay $0x4  }
0x8a: {  	v0 =	vshll.u32 v19, $0x2;
	_ =	sdelay $0x2  }
0x8b: {  	v20 =	vpop (erf)  }
0x8c: {  	v21 =	vld [tilespmem:$0xA0];
	[tilespmem:$0x300] =	vst v20  }
0x8d: {  	v22 =	vld.idx.msk [tilespmem:v0+s14+$0x0], $0xffff;
	_ =	sdelay $0x1  }
0x8e: {  	v23 =	vld.idx.msk [tilespmem:v0+s16+$0x0], $0xffff;
	_ =	sdelay $0x2  }
0x8f: {  	v1 =	vsub.f32 v21, v22;
	_ =	sdelay $0x1  }
0x90: {  	v1 =	vsub.f32 v1, v23;
	_ =	sdelay $0x1  }
0x91: {  	v1 =	vmul.f32 $1.442695020e+00, v1;
	_ =	sdelay $0x1  }
0x92: {  	(erf) = vpow2.f32 v1;
	_ =	sdelay $0x5  }
0x93: {  	v24 =	vor.u32 $0x1, v0;
	_ =	sdelay $0x2  }
0x94: {  	v25 =	vpop (erf)  }
0x95: {  	v26 =	vld [tilespmem:$0xF0];
	[tilespmem:$0x220] =	vst v25  }
0x96: {  	v27 =	vld.idx.msk [tilespmem:v24+s14+$0x0], $0xffff;
	_ =	sdelay $0x1  }
0x97: {  	v1 =	vld.idx.msk [tilespmem:v24+s16+$0x0], $0xffff;
	_ =	sdelay $0x2  }
0x98: {  	v2 =	vsub.f32 v26, v27;
	_ =	sdelay $0x1  }
0x99: {  	v1 =	vsub.f32 v2, v1;
	_ =	sdelay $0x1  }
0x9a: {  	v1 =	vmul.f32 $1.442695020e+00, v1;
	_ =	sdelay $0x1  }
0x9b: {  	(erf) = vpow2.f32 v1;
	_ =	sdelay $0x5  }
0x9c: {  	v28 =	vor.u32 $0x2, v0;
	_ =	sdelay $0x2  }
0x9d: {  	v29 =	vpop (erf)  }
0x9e: {  	v30 =	vld [tilespmem:$0x140];
	[tilespmem:$0x270] =	vst v29  }
0x9f: {  	v31 =	vld.idx.msk [tilespmem:v28+s14+$0x0], $0xffff;
	_ =	sdelay $0x1  }
0xa0: {  	v1 =	vld.idx.msk [tilespmem:v28+s16+$0x0], $0xffff;
	_ =	sdelay $0x2  }
0xa1: {  	v2 =	vsub.f32 v30, v31;
	_ =	sdelay $0x1  }
0xa2: {  	v1 =	vsub.f32 v2, v1;
	_ =	sdelay $0x1  }
0xa3: {  	v1 =	vmul.f32 $1.442695020e+00, v1;
	_ =	sdelay $0x1  }
0xa4: {  	(erf) = vpow2.f32 v1;
	_ =	sdelay $0x5  }
0xa5: {  	v0 =	vor.u32 $0x3, v0;
	_ =	sdelay $0x2  }
0xa6: {  	v1 =	vpop (erf)  }
0xa7: {  	v32 =	vld [tilespmem:$0x190];
	[tilespmem:$0x2C0] =	vst v1  }
0xa8: {  	v33 =	vld.idx.msk [tilespmem:v0+s14+$0x0], $0xffff;
	_ =	sdelay $0x1  }
0xa9: {  	v0 =	vld.idx.msk [tilespmem:v0+s16+$0x0], $0xffff;
	_ =	sdelay $0x2  }
0xaa: {  	v1 =	vsub.f32 v32, v33;
	_ =	sdelay $0x1  }
0xab: {  	v0 =	vsub.f32 v1, v0;
	_ =	sdelay $0x1  }
0xac: {  	v0 =	vmul.f32 $1.442695020e+00, v0;
	_ =	sdelay $0x1  }
0xad: {  	(erf) = vpow2.f32 v0  }
0xae: {  	v34 =	vld [tilespmem:$0x30];
	_ =	sdelay $0x4  }
0xaf: {  	v0 =	vshll.u32 v34, $0x2;
	_ =	sdelay $0x2  }
0xb0: {  	v35 =	vpop (erf)  }
0xb1: {  	v36 =	vld [tilespmem:$0xB0];
	[tilespmem:$0x310] =	vst v35  }
0xb2: {  	v37 =	vld.idx.msk [tilespmem:v0+s14+$0x0], $0xffff;
	_ =	sdelay $0x1  }
0xb3: {  	v38 =	vld.idx.msk [tilespmem:v0+s16+$0x0], $0xffff;
	_ =	sdelay $0x2  }
0xb4: {  	v1 =	vsub.f32 v36, v37;
	_ =	sdelay $0x1  }
0xb5: {  	v1 =	vsub.f32 v1, v38;
	_ =	sdelay $0x1  }
0xb6: {  	v1 =	vmul.f32 $1.442695020e+00, v1;
	_ =	sdelay $0x1  }
0xb7: {  	(erf) = vpow2.f32 v1;
	_ =	sdelay $0x5  }
0xb8: {  	v39 =	vor.u32 $0x1, v0;
	_ =	sdelay $0x2  }
0xb9: {  	v40 =	vpop (erf)  }
0xba: {  	v41 =	vld [tilespmem:$0x100];
	[tilespmem:$0x230] =	vst v40  }
0xbb: {  	v42 =	vld.idx.msk [tilespmem:v39+s14+$0x0], $0xffff;
	_ =	sdelay $0x1  }
0xbc: {  	v1 =	vld.idx.msk [tilespmem:v39+s16+$0x0], $0xffff;
	_ =	sdelay $0x2  }
0xbd: {  	v2 =	vsub.f32 v41, v42;
	_ =	sdelay $0x1  }
0xbe: {  	v1 =	vsub.f32 v2, v1;
	_ =	sdelay $0x1  }
0xbf: {  	v1 =	vmul.f32 $1.442695020e+00, v1;
	_ =	sdelay $0x1  }
0xc0: {  	(erf) = vpow2.f32 v1;
	_ =	sdelay $0x5  }
0xc1: {  	v43 =	vor.u32 $0x2, v0;
	_ =	sdelay $0x2  }
0xc2: {  	v44 =	vpop (erf)  }
0xc3: {  	v45 =	vld [tilespmem:$0x150];
	[tilespmem:$0x280] =	vst v44  }
0xc4: {  	v46 =	vld.idx.msk [tilespmem:v43+s14+$0x0], $0xffff;
	_ =	sdelay $0x1  }
0xc5: {  	v1 =	vld.idx.msk [tilespmem:v43+s16+$0x0], $0xffff;
	_ =	sdelay $0x2  }
0xc6: {  	v2 =	vsub.f32 v45, v46;
	_ =	sdelay $0x1  }
0xc7: {  	v1 =	vsub.f32 v2, v1;
	_ =	sdelay $0x1  }
0xc8: {  	v1 =	vmul.f32 $1.442695020e+00, v1;
	_ =	sdelay $0x1  }
0xc9: {  	(erf) = vpow2.f32 v1;
	_ =	sdelay $0x5  }
0xca: {  	v0 =	vor.u32 $0x3, v0;
	_ =	sdelay $0x2  }
0xcb: {  	v1 =	vpop (erf)  }
0xcc: {  	v47 =	vld [tilespmem:$0x1A0];
	[tilespmem:$0x2D0] =	vst v1  }
0xcd: {  	v48 =	vld.idx.msk [tilespmem:v0+s14+$0x0], $0xffff;
	_ =	sdelay $0x1  }
0xce: {  	v0 =	vld.idx.msk [tilespmem:v0+s16+$0x0], $0xffff;
	_ =	sdelay $0x2  }
0xcf: {  	v1 =	vsub.f32 v47, v48;
	_ =	sdelay $0x1  }
0xd0: {  	v0 =	vsub.f32 v1, v0;
	_ =	sdelay $0x1  }
0xd1: {  	v0 =	vmul.f32 $1.442695020e+00, v0;
	_ =	sdelay $0x1  }
0xd2: {  	(erf) = vpow2.f32 v0  }
0xd3: {  	v49 =	vld [tilespmem:$0x40];
	_ =	sdelay $0x4  }
0xd4: {  	v0 =	vshll.u32 v49, $0x2;
	_ =	sdelay $0x2  }
0xd5: {  	v50 =	vpop (erf)  }
0xd6: {  	v51 =	vld [tilespmem:$0xC0];
	[tilespmem:$0x320] =	vst v50  }
0xd7: {  	v52 =	vld.idx.msk [tilespmem:v0+s14+$0x0], $0xffff;
	_ =	sdelay $0x1  }
0xd8: {  	v53 =	vld.idx.msk [tilespmem:v0+s16+$0x0], $0xffff;
	_ =	sdelay $0x2  }
0xd9: {  	v1 =	vsub.f32 v51, v52;
	_ =	sdelay $0x1  }
0xda: {  	v1 =	vsub.f32 v1, v53;
	_ =	sdelay $0x1  }
0xdb: {  	v1 =	vmul.f32 $1.442695020e+00, v1;
	_ =	sdelay $0x1  }
0xdc: {  	(erf) = vpow2.f32 v1;
	_ =	sdelay $0x5  }
0xdd: {  	v54 =	vor.u32 $0x1, v0;
	_ =	sdelay $0x2  }
0xde: {  	v55 =	vpop (erf)  }
0xdf: {  	v56 =	vld [tilespmem:$0x110];
	[tilespmem:$0x240] =	vst v55  }
0xe0: {  	v57 =	vld.idx.msk [tilespmem:v54+s14+$0x0], $0xffff;
	_ =	sdelay $0x1  }
0xe1: {  	v1 =	vld.idx.msk [tilespmem:v54+s16+$0x0], $0xffff;
	_ =	sdelay $0x2  }
0xe2: {  	v2 =	vsub.f32 v56, v57;
	_ =	sdelay $0x1  }
0xe3: {  	v1 =	vsub.f32 v2, v1;
	_ =	sdelay $0x1  }
0xe4: {  	v1 =	vmul.f32 $1.442695020e+00, v1;
	_ =	sdelay $0x1  }
0xe5: {  	(erf) = vpow2.f32 v1;
	_ =	sdelay $0x5  }
0xe6: {  	v58 =	vor.u32 $0x2, v0;
	_ =	sdelay $0x2  }
0xe7: {  	v59 =	vpop (erf)  }
0xe8: {  	v60 =	vld [tilespmem:$0x160];
	[tilespmem:$0x290] =	vst v59  }
0xe9: {  	v61 =	vld.idx.msk [tilespmem:v58+s14+$0x0], $0xffff;
	_ =	sdelay $0x1  }
0xea: {  	v1 =	vld.idx.msk [tilespmem:v58+s16+$0x0], $0xffff;
	_ =	sdelay $0x2  }
0xeb: {  	v2 =	vsub.f32 v60, v61;
	_ =	sdelay $0x1  }
0xec: {  	v1 =	vsub.f32 v2, v1;
	_ =	sdelay $0x1  }
0xed: {  	v1 =	vmul.f32 $1.442695020e+00, v1;
	_ =	sdelay $0x1  }
0xee: {  	(erf) = vpow2.f32 v1;
	_ =	sdelay $0x5  }
0xef: {  	v0 =	vor.u32 $0x3, v0;
	_ =	sdelay $0x2  }
0xf0: {  	v1 =	vpop (erf)  }
0xf1: {  	v62 =	vld [tilespmem:$0x1B0];
	[tilespmem:$0x2E0] =	vst v1  }
0xf2: {  	v63 =	vld.idx.msk [tilespmem:v0+s14+$0x0], $0xffff;
	_ =	sdelay $0x1  }
0xf3: {  	v0 =	vld.idx.msk [tilespmem:v0+s16+$0x0], $0xffff;
	_ =	sdelay $0x2  }
0xf4: {  	v1 =	vsub.f32 v62, v63;
	_ =	sdelay $0x1  }
0xf5: {  	v0 =	vsub.f32 v1, v0;
	_ =	sdelay $0x1  }
0xf6: {  	v0 =	vmul.f32 $1.442695020e+00, v0;
	_ =	sdelay $0x1  }
0xf7: {  	(erf) = vpow2.f32 v0;
	_ =	sdelay $0x8  }
0xf8: {  	v0 =	vpop (erf)  }
0xf9: {  	[tilespmem:$0x330] =	vst v0  }
0xfa: {  	[spmem:s1] =	stream.indirect.scatter.add.f32 [tilespmem:s23], [sflag:$0x1], $0x1, s17, s22, $0xb8;
	[tilespmem:$0x14848] =	vst v63  }
0xfb: {  	_ =	swait.ge [sflag:s15], $0x50  }
0xfc: {  	[sflag:s15] =	ssyncset.done $0x0  }
0xfd: {  	[sflag:s15] =	ssyncadd.s32 $0xFFFFFFB0  }
0xfe: {  	[spmem:s1] =	stream.indirect.scatter.add.f32 [tilespmem:s24], [sflag:$0x1], $0x1, s18, s22, $0xb8;
	[tilespmem:$0x14848] =	vst v63  }
0xff: {  	_ =	swait.ge [sflag:s15], $0x50  }
0x100: {  	[sflag:s15] =	ssyncset.done $0x0  }
0x101: {  	[sflag:s15] =	ssyncadd.s32 $0xFFFFFFB0  }
0x102: {  	[spmem:s1] =	stream.indirect.scatter.add.f32 [tilespmem:s25], [sflag:$0x1], $0x1, s19, s22, $0xb8;
	[tilespmem:$0x14848] =	vst v63  }
0x103: {  	_ =	swait.ge [sflag:s15], $0x50  }
0x104: {  	p1 =	sne.s32 s30, $0x4D8;
	[sflag:s15] =	ssyncset.done $0x0  }
.Ltmp0:
0x105: {  	[sflag:s15] =	ssyncadd.s32 $0xFFFFFFB0;
	(pc) =	sbr.rel @p1 .LBB2_2-.Ltmp0, $4  }
0x106: {  	[spmem:s1] =	stream.indirect.scatter.add.f32 [tilespmem:s26], [sflag:$0x1], $0x1, s20, s22, $0xb8;
	[tilespmem:$0x14848] =	vst v63  }
0x107: {  	_ =	swait.ge [sflag:s15], $0x50  }
0x108: {  	[sflag:s15] =	ssyncset.done $0x0  }
0x109: {  	s30 =	sadd.s32 $0xA, s30;
	s29 =	sadd.s32 $0x28, s29;
	[sflag:s15] =	ssyncadd.s32 $0xFFFFFFB0  }
0x10a: {  	[bflag:$0x0] =	sbarrier.arrive $0xFFFF;
	s29 =	simm.s32 @!p0 $0x580;
	s30 =	simm.s32 @!p0 $0x1  }
0x10b: {  	[tilespmem:s29], [sflag:$0x1] =	stream.linear.gather @!p0 [spmem:s1], $0x9C80, $0x38;
	[tilespmem:$0x14848] =	vst v63  }
0x10c: {  	s28 =	sadd.s32 $0x1, s28;
	_ =	swait.ge @!p0 [sflag:s30], $0x9C80  }
0x10d: {  	p1 =	sne.s32 s28, s7;
	[sflag:s30] =	ssyncset.done @!p0 $0x0  }
.Ltmp1:
0x10e: {  	s31 =	simm.s32 @!p0 $0x0;
	[sflag:s30] =	ssyncadd.s32 @!p0 $0xFFFF6380;
	(pc) =	sbr.rel @p1 .LBB2_1-.Ltmp1, $4  }
0x10f: {  	[hbm4b:s6+s31] =	stream.linear.scatter @!p0 [tilespmem:s29], [sflag:$0x1], $0x9C40, $0x38;
	[tilespmem:$0x14848] =	vst v63  }
0x110: {  	_ =	swait.ge @!p0 [sflag:s30], $0x9C40  }
0x111: {  	[sflag:s30] =	ssyncset.done @!p0 $0x0  }
0x112: {  	[sflag:s30] =	ssyncadd.s32 @!p0 $0xFFFF63C0  }
0x113: {  	_ =	sfence.sel $0x180000  }
0x114: {  	[bflag:$0x0] =	sbarrier.arrive $0xFFFF  }
0x115: {  	_ =	strace $0x9000004A  }
0x116: {  	s0 =	sadd.s32 @!p0 $0x100000, s0;
	[bflag:$0x2] =	sbarrier.arrive $0xFFFF  }
0x117: {  	[sflag:s0] =	ssyncadd.tile.s32 @!p0 $0x1;
	_ =	shalt  }
.Lfunc_end2:
_tile_overlayer_lowered:
.L_overlay_start_2:
0x118: {  	(tag) =	ssettag $0x2  }
0x119: {  	s0 =	rddreg [dreg:$0x0];
	s2 =	stileid.u32  }
0x11a: {  	s1 =	rddreg [dreg:$0x1];
	p0 =	sne.s32 s2, $0x0  }
0x11b: {  	s3 =	rddreg [dreg:$0x2];
	[bflag:$0x3] =	sbarrier.arrive $0xFFFF;
	s2 =	simm.s32 @!p0 $0x1C01  }
0x11c: {  	[timem:s3], [sflag:s2] =	dma.local @!p0 [hbm:s0], s1  }
0x11d: {  	s0 =	simm.s32 @!p0 $0x1  }
0x11e: {  	_ =	swait.ge @!p0 [sflag:s0], s1  }
0x11f: {  	s1 =	ssub.s32 @!p0 $0x0, s1;
	[sflag:s0] =	ssyncset.done @!p0 $0x0  }
0x120: {  	[sflag:s0] =	ssyncadd.s32 @!p0 s1  }
0x121: {  	[bflag:$0x3] =	sbarrier.arrive $0xFFFF  }
0x122: {  	_ =	shalt  }

</sc_bundles>
